<compile_context>
chip_gen: v7x
topology: tpu7x:2x2x1
jax: 0.10.2.dev20260603
libtpu: 0.0.44.dev20260713+nightly
codegen_flags: <defaults>
</compile_context>

<pallas_src>
import functools

import jax
import jax.numpy as jnp
from jax import lax
from jax.experimental import pallas as pl
from jax.experimental.pallas import tpu as pltpu
from jax.experimental.pallas import tpu_sc as plsc

N_NODES = 1000000
EMBED_DIM = 64
BATCH = 16384

_INFO = plsc.get_sparse_core_info()
_NC = _INFO.num_cores
_NS = _INFO.num_subcores
_NW = _NC * _NS
_ROWS_PER_W = BATCH // _NW
_LANES = 16
_DGROUPS = EMBED_DIM // _LANES
_NBLOCKS = _ROWS_PER_W // _LANES


def _sc_kernel(head_hbm, tail_hbm, table_hbm, rel_hbm, out_hbm,
               hidx_v, tidx_v, hrows_v, trows_v, rel_v, out_v, sem):
    wid = lax.axis_index("s") * _NC + lax.axis_index("c")
    base = wid * _ROWS_PER_W

    pltpu.sync_copy(rel_hbm, rel_v)
    pltpu.sync_copy(head_hbm.at[pl.ds(base, _ROWS_PER_W)], hidx_v)
    pltpu.sync_copy(tail_hbm.at[pl.ds(base, _ROWS_PER_W)], tidx_v)

    def fire_group(g, carry):
        row0 = g * _LANES
        pair0 = g * (_LANES // 2)
        hv = hidx_v[pl.ds(row0, _LANES)]
        tv = tidx_v[pl.ds(row0, _LANES)]
        for i in range(_LANES):
            dst_row = pair0 + i // 2
            dst_col = (i % 2) * EMBED_DIM
            pltpu.async_copy(
                table_hbm.at[hv[i] >> 1],
                hrows_v.at[dst_row, pl.ds(dst_col, EMBED_DIM)], sem)
            pltpu.async_copy(
                table_hbm.at[tv[i] >> 1],
                trows_v.at[dst_row, pl.ds(dst_col, EMBED_DIM)], sem)
        return carry

    lax.fori_loop(0, _NBLOCKS, fire_group, 0)

    pltpu.make_async_copy(table_hbm.at[pl.ds(0, _ROWS_PER_W)], hrows_v,
                          sem).wait()
    pltpu.make_async_copy(table_hbm.at[pl.ds(0, _ROWS_PER_W)], trows_v,
                          sem).wait()

    rel_regs = [rel_v[pl.ds(j * _LANES, _LANES)] for j in range(_DGROUPS)]

    lane_iota = lax.iota(jnp.int32, _LANES)
    onehot = [(lane_iota == i).astype(jnp.float32) for i in range(_LANES)]

    def block_body(k, carry):
        pair0 = k * (_LANES // 2)
        scores = jnp.zeros((_LANES,), jnp.float32)
        row0 = k * _LANES
        hvv = hidx_v[pl.ds(row0, _LANES)]
        tvv = tidx_v[pl.ds(row0, _LANES)]
        for i in range(_LANES):
            brow = pair0 + i // 2
            bcol = (i % 2) * EMBED_DIM
            hs = (hvv[i] & 1) * 16
            ts = (tvv[i] & 1) * 16
            acc = None
            for j in range(_DGROUPS):
                hw = hrows_v[brow, pl.ds(bcol + j * _LANES, _LANES)]
                tw = trows_v[brow, pl.ds(bcol + j * _LANES, _LANES)]
                hf = plsc.bitcast((hw >> hs) << 16, jnp.float32)
                tf = plsc.bitcast((tw >> ts) << 16, jnp.float32)
                term = hf * tf * rel_regs[j]
                acc = term if acc is None else acc + term
            scores = scores + jnp.sum(acc) * onehot[i]
        out_v[pl.ds(k * _LANES, _LANES)] = scores
        return carry

    lax.fori_loop(0, _NBLOCKS, block_body, 0)

    pltpu.sync_copy(out_v, out_hbm.at[pl.ds(base, _ROWS_PER_W)])


_TBLK = 32768


def _tc_transpose_body(x_ref, o_ref):
    y = x_ref[...].T.astype(jnp.bfloat16)
    o_ref[...] = pltpu.bitcast(y, jnp.int32)


def _tc_transpose(table_t):
    grid = (N_NODES + _TBLK - 1) // _TBLK
    return pl.pallas_call(
        _tc_transpose_body,
        grid=(grid,),
        in_specs=[pl.BlockSpec((EMBED_DIM, _TBLK), lambda i: (0, i))],
        out_specs=pl.BlockSpec((_TBLK // 2, EMBED_DIM), lambda i: (i, 0)),
        out_shape=jax.ShapeDtypeStruct((N_NODES // 2, EMBED_DIM), jnp.int32),
    )(table_t)


@jax.jit
def _run(head_idx, tail_idx, table_t, rel):
    table = _tc_transpose(table_t)
    mesh = plsc.VectorSubcoreMesh(core_axis_name="c", subcore_axis_name="s")
    kern = functools.partial(
        pl.kernel,
        mesh=mesh,
        compiler_params=pltpu.CompilerParams(needs_layout_passes=False),
        out_type=jax.ShapeDtypeStruct((BATCH,), jnp.float32),
        scratch_types=[
            pltpu.VMEM((_ROWS_PER_W,), jnp.int32),
            pltpu.VMEM((_ROWS_PER_W,), jnp.int32),
            pltpu.VMEM((_ROWS_PER_W // 2, 2 * EMBED_DIM), jnp.int32),
            pltpu.VMEM((_ROWS_PER_W // 2, 2 * EMBED_DIM), jnp.int32),
            pltpu.VMEM((EMBED_DIM,), jnp.float32),
            pltpu.VMEM((_ROWS_PER_W,), jnp.float32),
            pltpu.SemaphoreType.DMA,
        ],
    )(_sc_kernel)
    return kern(head_idx, tail_idx, table, rel)


def kernel(head_indices, tail_indices, node_embedding, relation_vector):
    return _run(head_indices.astype(jnp.int32),
                tail_indices.astype(jnp.int32),
                node_embedding.T, relation_vector)

# --- scband reference (transcript-rebuilt; emitter-appended) ---
"""Pipeline reference for scband-dist-mult-37615323579065 (READ-ONLY COPY).

The authoritative reference and input builder live on the scoring server;
editing this copy changes nothing except your own understanding.
"""

import jax, jax.numpy as jnp
import numpy as np

N_NODES = 1000000
EMBED_DIM = 64
BATCH = 16384

def setup_inputs(seed: int = 0) -> dict:
    key = jax.random.key(seed)
    k1, k2, k3, k4 = jax.random.split(key, 4)
    head_indices = jax.random.randint(k1, (BATCH,), 0, N_NODES, dtype=jnp.int64 if jax.config.jax_enable_x64 else jnp.int32)
    tail_indices = jax.random.randint(k2, (BATCH,), 0, N_NODES, dtype=jnp.int64 if jax.config.jax_enable_x64 else jnp.int32)
    node_embedding = jax.random.normal(k3, (N_NODES, EMBED_DIM), dtype=jnp.float32)
    relation_vector = jax.random.uniform(k4, (EMBED_DIM,), minval=-0.01, maxval=0.01, dtype=jnp.float32)
    return {"head_indices": head_indices, "tail_indices": tail_indices, "node_embedding": node_embedding, "relation_vector": relation_vector}

def reference(head_indices, tail_indices, node_embedding, relation_vector):
    head_embeddings = jnp.take(node_embedding, head_indices, axis=0)
    tail_embeddings = jnp.take(node_embedding, tail_indices, axis=0)
    scores = jnp.sum(head_embeddings * relation_vector * tail_embeddings, axis=-1)
    return scores

if __name__ == "__main__":
    import jax
    _d = setup_inputs()
    print(jax.jit(kernel)(*tuple(_d.values())))

</pallas_src>

<mosaic_0001>
#map = affine_map<(d0, d1) -> (0)>
#map1 = affine_map<(d0, d1) -> (0, 0)>
module attributes {stable_mosaic.version = 14 : i64} {
  func.func @_sc_kernel(%arg0: i32, %arg1: i32, %arg2: memref<16384xi32, #tpu.memory_space<hbm>>, %arg3: memref<16384xi32, #tpu.memory_space<hbm>>, %arg4: memref<500000x64xi32, #tpu.memory_space<hbm>>, %arg5: memref<64xf32, #tpu.memory_space<hbm>>, %arg6: memref<16384xf32, #tpu.memory_space<hbm>>, %arg7: memref<512xi32, #tpu.memory_space<vmem>>, %arg8: memref<512xi32, #tpu.memory_space<vmem>>, %arg9: memref<256x128xi32, #tpu.memory_space<vmem>>, %arg10: memref<256x128xi32, #tpu.memory_space<vmem>>, %arg11: memref<64xf32, #tpu.memory_space<vmem>>, %arg12: memref<512xf32, #tpu.memory_space<vmem>>, %arg13: memref<!tpu.dma_semaphore, #tpu.memory_space<semaphore_mem>>) attributes {dimension_semantics = [#tpu.dimension_semantics<core_parallel>, #tpu.dimension_semantics<subcore_parallel>], iteration_bounds = array<i64: 2, 16>, scalar_prefetch = 0 : i64, scratch_operands = 7 : i64, tpu.core_type = #tpu.core_type<sc_vector_subcore>, window_params = [{transform_indices = #map}, {transform_indices = #map}, {transform_indices = #map1}, {transform_indices = #map}, {transform_indices = #map}]} {
    %mul3A = arith.constant 2 : i32
    %mul3A_0 = arith.muli %arg1, %mul3A : i32
    %add3A = arith.addi %mul3A_0, %arg0 : i32
    %mul3A_1 = arith.constant 512 : i32
    %mul3A_2 = arith.muli %add3A, %mul3A_1 : i32
    "tpu.region"() ({
      %run_scoped3A = tpu.sem_alloc : memref<!tpu.dma_semaphore, #tpu.memory_space<semaphore_mem>>
      tpu.enqueue_dma source(%arg5 : memref<64xf32, #tpu.memory_space<hbm>>) target(%arg11 : memref<64xf32, #tpu.memory_space<vmem>>) target_semaphore(%run_scoped3A : memref<!tpu.dma_semaphore, #tpu.memory_space<semaphore_mem>>)
      tpu.wait_dma2 semaphore(%run_scoped3A : memref<!tpu.dma_semaphore, #tpu.memory_space<semaphore_mem>>) src(%arg5 : memref<64xf32, #tpu.memory_space<hbm>>) dst(%arg11 : memref<64xf32, #tpu.memory_space<vmem>>)
      tpu.yield
    }) : () -> ()
    "tpu.region"() ({
      %run_scoped3A = tpu.sem_alloc : memref<!tpu.dma_semaphore, #tpu.memory_space<semaphore_mem>>
      %dma_start3A = tpu.memref_slice %arg2[%mul3A_2] : memref<16384xi32, #tpu.memory_space<hbm>> -> memref<512xi32, #tpu.memory_space<hbm>>
      %dma_start3A_110 = tpu.memref_slice %arg2[%mul3A_2] : memref<16384xi32, #tpu.memory_space<hbm>> -> memref<512xi32, #tpu.memory_space<hbm>>
      tpu.enqueue_dma source(%dma_start3A_110 : memref<512xi32, #tpu.memory_space<hbm>>) target(%arg7 : memref<512xi32, #tpu.memory_space<vmem>>) target_semaphore(%run_scoped3A : memref<!tpu.dma_semaphore, #tpu.memory_space<semaphore_mem>>)
      %dma_wait3A_111 = tpu.memref_slice %arg2[%mul3A_2] : memref<16384xi32, #tpu.memory_space<hbm>> -> memref<512xi32, #tpu.memory_space<hbm>>
      %dma_wait3A_112 = tpu.memref_slice %arg2[%mul3A_2] : memref<16384xi32, #tpu.memory_space<hbm>> -> memref<512xi32, #tpu.memory_space<hbm>>
      tpu.wait_dma2 semaphore(%run_scoped3A : memref<!tpu.dma_semaphore, #tpu.memory_space<semaphore_mem>>) src(%dma_wait3A_112 : memref<512xi32, #tpu.memory_space<hbm>>) dst(%arg7 : memref<512xi32, #tpu.memory_space<vmem>>)
      tpu.yield
    }) : () -> ()
    "tpu.region"() ({
      %run_scoped3A = tpu.sem_alloc : memref<!tpu.dma_semaphore, #tpu.memory_space<semaphore_mem>>
      %dma_start3A = tpu.memref_slice %arg3[%mul3A_2] : memref<16384xi32, #tpu.memory_space<hbm>> -> memref<512xi32, #tpu.memory_space<hbm>>
      %dma_start3A_110 = tpu.memref_slice %arg3[%mul3A_2] : memref<16384xi32, #tpu.memory_space<hbm>> -> memref<512xi32, #tpu.memory_space<hbm>>
      tpu.enqueue_dma source(%dma_start3A_110 : memref<512xi32, #tpu.memory_space<hbm>>) target(%arg8 : memref<512xi32, #tpu.memory_space<vmem>>) target_semaphore(%run_scoped3A : memref<!tpu.dma_semaphore, #tpu.memory_space<semaphore_mem>>)
      %dma_wait3A_111 = tpu.memref_slice %arg3[%mul3A_2] : memref<16384xi32, #tpu.memory_space<hbm>> -> memref<512xi32, #tpu.memory_space<hbm>>
      %dma_wait3A_112 = tpu.memref_slice %arg3[%mul3A_2] : memref<16384xi32, #tpu.memory_space<hbm>> -> memref<512xi32, #tpu.memory_space<hbm>>
      tpu.wait_dma2 semaphore(%run_scoped3A : memref<!tpu.dma_semaphore, #tpu.memory_space<semaphore_mem>>) src(%dma_wait3A_112 : memref<512xi32, #tpu.memory_space<hbm>>) dst(%arg8 : memref<512xi32, #tpu.memory_space<vmem>>)
      tpu.yield
    }) : () -> ()
    %scan3A = arith.constant 0 : i32
    %scan3A_3 = arith.constant 0 : i32
    %scan3A_4 = arith.constant 32 : i32
    %scan3A_5 = arith.addi %scan3A_3, %scan3A_4 : i32
    %scan3A_6 = arith.constant 1 : i32
    scf.for %scan3A_110 = %scan3A_3 to %scan3A_5 step %scan3A_6  : i32 {
      %mul3A_111 = arith.constant 16 : i32
      %mul3A_112 = arith.muli %scan3A_110, %mul3A_111 : i32
      %mul3A_113 = arith.constant 8 : i32
      %mul3A_114 = arith.muli %scan3A_110, %mul3A_113 : i32
      %get3A_115 = arith.index_cast %mul3A_112 : i32 to index
      %get3A_116 = tpu.vector_load %arg7[%get3A_115] {strides = array<i32>} : memref<512xi32, #tpu.memory_space<vmem>>, vector<16xi32>,
      %get3A_117 = arith.index_cast %mul3A_112 : i32 to index
      %get3A_118 = tpu.vector_load %arg8[%get3A_117] {strides = array<i32>} : memref<512xi32, #tpu.memory_space<vmem>>, vector<16xi32>,
      %add3A_119 = arith.constant 0 : i32
      %add3A_120 = arith.addi %mul3A_114, %add3A_119 : i32
      %slice3A = vector.extract_strided_slice %get3A_116 {offsets = [0], sizes = [1], strides = [1]} : vector<16xi32> to vector<1xi32>
      %squeeze3A = vector.extract %slice3A[0] : i32 from vector<1xi32>
      %shift_right_arithmetic3A = arith.constant 1 : i32
      %shift_right_arithmetic3A_121 = arith.shrsi %squeeze3A, %shift_right_arithmetic3A : i32
      %dma_start3A = arith.constant 0 : i32
      %dma_start3A_122 = tpu.memref_slice %arg9[%add3A_120, %dma_start3A] : memref<256x128xi32, #tpu.memory_space<vmem>> -> memref<1x64xi32, #tpu.memory_space<vmem>>
      %dma_start3A_123 = tpu.memref_squeeze %dma_start3A_122 : memref<1x64xi32, #tpu.memory_space<vmem>> -> memref<64xi32, #tpu.memory_space<vmem>>
      %dma_start3A_124 = arith.constant 0 : i32
      %dma_start3A_125 = tpu.memref_slice %arg4[%shift_right_arithmetic3A_121, %dma_start3A_124] : memref<500000x64xi32, #tpu.memory_space<hbm>> -> memref<1x64xi32, #tpu.memory_space<hbm>>
      %dma_start3A_126 = tpu.memref_squeeze %dma_start3A_125 : memref<1x64xi32, #tpu.memory_space<hbm>> -> memref<64xi32, #tpu.memory_space<hbm>>
      %dma_start3A_127 = arith.constant 0 : i32
      %dma_start3A_128 = tpu.memref_slice %arg9[%add3A_120, %dma_start3A_127] : memref<256x128xi32, #tpu.memory_space<vmem>> -> memref<1x64xi32, #tpu.memory_space<vmem>>
      %dma_start3A_129 = tpu.memref_squeeze %dma_start3A_128 : memref<1x64xi32, #tpu.memory_space<vmem>> -> memref<64xi32, #tpu.memory_space<vmem>>
      %dma_start3A_130 = arith.constant 0 : i32
      %dma_start3A_131 = tpu.memref_slice %arg4[%shift_right_arithmetic3A_121, %dma_start3A_130] : memref<500000x64xi32, #tpu.memory_space<hbm>> -> memref<1x64xi32, #tpu.memory_space<hbm>>
      %dma_start3A_132 = tpu.memref_squeeze %dma_start3A_131 : memref<1x64xi32, #tpu.memory_space<hbm>> -> memref<64xi32, #tpu.memory_space<hbm>>
      tpu.enqueue_dma source(%dma_start3A_132 : memref<64xi32, #tpu.memory_space<hbm>>) target(%dma_start3A_129 : memref<64xi32, #tpu.memory_space<vmem>>) target_semaphore(%arg13 : memref<!tpu.dma_semaphore, #tpu.memory_space<semaphore_mem>>)
      %slice3A_133 = vector.extract_strided_slice %get3A_118 {offsets = [0], sizes = [1], strides = [1]} : vector<16xi32> to vector<1xi32>
      %squeeze3A_134 = vector.extract %slice3A_133[0] : i32 from vector<1xi32>
      %shift_right_arithmetic3A_135 = arith.constant 1 : i32
      %shift_right_arithmetic3A_136 = arith.shrsi %squeeze3A_134, %shift_right_arithmetic3A_135 : i32
      %dma_start3A_137 = arith.constant 0 : i32
      %dma_start3A_138 = tpu.memref_slice %arg10[%add3A_120, %dma_start3A_137] : memref<256x128xi32, #tpu.memory_space<vmem>> -> memref<1x64xi32, #tpu.memory_space<vmem>>
      %dma_start3A_139 = tpu.memref_squeeze %dma_start3A_138 : memref<1x64xi32, #tpu.memory_space<vmem>> -> memref<64xi32, #tpu.memory_space<vmem>>
      %dma_start3A_140 = arith.constant 0 : i32
      %dma_start3A_141 = tpu.memref_slice %arg4[%shift_right_arithmetic3A_136, %dma_start3A_140] : memref<500000x64xi32, #tpu.memory_space<hbm>> -> memref<1x64xi32, #tpu.memory_space<hbm>>
      %dma_start3A_142 = tpu.memref_squeeze %dma_start3A_141 : memref<1x64xi32, #tpu.memory_space<hbm>> -> memref<64xi32, #tpu.memory_space<hbm>>
      %dma_start3A_143 = arith.constant 0 : i32
      %dma_start3A_144 = tpu.memref_slice %arg10[%add3A_120, %dma_start3A_143] : memref<256x128xi32, #tpu.memory_space<vmem>> -> memref<1x64xi32, #tpu.memory_space<vmem>>
      %dma_start3A_145 = tpu.memref_squeeze %dma_start3A_144 : memref<1x64xi32, #tpu.memory_space<vmem>> -> memref<64xi32, #tpu.memory_space<vmem>>
      %dma_start3A_146 = arith.constant 0 : i32
      %dma_start3A_147 = tpu.memref_slice %arg4[%shift_right_arithmetic3A_136, %dma_start3A_146] : memref<500000x64xi32, #tpu.memory_space<hbm>> -> memref<1x64xi32, #tpu.memory_space<hbm>>
      %dma_start3A_148 = tpu.memref_squeeze %dma_start3A_147 : memref<1x64xi32, #tpu.memory_space<hbm>> -> memref<64xi32, #tpu.memory_space<hbm>>
      tpu.enqueue_dma source(%dma_start3A_148 : memref<64xi32, #tpu.memory_space<hbm>>) target(%dma_start3A_145 : memref<64xi32, #tpu.memory_space<vmem>>) target_semaphore(%arg13 : memref<!tpu.dma_semaphore, #tpu.memory_space<semaphore_mem>>)
      %add3A_149 = arith.constant 0 : i32
      %add3A_150 = arith.addi %mul3A_114, %add3A_149 : i32
      %slice3A_151 = vector.extract_strided_slice %get3A_116 {offsets = [1], sizes = [1], strides = [1]} : vector<16xi32> to vector<1xi32>
      %squeeze3A_152 = vector.extract %slice3A_151[0] : i32 from vector<1xi32>
      %shift_right_arithmetic3A_153 = arith.constant 1 : i32
      %shift_right_arithmetic3A_154 = arith.shrsi %squeeze3A_152, %shift_right_arithmetic3A_153 : i32
      %dma_start3A_155 = arith.constant 64 : i32
      %dma_start3A_156 = tpu.memref_slice %arg9[%add3A_150, %dma_start3A_155] : memref<256x128xi32, #tpu.memory_space<vmem>> -> memref<1x64xi32, #tpu.memory_space<vmem>>
      %dma_start3A_157 = tpu.memref_squeeze %dma_start3A_156 : memref<1x64xi32, #tpu.memory_space<vmem>> -> memref<64xi32, #tpu.memory_space<vmem>>
      %dma_start3A_158 = arith.constant 0 : i32
      %dma_start3A_159 = tpu.memref_slice %arg4[%shift_right_arithmetic3A_154, %dma_start3A_158] : memref<500000x64xi32, #tpu.memory_space<hbm>> -> memref<1x64xi32, #tpu.memory_space<hbm>>
      %dma_start3A_160 = tpu.memref_squeeze %dma_start3A_159 : memref<1x64xi32, #tpu.memory_space<hbm>> -> memref<64xi32, #tpu.memory_space<hbm>>
      %dma_start3A_161 = arith.constant 64 : i32
      %dma_start3A_162 = tpu.memref_slice %arg9[%add3A_150, %dma_start3A_161] : memref<256x128xi32, #tpu.memory_space<vmem>> -> memref<1x64xi32, #tpu.memory_space<vmem>>
      %dma_start3A_163 = tpu.memref_squeeze %dma_start3A_162 : memref<1x64xi32, #tpu.memory_space<vmem>> -> memref<64xi32, #tpu.memory_space<vmem>>
      %dma_start3A_164 = arith.constant 0 : i32
      %dma_start3A_165 = tpu.memref_slice %arg4[%shift_right_arithmetic3A_154, %dma_start3A_164] : memref<500000x64xi32, #tpu.memory_space<hbm>> -> memref<1x64xi32, #tpu.memory_space<hbm>>
      %dma_start3A_166 = tpu.memref_squeeze %dma_start3A_165 : memref<1x64xi32, #tpu.memory_space<hbm>> -> memref<64xi32, #tpu.memory_space<hbm>>
      tpu.enqueue_dma source(%dma_start3A_166 : memref<64xi32, #tpu.memory_space<hbm>>) target(%dma_start3A_163 : memref<64xi32, #tpu.memory_space<vmem>>) target_semaphore(%arg13 : memref<!tpu.dma_semaphore, #tpu.memory_space<semaphore_mem>>)
      %slice3A_167 = vector.extract_strided_slice %get3A_118 {offsets = [1], sizes = [1], strides = [1]} : vector<16xi32> to vector<1xi32>
      %squeeze3A_168 = vector.extract %slice3A_167[0] : i32 from vector<1xi32>
      %shift_right_arithmetic3A_169 = arith.constant 1 : i32
      %shift_right_arithmetic3A_170 = arith.shrsi %squeeze3A_168, %shift_right_arithmetic3A_169 : i32
      %dma_start3A_171 = arith.constant 64 : i32
      %dma_start3A_172 = tpu.memref_slice %arg10[%add3A_150, %dma_start3A_171] : memref<256x128xi32, #tpu.memory_space<vmem>> -> memref<1x64xi32, #tpu.memory_space<vmem>>
      %dma_start3A_173 = tpu.memref_squeeze %dma_start3A_172 : memref<1x64xi32, #tpu.memory_space<vmem>> -> memref<64xi32, #tpu.memory_space<vmem>>
      %dma_start3A_174 = arith.constant 0 : i32
      %dma_start3A_175 = tpu.memref_slice %arg4[%shift_right_arithmetic3A_170, %dma_start3A_174] : memref<500000x64xi32, #tpu.memory_space<hbm>> -> memref<1x64xi32, #tpu.memory_space<hbm>>
      %dma_start3A_176 = tpu.memref_squeeze %dma_start3A_175 : memref<1x64xi32, #tpu.memory_space<hbm>> -> memref<64xi32, #tpu.memory_space<hbm>>
      %dma_start3A_177 = arith.constant 64 : i32
      %dma_start3A_178 = tpu.memref_slice %arg10[%add3A_150, %dma_start3A_177] : memref<256x128xi32, #tpu.memory_space<vmem>> -> memref<1x64xi32, #tpu.memory_space<vmem>>
      %dma_start3A_179 = tpu.memref_squeeze %dma_start3A_178 : memref<1x64xi32, #tpu.memory_space<vmem>> -> memref<64xi32, #tpu.memory_space<vmem>>
      %dma_start3A_180 = arith.constant 0 : i32
      %dma_start3A_181 = tpu.memref_slice %arg4[%shift_right_arithmetic3A_170, %dma_start3A_180] : memref<500000x64xi32, #tpu.memory_space<hbm>> -> memref<1x64xi32, #tpu.memory_space<hbm>>
      %dma_start3A_182 = tpu.memref_squeeze %dma_start3A_181 : memref<1x64xi32, #tpu.memory_space<hbm>> -> memref<64xi32, #tpu.memory_space<hbm>>
      tpu.enqueue_dma source(%dma_start3A_182 : memref<64xi32, #tpu.memory_space<hbm>>) target(%dma_start3A_179 : memref<64xi32, #tpu.memory_space<vmem>>) target_semaphore(%arg13 : memref<!tpu.dma_semaphore, #tpu.memory_space<semaphore_mem>>)
      %add3A_183 = arith.constant 1 : i32
      %add3A_184 = arith.addi %mul3A_114, %add3A_183 : i32
      %slice3A_185 = vector.extract_strided_slice %get3A_116 {offsets = [2], sizes = [1], strides = [1]} : vector<16xi32> to vector<1xi32>
      %squeeze3A_186 = vector.extract %slice3A_185[0] : i32 from vector<1xi32>
      %shift_right_arithmetic3A_187 = arith.constant 1 : i32
      %shift_right_arithmetic3A_188 = arith.shrsi %squeeze3A_186, %shift_right_arithmetic3A_187 : i32
      %dma_start3A_189 = arith.constant 0 : i32
      %dma_start3A_190 = tpu.memref_slice %arg9[%add3A_184, %dma_start3A_189] : memref<256x128xi32, #tpu.memory_space<vmem>> -> memref<1x64xi32, #tpu.memory_space<vmem>>
      %dma_start3A_191 = tpu.memref_squeeze %dma_start3A_190 : memref<1x64xi32, #tpu.memory_space<vmem>> -> memref<64xi32, #tpu.memory_space<vmem>>
      %dma_start3A_192 = arith.constant 0 : i32
      %dma_start3A_193 = tpu.memref_slice %arg4[%shift_right_arithmetic3A_188, %dma_start3A_192] : memref<500000x64xi32, #tpu.memory_space<hbm>> -> memref<1x64xi32, #tpu.memory_space<hbm>>
      %dma_start3A_194 = tpu.memref_squeeze %dma_start3A_193 : memref<1x64xi32, #tpu.memory_space<hbm>> -> memref<64xi32, #tpu.memory_space<hbm>>
      %dma_start3A_195 = arith.constant 0 : i32
      %dma_start3A_196 = tpu.memref_slice %arg9[%add3A_184, %dma_start3A_195] : memref<256x128xi32, #tpu.memory_space<vmem>> -> memref<1x64xi32, #tpu.memory_space<vmem>>
      %dma_start3A_197 = tpu.memref_squeeze %dma_start3A_196 : memref<1x64xi32, #tpu.memory_space<vmem>> -> memref<64xi32, #tpu.memory_space<vmem>>
      %dma_start3A_198 = arith.constant 0 : i32
      %dma_start3A_199 = tpu.memref_slice %arg4[%shift_right_arithmetic3A_188, %dma_start3A_198] : memref<500000x64xi32, #tpu.memory_space<hbm>> -> memref<1x64xi32, #tpu.memory_space<hbm>>
      %dma_start3A_200 = tpu.memref_squeeze %dma_start3A_199 : memref<1x64xi32, #tpu.memory_space<hbm>> -> memref<64xi32, #tpu.memory_space<hbm>>
      tpu.enqueue_dma source(%dma_start3A_200 : memref<64xi32, #tpu.memory_space<hbm>>) target(%dma_start3A_197 : memref<64xi32, #tpu.memory_space<vmem>>) target_semaphore(%arg13 : memref<!tpu.dma_semaphore, #tpu.memory_space<semaphore_mem>>)
      %slice3A_201 = vector.extract_strided_slice %get3A_118 {offsets = [2], sizes = [1], strides = [1]} : vector<16xi32> to vector<1xi32>
      %squeeze3A_202 = vector.extract %slice3A_201[0] : i32 from vector<1xi32>
      %shift_right_arithmetic3A_203 = arith.constant 1 : i32
      %shift_right_arithmetic3A_204 = arith.shrsi %squeeze3A_202, %shift_right_arithmetic3A_203 : i32
      %dma_start3A_205 = arith.constant 0 : i32
      %dma_start3A_206 = tpu.memref_slice %arg10[%add3A_184, %dma_start3A_205] : memref<256x128xi32, #tpu.memory_space<vmem>> -> memref<1x64xi32, #tpu.memory_space<vmem>>
      %dma_start3A_207 = tpu.memref_squeeze %dma_start3A_206 : memref<1x64xi32, #tpu.memory_space<vmem>> -> memref<64xi32, #tpu.memory_space<vmem>>
      %dma_start3A_208 = arith.constant 0 : i32
      %dma_start3A_209 = tpu.memref_slice %arg4[%shift_right_arithmetic3A_204, %dma_start3A_208] : memref<500000x64xi32, #tpu.memory_space<hbm>> -> memref<1x64xi32, #tpu.memory_space<hbm>>
      %dma_start3A_210 = tpu.memref_squeeze %dma_start3A_209 : memref<1x64xi32, #tpu.memory_space<hbm>> -> memref<64xi32, #tpu.memory_space<hbm>>
      %dma_start3A_211 = arith.constant 0 : i32
      %dma_start3A_212 = tpu.memref_slice %arg10[%add3A_184, %dma_start3A_211] : memref<256x128xi32, #tpu.memory_space<vmem>> -> memref<1x64xi32, #tpu.memory_space<vmem>>
      %dma_start3A_213 = tpu.memref_squeeze %dma_start3A_212 : memref<1x64xi32, #tpu.memory_space<vmem>> -> memref<64xi32, #tpu.memory_space<vmem>>
      %dma_start3A_214 = arith.constant 0 : i32
      %dma_start3A_215 = tpu.memref_slice %arg4[%shift_right_arithmetic3A_204, %dma_start3A_214] : memref<500000x64xi32, #tpu.memory_space<hbm>> -> memref<1x64xi32, #tpu.memory_space<hbm>>
      %dma_start3A_216 = tpu.memref_squeeze %dma_start3A_215 : memref<1x64xi32, #tpu.memory_space<hbm>> -> memref<64xi32, #tpu.memory_space<hbm>>
      tpu.enqueue_dma source(%dma_start3A_216 : memref<64xi32, #tpu.memory_space<hbm>>) target(%dma_start3A_213 : memref<64xi32, #tpu.memory_space<vmem>>) target_semaphore(%arg13 : memref<!tpu.dma_semaphore, #tpu.memory_space<semaphore_mem>>)
      %add3A_217 = arith.constant 1 : i32
      %add3A_218 = arith.addi %mul3A_114, %add3A_217 : i32
      %slice3A_219 = vector.extract_strided_slice %get3A_116 {offsets = [3], sizes = [1], strides = [1]} : vector<16xi32> to vector<1xi32>
      %squeeze3A_220 = vector.extract %slice3A_219[0] : i32 from vector<1xi32>
      %shift_right_arithmetic3A_221 = arith.constant 1 : i32
      %shift_right_arithmetic3A_222 = arith.shrsi %squeeze3A_220, %shift_right_arithmetic3A_221 : i32
      %dma_start3A_223 = arith.constant 64 : i32
      %dma_start3A_224 = tpu.memref_slice %arg9[%add3A_218, %dma_start3A_223] : memref<256x128xi32, #tpu.memory_space<vmem>> -> memref<1x64xi32, #tpu.memory_space<vmem>>
      %dma_start3A_225 = tpu.memref_squeeze %dma_start3A_224 : memref<1x64xi32, #tpu.memory_space<vmem>> -> memref<64xi32, #tpu.memory_space<vmem>>
      %dma_start3A_226 = arith.constant 0 : i32
      %dma_start3A_227 = tpu.memref_slice %arg4[%shift_right_arithmetic3A_222, %dma_start3A_226] : memref<500000x64xi32, #tpu.memory_space<hbm>> -> memref<1x64xi32, #tpu.memory_space<hbm>>
      %dma_start3A_228 = tpu.memref_squeeze %dma_start3A_227 : memref<1x64xi32, #tpu.memory_space<hbm>> -> memref<64xi32, #tpu.memory_space<hbm>>
      %dma_start3A_229 = arith.constant 64 : i32
      %dma_start3A_230 = tpu.memref_slice %arg9[%add3A_218, %dma_start3A_229] : memref<256x128xi32, #tpu.memory_space<vmem>> -> memref<1x64xi32, #tpu.memory_space<vmem>>
      %dma_start3A_231 = tpu.memref_squeeze %dma_start3A_230 : memref<1x64xi32, #tpu.memory_space<vmem>> -> memref<64xi32, #tpu.memory_space<vmem>>
      %dma_start3A_232 = arith.constant 0 : i32
      %dma_start3A_233 = tpu.memref_slice %arg4[%shift_right_arithmetic3A_222, %dma_start3A_232] : memref<500000x64xi32, #tpu.memory_space<hbm>> -> memref<1x64xi32, #tpu.memory_space<hbm>>
      %dma_start3A_234 = tpu.memref_squeeze %dma_start3A_233 : memref<1x64xi32, #tpu.memory_space<hbm>> -> memref<64xi32, #tpu.memory_space<hbm>>
      tpu.enqueue_dma source(%dma_start3A_234 : memref<64xi32, #tpu.memory_space<hbm>>) target(%dma_start3A_231 : memref<64xi32, #tpu.memory_space<vmem>>) target_semaphore(%arg13 : memref<!tpu.dma_semaphore, #tpu.memory_space<semaphore_mem>>)
      %slice3A_235 = vector.extract_strided_slice %get3A_118 {offsets = [3], sizes = [1], strides = [1]} : vector<16xi32> to vector<1xi32>
      %squeeze3A_236 = vector.extract %slice3A_235[0] : i32 from vector<1xi32>
      %shift_right_arithmetic3A_237 = arith.constant 1 : i32
      %shift_right_arithmetic3A_238 = arith.shrsi %squeeze3A_236, %shift_right_arithmetic3A_237 : i32
      %dma_start3A_239 = arith.constant 64 : i32
      %dma_start3A_240 = tpu.memref_slice %arg10[%add3A_218, %dma_start3A_239] : memref<256x128xi32, #tpu.memory_space<vmem>> -> memref<1x64xi32, #tpu.memory_space<vmem>>
      %dma_start3A_241 = tpu.memref_squeeze %dma_start3A_240 : memref<1x64xi32, #tpu.memory_space<vmem>> -> memref<64xi32, #tpu.memory_space<vmem>>
      %dma_start3A_242 = arith.constant 0 : i32
      %dma_start3A_243 = tpu.memref_slice %arg4[%shift_right_arithmetic3A_238, %dma_start3A_242] : memref<500000x64xi32, #tpu.memory_space<hbm>> -> memref<1x64xi32, #tpu.memory_space<hbm>>
      %dma_start3A_244 = tpu.memref_squeeze %dma_start3A_243 : memref<1x64xi32, #tpu.memory_space<hbm>> -> memref<64xi32, #tpu.memory_space<hbm>>
      %dma_start3A_245 = arith.constant 64 : i32
      %dma_start3A_246 = tpu.memref_slice %arg10[%add3A_218, %dma_start3A_245] : memref<256x128xi32, #tpu.memory_space<vmem>> -> memref<1x64xi32, #tpu.memory_space<vmem>>
      %dma_start3A_247 = tpu.memref_squeeze %dma_start3A_246 : memref<1x64xi32, #tpu.memory_space<vmem>> -> memref<64xi32, #tpu.memory_space<vmem>>
      %dma_start3A_248 = arith.constant 0 : i32
      %dma_start3A_249 = tpu.memref_slice %arg4[%shift_right_arithmetic3A_238, %dma_start3A_248] : memref<500000x64xi32, #tpu.memory_space<hbm>> -> memref<1x64xi32, #tpu.memory_space<hbm>>
      %dma_start3A_250 = tpu.memref_squeeze %dma_start3A_249 : memref<1x64xi32, #tpu.memory_space<hbm>> -> memref<64xi32, #tpu.memory_space<hbm>>
      tpu.enqueue_dma source(%dma_start3A_250 : memref<64xi32, #tpu.memory_space<hbm>>) target(%dma_start3A_247 : memref<64xi32, #tpu.memory_space<vmem>>) target_semaphore(%arg13 : memref<!tpu.dma_semaphore, #tpu.memory_space<semaphore_mem>>)
      %add3A_251 = arith.constant 2 : i32
      %add3A_252 = arith.addi %mul3A_114, %add3A_251 : i32
      %slice3A_253 = vector.extract_strided_slice %get3A_116 {offsets = [4], sizes = [1], strides = [1]} : vector<16xi32> to vector<1xi32>
      %squeeze3A_254 = vector.extract %slice3A_253[0] : i32 from vector<1xi32>
      %shift_right_arithmetic3A_255 = arith.constant 1 : i32
      %shift_right_arithmetic3A_256 = arith.shrsi %squeeze3A_254, %shift_right_arithmetic3A_255 : i32
      %dma_start3A_257 = arith.constant 0 : i32
      %dma_start3A_258 = tpu.memref_slice %arg9[%add3A_252, %dma_start3A_257] : memref<256x128xi32, #tpu.memory_space<vmem>> -> memref<1x64xi32, #tpu.memory_space<vmem>>
      %dma_start3A_259 = tpu.memref_squeeze %dma_start3A_258 : memref<1x64xi32, #tpu.memory_space<vmem>> -> memref<64xi32, #tpu.memory_space<vmem>>
      %dma_start3A_260 = arith.constant 0 : i32
      %dma_start3A_261 = tpu.memref_slice %arg4[%shift_right_arithmetic3A_256, %dma_start3A_260] : memref<500000x64xi32, #tpu.memory_space<hbm>> -> memref<1x64xi32, #tpu.memory_space<hbm>>
      %dma_start3A_262 = tpu.memref_squeeze %dma_start3A_261 : memref<1x64xi32, #tpu.memory_space<hbm>> -> memref<64xi32, #tpu.memory_space<hbm>>
      %dma_start3A_263 = arith.constant 0 : i32
      %dma_start3A_264 = tpu.memref_slice %arg9[%add3A_252, %dma_start3A_263] : memref<256x128xi32, #tpu.memory_space<vmem>> -> memref<1x64xi32, #tpu.memory_space<vmem>>
      %dma_start3A_265 = tpu.memref_squeeze %dma_start3A_264 : memref<1x64xi32, #tpu.memory_space<vmem>> -> memref<64xi32, #tpu.memory_space<vmem>>
      %dma_start3A_266 = arith.constant 0 : i32
      %dma_start3A_267 = tpu.memref_slice %arg4[%shift_right_arithmetic3A_256, %dma_start3A_266] : memref<500000x64xi32, #tpu.memory_space<hbm>> -> memref<1x64xi32, #tpu.memory_space<hbm>>
      %dma_start3A_268 = tpu.memref_squeeze %dma_start3A_267 : memref<1x64xi32, #tpu.memory_space<hbm>> -> memref<64xi32, #tpu.memory_space<hbm>>
      tpu.enqueue_dma source(%dma_start3A_268 : memref<64xi32, #tpu.memory_space<hbm>>) target(%dma_start3A_265 : memref<64xi32, #tpu.memory_space<vmem>>) target_semaphore(%arg13 : memref<!tpu.dma_semaphore, #tpu.memory_space<semaphore_mem>>)
      %slice3A_269 = vector.extract_strided_slice %get3A_118 {offsets = [4], sizes = [1], strides = [1]} : vector<16xi32> to vector<1xi32>
      %squeeze3A_270 = vector.extract %slice3A_269[0] : i32 from vector<1xi32>
      %shift_right_arithmetic3A_271 = arith.constant 1 : i32
      %shift_right_arithmetic3A_272 = arith.shrsi %squeeze3A_270, %shift_right_arithmetic3A_271 : i32
      %dma_start3A_273 = arith.constant 0 : i32
      %dma_start3A_274 = tpu.memref_slice %arg10[%add3A_252, %dma_start3A_273] : memref<256x128xi32, #tpu.memory_space<vmem>> -> memref<1x64xi32, #tpu.memory_space<vmem>>
      %dma_start3A_275 = tpu.memref_squeeze %dma_start3A_274 : memref<1x64xi32, #tpu.memory_space<vmem>> -> memref<64xi32, #tpu.memory_space<vmem>>
      %dma_start3A_276 = arith.constant 0 : i32
      %dma_start3A_277 = tpu.memref_slice %arg4[%shift_right_arithmetic3A_272, %dma_start3A_276] : memref<500000x64xi32, #tpu.memory_space<hbm>> -> memref<1x64xi32, #tpu.memory_space<hbm>>
      %dma_start3A_278 = tpu.memref_squeeze %dma_start3A_277 : memref<1x64xi32, #tpu.memory_space<hbm>> -> memref<64xi32, #tpu.memory_space<hbm>>
      %dma_start3A_279 = arith.constant 0 : i32
      %dma_start3A_280 = tpu.memref_slice %arg10[%add3A_252, %dma_start3A_279] : memref<256x128xi32, #tpu.memory_space<vmem>> -> memref<1x64xi32, #tpu.memory_space<vmem>>
      %dma_start3A_281 = tpu.memref_squeeze %dma_start3A_280 : memref<1x64xi32, #tpu.memory_space<vmem>> -> memref<64xi32, #tpu.memory_space<vmem>>
      %dma_start3A_282 = arith.constant 0 : i32
      %dma_start3A_283 = tpu.memref_slice %arg4[%shift_right_arithmetic3A_272, %dma_start3A_282] : memref<500000x64xi32, #tpu.memory_space<hbm>> -> memref<1x64xi32, #tpu.memory_space<hbm>>
      %dma_start3A_284 = tpu.memref_squeeze %dma_start3A_283 : memref<1x64xi32, #tpu.memory_space<hbm>> -> memref<64xi32, #tpu.memory_space<hbm>>
      tpu.enqueue_dma source(%dma_start3A_284 : memref<64xi32, #tpu.memory_space<hbm>>) target(%dma_start3A_281 : memref<64xi32, #tpu.memory_space<vmem>>) target_semaphore(%arg13 : memref<!tpu.dma_semaphore, #tpu.memory_space<semaphore_mem>>)
      %add3A_285 = arith.constant 2 : i32
      %add3A_286 = arith.addi %mul3A_114, %add3A_285 : i32
      %slice3A_287 = vector.extract_strided_slice %get3A_116 {offsets = [5], sizes = [1], strides = [1]} : vector<16xi32> to vector<1xi32>
      %squeeze3A_288 = vector.extract %slice3A_287[0] : i32 from vector<1xi32>
      %shift_right_arithmetic3A_289 = arith.constant 1 : i32
      %shift_right_arithmetic3A_290 = arith.shrsi %squeeze3A_288, %shift_right_arithmetic3A_289 : i32
      %dma_start3A_291 = arith.constant 64 : i32
      %dma_start3A_292 = tpu.memref_slice %arg9[%add3A_286, %dma_start3A_291] : memref<256x128xi32, #tpu.memory_space<vmem>> -> memref<1x64xi32, #tpu.memory_space<vmem>>
      %dma_start3A_293 = tpu.memref_squeeze %dma_start3A_292 : memref<1x64xi32, #tpu.memory_space<vmem>> -> memref<64xi32, #tpu.memory_space<vmem>>
      %dma_start3A_294 = arith.constant 0 : i32
      %dma_start3A_295 = tpu.memref_slice %arg4[%shift_right_arithmetic3A_290, %dma_start3A_294] : memref<500000x64xi32, #tpu.memory_space<hbm>> -> memref<1x64xi32, #tpu.memory_space<hbm>>
      %dma_start3A_296 = tpu.memref_squeeze %dma_start3A_295 : memref<1x64xi32, #tpu.memory_space<hbm>> -> memref<64xi32, #tpu.memory_space<hbm>>
      %dma_start3A_297 = arith.constant 64 : i32
      %dma_start3A_298 = tpu.memref_slice %arg9[%add3A_286, %dma_start3A_297] : memref<256x128xi32, #tpu.memory_space<vmem>> -> memref<1x64xi32, #tpu.memory_space<vmem>>
      %dma_start3A_299 = tpu.memref_squeeze %dma_start3A_298 : memref<1x64xi32, #tpu.memory_space<vmem>> -> memref<64xi32, #tpu.memory_space<vmem>>
      %dma_start3A_300 = arith.constant 0 : i32
      %dma_start3A_301 = tpu.memref_slice %arg4[%shift_right_arithmetic3A_290, %dma_start3A_300] : memref<500000x64xi32, #tpu.memory_space<hbm>> -> memref<1x64xi32, #tpu.memory_space<hbm>>
      %dma_start3A_302 = tpu.memref_squeeze %dma_start3A_301 : memref<1x64xi32, #tpu.memory_space<hbm>> -> memref<64xi32, #tpu.memory_space<hbm>>
      tpu.enqueue_dma source(%dma_start3A_302 : memref<64xi32, #tpu.memory_space<hbm>>) target(%dma_start3A_299 : memref<64xi32, #tpu.memory_space<vmem>>) target_semaphore(%arg13 : memref<!tpu.dma_semaphore, #tpu.memory_space<semaphore_mem>>)
      %slice3A_303 = vector.extract_strided_slice %get3A_118 {offsets = [5], sizes = [1], strides = [1]} : vector<16xi32> to vector<1xi32>
      %squeeze3A_304 = vector.extract %slice3A_303[0] : i32 from vector<1xi32>
      %shift_right_arithmetic3A_305 = arith.constant 1 : i32
      %shift_right_arithmetic3A_306 = arith.shrsi %squeeze3A_304, %shift_right_arithmetic3A_305 : i32
      %dma_start3A_307 = arith.constant 64 : i32
      %dma_start3A_308 = tpu.memref_slice %arg10[%add3A_286, %dma_start3A_307] : memref<256x128xi32, #tpu.memory_space<vmem>> -> memref<1x64xi32, #tpu.memory_space<vmem>>
      %dma_start3A_309 = tpu.memref_squeeze %dma_start3A_308 : memref<1x64xi32, #tpu.memory_space<vmem>> -> memref<64xi32, #tpu.memory_space<vmem>>
      %dma_start3A_310 = arith.constant 0 : i32
      %dma_start3A_311 = tpu.memref_slice %arg4[%shift_right_arithmetic3A_306, %dma_start3A_310] : memref<500000x64xi32, #tpu.memory_space<hbm>> -> memref<1x64xi32, #tpu.memory_space<hbm>>
      %dma_start3A_312 = tpu.memref_squeeze %dma_start3A_311 : memref<1x64xi32, #tpu.memory_space<hbm>> -> memref<64xi32, #tpu.memory_space<hbm>>
      %dma_start3A_313 = arith.constant 64 : i32
      %dma_start3A_314 = tpu.memref_slice %arg10[%add3A_286, %dma_start3A_313] : memref<256x128xi32, #tpu.memory_space<vmem>> -> memref<1x64xi32, #tpu.memory_space<vmem>>
      %dma_start3A_315 = tpu.memref_squeeze %dma_start3A_314 : memref<1x64xi32, #tpu.memory_space<vmem>> -> memref<64xi32, #tpu.memory_space<vmem>>
      %dma_start3A_316 = arith.constant 0 : i32
      %dma_start3A_317 = tpu.memref_slice %arg4[%shift_right_arithmetic3A_306, %dma_start3A_316] : memref<500000x64xi32, #tpu.memory_space<hbm>> -> memref<1x64xi32, #tpu.memory_space<hbm>>
      %dma_start3A_318 = tpu.memref_squeeze %dma_start3A_317 : memref<1x64xi32, #tpu.memory_space<hbm>> -> memref<64xi32, #tpu.memory_space<hbm>>
      tpu.enqueue_dma source(%dma_start3A_318 : memref<64xi32, #tpu.memory_space<hbm>>) target(%dma_start3A_315 : memref<64xi32, #tpu.memory_space<vmem>>) target_semaphore(%arg13 : memref<!tpu.dma_semaphore, #tpu.memory_space<semaphore_mem>>)
      %add3A_319 = arith.constant 3 : i32
      %add3A_320 = arith.addi %mul3A_114, %add3A_319 : i32
      %slice3A_321 = vector.extract_strided_slice %get3A_116 {offsets = [6], sizes = [1], strides = [1]} : vector<16xi32> to vector<1xi32>
      %squeeze3A_322 = vector.extract %slice3A_321[0] : i32 from vector<1xi32>
      %shift_right_arithmetic3A_323 = arith.constant 1 : i32
      %shift_right_arithmetic3A_324 = arith.shrsi %squeeze3A_322, %shift_right_arithmetic3A_323 : i32
      %dma_start3A_325 = arith.constant 0 : i32
      %dma_start3A_326 = tpu.memref_slice %arg9[%add3A_320, %dma_start3A_325] : memref<256x128xi32, #tpu.memory_space<vmem>> -> memref<1x64xi32, #tpu.memory_space<vmem>>
      %dma_start3A_327 = tpu.memref_squeeze %dma_start3A_326 : memref<1x64xi32, #tpu.memory_space<vmem>> -> memref<64xi32, #tpu.memory_space<vmem>>
      %dma_start3A_328 = arith.constant 0 : i32
      %dma_start3A_329 = tpu.memref_slice %arg4[%shift_right_arithmetic3A_324, %dma_start3A_328] : memref<500000x64xi32, #tpu.memory_space<hbm>> -> memref<1x64xi32, #tpu.memory_space<hbm>>
      %dma_start3A_330 = tpu.memref_squeeze %dma_start3A_329 : memref<1x64xi32, #tpu.memory_space<hbm>> -> memref<64xi32, #tpu.memory_space<hbm>>
      %dma_start3A_331 = arith.constant 0 : i32
      %dma_start3A_332 = tpu.memref_slice %arg9[%add3A_320, %dma_start3A_331] : memref<256x128xi32, #tpu.memory_space<vmem>> -> memref<1x64xi32, #tpu.memory_space<vmem>>
      %dma_start3A_333 = tpu.memref_squeeze %dma_start3A_332 : memref<1x64xi32, #tpu.memory_space<vmem>> -> memref<64xi32, #tpu.memory_space<vmem>>
      %dma_start3A_334 = arith.constant 0 : i32
      %dma_start3A_335 = tpu.memref_slice %arg4[%shift_right_arithmetic3A_324, %dma_start3A_334] : memref<500000x64xi32, #tpu.memory_space<hbm>> -> memref<1x64xi32, #tpu.memory_space<hbm>>
      %dma_start3A_336 = tpu.memref_squeeze %dma_start3A_335 : memref<1x64xi32, #tpu.memory_space<hbm>> -> memref<64xi32, #tpu.memory_space<hbm>>
      tpu.enqueue_dma source(%dma_start3A_336 : memref<64xi32, #tpu.memory_space<hbm>>) target(%dma_start3A_333 : memref<64xi32, #tpu.memory_space<vmem>>) target_semaphore(%arg13 : memref<!tpu.dma_semaphore, #tpu.memory_space<semaphore_mem>>)
      %slice3A_337 = vector.extract_strided_slice %get3A_118 {offsets = [6], sizes = [1], strides = [1]} : vector<16xi32> to vector<1xi32>
      %squeeze3A_338 = vector.extract %slice3A_337[0] : i32 from vector<1xi32>
      %shift_right_arithmetic3A_339 = arith.constant 1 : i32
      %shift_right_arithmetic3A_340 = arith.shrsi %squeeze3A_338, %shift_right_arithmetic3A_339 : i32
      %dma_start3A_341 = arith.constant 0 : i32
      %dma_start3A_342 = tpu.memref_slice %arg10[%add3A_320, %dma_start3A_341] : memref<256x128xi32, #tpu.memory_space<vmem>> -> memref<1x64xi32, #tpu.memory_space<vmem>>
      %dma_start3A_343 = tpu.memref_squeeze %dma_start3A_342 : memref<1x64xi32, #tpu.memory_space<vmem>> -> memref<64xi32, #tpu.memory_space<vmem>>
      %dma_start3A_344 = arith.constant 0 : i32
      %dma_start3A_345 = tpu.memref_slice %arg4[%shift_right_arithmetic3A_340, %dma_start3A_344] : memref<500000x64xi32, #tpu.memory_space<hbm>> -> memref<1x64xi32, #tpu.memory_space<hbm>>
      %dma_start3A_346 = tpu.memref_squeeze %dma_start3A_345 : memref<1x64xi32, #tpu.memory_space<hbm>> -> memref<64xi32, #tpu.memory_space<hbm>>
      %dma_start3A_347 = arith.constant 0 : i32
      %dma_start3A_348 = tpu.memref_slice %arg10[%add3A_320, %dma_start3A_347] : memref<256x128xi32, #tpu.memory_space<vmem>> -> memref<1x64xi32, #tpu.memory_space<vmem>>
      %dma_start3A_349 = tpu.memref_squeeze %dma_start3A_348 : memref<1x64xi32, #tpu.memory_space<vmem>> -> memref<64xi32, #tpu.memory_space<vmem>>
      %dma_start3A_350 = arith.constant 0 : i32
      %dma_start3A_351 = tpu.memref_slice %arg4[%shift_right_arithmetic3A_340, %dma_start3A_350] : memref<500000x64xi32, #tpu.memory_space<hbm>> -> memref<1x64xi32, #tpu.memory_space<hbm>>
      %dma_start3A_352 = tpu.memref_squeeze %dma_start3A_351 : memref<1x64xi32, #tpu.memory_space<hbm>> -> memref<64xi32, #tpu.memory_space<hbm>>
      tpu.enqueue_dma source(%dma_start3A_352 : memref<64xi32, #tpu.memory_space<hbm>>) target(%dma_start3A_349 : memref<64xi32, #tpu.memory_space<vmem>>) target_semaphore(%arg13 : memref<!tpu.dma_semaphore, #tpu.memory_space<semaphore_mem>>)
      %add3A_353 = arith.constant 3 : i32
      %add3A_354 = arith.addi %mul3A_114, %add3A_353 : i32
      %slice3A_355 = vector.extract_strided_slice %get3A_116 {offsets = [7], sizes = [1], strides = [1]} : vector<16xi32> to vector<1xi32>
      %squeeze3A_356 = vector.extract %slice3A_355[0] : i32 from vector<1xi32>
      %shift_right_arithmetic3A_357 = arith.constant 1 : i32
      %shift_right_arithmetic3A_358 = arith.shrsi %squeeze3A_356, %shift_right_arithmetic3A_357 : i32
      %dma_start3A_359 = arith.constant 64 : i32
      %dma_start3A_360 = tpu.memref_slice %arg9[%add3A_354, %dma_start3A_359] : memref<256x128xi32, #tpu.memory_space<vmem>> -> memref<1x64xi32, #tpu.memory_space<vmem>>
      %dma_start3A_361 = tpu.memref_squeeze %dma_start3A_360 : memref<1x64xi32, #tpu.memory_space<vmem>> -> memref<64xi32, #tpu.memory_space<vmem>>
      %dma_start3A_362 = arith.constant 0 : i32
      %dma_start3A_363 = tpu.memref_slice %arg4[%shift_right_arithmetic3A_358, %dma_start3A_362] : memref<500000x64xi32, #tpu.memory_space<hbm>> -> memref<1x64xi32, #tpu.memory_space<hbm>>
      %dma_start3A_364 = tpu.memref_squeeze %dma_start3A_363 : memref<1x64xi32, #tpu.memory_space<hbm>> -> memref<64xi32, #tpu.memory_space<hbm>>
      %dma_start3A_365 = arith.constant 64 : i32
      %dma_start3A_366 = tpu.memref_slice %arg9[%add3A_354, %dma_start3A_365] : memref<256x128xi32, #tpu.memory_space<vmem>> -> memref<1x64xi32, #tpu.memory_space<vmem>>
      %dma_start3A_367 = tpu.memref_squeeze %dma_start3A_366 : memref<1x64xi32, #tpu.memory_space<vmem>> -> memref<64xi32, #tpu.memory_space<vmem>>
      %dma_start3A_368 = arith.constant 0 : i32
      %dma_start3A_369 = tpu.memref_slice %arg4[%shift_right_arithmetic3A_358, %dma_start3A_368] : memref<500000x64xi32, #tpu.memory_space<hbm>> -> memref<1x64xi32, #tpu.memory_space<hbm>>
      %dma_start3A_370 = tpu.memref_squeeze %dma_start3A_369 : memref<1x64xi32, #tpu.memory_space<hbm>> -> memref<64xi32, #tpu.memory_space<hbm>>
      tpu.enqueue_dma source(%dma_start3A_370 : memref<64xi32, #tpu.memory_space<hbm>>) target(%dma_start3A_367 : memref<64xi32, #tpu.memory_space<vmem>>) target_semaphore(%arg13 : memref<!tpu.dma_semaphore, #tpu.memory_space<semaphore_mem>>)
      %slice3A_371 = vector.extract_strided_slice %get3A_118 {offsets = [7], sizes = [1], strides = [1]} : vector<16xi32> to vector<1xi32>
      %squeeze3A_372 = vector.extract %slice3A_371[0] : i32 from vector<1xi32>
      %shift_right_arithmetic3A_373 = arith.constant 1 : i32
      %shift_right_arithmetic3A_374 = arith.shrsi %squeeze3A_372, %shift_right_arithmetic3A_373 : i32
      %dma_start3A_375 = arith.constant 64 : i32
      %dma_start3A_376 = tpu.memref_slice %arg10[%add3A_354, %dma_start3A_375] : memref<256x128xi32, #tpu.memory_space<vmem>> -> memref<1x64xi32, #tpu.memory_space<vmem>>
      %dma_start3A_377 = tpu.memref_squeeze %dma_start3A_376 : memref<1x64xi32, #tpu.memory_space<vmem>> -> memref<64xi32, #tpu.memory_space<vmem>>
      %dma_start3A_378 = arith.constant 0 : i32
      %dma_start3A_379 = tpu.memref_slice %arg4[%shift_right_arithmetic3A_374, %dma_start3A_378] : memref<500000x64xi32, #tpu.memory_space<hbm>> -> memref<1x64xi32, #tpu.memory_space<hbm>>
      %dma_start3A_380 = tpu.memref_squeeze %dma_start3A_379 : memref<1x64xi32, #tpu.memory_space<hbm>> -> memref<64xi32, #tpu.memory_space<hbm>>
      %dma_start3A_381 = arith.constant 64 : i32
      %dma_start3A_382 = tpu.memref_slice %arg10[%add3A_354, %dma_start3A_381] : memref<256x128xi32, #tpu.memory_space<vmem>> -> memref<1x64xi32, #tpu.memory_space<vmem>>
      %dma_start3A_383 = tpu.memref_squeeze %dma_start3A_382 : memref<1x64xi32, #tpu.memory_space<vmem>> -> memref<64xi32, #tpu.memory_space<vmem>>
      %dma_start3A_384 = arith.constant 0 : i32
      %dma_start3A_385 = tpu.memref_slice %arg4[%shift_right_arithmetic3A_374, %dma_start3A_384] : memref<500000x64xi32, #tpu.memory_space<hbm>> -> memref<1x64xi32, #tpu.memory_space<hbm>>
      %dma_start3A_386 = tpu.memref_squeeze %dma_start3A_385 : memref<1x64xi32, #tpu.memory_space<hbm>> -> memref<64xi32, #tpu.memory_space<hbm>>
      tpu.enqueue_dma source(%dma_start3A_386 : memref<64xi32, #tpu.memory_space<hbm>>) target(%dma_start3A_383 : memref<64xi32, #tpu.memory_space<vmem>>) target_semaphore(%arg13 : memref<!tpu.dma_semaphore, #tpu.memory_space<semaphore_mem>>)
      %add3A_387 = arith.constant 4 : i32
      %add3A_388 = arith.addi %mul3A_114, %add3A_387 : i32
      %slice3A_389 = vector.extract_strided_slice %get3A_116 {offsets = [8], sizes = [1], strides = [1]} : vector<16xi32> to vector<1xi32>
      %squeeze3A_390 = vector.extract %slice3A_389[0] : i32 from vector<1xi32>
      %shift_right_arithmetic3A_391 = arith.constant 1 : i32
      %shift_right_arithmetic3A_392 = arith.shrsi %squeeze3A_390, %shift_right_arithmetic3A_391 : i32
      %dma_start3A_393 = arith.constant 0 : i32
      %dma_start3A_394 = tpu.memref_slice %arg9[%add3A_388, %dma_start3A_393] : memref<256x128xi32, #tpu.memory_space<vmem>> -> memref<1x64xi32, #tpu.memory_space<vmem>>
      %dma_start3A_395 = tpu.memref_squeeze %dma_start3A_394 : memref<1x64xi32, #tpu.memory_space<vmem>> -> memref<64xi32, #tpu.memory_space<vmem>>
      %dma_start3A_396 = arith.constant 0 : i32
      %dma_start3A_397 = tpu.memref_slice %arg4[%shift_right_arithmetic3A_392, %dma_start3A_396] : memref<500000x64xi32, #tpu.memory_space<hbm>> -> memref<1x64xi32, #tpu.memory_space<hbm>>
      %dma_start3A_398 = tpu.memref_squeeze %dma_start3A_397 : memref<1x64xi32, #tpu.memory_space<hbm>> -> memref<64xi32, #tpu.memory_space<hbm>>
      %dma_start3A_399 = arith.constant 0 : i32
      %dma_start3A_400 = tpu.memref_slice %arg9[%add3A_388, %dma_start3A_399] : memref<256x128xi32, #tpu.memory_space<vmem>> -> memref<1x64xi32, #tpu.memory_space<vmem>>
      %dma_start3A_401 = tpu.memref_squeeze %dma_start3A_400 : memref<1x64xi32, #tpu.memory_space<vmem>> -> memref<64xi32, #tpu.memory_space<vmem>>
      %dma_start3A_402 = arith.constant 0 : i32
      %dma_start3A_403 = tpu.memref_slice %arg4[%shift_right_arithmetic3A_392, %dma_start3A_402] : memref<500000x64xi32, #tpu.memory_space<hbm>> -> memref<1x64xi32, #tpu.memory_space<hbm>>
      %dma_start3A_404 = tpu.memref_squeeze %dma_start3A_403 : memref<1x64xi32, #tpu.memory_space<hbm>> -> memref<64xi32, #tpu.memory_space<hbm>>
      tpu.enqueue_dma source(%dma_start3A_404 : memref<64xi32, #tpu.memory_space<hbm>>) target(%dma_start3A_401 : memref<64xi32, #tpu.memory_space<vmem>>) target_semaphore(%arg13 : memref<!tpu.dma_semaphore, #tpu.memory_space<semaphore_mem>>)
      %slice3A_405 = vector.extract_strided_slice %get3A_118 {offsets = [8], sizes = [1], strides = [1]} : vector<16xi32> to vector<1xi32>
      %squeeze3A_406 = vector.extract %slice3A_405[0] : i32 from vector<1xi32>
      %shift_right_arithmetic3A_407 = arith.constant 1 : i32
      %shift_right_arithmetic3A_408 = arith.shrsi %squeeze3A_406, %shift_right_arithmetic3A_407 : i32
      %dma_start3A_409 = arith.constant 0 : i32
      %dma_start3A_410 = tpu.memref_slice %arg10[%add3A_388, %dma_start3A_409] : memref<256x128xi32, #tpu.memory_space<vmem>> -> memref<1x64xi32, #tpu.memory_space<vmem>>
      %dma_start3A_411 = tpu.memref_squeeze %dma_start3A_410 : memref<1x64xi32, #tpu.memory_space<vmem>> -> memref<64xi32, #tpu.memory_space<vmem>>
      %dma_start3A_412 = arith.constant 0 : i32
      %dma_start3A_413 = tpu.memref_slice %arg4[%shift_right_arithmetic3A_408, %dma_start3A_412] : memref<500000x64xi32, #tpu.memory_space<hbm>> -> memref<1x64xi32, #tpu.memory_space<hbm>>
      %dma_start3A_414 = tpu.memref_squeeze %dma_start3A_413 : memref<1x64xi32, #tpu.memory_space<hbm>> -> memref<64xi32, #tpu.memory_space<hbm>>
      %dma_start3A_415 = arith.constant 0 : i32
      %dma_start3A_416 = tpu.memref_slice %arg10[%add3A_388, %dma_start3A_415] : memref<256x128xi32, #tpu.memory_space<vmem>> -> memref<1x64xi32, #tpu.memory_space<vmem>>
      %dma_start3A_417 = tpu.memref_squeeze %dma_start3A_416 : memref<1x64xi32, #tpu.memory_space<vmem>> -> memref<64xi32, #tpu.memory_space<vmem>>
      %dma_start3A_418 = arith.constant 0 : i32
      %dma_start3A_419 = tpu.memref_slice %arg4[%shift_right_arithmetic3A_408, %dma_start3A_418] : memref<500000x64xi32, #tpu.memory_space<hbm>> -> memref<1x64xi32, #tpu.memory_space<hbm>>
      %dma_start3A_420 = tpu.memref_squeeze %dma_start3A_419 : memref<1x64xi32, #tpu.memory_space<hbm>> -> memref<64xi32, #tpu.memory_space<hbm>>
      tpu.enqueue_dma source(%dma_start3A_420 : memref<64xi32, #tpu.memory_space<hbm>>) target(%dma_start3A_417 : memref<64xi32, #tpu.memory_space<vmem>>) target_semaphore(%arg13 : memref<!tpu.dma_semaphore, #tpu.memory_space<semaphore_mem>>)
      %add3A_421 = arith.constant 4 : i32
      %add3A_422 = arith.addi %mul3A_114, %add3A_421 : i32
      %slice3A_423 = vector.extract_strided_slice %get3A_116 {offsets = [9], sizes = [1], strides = [1]} : vector<16xi32> to vector<1xi32>
      %squeeze3A_424 = vector.extract %slice3A_423[0] : i32 from vector<1xi32>
      %shift_right_arithmetic3A_425 = arith.constant 1 : i32
      %shift_right_arithmetic3A_426 = arith.shrsi %squeeze3A_424, %shift_right_arithmetic3A_425 : i32
      %dma_start3A_427 = arith.constant 64 : i32
      %dma_start3A_428 = tpu.memref_slice %arg9[%add3A_422, %dma_start3A_427] : memref<256x128xi32, #tpu.memory_space<vmem>> -> memref<1x64xi32, #tpu.memory_space<vmem>>
      %dma_start3A_429 = tpu.memref_squeeze %dma_start3A_428 : memref<1x64xi32, #tpu.memory_space<vmem>> -> memref<64xi32, #tpu.memory_space<vmem>>
      %dma_start3A_430 = arith.constant 0 : i32
      %dma_start3A_431 = tpu.memref_slice %arg4[%shift_right_arithmetic3A_426, %dma_start3A_430] : memref<500000x64xi32, #tpu.memory_space<hbm>> -> memref<1x64xi32, #tpu.memory_space<hbm>>
      %dma_start3A_432 = tpu.memref_squeeze %dma_start3A_431 : memref<1x64xi32, #tpu.memory_space<hbm>> -> memref<64xi32, #tpu.memory_space<hbm>>
      %dma_start3A_433 = arith.constant 64 : i32
      %dma_start3A_434 = tpu.memref_slice %arg9[%add3A_422, %dma_start3A_433] : memref<256x128xi32, #tpu.memory_space<vmem>> -> memref<1x64xi32, #tpu.memory_space<vmem>>
      %dma_start3A_435 = tpu.memref_squeeze %dma_start3A_434 : memref<1x64xi32, #tpu.memory_space<vmem>> -> memref<64xi32, #tpu.memory_space<vmem>>
      %dma_start3A_436 = arith.constant 0 : i32
      %dma_start3A_437 = tpu.memref_slice %arg4[%shift_right_arithmetic3A_426, %dma_start3A_436] : memref<500000x64xi32, #tpu.memory_space<hbm>> -> memref<1x64xi32, #tpu.memory_space<hbm>>
      %dma_start3A_438 = tpu.memref_squeeze %dma_start3A_437 : memref<1x64xi32, #tpu.memory_space<hbm>> -> memref<64xi32, #tpu.memory_space<hbm>>
      tpu.enqueue_dma source(%dma_start3A_438 : memref<64xi32, #tpu.memory_space<hbm>>) target(%dma_start3A_435 : memref<64xi32, #tpu.memory_space<vmem>>) target_semaphore(%arg13 : memref<!tpu.dma_semaphore, #tpu.memory_space<semaphore_mem>>)
      %slice3A_439 = vector.extract_strided_slice %get3A_118 {offsets = [9], sizes = [1], strides = [1]} : vector<16xi32> to vector<1xi32>
      %squeeze3A_440 = vector.extract %slice3A_439[0] : i32 from vector<1xi32>
      %shift_right_arithmetic3A_441 = arith.constant 1 : i32
      %shift_right_arithmetic3A_442 = arith.shrsi %squeeze3A_440, %shift_right_arithmetic3A_441 : i32
      %dma_start3A_443 = arith.constant 64 : i32
      %dma_start3A_444 = tpu.memref_slice %arg10[%add3A_422, %dma_start3A_443] : memref<256x128xi32, #tpu.memory_space<vmem>> -> memref<1x64xi32, #tpu.memory_space<vmem>>
      %dma_start3A_445 = tpu.memref_squeeze %dma_start3A_444 : memref<1x64xi32, #tpu.memory_space<vmem>> -> memref<64xi32, #tpu.memory_space<vmem>>
      %dma_start3A_446 = arith.constant 0 : i32
      %dma_start3A_447 = tpu.memref_slice %arg4[%shift_right_arithmetic3A_442, %dma_start3A_446] : memref<500000x64xi32, #tpu.memory_space<hbm>> -> memref<1x64xi32, #tpu.memory_space<hbm>>
      %dma_start3A_448 = tpu.memref_squeeze %dma_start3A_447 : memref<1x64xi32, #tpu.memory_space<hbm>> -> memref<64xi32, #tpu.memory_space<hbm>>
      %dma_start3A_449 = arith.constant 64 : i32
      %dma_start3A_450 = tpu.memref_slice %arg10[%add3A_422, %dma_start3A_449] : memref<256x128xi32, #tpu.memory_space<vmem>> -> memref<1x64xi32, #tpu.memory_space<vmem>>
      %dma_start3A_451 = tpu.memref_squeeze %dma_start3A_450 : memref<1x64xi32, #tpu.memory_space<vmem>> -> memref<64xi32, #tpu.memory_space<vmem>>
      %dma_start3A_452 = arith.constant 0 : i32
      %dma_start3A_453 = tpu.memref_slice %arg4[%shift_right_arithmetic3A_442, %dma_start3A_452] : memref<500000x64xi32, #tpu.memory_space<hbm>> -> memref<1x64xi32, #tpu.memory_space<hbm>>
      %dma_start3A_454 = tpu.memref_squeeze %dma_start3A_453 : memref<1x64xi32, #tpu.memory_space<hbm>> -> memref<64xi32, #tpu.memory_space<hbm>>
      tpu.enqueue_dma source(%dma_start3A_454 : memref<64xi32, #tpu.memory_space<hbm>>) target(%dma_start3A_451 : memref<64xi32, #tpu.memory_space<vmem>>) target_semaphore(%arg13 : memref<!tpu.dma_semaphore, #tpu.memory_space<semaphore_mem>>)
      %add3A_455 = arith.constant 5 : i32
      %add3A_456 = arith.addi %mul3A_114, %add3A_455 : i32
      %slice3A_457 = vector.extract_strided_slice %get3A_116 {offsets = [10], sizes = [1], strides = [1]} : vector<16xi32> to vector<1xi32>
      %squeeze3A_458 = vector.extract %slice3A_457[0] : i32 from vector<1xi32>
      %shift_right_arithmetic3A_459 = arith.constant 1 : i32
      %shift_right_arithmetic3A_460 = arith.shrsi %squeeze3A_458, %shift_right_arithmetic3A_459 : i32
      %dma_start3A_461 = arith.constant 0 : i32
      %dma_start3A_462 = tpu.memref_slice %arg9[%add3A_456, %dma_start3A_461] : memref<256x128xi32, #tpu.memory_space<vmem>> -> memref<1x64xi32, #tpu.memory_space<vmem>>
      %dma_start3A_463 = tpu.memref_squeeze %dma_start3A_462 : memref<1x64xi32, #tpu.memory_space<vmem>> -> memref<64xi32, #tpu.memory_space<vmem>>
      %dma_start3A_464 = arith.constant 0 : i32
      %dma_start3A_465 = tpu.memref_slice %arg4[%shift_right_arithmetic3A_460, %dma_start3A_464] : memref<500000x64xi32, #tpu.memory_space<hbm>> -> memref<1x64xi32, #tpu.memory_space<hbm>>
      %dma_start3A_466 = tpu.memref_squeeze %dma_start3A_465 : memref<1x64xi32, #tpu.memory_space<hbm>> -> memref<64xi32, #tpu.memory_space<hbm>>
      %dma_start3A_467 = arith.constant 0 : i32
      %dma_start3A_468 = tpu.memref_slice %arg9[%add3A_456, %dma_start3A_467] : memref<256x128xi32, #tpu.memory_space<vmem>> -> memref<1x64xi32, #tpu.memory_space<vmem>>
      %dma_start3A_469 = tpu.memref_squeeze %dma_start3A_468 : memref<1x64xi32, #tpu.memory_space<vmem>> -> memref<64xi32, #tpu.memory_space<vmem>>
      %dma_start3A_470 = arith.constant 0 : i32
      %dma_start3A_471 = tpu.memref_slice %arg4[%shift_right_arithmetic3A_460, %dma_start3A_470] : memref<500000x64xi32, #tpu.memory_space<hbm>> -> memref<1x64xi32, #tpu.memory_space<hbm>>
      %dma_start3A_472 = tpu.memref_squeeze %dma_start3A_471 : memref<1x64xi32, #tpu.memory_space<hbm>> -> memref<64xi32, #tpu.memory_space<hbm>>
      tpu.enqueue_dma source(%dma_start3A_472 : memref<64xi32, #tpu.memory_space<hbm>>) target(%dma_start3A_469 : memref<64xi32, #tpu.memory_space<vmem>>) target_semaphore(%arg13 : memref<!tpu.dma_semaphore, #tpu.memory_space<semaphore_mem>>)
      %slice3A_473 = vector.extract_strided_slice %get3A_118 {offsets = [10], sizes = [1], strides = [1]} : vector<16xi32> to vector<1xi32>
      %squeeze3A_474 = vector.extract %slice3A_473[0] : i32 from vector<1xi32>
      %shift_right_arithmetic3A_475 = arith.constant 1 : i32
      %shift_right_arithmetic3A_476 = arith.shrsi %squeeze3A_474, %shift_right_arithmetic3A_475 : i32
      %dma_start3A_477 = arith.constant 0 : i32
      %dma_start3A_478 = tpu.memref_slice %arg10[%add3A_456, %dma_start3A_477] : memref<256x128xi32, #tpu.memory_space<vmem>> -> memref<1x64xi32, #tpu.memory_space<vmem>>
      %dma_start3A_479 = tpu.memref_squeeze %dma_start3A_478 : memref<1x64xi32, #tpu.memory_space<vmem>> -> memref<64xi32, #tpu.memory_space<vmem>>
      %dma_start3A_480 = arith.constant 0 : i32
      %dma_start3A_481 = tpu.memref_slice %arg4[%shift_right_arithmetic3A_476, %dma_start3A_480] : memref<500000x64xi32, #tpu.memory_space<hbm>> -> memref<1x64xi32, #tpu.memory_space<hbm>>
      %dma_start3A_482 = tpu.memref_squeeze %dma_start3A_481 : memref<1x64xi32, #tpu.memory_space<hbm>> -> memref<64xi32, #tpu.memory_space<hbm>>
      %dma_start3A_483 = arith.constant 0 : i32
      %dma_start3A_484 = tpu.memref_slice %arg10[%add3A_456, %dma_start3A_483] : memref<256x128xi32, #tpu.memory_space<vmem>> -> memref<1x64xi32, #tpu.memory_space<vmem>>
      %dma_start3A_485 = tpu.memref_squeeze %dma_start3A_484 : memref<1x64xi32, #tpu.memory_space<vmem>> -> memref<64xi32, #tpu.memory_space<vmem>>
      %dma_start3A_486 = arith.constant 0 : i32
      %dma_start3A_487 = tpu.memref_slice %arg4[%shift_right_arithmetic3A_476, %dma_start3A_486] : memref<500000x64xi32, #tpu.memory_space<hbm>> -> memref<1x64xi32, #tpu.memory_space<hbm>>
      %dma_start3A_488 = tpu.memref_squeeze %dma_start3A_487 : memref<1x64xi32, #tpu.memory_space<hbm>> -> memref<64xi32, #tpu.memory_space<hbm>>
      tpu.enqueue_dma source(%dma_start3A_488 : memref<64xi32, #tpu.memory_space<hbm>>) target(%dma_start3A_485 : memref<64xi32, #tpu.memory_space<vmem>>) target_semaphore(%arg13 : memref<!tpu.dma_semaphore, #tpu.memory_space<semaphore_mem>>)
      %add3A_489 = arith.constant 5 : i32
      %add3A_490 = arith.addi %mul3A_114, %add3A_489 : i32
      %slice3A_491 = vector.extract_strided_slice %get3A_116 {offsets = [11], sizes = [1], strides = [1]} : vector<16xi32> to vector<1xi32>
      %squeeze3A_492 = vector.extract %slice3A_491[0] : i32 from vector<1xi32>
      %shift_right_arithmetic3A_493 = arith.constant 1 : i32
      %shift_right_arithmetic3A_494 = arith.shrsi %squeeze3A_492, %shift_right_arithmetic3A_493 : i32
      %dma_start3A_495 = arith.constant 64 : i32
      %dma_start3A_496 = tpu.memref_slice %arg9[%add3A_490, %dma_start3A_495] : memref<256x128xi32, #tpu.memory_space<vmem>> -> memref<1x64xi32, #tpu.memory_space<vmem>>
      %dma_start3A_497 = tpu.memref_squeeze %dma_start3A_496 : memref<1x64xi32, #tpu.memory_space<vmem>> -> memref<64xi32, #tpu.memory_space<vmem>>
      %dma_start3A_498 = arith.constant 0 : i32
      %dma_start3A_499 = tpu.memref_slice %arg4[%shift_right_arithmetic3A_494, %dma_start3A_498] : memref<500000x64xi32, #tpu.memory_space<hbm>> -> memref<1x64xi32, #tpu.memory_space<hbm>>
      %dma_start3A_500 = tpu.memref_squeeze %dma_start3A_499 : memref<1x64xi32, #tpu.memory_space<hbm>> -> memref<64xi32, #tpu.memory_space<hbm>>
      %dma_start3A_501 = arith.constant 64 : i32
      %dma_start3A_502 = tpu.memref_slice %arg9[%add3A_490, %dma_start3A_501] : memref<256x128xi32, #tpu.memory_space<vmem>> -> memref<1x64xi32, #tpu.memory_space<vmem>>
      %dma_start3A_503 = tpu.memref_squeeze %dma_start3A_502 : memref<1x64xi32, #tpu.memory_space<vmem>> -> memref<64xi32, #tpu.memory_space<vmem>>
      %dma_start3A_504 = arith.constant 0 : i32
      %dma_start3A_505 = tpu.memref_slice %arg4[%shift_right_arithmetic3A_494, %dma_start3A_504] : memref<500000x64xi32, #tpu.memory_space<hbm>> -> memref<1x64xi32, #tpu.memory_space<hbm>>
      %dma_start3A_506 = tpu.memref_squeeze %dma_start3A_505 : memref<1x64xi32, #tpu.memory_space<hbm>> -> memref<64xi32, #tpu.memory_space<hbm>>
      tpu.enqueue_dma source(%dma_start3A_506 : memref<64xi32, #tpu.memory_space<hbm>>) target(%dma_start3A_503 : memref<64xi32, #tpu.memory_space<vmem>>) target_semaphore(%arg13 : memref<!tpu.dma_semaphore, #tpu.memory_space<semaphore_mem>>)
      %slice3A_507 = vector.extract_strided_slice %get3A_118 {offsets = [11], sizes = [1], strides = [1]} : vector<16xi32> to vector<1xi32>
      %squeeze3A_508 = vector.extract %slice3A_507[0] : i32 from vector<1xi32>
      %shift_right_arithmetic3A_509 = arith.constant 1 : i32
      %shift_right_arithmetic3A_510 = arith.shrsi %squeeze3A_508, %shift_right_arithmetic3A_509 : i32
      %dma_start3A_511 = arith.constant 64 : i32
      %dma_start3A_512 = tpu.memref_slice %arg10[%add3A_490, %dma_start3A_511] : memref<256x128xi32, #tpu.memory_space<vmem>> -> memref<1x64xi32, #tpu.memory_space<vmem>>
      %dma_start3A_513 = tpu.memref_squeeze %dma_start3A_512 : memref<1x64xi32, #tpu.memory_space<vmem>> -> memref<64xi32, #tpu.memory_space<vmem>>
      %dma_start3A_514 = arith.constant 0 : i32
      %dma_start3A_515 = tpu.memref_slice %arg4[%shift_right_arithmetic3A_510, %dma_start3A_514] : memref<500000x64xi32, #tpu.memory_space<hbm>> -> memref<1x64xi32, #tpu.memory_space<hbm>>
      %dma_start3A_516 = tpu.memref_squeeze %dma_start3A_515 : memref<1x64xi32, #tpu.memory_space<hbm>> -> memref<64xi32, #tpu.memory_space<hbm>>
      %dma_start3A_517 = arith.constant 64 : i32
      %dma_start3A_518 = tpu.memref_slice %arg10[%add3A_490, %dma_start3A_517] : memref<256x128xi32, #tpu.memory_space<vmem>> -> memref<1x64xi32, #tpu.memory_space<vmem>>
      %dma_start3A_519 = tpu.memref_squeeze %dma_start3A_518 : memref<1x64xi32, #tpu.memory_space<vmem>> -> memref<64xi32, #tpu.memory_space<vmem>>
      %dma_start3A_520 = arith.constant 0 : i32
      %dma_start3A_521 = tpu.memref_slice %arg4[%shift_right_arithmetic3A_510, %dma_start3A_520] : memref<500000x64xi32, #tpu.memory_space<hbm>> -> memref<1x64xi32, #tpu.memory_space<hbm>>
      %dma_start3A_522 = tpu.memref_squeeze %dma_start3A_521 : memref<1x64xi32, #tpu.memory_space<hbm>> -> memref<64xi32, #tpu.memory_space<hbm>>
      tpu.enqueue_dma source(%dma_start3A_522 : memref<64xi32, #tpu.memory_space<hbm>>) target(%dma_start3A_519 : memref<64xi32, #tpu.memory_space<vmem>>) target_semaphore(%arg13 : memref<!tpu.dma_semaphore, #tpu.memory_space<semaphore_mem>>)
      %add3A_523 = arith.constant 6 : i32
      %add3A_524 = arith.addi %mul3A_114, %add3A_523 : i32
      %slice3A_525 = vector.extract_strided_slice %get3A_116 {offsets = [12], sizes = [1], strides = [1]} : vector<16xi32> to vector<1xi32>
      %squeeze3A_526 = vector.extract %slice3A_525[0] : i32 from vector<1xi32>
      %shift_right_arithmetic3A_527 = arith.constant 1 : i32
      %shift_right_arithmetic3A_528 = arith.shrsi %squeeze3A_526, %shift_right_arithmetic3A_527 : i32
      %dma_start3A_529 = arith.constant 0 : i32
      %dma_start3A_530 = tpu.memref_slice %arg9[%add3A_524, %dma_start3A_529] : memref<256x128xi32, #tpu.memory_space<vmem>> -> memref<1x64xi32, #tpu.memory_space<vmem>>
      %dma_start3A_531 = tpu.memref_squeeze %dma_start3A_530 : memref<1x64xi32, #tpu.memory_space<vmem>> -> memref<64xi32, #tpu.memory_space<vmem>>
      %dma_start3A_532 = arith.constant 0 : i32
      %dma_start3A_533 = tpu.memref_slice %arg4[%shift_right_arithmetic3A_528, %dma_start3A_532] : memref<500000x64xi32, #tpu.memory_space<hbm>> -> memref<1x64xi32, #tpu.memory_space<hbm>>
      %dma_start3A_534 = tpu.memref_squeeze %dma_start3A_533 : memref<1x64xi32, #tpu.memory_space<hbm>> -> memref<64xi32, #tpu.memory_space<hbm>>
      %dma_start3A_535 = arith.constant 0 : i32
      %dma_start3A_536 = tpu.memref_slice %arg9[%add3A_524, %dma_start3A_535] : memref<256x128xi32, #tpu.memory_space<vmem>> -> memref<1x64xi32, #tpu.memory_space<vmem>>
      %dma_start3A_537 = tpu.memref_squeeze %dma_start3A_536 : memref<1x64xi32, #tpu.memory_space<vmem>> -> memref<64xi32, #tpu.memory_space<vmem>>
      %dma_start3A_538 = arith.constant 0 : i32
      %dma_start3A_539 = tpu.memref_slice %arg4[%shift_right_arithmetic3A_528, %dma_start3A_538] : memref<500000x64xi32, #tpu.memory_space<hbm>> -> memref<1x64xi32, #tpu.memory_space<hbm>>
      %dma_start3A_540 = tpu.memref_squeeze %dma_start3A_539 : memref<1x64xi32, #tpu.memory_space<hbm>> -> memref<64xi32, #tpu.memory_space<hbm>>
      tpu.enqueue_dma source(%dma_start3A_540 : memref<64xi32, #tpu.memory_space<hbm>>) target(%dma_start3A_537 : memref<64xi32, #tpu.memory_space<vmem>>) target_semaphore(%arg13 : memref<!tpu.dma_semaphore, #tpu.memory_space<semaphore_mem>>)
      %slice3A_541 = vector.extract_strided_slice %get3A_118 {offsets = [12], sizes = [1], strides = [1]} : vector<16xi32> to vector<1xi32>
      %squeeze3A_542 = vector.extract %slice3A_541[0] : i32 from vector<1xi32>
      %shift_right_arithmetic3A_543 = arith.constant 1 : i32
      %shift_right_arithmetic3A_544 = arith.shrsi %squeeze3A_542, %shift_right_arithmetic3A_543 : i32
      %dma_start3A_545 = arith.constant 0 : i32
      %dma_start3A_546 = tpu.memref_slice %arg10[%add3A_524, %dma_start3A_545] : memref<256x128xi32, #tpu.memory_space<vmem>> -> memref<1x64xi32, #tpu.memory_space<vmem>>
      %dma_start3A_547 = tpu.memref_squeeze %dma_start3A_546 : memref<1x64xi32, #tpu.memory_space<vmem>> -> memref<64xi32, #tpu.memory_space<vmem>>
      %dma_start3A_548 = arith.constant 0 : i32
      %dma_start3A_549 = tpu.memref_slice %arg4[%shift_right_arithmetic3A_544, %dma_start3A_548] : memref<500000x64xi32, #tpu.memory_space<hbm>> -> memref<1x64xi32, #tpu.memory_space<hbm>>
      %dma_start3A_550 = tpu.memref_squeeze %dma_start3A_549 : memref<1x64xi32, #tpu.memory_space<hbm>> -> memref<64xi32, #tpu.memory_space<hbm>>
      %dma_start3A_551 = arith.constant 0 : i32
      %dma_start3A_552 = tpu.memref_slice %arg10[%add3A_524, %dma_start3A_551] : memref<256x128xi32, #tpu.memory_space<vmem>> -> memref<1x64xi32, #tpu.memory_space<vmem>>
      %dma_start3A_553 = tpu.memref_squeeze %dma_start3A_552 : memref<1x64xi32, #tpu.memory_space<vmem>> -> memref<64xi32, #tpu.memory_space<vmem>>
      %dma_start3A_554 = arith.constant 0 : i32
      %dma_start3A_555 = tpu.memref_slice %arg4[%shift_right_arithmetic3A_544, %dma_start3A_554] : memref<500000x64xi32, #tpu.memory_space<hbm>> -> memref<1x64xi32, #tpu.memory_space<hbm>>
      %dma_start3A_556 = tpu.memref_squeeze %dma_start3A_555 : memref<1x64xi32, #tpu.memory_space<hbm>> -> memref<64xi32, #tpu.memory_space<hbm>>
      tpu.enqueue_dma source(%dma_start3A_556 : memref<64xi32, #tpu.memory_space<hbm>>) target(%dma_start3A_553 : memref<64xi32, #tpu.memory_space<vmem>>) target_semaphore(%arg13 : memref<!tpu.dma_semaphore, #tpu.memory_space<semaphore_mem>>)
      %add3A_557 = arith.constant 6 : i32
      %add3A_558 = arith.addi %mul3A_114, %add3A_557 : i32
      %slice3A_559 = vector.extract_strided_slice %get3A_116 {offsets = [13], sizes = [1], strides = [1]} : vector<16xi32> to vector<1xi32>
      %squeeze3A_560 = vector.extract %slice3A_559[0] : i32 from vector<1xi32>
      %shift_right_arithmetic3A_561 = arith.constant 1 : i32
      %shift_right_arithmetic3A_562 = arith.shrsi %squeeze3A_560, %shift_right_arithmetic3A_561 : i32
      %dma_start3A_563 = arith.constant 64 : i32
      %dma_start3A_564 = tpu.memref_slice %arg9[%add3A_558, %dma_start3A_563] : memref<256x128xi32, #tpu.memory_space<vmem>> -> memref<1x64xi32, #tpu.memory_space<vmem>>
      %dma_start3A_565 = tpu.memref_squeeze %dma_start3A_564 : memref<1x64xi32, #tpu.memory_space<vmem>> -> memref<64xi32, #tpu.memory_space<vmem>>
      %dma_start3A_566 = arith.constant 0 : i32
      %dma_start3A_567 = tpu.memref_slice %arg4[%shift_right_arithmetic3A_562, %dma_start3A_566] : memref<500000x64xi32, #tpu.memory_space<hbm>> -> memref<1x64xi32, #tpu.memory_space<hbm>>
      %dma_start3A_568 = tpu.memref_squeeze %dma_start3A_567 : memref<1x64xi32, #tpu.memory_space<hbm>> -> memref<64xi32, #tpu.memory_space<hbm>>
      %dma_start3A_569 = arith.constant 64 : i32
      %dma_start3A_570 = tpu.memref_slice %arg9[%add3A_558, %dma_start3A_569] : memref<256x128xi32, #tpu.memory_space<vmem>> -> memref<1x64xi32, #tpu.memory_space<vmem>>
      %dma_start3A_571 = tpu.memref_squeeze %dma_start3A_570 : memref<1x64xi32, #tpu.memory_space<vmem>> -> memref<64xi32, #tpu.memory_space<vmem>>
      %dma_start3A_572 = arith.constant 0 : i32
      %dma_start3A_573 = tpu.memref_slice %arg4[%shift_right_arithmetic3A_562, %dma_start3A_572] : memref<500000x64xi32, #tpu.memory_space<hbm>> -> memref<1x64xi32, #tpu.memory_space<hbm>>
      %dma_start3A_574 = tpu.memref_squeeze %dma_start3A_573 : memref<1x64xi32, #tpu.memory_space<hbm>> -> memref<64xi32, #tpu.memory_space<hbm>>
      tpu.enqueue_dma source(%dma_start3A_574 : memref<64xi32, #tpu.memory_space<hbm>>) target(%dma_start3A_571 : memref<64xi32, #tpu.memory_space<vmem>>) target_semaphore(%arg13 : memref<!tpu.dma_semaphore, #tpu.memory_space<semaphore_mem>>)
      %slice3A_575 = vector.extract_strided_slice %get3A_118 {offsets = [13], sizes = [1], strides = [1]} : vector<16xi32> to vector<1xi32>
      %squeeze3A_576 = vector.extract %slice3A_575[0] : i32 from vector<1xi32>
      %shift_right_arithmetic3A_577 = arith.constant 1 : i32
      %shift_right_arithmetic3A_578 = arith.shrsi %squeeze3A_576, %shift_right_arithmetic3A_577 : i32
      %dma_start3A_579 = arith.constant 64 : i32
      %dma_start3A_580 = tpu.memref_slice %arg10[%add3A_558, %dma_start3A_579] : memref<256x128xi32, #tpu.memory_space<vmem>> -> memref<1x64xi32, #tpu.memory_space<vmem>>
      %dma_start3A_581 = tpu.memref_squeeze %dma_start3A_580 : memref<1x64xi32, #tpu.memory_space<vmem>> -> memref<64xi32, #tpu.memory_space<vmem>>
      %dma_start3A_582 = arith.constant 0 : i32
      %dma_start3A_583 = tpu.memref_slice %arg4[%shift_right_arithmetic3A_578, %dma_start3A_582] : memref<500000x64xi32, #tpu.memory_space<hbm>> -> memref<1x64xi32, #tpu.memory_space<hbm>>
      %dma_start3A_584 = tpu.memref_squeeze %dma_start3A_583 : memref<1x64xi32, #tpu.memory_space<hbm>> -> memref<64xi32, #tpu.memory_space<hbm>>
      %dma_start3A_585 = arith.constant 64 : i32
      %dma_start3A_586 = tpu.memref_slice %arg10[%add3A_558, %dma_start3A_585] : memref<256x128xi32, #tpu.memory_space<vmem>> -> memref<1x64xi32, #tpu.memory_space<vmem>>
      %dma_start3A_587 = tpu.memref_squeeze %dma_start3A_586 : memref<1x64xi32, #tpu.memory_space<vmem>> -> memref<64xi32, #tpu.memory_space<vmem>>
      %dma_start3A_588 = arith.constant 0 : i32
      %dma_start3A_589 = tpu.memref_slice %arg4[%shift_right_arithmetic3A_578, %dma_start3A_588] : memref<500000x64xi32, #tpu.memory_space<hbm>> -> memref<1x64xi32, #tpu.memory_space<hbm>>
      %dma_start3A_590 = tpu.memref_squeeze %dma_start3A_589 : memref<1x64xi32, #tpu.memory_space<hbm>> -> memref<64xi32, #tpu.memory_space<hbm>>
      tpu.enqueue_dma source(%dma_start3A_590 : memref<64xi32, #tpu.memory_space<hbm>>) target(%dma_start3A_587 : memref<64xi32, #tpu.memory_space<vmem>>) target_semaphore(%arg13 : memref<!tpu.dma_semaphore, #tpu.memory_space<semaphore_mem>>)
      %add3A_591 = arith.constant 7 : i32
      %add3A_592 = arith.addi %mul3A_114, %add3A_591 : i32
      %slice3A_593 = vector.extract_strided_slice %get3A_116 {offsets = [14], sizes = [1], strides = [1]} : vector<16xi32> to vector<1xi32>
      %squeeze3A_594 = vector.extract %slice3A_593[0] : i32 from vector<1xi32>
      %shift_right_arithmetic3A_595 = arith.constant 1 : i32
      %shift_right_arithmetic3A_596 = arith.shrsi %squeeze3A_594, %shift_right_arithmetic3A_595 : i32
      %dma_start3A_597 = arith.constant 0 : i32
      %dma_start3A_598 = tpu.memref_slice %arg9[%add3A_592, %dma_start3A_597] : memref<256x128xi32, #tpu.memory_space<vmem>> -> memref<1x64xi32, #tpu.memory_space<vmem>>
      %dma_start3A_599 = tpu.memref_squeeze %dma_start3A_598 : memref<1x64xi32, #tpu.memory_space<vmem>> -> memref<64xi32, #tpu.memory_space<vmem>>
      %dma_start3A_600 = arith.constant 0 : i32
      %dma_start3A_601 = tpu.memref_slice %arg4[%shift_right_arithmetic3A_596, %dma_start3A_600] : memref<500000x64xi32, #tpu.memory_space<hbm>> -> memref<1x64xi32, #tpu.memory_space<hbm>>
      %dma_start3A_602 = tpu.memref_squeeze %dma_start3A_601 : memref<1x64xi32, #tpu.memory_space<hbm>> -> memref<64xi32, #tpu.memory_space<hbm>>
      %dma_start3A_603 = arith.constant 0 : i32
      %dma_start3A_604 = tpu.memref_slice %arg9[%add3A_592, %dma_start3A_603] : memref<256x128xi32, #tpu.memory_space<vmem>> -> memref<1x64xi32, #tpu.memory_space<vmem>>
      %dma_start3A_605 = tpu.memref_squeeze %dma_start3A_604 : memref<1x64xi32, #tpu.memory_space<vmem>> -> memref<64xi32, #tpu.memory_space<vmem>>
      %dma_start3A_606 = arith.constant 0 : i32
      %dma_start3A_607 = tpu.memref_slice %arg4[%shift_right_arithmetic3A_596, %dma_start3A_606] : memref<500000x64xi32, #tpu.memory_space<hbm>> -> memref<1x64xi32, #tpu.memory_space<hbm>>
      %dma_start3A_608 = tpu.memref_squeeze %dma_start3A_607 : memref<1x64xi32, #tpu.memory_space<hbm>> -> memref<64xi32, #tpu.memory_space<hbm>>
      tpu.enqueue_dma source(%dma_start3A_608 : memref<64xi32, #tpu.memory_space<hbm>>) target(%dma_start3A_605 : memref<64xi32, #tpu.memory_space<vmem>>) target_semaphore(%arg13 : memref<!tpu.dma_semaphore, #tpu.memory_space<semaphore_mem>>)
      %slice3A_609 = vector.extract_strided_slice %get3A_118 {offsets = [14], sizes = [1], strides = [1]} : vector<16xi32> to vector<1xi32>
      %squeeze3A_610 = vector.extract %slice3A_609[0] : i32 from vector<1xi32>
      %shift_right_arithmetic3A_611 = arith.constant 1 : i32
      %shift_right_arithmetic3A_612 = arith.shrsi %squeeze3A_610, %shift_right_arithmetic3A_611 : i32
      %dma_start3A_613 = arith.constant 0 : i32
      %dma_start3A_614 = tpu.memref_slice %arg10[%add3A_592, %dma_start3A_613] : memref<256x128xi32, #tpu.memory_space<vmem>> -> memref<1x64xi32, #tpu.memory_space<vmem>>
      %dma_start3A_615 = tpu.memref_squeeze %dma_start3A_614 : memref<1x64xi32, #tpu.memory_space<vmem>> -> memref<64xi32, #tpu.memory_space<vmem>>
      %dma_start3A_616 = arith.constant 0 : i32
      %dma_start3A_617 = tpu.memref_slice %arg4[%shift_right_arithmetic3A_612, %dma_start3A_616] : memref<500000x64xi32, #tpu.memory_space<hbm>> -> memref<1x64xi32, #tpu.memory_space<hbm>>
      %dma_start3A_618 = tpu.memref_squeeze %dma_start3A_617 : memref<1x64xi32, #tpu.memory_space<hbm>> -> memref<64xi32, #tpu.memory_space<hbm>>
      %dma_start3A_619 = arith.constant 0 : i32
      %dma_start3A_620 = tpu.memref_slice %arg10[%add3A_592, %dma_start3A_619] : memref<256x128xi32, #tpu.memory_space<vmem>> -> memref<1x64xi32, #tpu.memory_space<vmem>>
      %dma_start3A_621 = tpu.memref_squeeze %dma_start3A_620 : memref<1x64xi32, #tpu.memory_space<vmem>> -> memref<64xi32, #tpu.memory_space<vmem>>
      %dma_start3A_622 = arith.constant 0 : i32
      %dma_start3A_623 = tpu.memref_slice %arg4[%shift_right_arithmetic3A_612, %dma_start3A_622] : memref<500000x64xi32, #tpu.memory_space<hbm>> -> memref<1x64xi32, #tpu.memory_space<hbm>>
      %dma_start3A_624 = tpu.memref_squeeze %dma_start3A_623 : memref<1x64xi32, #tpu.memory_space<hbm>> -> memref<64xi32, #tpu.memory_space<hbm>>
      tpu.enqueue_dma source(%dma_start3A_624 : memref<64xi32, #tpu.memory_space<hbm>>) target(%dma_start3A_621 : memref<64xi32, #tpu.memory_space<vmem>>) target_semaphore(%arg13 : memref<!tpu.dma_semaphore, #tpu.memory_space<semaphore_mem>>)
      %add3A_625 = arith.constant 7 : i32
      %add3A_626 = arith.addi %mul3A_114, %add3A_625 : i32
      %slice3A_627 = vector.extract_strided_slice %get3A_116 {offsets = [15], sizes = [1], strides = [1]} : vector<16xi32> to vector<1xi32>
      %squeeze3A_628 = vector.extract %slice3A_627[0] : i32 from vector<1xi32>
      %shift_right_arithmetic3A_629 = arith.constant 1 : i32
      %shift_right_arithmetic3A_630 = arith.shrsi %squeeze3A_628, %shift_right_arithmetic3A_629 : i32
      %dma_start3A_631 = arith.constant 64 : i32
      %dma_start3A_632 = tpu.memref_slice %arg9[%add3A_626, %dma_start3A_631] : memref<256x128xi32, #tpu.memory_space<vmem>> -> memref<1x64xi32, #tpu.memory_space<vmem>>
      %dma_start3A_633 = tpu.memref_squeeze %dma_start3A_632 : memref<1x64xi32, #tpu.memory_space<vmem>> -> memref<64xi32, #tpu.memory_space<vmem>>
      %dma_start3A_634 = arith.constant 0 : i32
      %dma_start3A_635 = tpu.memref_slice %arg4[%shift_right_arithmetic3A_630, %dma_start3A_634] : memref<500000x64xi32, #tpu.memory_space<hbm>> -> memref<1x64xi32, #tpu.memory_space<hbm>>
      %dma_start3A_636 = tpu.memref_squeeze %dma_start3A_635 : memref<1x64xi32, #tpu.memory_space<hbm>> -> memref<64xi32, #tpu.memory_space<hbm>>
      %dma_start3A_637 = arith.constant 64 : i32
      %dma_start3A_638 = tpu.memref_slice %arg9[%add3A_626, %dma_start3A_637] : memref<256x128xi32, #tpu.memory_space<vmem>> -> memref<1x64xi32, #tpu.memory_space<vmem>>
      %dma_start3A_639 = tpu.memref_squeeze %dma_start3A_638 : memref<1x64xi32, #tpu.memory_space<vmem>> -> memref<64xi32, #tpu.memory_space<vmem>>
      %dma_start3A_640 = arith.constant 0 : i32
      %dma_start3A_641 = tpu.memref_slice %arg4[%shift_right_arithmetic3A_630, %dma_start3A_640] : memref<500000x64xi32, #tpu.memory_space<hbm>> -> memref<1x64xi32, #tpu.memory_space<hbm>>
      %dma_start3A_642 = tpu.memref_squeeze %dma_start3A_641 : memref<1x64xi32, #tpu.memory_space<hbm>> -> memref<64xi32, #tpu.memory_space<hbm>>
      tpu.enqueue_dma source(%dma_start3A_642 : memref<64xi32, #tpu.memory_space<hbm>>) target(%dma_start3A_639 : memref<64xi32, #tpu.memory_space<vmem>>) target_semaphore(%arg13 : memref<!tpu.dma_semaphore, #tpu.memory_space<semaphore_mem>>)
      %slice3A_643 = vector.extract_strided_slice %get3A_118 {offsets = [15], sizes = [1], strides = [1]} : vector<16xi32> to vector<1xi32>
      %squeeze3A_644 = vector.extract %slice3A_643[0] : i32 from vector<1xi32>
      %shift_right_arithmetic3A_645 = arith.constant 1 : i32
      %shift_right_arithmetic3A_646 = arith.shrsi %squeeze3A_644, %shift_right_arithmetic3A_645 : i32
      %dma_start3A_647 = arith.constant 64 : i32
      %dma_start3A_648 = tpu.memref_slice %arg10[%add3A_626, %dma_start3A_647] : memref<256x128xi32, #tpu.memory_space<vmem>> -> memref<1x64xi32, #tpu.memory_space<vmem>>
      %dma_start3A_649 = tpu.memref_squeeze %dma_start3A_648 : memref<1x64xi32, #tpu.memory_space<vmem>> -> memref<64xi32, #tpu.memory_space<vmem>>
      %dma_start3A_650 = arith.constant 0 : i32
      %dma_start3A_651 = tpu.memref_slice %arg4[%shift_right_arithmetic3A_646, %dma_start3A_650] : memref<500000x64xi32, #tpu.memory_space<hbm>> -> memref<1x64xi32, #tpu.memory_space<hbm>>
      %dma_start3A_652 = tpu.memref_squeeze %dma_start3A_651 : memref<1x64xi32, #tpu.memory_space<hbm>> -> memref<64xi32, #tpu.memory_space<hbm>>
      %dma_start3A_653 = arith.constant 64 : i32
      %dma_start3A_654 = tpu.memref_slice %arg10[%add3A_626, %dma_start3A_653] : memref<256x128xi32, #tpu.memory_space<vmem>> -> memref<1x64xi32, #tpu.memory_space<vmem>>
      %dma_start3A_655 = tpu.memref_squeeze %dma_start3A_654 : memref<1x64xi32, #tpu.memory_space<vmem>> -> memref<64xi32, #tpu.memory_space<vmem>>
      %dma_start3A_656 = arith.constant 0 : i32
      %dma_start3A_657 = tpu.memref_slice %arg4[%shift_right_arithmetic3A_646, %dma_start3A_656] : memref<500000x64xi32, #tpu.memory_space<hbm>> -> memref<1x64xi32, #tpu.memory_space<hbm>>
      %dma_start3A_658 = tpu.memref_squeeze %dma_start3A_657 : memref<1x64xi32, #tpu.memory_space<hbm>> -> memref<64xi32, #tpu.memory_space<hbm>>
      tpu.enqueue_dma source(%dma_start3A_658 : memref<64xi32, #tpu.memory_space<hbm>>) target(%dma_start3A_655 : memref<64xi32, #tpu.memory_space<vmem>>) target_semaphore(%arg13 : memref<!tpu.dma_semaphore, #tpu.memory_space<semaphore_mem>>)
    }
    %scan3A_7 = arith.constant 32 : i32
    %dma_wait3A = arith.constant 0 : i32
    %dma_wait3A_8 = arith.constant 0 : i32
    %dma_wait3A_9 = tpu.memref_slice %arg4[%dma_wait3A, %dma_wait3A_8] : memref<500000x64xi32, #tpu.memory_space<hbm>> -> memref<512x64xi32, #tpu.memory_space<hbm>>
    %dma_wait3A_10 = arith.constant 0 : i32
    %dma_wait3A_11 = arith.constant 0 : i32
    %dma_wait3A_12 = tpu.memref_slice %arg4[%dma_wait3A_10, %dma_wait3A_11] : memref<500000x64xi32, #tpu.memory_space<hbm>> -> memref<512x64xi32, #tpu.memory_space<hbm>>
    tpu.wait_dma2 semaphore(%arg13 : memref<!tpu.dma_semaphore, #tpu.memory_space<semaphore_mem>>) src(%dma_wait3A_12 : memref<512x64xi32, #tpu.memory_space<hbm>>) dst(%arg9 : memref<256x128xi32, #tpu.memory_space<vmem>>)
    %dma_wait3A_13 = arith.constant 0 : i32
    %dma_wait3A_14 = arith.constant 0 : i32
    %dma_wait3A_15 = tpu.memref_slice %arg4[%dma_wait3A_13, %dma_wait3A_14] : memref<500000x64xi32, #tpu.memory_space<hbm>> -> memref<512x64xi32, #tpu.memory_space<hbm>>
    %dma_wait3A_16 = arith.constant 0 : i32
    %dma_wait3A_17 = arith.constant 0 : i32
    %dma_wait3A_18 = tpu.memref_slice %arg4[%dma_wait3A_16, %dma_wait3A_17] : memref<500000x64xi32, #tpu.memory_space<hbm>> -> memref<512x64xi32, #tpu.memory_space<hbm>>
    tpu.wait_dma2 semaphore(%arg13 : memref<!tpu.dma_semaphore, #tpu.memory_space<semaphore_mem>>) src(%dma_wait3A_18 : memref<512x64xi32, #tpu.memory_space<hbm>>) dst(%arg10 : memref<256x128xi32, #tpu.memory_space<vmem>>)
    %get3A = arith.constant 0 : index
    %get3A_19 = tpu.vector_load %arg11[%get3A] {strides = array<i32>} : memref<64xf32, #tpu.memory_space<vmem>>, vector<16xf32>,
    %get3A_20 = arith.constant 16 : index
    %get3A_21 = tpu.vector_load %arg11[%get3A_20] {strides = array<i32>} : memref<64xf32, #tpu.memory_space<vmem>>, vector<16xf32>,
    %get3A_22 = arith.constant 32 : index
    %get3A_23 = tpu.vector_load %arg11[%get3A_22] {strides = array<i32>} : memref<64xf32, #tpu.memory_space<vmem>>, vector<16xf32>,
    %get3A_24 = arith.constant 48 : index
    %get3A_25 = tpu.vector_load %arg11[%get3A_24] {strides = array<i32>} : memref<64xf32, #tpu.memory_space<vmem>>, vector<16xf32>,
    %iota3A = tpu.iota {dimensions = array<i32: 0>} : vector<16xi32>
    %eq3A = arith.constant 0 : i32
    %eq3A_26 = vector.broadcast %eq3A : i32 to vector<16xi32>
    %eq3A_27 = arith.cmpi eq, %iota3A, %eq3A_26 : vector<16xi32>
    %convert_element_type3A = arith.extui %eq3A_27 : vector<16xi1> to vector<16xi32>
    %convert_element_type3A_28 = arith.sitofp %convert_element_type3A : vector<16xi32> to vector<16xf32>
    %eq3A_29 = arith.constant 1 : i32
    %eq3A_30 = vector.broadcast %eq3A_29 : i32 to vector<16xi32>
    %eq3A_31 = arith.cmpi eq, %iota3A, %eq3A_30 : vector<16xi32>
    %convert_element_type3A_32 = arith.extui %eq3A_31 : vector<16xi1> to vector<16xi32>
    %convert_element_type3A_33 = arith.sitofp %convert_element_type3A_32 : vector<16xi32> to vector<16xf32>
    %eq3A_34 = arith.constant 2 : i32
    %eq3A_35 = vector.broadcast %eq3A_34 : i32 to vector<16xi32>
    %eq3A_36 = arith.cmpi eq, %iota3A, %eq3A_35 : vector<16xi32>
    %convert_element_type3A_37 = arith.extui %eq3A_36 : vector<16xi1> to vector<16xi32>
    %convert_element_type3A_38 = arith.sitofp %convert_element_type3A_37 : vector<16xi32> to vector<16xf32>
    %eq3A_39 = arith.constant 3 : i32
    %eq3A_40 = vector.broadcast %eq3A_39 : i32 to vector<16xi32>
    %eq3A_41 = arith.cmpi eq, %iota3A, %eq3A_40 : vector<16xi32>
    %convert_element_type3A_42 = arith.extui %eq3A_41 : vector<16xi1> to vector<16xi32>
    %convert_element_type3A_43 = arith.sitofp %convert_element_type3A_42 : vector<16xi32> to vector<16xf32>
    %eq3A_44 = arith.constant 4 : i32
    %eq3A_45 = vector.broadcast %eq3A_44 : i32 to vector<16xi32>
    %eq3A_46 = arith.cmpi eq, %iota3A, %eq3A_45 : vector<16xi32>
    %convert_element_type3A_47 = arith.extui %eq3A_46 : vector<16xi1> to vector<16xi32>
    %convert_element_type3A_48 = arith.sitofp %convert_element_type3A_47 : vector<16xi32> to vector<16xf32>
    %eq3A_49 = arith.constant 5 : i32
    %eq3A_50 = vector.broadcast %eq3A_49 : i32 to vector<16xi32>
    %eq3A_51 = arith.cmpi eq, %iota3A, %eq3A_50 : vector<16xi32>
    %convert_element_type3A_52 = arith.extui %eq3A_51 : vector<16xi1> to vector<16xi32>
    %convert_element_type3A_53 = arith.sitofp %convert_element_type3A_52 : vector<16xi32> to vector<16xf32>
    %eq3A_54 = arith.constant 6 : i32
    %eq3A_55 = vector.broadcast %eq3A_54 : i32 to vector<16xi32>
    %eq3A_56 = arith.cmpi eq, %iota3A, %eq3A_55 : vector<16xi32>
    %convert_element_type3A_57 = arith.extui %eq3A_56 : vector<16xi1> to vector<16xi32>
    %convert_element_type3A_58 = arith.sitofp %convert_element_type3A_57 : vector<16xi32> to vector<16xf32>
    %eq3A_59 = arith.constant 7 : i32
    %eq3A_60 = vector.broadcast %eq3A_59 : i32 to vector<16xi32>
    %eq3A_61 = arith.cmpi eq, %iota3A, %eq3A_60 : vector<16xi32>
    %convert_element_type3A_62 = arith.extui %eq3A_61 : vector<16xi1> to vector<16xi32>
    %convert_element_type3A_63 = arith.sitofp %convert_element_type3A_62 : vector<16xi32> to vector<16xf32>
    %eq3A_64 = arith.constant 8 : i32
    %eq3A_65 = vector.broadcast %eq3A_64 : i32 to vector<16xi32>
    %eq3A_66 = arith.cmpi eq, %iota3A, %eq3A_65 : vector<16xi32>
    %convert_element_type3A_67 = arith.extui %eq3A_66 : vector<16xi1> to vector<16xi32>
    %convert_element_type3A_68 = arith.sitofp %convert_element_type3A_67 : vector<16xi32> to vector<16xf32>
    %eq3A_69 = arith.constant 9 : i32
    %eq3A_70 = vector.broadcast %eq3A_69 : i32 to vector<16xi32>
    %eq3A_71 = arith.cmpi eq, %iota3A, %eq3A_70 : vector<16xi32>
    %convert_element_type3A_72 = arith.extui %eq3A_71 : vector<16xi1> to vector<16xi32>
    %convert_element_type3A_73 = arith.sitofp %convert_element_type3A_72 : vector<16xi32> to vector<16xf32>
    %eq3A_74 = arith.constant 10 : i32
    %eq3A_75 = vector.broadcast %eq3A_74 : i32 to vector<16xi32>
    %eq3A_76 = arith.cmpi eq, %iota3A, %eq3A_75 : vector<16xi32>
    %convert_element_type3A_77 = arith.extui %eq3A_76 : vector<16xi1> to vector<16xi32>
    %convert_element_type3A_78 = arith.sitofp %convert_element_type3A_77 : vector<16xi32> to vector<16xf32>
    %eq3A_79 = arith.constant 11 : i32
    %eq3A_80 = vector.broadcast %eq3A_79 : i32 to vector<16xi32>
    %eq3A_81 = arith.cmpi eq, %iota3A, %eq3A_80 : vector<16xi32>
    %convert_element_type3A_82 = arith.extui %eq3A_81 : vector<16xi1> to vector<16xi32>
    %convert_element_type3A_83 = arith.sitofp %convert_element_type3A_82 : vector<16xi32> to vector<16xf32>
    %eq3A_84 = arith.constant 12 : i32
    %eq3A_85 = vector.broadcast %eq3A_84 : i32 to vector<16xi32>
    %eq3A_86 = arith.cmpi eq, %iota3A, %eq3A_85 : vector<16xi32>
    %convert_element_type3A_87 = arith.extui %eq3A_86 : vector<16xi1> to vector<16xi32>
    %convert_element_type3A_88 = arith.sitofp %convert_element_type3A_87 : vector<16xi32> to vector<16xf32>
    %eq3A_89 = arith.constant 13 : i32
    %eq3A_90 = vector.broadcast %eq3A_89 : i32 to vector<16xi32>
    %eq3A_91 = arith.cmpi eq, %iota3A, %eq3A_90 : vector<16xi32>
    %convert_element_type3A_92 = arith.extui %eq3A_91 : vector<16xi1> to vector<16xi32>
    %convert_element_type3A_93 = arith.sitofp %convert_element_type3A_92 : vector<16xi32> to vector<16xf32>
    %eq3A_94 = arith.constant 14 : i32
    %eq3A_95 = vector.broadcast %eq3A_94 : i32 to vector<16xi32>
    %eq3A_96 = arith.cmpi eq, %iota3A, %eq3A_95 : vector<16xi32>
    %convert_element_type3A_97 = arith.extui %eq3A_96 : vector<16xi1> to vector<16xi32>
    %convert_element_type3A_98 = arith.sitofp %convert_element_type3A_97 : vector<16xi32> to vector<16xf32>
    %eq3A_99 = arith.constant 15 : i32
    %eq3A_100 = vector.broadcast %eq3A_99 : i32 to vector<16xi32>
    %eq3A_101 = arith.cmpi eq, %iota3A, %eq3A_100 : vector<16xi32>
    %convert_element_type3A_102 = arith.extui %eq3A_101 : vector<16xi1> to vector<16xi32>
    %convert_element_type3A_103 = arith.sitofp %convert_element_type3A_102 : vector<16xi32> to vector<16xf32>
    %scan3A_104 = arith.constant 0 : i32
    %scan3A_105 = arith.constant 0 : i32
    %scan3A_106 = arith.constant 32 : i32
    %scan3A_107 = arith.addi %scan3A_105, %scan3A_106 : i32
    %scan3A_108 = arith.constant 1 : i32
    scf.for %scan3A_110 = %scan3A_105 to %scan3A_107 step %scan3A_108  : i32 {
      %mul3A_111 = arith.constant 8 : i32
      %mul3A_112 = arith.muli %scan3A_110, %mul3A_111 : i32
      %broadcast_in_dim3A = arith.constant 0.000000e+00 : f32
      %broadcast_in_dim3A_113 = vector.broadcast %broadcast_in_dim3A : f32 to vector<16xf32>
      %mul3A_114 = arith.constant 16 : i32
      %mul3A_115 = arith.muli %scan3A_110, %mul3A_114 : i32
      %get3A_116 = arith.index_cast %mul3A_115 : i32 to index
      %get3A_117 = tpu.vector_load %arg7[%get3A_116] {strides = array<i32>} : memref<512xi32, #tpu.memory_space<vmem>>, vector<16xi32>,
      %get3A_118 = arith.index_cast %mul3A_115 : i32 to index
      %get3A_119 = tpu.vector_load %arg8[%get3A_118] {strides = array<i32>} : memref<512xi32, #tpu.memory_space<vmem>>, vector<16xi32>,
      %add3A_120 = arith.constant 0 : i32
      %add3A_121 = arith.addi %mul3A_112, %add3A_120 : i32
      %slice3A = vector.extract_strided_slice %get3A_117 {offsets = [0], sizes = [1], strides = [1]} : vector<16xi32> to vector<1xi32>
      %squeeze3A = vector.extract %slice3A[0] : i32 from vector<1xi32>
      %and3A = arith.constant 1 : i32
      %and3A_122 = arith.andi %squeeze3A, %and3A : i32
      %mul3A_123 = arith.constant 16 : i32
      %mul3A_124 = arith.muli %and3A_122, %mul3A_123 : i32
      %slice3A_125 = vector.extract_strided_slice %get3A_119 {offsets = [0], sizes = [1], strides = [1]} : vector<16xi32> to vector<1xi32>
      %squeeze3A_126 = vector.extract %slice3A_125[0] : i32 from vector<1xi32>
      %and3A_127 = arith.constant 1 : i32
      %and3A_128 = arith.andi %squeeze3A_126, %and3A_127 : i32
      %mul3A_129 = arith.constant 16 : i32
      %mul3A_130 = arith.muli %and3A_128, %mul3A_129 : i32
      %get3A_131 = arith.index_cast %add3A_121 : i32 to index
      %get3A_132 = arith.constant 0 : index
      %get3A_133 = tpu.vector_load %arg9[%get3A_131, %get3A_132] {strides = array<i32>} : memref<256x128xi32, #tpu.memory_space<vmem>>, vector<16xi32>,
      %get3A_134 = arith.index_cast %add3A_121 : i32 to index
      %get3A_135 = arith.constant 0 : index
      %get3A_136 = tpu.vector_load %arg10[%get3A_134, %get3A_135] {strides = array<i32>} : memref<256x128xi32, #tpu.memory_space<vmem>>, vector<16xi32>,
      %shift_right_arithmetic3A = vector.broadcast %mul3A_124 : i32 to vector<16xi32>
      %shift_right_arithmetic3A_137 = arith.shrsi %get3A_133, %shift_right_arithmetic3A : vector<16xi32>
      %shift_left3A = arith.constant 16 : i32
      %shift_left3A_138 = vector.broadcast %shift_left3A : i32 to vector<16xi32>
      %shift_left3A_139 = arith.shli %shift_right_arithmetic3A_137, %shift_left3A_138 : vector<16xi32>
      %bitcast3A = vector.bitcast %shift_left3A_139 : vector<16xi32> to vector<16xf32>
      %shift_right_arithmetic3A_140 = vector.broadcast %mul3A_130 : i32 to vector<16xi32>
      %shift_right_arithmetic3A_141 = arith.shrsi %get3A_136, %shift_right_arithmetic3A_140 : vector<16xi32>
      %shift_left3A_142 = arith.constant 16 : i32
      %shift_left3A_143 = vector.broadcast %shift_left3A_142 : i32 to vector<16xi32>
      %shift_left3A_144 = arith.shli %shift_right_arithmetic3A_141, %shift_left3A_143 : vector<16xi32>
      %bitcast3A_145 = vector.bitcast %shift_left3A_144 : vector<16xi32> to vector<16xf32>
      %mul3A_146 = arith.mulf %bitcast3A, %bitcast3A_145 : vector<16xf32>
      %mul3A_147 = arith.mulf %mul3A_146, %get3A_19 : vector<16xf32>
      %get3A_148 = arith.index_cast %add3A_121 : i32 to index
      %get3A_149 = arith.constant 16 : index
      %get3A_150 = tpu.vector_load %arg9[%get3A_148, %get3A_149] {strides = array<i32>} : memref<256x128xi32, #tpu.memory_space<vmem>>, vector<16xi32>,
      %get3A_151 = arith.index_cast %add3A_121 : i32 to index
      %get3A_152 = arith.constant 16 : index
      %get3A_153 = tpu.vector_load %arg10[%get3A_151, %get3A_152] {strides = array<i32>} : memref<256x128xi32, #tpu.memory_space<vmem>>, vector<16xi32>,
      %shift_right_arithmetic3A_154 = vector.broadcast %mul3A_124 : i32 to vector<16xi32>
      %shift_right_arithmetic3A_155 = arith.shrsi %get3A_150, %shift_right_arithmetic3A_154 : vector<16xi32>
      %shift_left3A_156 = arith.constant 16 : i32
      %shift_left3A_157 = vector.broadcast %shift_left3A_156 : i32 to vector<16xi32>
      %shift_left3A_158 = arith.shli %shift_right_arithmetic3A_155, %shift_left3A_157 : vector<16xi32>
      %bitcast3A_159 = vector.bitcast %shift_left3A_158 : vector<16xi32> to vector<16xf32>
      %shift_right_arithmetic3A_160 = vector.broadcast %mul3A_130 : i32 to vector<16xi32>
      %shift_right_arithmetic3A_161 = arith.shrsi %get3A_153, %shift_right_arithmetic3A_160 : vector<16xi32>
      %shift_left3A_162 = arith.constant 16 : i32
      %shift_left3A_163 = vector.broadcast %shift_left3A_162 : i32 to vector<16xi32>
      %shift_left3A_164 = arith.shli %shift_right_arithmetic3A_161, %shift_left3A_163 : vector<16xi32>
      %bitcast3A_165 = vector.bitcast %shift_left3A_164 : vector<16xi32> to vector<16xf32>
      %mul3A_166 = arith.mulf %bitcast3A_159, %bitcast3A_165 : vector<16xf32>
      %mul3A_167 = arith.mulf %mul3A_166, %get3A_21 : vector<16xf32>
      %add3A_168 = arith.addf %mul3A_147, %mul3A_167 : vector<16xf32>
      %get3A_169 = arith.index_cast %add3A_121 : i32 to index
      %get3A_170 = arith.constant 32 : index
      %get3A_171 = tpu.vector_load %arg9[%get3A_169, %get3A_170] {strides = array<i32>} : memref<256x128xi32, #tpu.memory_space<vmem>>, vector<16xi32>,
      %get3A_172 = arith.index_cast %add3A_121 : i32 to index
      %get3A_173 = arith.constant 32 : index
      %get3A_174 = tpu.vector_load %arg10[%get3A_172, %get3A_173] {strides = array<i32>} : memref<256x128xi32, #tpu.memory_space<vmem>>, vector<16xi32>,
      %shift_right_arithmetic3A_175 = vector.broadcast %mul3A_124 : i32 to vector<16xi32>
      %shift_right_arithmetic3A_176 = arith.shrsi %get3A_171, %shift_right_arithmetic3A_175 : vector<16xi32>
      %shift_left3A_177 = arith.constant 16 : i32
      %shift_left3A_178 = vector.broadcast %shift_left3A_177 : i32 to vector<16xi32>
      %shift_left3A_179 = arith.shli %shift_right_arithmetic3A_176, %shift_left3A_178 : vector<16xi32>
      %bitcast3A_180 = vector.bitcast %shift_left3A_179 : vector<16xi32> to vector<16xf32>
      %shift_right_arithmetic3A_181 = vector.broadcast %mul3A_130 : i32 to vector<16xi32>
      %shift_right_arithmetic3A_182 = arith.shrsi %get3A_174, %shift_right_arithmetic3A_181 : vector<16xi32>
      %shift_left3A_183 = arith.constant 16 : i32
      %shift_left3A_184 = vector.broadcast %shift_left3A_183 : i32 to vector<16xi32>
      %shift_left3A_185 = arith.shli %shift_right_arithmetic3A_182, %shift_left3A_184 : vector<16xi32>
      %bitcast3A_186 = vector.bitcast %shift_left3A_185 : vector<16xi32> to vector<16xf32>
      %mul3A_187 = arith.mulf %bitcast3A_180, %bitcast3A_186 : vector<16xf32>
      %mul3A_188 = arith.mulf %mul3A_187, %get3A_23 : vector<16xf32>
      %add3A_189 = arith.addf %add3A_168, %mul3A_188 : vector<16xf32>
      %get3A_190 = arith.index_cast %add3A_121 : i32 to index
      %get3A_191 = arith.constant 48 : index
      %get3A_192 = tpu.vector_load %arg9[%get3A_190, %get3A_191] {strides = array<i32>} : memref<256x128xi32, #tpu.memory_space<vmem>>, vector<16xi32>,
      %get3A_193 = arith.index_cast %add3A_121 : i32 to index
      %get3A_194 = arith.constant 48 : index
      %get3A_195 = tpu.vector_load %arg10[%get3A_193, %get3A_194] {strides = array<i32>} : memref<256x128xi32, #tpu.memory_space<vmem>>, vector<16xi32>,
      %shift_right_arithmetic3A_196 = vector.broadcast %mul3A_124 : i32 to vector<16xi32>
      %shift_right_arithmetic3A_197 = arith.shrsi %get3A_192, %shift_right_arithmetic3A_196 : vector<16xi32>
      %shift_left3A_198 = arith.constant 16 : i32
      %shift_left3A_199 = vector.broadcast %shift_left3A_198 : i32 to vector<16xi32>
      %shift_left3A_200 = arith.shli %shift_right_arithmetic3A_197, %shift_left3A_199 : vector<16xi32>
      %bitcast3A_201 = vector.bitcast %shift_left3A_200 : vector<16xi32> to vector<16xf32>
      %shift_right_arithmetic3A_202 = vector.broadcast %mul3A_130 : i32 to vector<16xi32>
      %shift_right_arithmetic3A_203 = arith.shrsi %get3A_195, %shift_right_arithmetic3A_202 : vector<16xi32>
      %shift_left3A_204 = arith.constant 16 : i32
      %shift_left3A_205 = vector.broadcast %shift_left3A_204 : i32 to vector<16xi32>
      %shift_left3A_206 = arith.shli %shift_right_arithmetic3A_203, %shift_left3A_205 : vector<16xi32>
      %bitcast3A_207 = vector.bitcast %shift_left3A_206 : vector<16xi32> to vector<16xf32>
      %mul3A_208 = arith.mulf %bitcast3A_201, %bitcast3A_207 : vector<16xf32>
      %mul3A_209 = arith.mulf %mul3A_208, %get3A_25 : vector<16xf32>
      %add3A_210 = arith.addf %add3A_189, %mul3A_209 : vector<16xf32>
      %reduce_sum3A = arith.constant true
      %reduce_sum3A_211 = vector.broadcast %reduce_sum3A : i1 to vector<16xi1>
      %reduce_sum3A_212 = tpu.scan <sum>, %add3A_210 masked %reduce_sum3A_211 : vector<16xf32>, vector<16xi1> -> vector<16xf32>
      %reduce_sum3A_213 = vector.extract %reduce_sum3A_212[15] : f32 from vector<16xf32>
      %mul3A_214 = vector.broadcast %reduce_sum3A_213 : f32 to vector<16xf32>
      %mul3A_215 = arith.mulf %mul3A_214, %convert_element_type3A_28 : vector<16xf32>
      %add3A_216 = arith.addf %broadcast_in_dim3A_113, %mul3A_215 : vector<16xf32>
      %add3A_217 = arith.constant 0 : i32
      %add3A_218 = arith.addi %mul3A_112, %add3A_217 : i32
      %slice3A_219 = vector.extract_strided_slice %get3A_117 {offsets = [1], sizes = [1], strides = [1]} : vector<16xi32> to vector<1xi32>
      %squeeze3A_220 = vector.extract %slice3A_219[0] : i32 from vector<1xi32>
      %and3A_221 = arith.constant 1 : i32
      %and3A_222 = arith.andi %squeeze3A_220, %and3A_221 : i32
      %mul3A_223 = arith.constant 16 : i32
      %mul3A_224 = arith.muli %and3A_222, %mul3A_223 : i32
      %slice3A_225 = vector.extract_strided_slice %get3A_119 {offsets = [1], sizes = [1], strides = [1]} : vector<16xi32> to vector<1xi32>
      %squeeze3A_226 = vector.extract %slice3A_225[0] : i32 from vector<1xi32>
      %and3A_227 = arith.constant 1 : i32
      %and3A_228 = arith.andi %squeeze3A_226, %and3A_227 : i32
      %mul3A_229 = arith.constant 16 : i32
      %mul3A_230 = arith.muli %and3A_228, %mul3A_229 : i32
      %get3A_231 = arith.index_cast %add3A_218 : i32 to index
      %get3A_232 = arith.constant 64 : index
      %get3A_233 = tpu.vector_load %arg9[%get3A_231, %get3A_232] {strides = array<i32>} : memref<256x128xi32, #tpu.memory_space<vmem>>, vector<16xi32>,
      %get3A_234 = arith.index_cast %add3A_218 : i32 to index
      %get3A_235 = arith.constant 64 : index
      %get3A_236 = tpu.vector_load %arg10[%get3A_234, %get3A_235] {strides = array<i32>} : memref<256x128xi32, #tpu.memory_space<vmem>>, vector<16xi32>,
      %shift_right_arithmetic3A_237 = vector.broadcast %mul3A_224 : i32 to vector<16xi32>
      %shift_right_arithmetic3A_238 = arith.shrsi %get3A_233, %shift_right_arithmetic3A_237 : vector<16xi32>
      %shift_left3A_239 = arith.constant 16 : i32
      %shift_left3A_240 = vector.broadcast %shift_left3A_239 : i32 to vector<16xi32>
      %shift_left3A_241 = arith.shli %shift_right_arithmetic3A_238, %shift_left3A_240 : vector<16xi32>
      %bitcast3A_242 = vector.bitcast %shift_left3A_241 : vector<16xi32> to vector<16xf32>
      %shift_right_arithmetic3A_243 = vector.broadcast %mul3A_230 : i32 to vector<16xi32>
      %shift_right_arithmetic3A_244 = arith.shrsi %get3A_236, %shift_right_arithmetic3A_243 : vector<16xi32>
      %shift_left3A_245 = arith.constant 16 : i32
      %shift_left3A_246 = vector.broadcast %shift_left3A_245 : i32 to vector<16xi32>
      %shift_left3A_247 = arith.shli %shift_right_arithmetic3A_244, %shift_left3A_246 : vector<16xi32>
      %bitcast3A_248 = vector.bitcast %shift_left3A_247 : vector<16xi32> to vector<16xf32>
      %mul3A_249 = arith.mulf %bitcast3A_242, %bitcast3A_248 : vector<16xf32>
      %mul3A_250 = arith.mulf %mul3A_249, %get3A_19 : vector<16xf32>
      %get3A_251 = arith.index_cast %add3A_218 : i32 to index
      %get3A_252 = arith.constant 80 : index
      %get3A_253 = tpu.vector_load %arg9[%get3A_251, %get3A_252] {strides = array<i32>} : memref<256x128xi32, #tpu.memory_space<vmem>>, vector<16xi32>,
      %get3A_254 = arith.index_cast %add3A_218 : i32 to index
      %get3A_255 = arith.constant 80 : index
      %get3A_256 = tpu.vector_load %arg10[%get3A_254, %get3A_255] {strides = array<i32>} : memref<256x128xi32, #tpu.memory_space<vmem>>, vector<16xi32>,
      %shift_right_arithmetic3A_257 = vector.broadcast %mul3A_224 : i32 to vector<16xi32>
      %shift_right_arithmetic3A_258 = arith.shrsi %get3A_253, %shift_right_arithmetic3A_257 : vector<16xi32>
      %shift_left3A_259 = arith.constant 16 : i32
      %shift_left3A_260 = vector.broadcast %shift_left3A_259 : i32 to vector<16xi32>
      %shift_left3A_261 = arith.shli %shift_right_arithmetic3A_258, %shift_left3A_260 : vector<16xi32>
      %bitcast3A_262 = vector.bitcast %shift_left3A_261 : vector<16xi32> to vector<16xf32>
      %shift_right_arithmetic3A_263 = vector.broadcast %mul3A_230 : i32 to vector<16xi32>
      %shift_right_arithmetic3A_264 = arith.shrsi %get3A_256, %shift_right_arithmetic3A_263 : vector<16xi32>
      %shift_left3A_265 = arith.constant 16 : i32
      %shift_left3A_266 = vector.broadcast %shift_left3A_265 : i32 to vector<16xi32>
      %shift_left3A_267 = arith.shli %shift_right_arithmetic3A_264, %shift_left3A_266 : vector<16xi32>
      %bitcast3A_268 = vector.bitcast %shift_left3A_267 : vector<16xi32> to vector<16xf32>
      %mul3A_269 = arith.mulf %bitcast3A_262, %bitcast3A_268 : vector<16xf32>
      %mul3A_270 = arith.mulf %mul3A_269, %get3A_21 : vector<16xf32>
      %add3A_271 = arith.addf %mul3A_250, %mul3A_270 : vector<16xf32>
      %get3A_272 = arith.index_cast %add3A_218 : i32 to index
      %get3A_273 = arith.constant 96 : index
      %get3A_274 = tpu.vector_load %arg9[%get3A_272, %get3A_273] {strides = array<i32>} : memref<256x128xi32, #tpu.memory_space<vmem>>, vector<16xi32>,
      %get3A_275 = arith.index_cast %add3A_218 : i32 to index
      %get3A_276 = arith.constant 96 : index
      %get3A_277 = tpu.vector_load %arg10[%get3A_275, %get3A_276] {strides = array<i32>} : memref<256x128xi32, #tpu.memory_space<vmem>>, vector<16xi32>,
      %shift_right_arithmetic3A_278 = vector.broadcast %mul3A_224 : i32 to vector<16xi32>
      %shift_right_arithmetic3A_279 = arith.shrsi %get3A_274, %shift_right_arithmetic3A_278 : vector<16xi32>
      %shift_left3A_280 = arith.constant 16 : i32
      %shift_left3A_281 = vector.broadcast %shift_left3A_280 : i32 to vector<16xi32>
      %shift_left3A_282 = arith.shli %shift_right_arithmetic3A_279, %shift_left3A_281 : vector<16xi32>
      %bitcast3A_283 = vector.bitcast %shift_left3A_282 : vector<16xi32> to vector<16xf32>
      %shift_right_arithmetic3A_284 = vector.broadcast %mul3A_230 : i32 to vector<16xi32>
      %shift_right_arithmetic3A_285 = arith.shrsi %get3A_277, %shift_right_arithmetic3A_284 : vector<16xi32>
      %shift_left3A_286 = arith.constant 16 : i32
      %shift_left3A_287 = vector.broadcast %shift_left3A_286 : i32 to vector<16xi32>
      %shift_left3A_288 = arith.shli %shift_right_arithmetic3A_285, %shift_left3A_287 : vector<16xi32>
      %bitcast3A_289 = vector.bitcast %shift_left3A_288 : vector<16xi32> to vector<16xf32>
      %mul3A_290 = arith.mulf %bitcast3A_283, %bitcast3A_289 : vector<16xf32>
      %mul3A_291 = arith.mulf %mul3A_290, %get3A_23 : vector<16xf32>
      %add3A_292 = arith.addf %add3A_271, %mul3A_291 : vector<16xf32>
      %get3A_293 = arith.index_cast %add3A_218 : i32 to index
      %get3A_294 = arith.constant 112 : index
      %get3A_295 = tpu.vector_load %arg9[%get3A_293, %get3A_294] {strides = array<i32>} : memref<256x128xi32, #tpu.memory_space<vmem>>, vector<16xi32>,
      %get3A_296 = arith.index_cast %add3A_218 : i32 to index
      %get3A_297 = arith.constant 112 : index
      %get3A_298 = tpu.vector_load %arg10[%get3A_296, %get3A_297] {strides = array<i32>} : memref<256x128xi32, #tpu.memory_space<vmem>>, vector<16xi32>,
      %shift_right_arithmetic3A_299 = vector.broadcast %mul3A_224 : i32 to vector<16xi32>
      %shift_right_arithmetic3A_300 = arith.shrsi %get3A_295, %shift_right_arithmetic3A_299 : vector<16xi32>
      %shift_left3A_301 = arith.constant 16 : i32
      %shift_left3A_302 = vector.broadcast %shift_left3A_301 : i32 to vector<16xi32>
      %shift_left3A_303 = arith.shli %shift_right_arithmetic3A_300, %shift_left3A_302 : vector<16xi32>
      %bitcast3A_304 = vector.bitcast %shift_left3A_303 : vector<16xi32> to vector<16xf32>
      %shift_right_arithmetic3A_305 = vector.broadcast %mul3A_230 : i32 to vector<16xi32>
      %shift_right_arithmetic3A_306 = arith.shrsi %get3A_298, %shift_right_arithmetic3A_305 : vector<16xi32>
      %shift_left3A_307 = arith.constant 16 : i32
      %shift_left3A_308 = vector.broadcast %shift_left3A_307 : i32 to vector<16xi32>
      %shift_left3A_309 = arith.shli %shift_right_arithmetic3A_306, %shift_left3A_308 : vector<16xi32>
      %bitcast3A_310 = vector.bitcast %shift_left3A_309 : vector<16xi32> to vector<16xf32>
      %mul3A_311 = arith.mulf %bitcast3A_304, %bitcast3A_310 : vector<16xf32>
      %mul3A_312 = arith.mulf %mul3A_311, %get3A_25 : vector<16xf32>
      %add3A_313 = arith.addf %add3A_292, %mul3A_312 : vector<16xf32>
      %reduce_sum3A_314 = arith.constant true
      %reduce_sum3A_315 = vector.broadcast %reduce_sum3A_314 : i1 to vector<16xi1>
      %reduce_sum3A_316 = tpu.scan <sum>, %add3A_313 masked %reduce_sum3A_315 : vector<16xf32>, vector<16xi1> -> vector<16xf32>
      %reduce_sum3A_317 = vector.extract %reduce_sum3A_316[15] : f32 from vector<16xf32>
      %mul3A_318 = vector.broadcast %reduce_sum3A_317 : f32 to vector<16xf32>
      %mul3A_319 = arith.mulf %mul3A_318, %convert_element_type3A_33 : vector<16xf32>
      %add3A_320 = arith.addf %add3A_216, %mul3A_319 : vector<16xf32>
      %add3A_321 = arith.constant 1 : i32
      %add3A_322 = arith.addi %mul3A_112, %add3A_321 : i32
      %slice3A_323 = vector.extract_strided_slice %get3A_117 {offsets = [2], sizes = [1], strides = [1]} : vector<16xi32> to vector<1xi32>
      %squeeze3A_324 = vector.extract %slice3A_323[0] : i32 from vector<1xi32>
      %and3A_325 = arith.constant 1 : i32
      %and3A_326 = arith.andi %squeeze3A_324, %and3A_325 : i32
      %mul3A_327 = arith.constant 16 : i32
      %mul3A_328 = arith.muli %and3A_326, %mul3A_327 : i32
      %slice3A_329 = vector.extract_strided_slice %get3A_119 {offsets = [2], sizes = [1], strides = [1]} : vector<16xi32> to vector<1xi32>
      %squeeze3A_330 = vector.extract %slice3A_329[0] : i32 from vector<1xi32>
      %and3A_331 = arith.constant 1 : i32
      %and3A_332 = arith.andi %squeeze3A_330, %and3A_331 : i32
      %mul3A_333 = arith.constant 16 : i32
      %mul3A_334 = arith.muli %and3A_332, %mul3A_333 : i32
      %get3A_335 = arith.index_cast %add3A_322 : i32 to index
      %get3A_336 = arith.constant 0 : index
      %get3A_337 = tpu.vector_load %arg9[%get3A_335, %get3A_336] {strides = array<i32>} : memref<256x128xi32, #tpu.memory_space<vmem>>, vector<16xi32>,
      %get3A_338 = arith.index_cast %add3A_322 : i32 to index
      %get3A_339 = arith.constant 0 : index
      %get3A_340 = tpu.vector_load %arg10[%get3A_338, %get3A_339] {strides = array<i32>} : memref<256x128xi32, #tpu.memory_space<vmem>>, vector<16xi32>,
      %shift_right_arithmetic3A_341 = vector.broadcast %mul3A_328 : i32 to vector<16xi32>
      %shift_right_arithmetic3A_342 = arith.shrsi %get3A_337, %shift_right_arithmetic3A_341 : vector<16xi32>
      %shift_left3A_343 = arith.constant 16 : i32
      %shift_left3A_344 = vector.broadcast %shift_left3A_343 : i32 to vector<16xi32>
      %shift_left3A_345 = arith.shli %shift_right_arithmetic3A_342, %shift_left3A_344 : vector<16xi32>
      %bitcast3A_346 = vector.bitcast %shift_left3A_345 : vector<16xi32> to vector<16xf32>
      %shift_right_arithmetic3A_347 = vector.broadcast %mul3A_334 : i32 to vector<16xi32>
      %shift_right_arithmetic3A_348 = arith.shrsi %get3A_340, %shift_right_arithmetic3A_347 : vector<16xi32>
      %shift_left3A_349 = arith.constant 16 : i32
      %shift_left3A_350 = vector.broadcast %shift_left3A_349 : i32 to vector<16xi32>
      %shift_left3A_351 = arith.shli %shift_right_arithmetic3A_348, %shift_left3A_350 : vector<16xi32>
      %bitcast3A_352 = vector.bitcast %shift_left3A_351 : vector<16xi32> to vector<16xf32>
      %mul3A_353 = arith.mulf %bitcast3A_346, %bitcast3A_352 : vector<16xf32>
      %mul3A_354 = arith.mulf %mul3A_353, %get3A_19 : vector<16xf32>
      %get3A_355 = arith.index_cast %add3A_322 : i32 to index
      %get3A_356 = arith.constant 16 : index
      %get3A_357 = tpu.vector_load %arg9[%get3A_355, %get3A_356] {strides = array<i32>} : memref<256x128xi32, #tpu.memory_space<vmem>>, vector<16xi32>,
      %get3A_358 = arith.index_cast %add3A_322 : i32 to index
      %get3A_359 = arith.constant 16 : index
      %get3A_360 = tpu.vector_load %arg10[%get3A_358, %get3A_359] {strides = array<i32>} : memref<256x128xi32, #tpu.memory_space<vmem>>, vector<16xi32>,
      %shift_right_arithmetic3A_361 = vector.broadcast %mul3A_328 : i32 to vector<16xi32>
      %shift_right_arithmetic3A_362 = arith.shrsi %get3A_357, %shift_right_arithmetic3A_361 : vector<16xi32>
      %shift_left3A_363 = arith.constant 16 : i32
      %shift_left3A_364 = vector.broadcast %shift_left3A_363 : i32 to vector<16xi32>
      %shift_left3A_365 = arith.shli %shift_right_arithmetic3A_362, %shift_left3A_364 : vector<16xi32>
      %bitcast3A_366 = vector.bitcast %shift_left3A_365 : vector<16xi32> to vector<16xf32>
      %shift_right_arithmetic3A_367 = vector.broadcast %mul3A_334 : i32 to vector<16xi32>
      %shift_right_arithmetic3A_368 = arith.shrsi %get3A_360, %shift_right_arithmetic3A_367 : vector<16xi32>
      %shift_left3A_369 = arith.constant 16 : i32
      %shift_left3A_370 = vector.broadcast %shift_left3A_369 : i32 to vector<16xi32>
      %shift_left3A_371 = arith.shli %shift_right_arithmetic3A_368, %shift_left3A_370 : vector<16xi32>
      %bitcast3A_372 = vector.bitcast %shift_left3A_371 : vector<16xi32> to vector<16xf32>
      %mul3A_373 = arith.mulf %bitcast3A_366, %bitcast3A_372 : vector<16xf32>
      %mul3A_374 = arith.mulf %mul3A_373, %get3A_21 : vector<16xf32>
      %add3A_375 = arith.addf %mul3A_354, %mul3A_374 : vector<16xf32>
      %get3A_376 = arith.index_cast %add3A_322 : i32 to index
      %get3A_377 = arith.constant 32 : index
      %get3A_378 = tpu.vector_load %arg9[%get3A_376, %get3A_377] {strides = array<i32>} : memref<256x128xi32, #tpu.memory_space<vmem>>, vector<16xi32>,
      %get3A_379 = arith.index_cast %add3A_322 : i32 to index
      %get3A_380 = arith.constant 32 : index
      %get3A_381 = tpu.vector_load %arg10[%get3A_379, %get3A_380] {strides = array<i32>} : memref<256x128xi32, #tpu.memory_space<vmem>>, vector<16xi32>,
      %shift_right_arithmetic3A_382 = vector.broadcast %mul3A_328 : i32 to vector<16xi32>
      %shift_right_arithmetic3A_383 = arith.shrsi %get3A_378, %shift_right_arithmetic3A_382 : vector<16xi32>
      %shift_left3A_384 = arith.constant 16 : i32
      %shift_left3A_385 = vector.broadcast %shift_left3A_384 : i32 to vector<16xi32>
      %shift_left3A_386 = arith.shli %shift_right_arithmetic3A_383, %shift_left3A_385 : vector<16xi32>
      %bitcast3A_387 = vector.bitcast %shift_left3A_386 : vector<16xi32> to vector<16xf32>
      %shift_right_arithmetic3A_388 = vector.broadcast %mul3A_334 : i32 to vector<16xi32>
      %shift_right_arithmetic3A_389 = arith.shrsi %get3A_381, %shift_right_arithmetic3A_388 : vector<16xi32>
      %shift_left3A_390 = arith.constant 16 : i32
      %shift_left3A_391 = vector.broadcast %shift_left3A_390 : i32 to vector<16xi32>
      %shift_left3A_392 = arith.shli %shift_right_arithmetic3A_389, %shift_left3A_391 : vector<16xi32>
      %bitcast3A_393 = vector.bitcast %shift_left3A_392 : vector<16xi32> to vector<16xf32>
      %mul3A_394 = arith.mulf %bitcast3A_387, %bitcast3A_393 : vector<16xf32>
      %mul3A_395 = arith.mulf %mul3A_394, %get3A_23 : vector<16xf32>
      %add3A_396 = arith.addf %add3A_375, %mul3A_395 : vector<16xf32>
      %get3A_397 = arith.index_cast %add3A_322 : i32 to index
      %get3A_398 = arith.constant 48 : index
      %get3A_399 = tpu.vector_load %arg9[%get3A_397, %get3A_398] {strides = array<i32>} : memref<256x128xi32, #tpu.memory_space<vmem>>, vector<16xi32>,
      %get3A_400 = arith.index_cast %add3A_322 : i32 to index
      %get3A_401 = arith.constant 48 : index
      %get3A_402 = tpu.vector_load %arg10[%get3A_400, %get3A_401] {strides = array<i32>} : memref<256x128xi32, #tpu.memory_space<vmem>>, vector<16xi32>,
      %shift_right_arithmetic3A_403 = vector.broadcast %mul3A_328 : i32 to vector<16xi32>
      %shift_right_arithmetic3A_404 = arith.shrsi %get3A_399, %shift_right_arithmetic3A_403 : vector<16xi32>
      %shift_left3A_405 = arith.constant 16 : i32
      %shift_left3A_406 = vector.broadcast %shift_left3A_405 : i32 to vector<16xi32>
      %shift_left3A_407 = arith.shli %shift_right_arithmetic3A_404, %shift_left3A_406 : vector<16xi32>
      %bitcast3A_408 = vector.bitcast %shift_left3A_407 : vector<16xi32> to vector<16xf32>
      %shift_right_arithmetic3A_409 = vector.broadcast %mul3A_334 : i32 to vector<16xi32>
      %shift_right_arithmetic3A_410 = arith.shrsi %get3A_402, %shift_right_arithmetic3A_409 : vector<16xi32>
      %shift_left3A_411 = arith.constant 16 : i32
      %shift_left3A_412 = vector.broadcast %shift_left3A_411 : i32 to vector<16xi32>
      %shift_left3A_413 = arith.shli %shift_right_arithmetic3A_410, %shift_left3A_412 : vector<16xi32>
      %bitcast3A_414 = vector.bitcast %shift_left3A_413 : vector<16xi32> to vector<16xf32>
      %mul3A_415 = arith.mulf %bitcast3A_408, %bitcast3A_414 : vector<16xf32>
      %mul3A_416 = arith.mulf %mul3A_415, %get3A_25 : vector<16xf32>
      %add3A_417 = arith.addf %add3A_396, %mul3A_416 : vector<16xf32>
      %reduce_sum3A_418 = arith.constant true
      %reduce_sum3A_419 = vector.broadcast %reduce_sum3A_418 : i1 to vector<16xi1>
      %reduce_sum3A_420 = tpu.scan <sum>, %add3A_417 masked %reduce_sum3A_419 : vector<16xf32>, vector<16xi1> -> vector<16xf32>
      %reduce_sum3A_421 = vector.extract %reduce_sum3A_420[15] : f32 from vector<16xf32>
      %mul3A_422 = vector.broadcast %reduce_sum3A_421 : f32 to vector<16xf32>
      %mul3A_423 = arith.mulf %mul3A_422, %convert_element_type3A_38 : vector<16xf32>
      %add3A_424 = arith.addf %add3A_320, %mul3A_423 : vector<16xf32>
      %add3A_425 = arith.constant 1 : i32
      %add3A_426 = arith.addi %mul3A_112, %add3A_425 : i32
      %slice3A_427 = vector.extract_strided_slice %get3A_117 {offsets = [3], sizes = [1], strides = [1]} : vector<16xi32> to vector<1xi32>
      %squeeze3A_428 = vector.extract %slice3A_427[0] : i32 from vector<1xi32>
      %and3A_429 = arith.constant 1 : i32
      %and3A_430 = arith.andi %squeeze3A_428, %and3A_429 : i32
      %mul3A_431 = arith.constant 16 : i32
      %mul3A_432 = arith.muli %and3A_430, %mul3A_431 : i32
      %slice3A_433 = vector.extract_strided_slice %get3A_119 {offsets = [3], sizes = [1], strides = [1]} : vector<16xi32> to vector<1xi32>
      %squeeze3A_434 = vector.extract %slice3A_433[0] : i32 from vector<1xi32>
      %and3A_435 = arith.constant 1 : i32
      %and3A_436 = arith.andi %squeeze3A_434, %and3A_435 : i32
      %mul3A_437 = arith.constant 16 : i32
      %mul3A_438 = arith.muli %and3A_436, %mul3A_437 : i32
      %get3A_439 = arith.index_cast %add3A_426 : i32 to index
      %get3A_440 = arith.constant 64 : index
      %get3A_441 = tpu.vector_load %arg9[%get3A_439, %get3A_440] {strides = array<i32>} : memref<256x128xi32, #tpu.memory_space<vmem>>, vector<16xi32>,
      %get3A_442 = arith.index_cast %add3A_426 : i32 to index
      %get3A_443 = arith.constant 64 : index
      %get3A_444 = tpu.vector_load %arg10[%get3A_442, %get3A_443] {strides = array<i32>} : memref<256x128xi32, #tpu.memory_space<vmem>>, vector<16xi32>,
      %shift_right_arithmetic3A_445 = vector.broadcast %mul3A_432 : i32 to vector<16xi32>
      %shift_right_arithmetic3A_446 = arith.shrsi %get3A_441, %shift_right_arithmetic3A_445 : vector<16xi32>
      %shift_left3A_447 = arith.constant 16 : i32
      %shift_left3A_448 = vector.broadcast %shift_left3A_447 : i32 to vector<16xi32>
      %shift_left3A_449 = arith.shli %shift_right_arithmetic3A_446, %shift_left3A_448 : vector<16xi32>
      %bitcast3A_450 = vector.bitcast %shift_left3A_449 : vector<16xi32> to vector<16xf32>
      %shift_right_arithmetic3A_451 = vector.broadcast %mul3A_438 : i32 to vector<16xi32>
      %shift_right_arithmetic3A_452 = arith.shrsi %get3A_444, %shift_right_arithmetic3A_451 : vector<16xi32>
      %shift_left3A_453 = arith.constant 16 : i32
      %shift_left3A_454 = vector.broadcast %shift_left3A_453 : i32 to vector<16xi32>
      %shift_left3A_455 = arith.shli %shift_right_arithmetic3A_452, %shift_left3A_454 : vector<16xi32>
      %bitcast3A_456 = vector.bitcast %shift_left3A_455 : vector<16xi32> to vector<16xf32>
      %mul3A_457 = arith.mulf %bitcast3A_450, %bitcast3A_456 : vector<16xf32>
      %mul3A_458 = arith.mulf %mul3A_457, %get3A_19 : vector<16xf32>
      %get3A_459 = arith.index_cast %add3A_426 : i32 to index
      %get3A_460 = arith.constant 80 : index
      %get3A_461 = tpu.vector_load %arg9[%get3A_459, %get3A_460] {strides = array<i32>} : memref<256x128xi32, #tpu.memory_space<vmem>>, vector<16xi32>,
      %get3A_462 = arith.index_cast %add3A_426 : i32 to index
      %get3A_463 = arith.constant 80 : index
      %get3A_464 = tpu.vector_load %arg10[%get3A_462, %get3A_463] {strides = array<i32>} : memref<256x128xi32, #tpu.memory_space<vmem>>, vector<16xi32>,
      %shift_right_arithmetic3A_465 = vector.broadcast %mul3A_432 : i32 to vector<16xi32>
      %shift_right_arithmetic3A_466 = arith.shrsi %get3A_461, %shift_right_arithmetic3A_465 : vector<16xi32>
      %shift_left3A_467 = arith.constant 16 : i32
      %shift_left3A_468 = vector.broadcast %shift_left3A_467 : i32 to vector<16xi32>
      %shift_left3A_469 = arith.shli %shift_right_arithmetic3A_466, %shift_left3A_468 : vector<16xi32>
      %bitcast3A_470 = vector.bitcast %shift_left3A_469 : vector<16xi32> to vector<16xf32>
      %shift_right_arithmetic3A_471 = vector.broadcast %mul3A_438 : i32 to vector<16xi32>
      %shift_right_arithmetic3A_472 = arith.shrsi %get3A_464, %shift_right_arithmetic3A_471 : vector<16xi32>
      %shift_left3A_473 = arith.constant 16 : i32
      %shift_left3A_474 = vector.broadcast %shift_left3A_473 : i32 to vector<16xi32>
      %shift_left3A_475 = arith.shli %shift_right_arithmetic3A_472, %shift_left3A_474 : vector<16xi32>
      %bitcast3A_476 = vector.bitcast %shift_left3A_475 : vector<16xi32> to vector<16xf32>
      %mul3A_477 = arith.mulf %bitcast3A_470, %bitcast3A_476 : vector<16xf32>
      %mul3A_478 = arith.mulf %mul3A_477, %get3A_21 : vector<16xf32>
      %add3A_479 = arith.addf %mul3A_458, %mul3A_478 : vector<16xf32>
      %get3A_480 = arith.index_cast %add3A_426 : i32 to index
      %get3A_481 = arith.constant 96 : index
      %get3A_482 = tpu.vector_load %arg9[%get3A_480, %get3A_481] {strides = array<i32>} : memref<256x128xi32, #tpu.memory_space<vmem>>, vector<16xi32>,
      %get3A_483 = arith.index_cast %add3A_426 : i32 to index
      %get3A_484 = arith.constant 96 : index
      %get3A_485 = tpu.vector_load %arg10[%get3A_483, %get3A_484] {strides = array<i32>} : memref<256x128xi32, #tpu.memory_space<vmem>>, vector<16xi32>,
      %shift_right_arithmetic3A_486 = vector.broadcast %mul3A_432 : i32 to vector<16xi32>
      %shift_right_arithmetic3A_487 = arith.shrsi %get3A_482, %shift_right_arithmetic3A_486 : vector<16xi32>
      %shift_left3A_488 = arith.constant 16 : i32
      %shift_left3A_489 = vector.broadcast %shift_left3A_488 : i32 to vector<16xi32>
      %shift_left3A_490 = arith.shli %shift_right_arithmetic3A_487, %shift_left3A_489 : vector<16xi32>
      %bitcast3A_491 = vector.bitcast %shift_left3A_490 : vector<16xi32> to vector<16xf32>
      %shift_right_arithmetic3A_492 = vector.broadcast %mul3A_438 : i32 to vector<16xi32>
      %shift_right_arithmetic3A_493 = arith.shrsi %get3A_485, %shift_right_arithmetic3A_492 : vector<16xi32>
      %shift_left3A_494 = arith.constant 16 : i32
      %shift_left3A_495 = vector.broadcast %shift_left3A_494 : i32 to vector<16xi32>
      %shift_left3A_496 = arith.shli %shift_right_arithmetic3A_493, %shift_left3A_495 : vector<16xi32>
      %bitcast3A_497 = vector.bitcast %shift_left3A_496 : vector<16xi32> to vector<16xf32>
      %mul3A_498 = arith.mulf %bitcast3A_491, %bitcast3A_497 : vector<16xf32>
      %mul3A_499 = arith.mulf %mul3A_498, %get3A_23 : vector<16xf32>
      %add3A_500 = arith.addf %add3A_479, %mul3A_499 : vector<16xf32>
      %get3A_501 = arith.index_cast %add3A_426 : i32 to index
      %get3A_502 = arith.constant 112 : index
      %get3A_503 = tpu.vector_load %arg9[%get3A_501, %get3A_502] {strides = array<i32>} : memref<256x128xi32, #tpu.memory_space<vmem>>, vector<16xi32>,
      %get3A_504 = arith.index_cast %add3A_426 : i32 to index
      %get3A_505 = arith.constant 112 : index
      %get3A_506 = tpu.vector_load %arg10[%get3A_504, %get3A_505] {strides = array<i32>} : memref<256x128xi32, #tpu.memory_space<vmem>>, vector<16xi32>,
      %shift_right_arithmetic3A_507 = vector.broadcast %mul3A_432 : i32 to vector<16xi32>
      %shift_right_arithmetic3A_508 = arith.shrsi %get3A_503, %shift_right_arithmetic3A_507 : vector<16xi32>
      %shift_left3A_509 = arith.constant 16 : i32
      %shift_left3A_510 = vector.broadcast %shift_left3A_509 : i32 to vector<16xi32>
      %shift_left3A_511 = arith.shli %shift_right_arithmetic3A_508, %shift_left3A_510 : vector<16xi32>
      %bitcast3A_512 = vector.bitcast %shift_left3A_511 : vector<16xi32> to vector<16xf32>
      %shift_right_arithmetic3A_513 = vector.broadcast %mul3A_438 : i32 to vector<16xi32>
      %shift_right_arithmetic3A_514 = arith.shrsi %get3A_506, %shift_right_arithmetic3A_513 : vector<16xi32>
      %shift_left3A_515 = arith.constant 16 : i32
      %shift_left3A_516 = vector.broadcast %shift_left3A_515 : i32 to vector<16xi32>
      %shift_left3A_517 = arith.shli %shift_right_arithmetic3A_514, %shift_left3A_516 : vector<16xi32>
      %bitcast3A_518 = vector.bitcast %shift_left3A_517 : vector<16xi32> to vector<16xf32>
      %mul3A_519 = arith.mulf %bitcast3A_512, %bitcast3A_518 : vector<16xf32>
      %mul3A_520 = arith.mulf %mul3A_519, %get3A_25 : vector<16xf32>
      %add3A_521 = arith.addf %add3A_500, %mul3A_520 : vector<16xf32>
      %reduce_sum3A_522 = arith.constant true
      %reduce_sum3A_523 = vector.broadcast %reduce_sum3A_522 : i1 to vector<16xi1>
      %reduce_sum3A_524 = tpu.scan <sum>, %add3A_521 masked %reduce_sum3A_523 : vector<16xf32>, vector<16xi1> -> vector<16xf32>
      %reduce_sum3A_525 = vector.extract %reduce_sum3A_524[15] : f32 from vector<16xf32>
      %mul3A_526 = vector.broadcast %reduce_sum3A_525 : f32 to vector<16xf32>
      %mul3A_527 = arith.mulf %mul3A_526, %convert_element_type3A_43 : vector<16xf32>
      %add3A_528 = arith.addf %add3A_424, %mul3A_527 : vector<16xf32>
      %add3A_529 = arith.constant 2 : i32
      %add3A_530 = arith.addi %mul3A_112, %add3A_529 : i32
      %slice3A_531 = vector.extract_strided_slice %get3A_117 {offsets = [4], sizes = [1], strides = [1]} : vector<16xi32> to vector<1xi32>
      %squeeze3A_532 = vector.extract %slice3A_531[0] : i32 from vector<1xi32>
      %and3A_533 = arith.constant 1 : i32
      %and3A_534 = arith.andi %squeeze3A_532, %and3A_533 : i32
      %mul3A_535 = arith.constant 16 : i32
      %mul3A_536 = arith.muli %and3A_534, %mul3A_535 : i32
      %slice3A_537 = vector.extract_strided_slice %get3A_119 {offsets = [4], sizes = [1], strides = [1]} : vector<16xi32> to vector<1xi32>
      %squeeze3A_538 = vector.extract %slice3A_537[0] : i32 from vector<1xi32>
      %and3A_539 = arith.constant 1 : i32
      %and3A_540 = arith.andi %squeeze3A_538, %and3A_539 : i32
      %mul3A_541 = arith.constant 16 : i32
      %mul3A_542 = arith.muli %and3A_540, %mul3A_541 : i32
      %get3A_543 = arith.index_cast %add3A_530 : i32 to index
      %get3A_544 = arith.constant 0 : index
      %get3A_545 = tpu.vector_load %arg9[%get3A_543, %get3A_544] {strides = array<i32>} : memref<256x128xi32, #tpu.memory_space<vmem>>, vector<16xi32>,
      %get3A_546 = arith.index_cast %add3A_530 : i32 to index
      %get3A_547 = arith.constant 0 : index
      %get3A_548 = tpu.vector_load %arg10[%get3A_546, %get3A_547] {strides = array<i32>} : memref<256x128xi32, #tpu.memory_space<vmem>>, vector<16xi32>,
      %shift_right_arithmetic3A_549 = vector.broadcast %mul3A_536 : i32 to vector<16xi32>
      %shift_right_arithmetic3A_550 = arith.shrsi %get3A_545, %shift_right_arithmetic3A_549 : vector<16xi32>
      %shift_left3A_551 = arith.constant 16 : i32
      %shift_left3A_552 = vector.broadcast %shift_left3A_551 : i32 to vector<16xi32>
      %shift_left3A_553 = arith.shli %shift_right_arithmetic3A_550, %shift_left3A_552 : vector<16xi32>
      %bitcast3A_554 = vector.bitcast %shift_left3A_553 : vector<16xi32> to vector<16xf32>
      %shift_right_arithmetic3A_555 = vector.broadcast %mul3A_542 : i32 to vector<16xi32>
      %shift_right_arithmetic3A_556 = arith.shrsi %get3A_548, %shift_right_arithmetic3A_555 : vector<16xi32>
      %shift_left3A_557 = arith.constant 16 : i32
      %shift_left3A_558 = vector.broadcast %shift_left3A_557 : i32 to vector<16xi32>
      %shift_left3A_559 = arith.shli %shift_right_arithmetic3A_556, %shift_left3A_558 : vector<16xi32>
      %bitcast3A_560 = vector.bitcast %shift_left3A_559 : vector<16xi32> to vector<16xf32>
      %mul3A_561 = arith.mulf %bitcast3A_554, %bitcast3A_560 : vector<16xf32>
      %mul3A_562 = arith.mulf %mul3A_561, %get3A_19 : vector<16xf32>
      %get3A_563 = arith.index_cast %add3A_530 : i32 to index
      %get3A_564 = arith.constant 16 : index
      %get3A_565 = tpu.vector_load %arg9[%get3A_563, %get3A_564] {strides = array<i32>} : memref<256x128xi32, #tpu.memory_space<vmem>>, vector<16xi32>,
      %get3A_566 = arith.index_cast %add3A_530 : i32 to index
      %get3A_567 = arith.constant 16 : index
      %get3A_568 = tpu.vector_load %arg10[%get3A_566, %get3A_567] {strides = array<i32>} : memref<256x128xi32, #tpu.memory_space<vmem>>, vector<16xi32>,
      %shift_right_arithmetic3A_569 = vector.broadcast %mul3A_536 : i32 to vector<16xi32>
      %shift_right_arithmetic3A_570 = arith.shrsi %get3A_565, %shift_right_arithmetic3A_569 : vector<16xi32>
      %shift_left3A_571 = arith.constant 16 : i32
      %shift_left3A_572 = vector.broadcast %shift_left3A_571 : i32 to vector<16xi32>
      %shift_left3A_573 = arith.shli %shift_right_arithmetic3A_570, %shift_left3A_572 : vector<16xi32>
      %bitcast3A_574 = vector.bitcast %shift_left3A_573 : vector<16xi32> to vector<16xf32>
      %shift_right_arithmetic3A_575 = vector.broadcast %mul3A_542 : i32 to vector<16xi32>
      %shift_right_arithmetic3A_576 = arith.shrsi %get3A_568, %shift_right_arithmetic3A_575 : vector<16xi32>
      %shift_left3A_577 = arith.constant 16 : i32
      %shift_left3A_578 = vector.broadcast %shift_left3A_577 : i32 to vector<16xi32>
      %shift_left3A_579 = arith.shli %shift_right_arithmetic3A_576, %shift_left3A_578 : vector<16xi32>
      %bitcast3A_580 = vector.bitcast %shift_left3A_579 : vector<16xi32> to vector<16xf32>
      %mul3A_581 = arith.mulf %bitcast3A_574, %bitcast3A_580 : vector<16xf32>
      %mul3A_582 = arith.mulf %mul3A_581, %get3A_21 : vector<16xf32>
      %add3A_583 = arith.addf %mul3A_562, %mul3A_582 : vector<16xf32>
      %get3A_584 = arith.index_cast %add3A_530 : i32 to index
      %get3A_585 = arith.constant 32 : index
      %get3A_586 = tpu.vector_load %arg9[%get3A_584, %get3A_585] {strides = array<i32>} : memref<256x128xi32, #tpu.memory_space<vmem>>, vector<16xi32>,
      %get3A_587 = arith.index_cast %add3A_530 : i32 to index
      %get3A_588 = arith.constant 32 : index
      %get3A_589 = tpu.vector_load %arg10[%get3A_587, %get3A_588] {strides = array<i32>} : memref<256x128xi32, #tpu.memory_space<vmem>>, vector<16xi32>,
      %shift_right_arithmetic3A_590 = vector.broadcast %mul3A_536 : i32 to vector<16xi32>
      %shift_right_arithmetic3A_591 = arith.shrsi %get3A_586, %shift_right_arithmetic3A_590 : vector<16xi32>
      %shift_left3A_592 = arith.constant 16 : i32
      %shift_left3A_593 = vector.broadcast %shift_left3A_592 : i32 to vector<16xi32>
      %shift_left3A_594 = arith.shli %shift_right_arithmetic3A_591, %shift_left3A_593 : vector<16xi32>
      %bitcast3A_595 = vector.bitcast %shift_left3A_594 : vector<16xi32> to vector<16xf32>
      %shift_right_arithmetic3A_596 = vector.broadcast %mul3A_542 : i32 to vector<16xi32>
      %shift_right_arithmetic3A_597 = arith.shrsi %get3A_589, %shift_right_arithmetic3A_596 : vector<16xi32>
      %shift_left3A_598 = arith.constant 16 : i32
      %shift_left3A_599 = vector.broadcast %shift_left3A_598 : i32 to vector<16xi32>
      %shift_left3A_600 = arith.shli %shift_right_arithmetic3A_597, %shift_left3A_599 : vector<16xi32>
      %bitcast3A_601 = vector.bitcast %shift_left3A_600 : vector<16xi32> to vector<16xf32>
      %mul3A_602 = arith.mulf %bitcast3A_595, %bitcast3A_601 : vector<16xf32>
      %mul3A_603 = arith.mulf %mul3A_602, %get3A_23 : vector<16xf32>
      %add3A_604 = arith.addf %add3A_583, %mul3A_603 : vector<16xf32>
      %get3A_605 = arith.index_cast %add3A_530 : i32 to index
      %get3A_606 = arith.constant 48 : index
      %get3A_607 = tpu.vector_load %arg9[%get3A_605, %get3A_606] {strides = array<i32>} : memref<256x128xi32, #tpu.memory_space<vmem>>, vector<16xi32>,
      %get3A_608 = arith.index_cast %add3A_530 : i32 to index
      %get3A_609 = arith.constant 48 : index
      %get3A_610 = tpu.vector_load %arg10[%get3A_608, %get3A_609] {strides = array<i32>} : memref<256x128xi32, #tpu.memory_space<vmem>>, vector<16xi32>,
      %shift_right_arithmetic3A_611 = vector.broadcast %mul3A_536 : i32 to vector<16xi32>
      %shift_right_arithmetic3A_612 = arith.shrsi %get3A_607, %shift_right_arithmetic3A_611 : vector<16xi32>
      %shift_left3A_613 = arith.constant 16 : i32
      %shift_left3A_614 = vector.broadcast %shift_left3A_613 : i32 to vector<16xi32>
      %shift_left3A_615 = arith.shli %shift_right_arithmetic3A_612, %shift_left3A_614 : vector<16xi32>
      %bitcast3A_616 = vector.bitcast %shift_left3A_615 : vector<16xi32> to vector<16xf32>
      %shift_right_arithmetic3A_617 = vector.broadcast %mul3A_542 : i32 to vector<16xi32>
      %shift_right_arithmetic3A_618 = arith.shrsi %get3A_610, %shift_right_arithmetic3A_617 : vector<16xi32>
      %shift_left3A_619 = arith.constant 16 : i32
      %shift_left3A_620 = vector.broadcast %shift_left3A_619 : i32 to vector<16xi32>
      %shift_left3A_621 = arith.shli %shift_right_arithmetic3A_618, %shift_left3A_620 : vector<16xi32>
      %bitcast3A_622 = vector.bitcast %shift_left3A_621 : vector<16xi32> to vector<16xf32>
      %mul3A_623 = arith.mulf %bitcast3A_616, %bitcast3A_622 : vector<16xf32>
      %mul3A_624 = arith.mulf %mul3A_623, %get3A_25 : vector<16xf32>
      %add3A_625 = arith.addf %add3A_604, %mul3A_624 : vector<16xf32>
      %reduce_sum3A_626 = arith.constant true
      %reduce_sum3A_627 = vector.broadcast %reduce_sum3A_626 : i1 to vector<16xi1>
      %reduce_sum3A_628 = tpu.scan <sum>, %add3A_625 masked %reduce_sum3A_627 : vector<16xf32>, vector<16xi1> -> vector<16xf32>
      %reduce_sum3A_629 = vector.extract %reduce_sum3A_628[15] : f32 from vector<16xf32>
      %mul3A_630 = vector.broadcast %reduce_sum3A_629 : f32 to vector<16xf32>
      %mul3A_631 = arith.mulf %mul3A_630, %convert_element_type3A_48 : vector<16xf32>
      %add3A_632 = arith.addf %add3A_528, %mul3A_631 : vector<16xf32>
      %add3A_633 = arith.constant 2 : i32
      %add3A_634 = arith.addi %mul3A_112, %add3A_633 : i32
      %slice3A_635 = vector.extract_strided_slice %get3A_117 {offsets = [5], sizes = [1], strides = [1]} : vector<16xi32> to vector<1xi32>
      %squeeze3A_636 = vector.extract %slice3A_635[0] : i32 from vector<1xi32>
      %and3A_637 = arith.constant 1 : i32
      %and3A_638 = arith.andi %squeeze3A_636, %and3A_637 : i32
      %mul3A_639 = arith.constant 16 : i32
      %mul3A_640 = arith.muli %and3A_638, %mul3A_639 : i32
      %slice3A_641 = vector.extract_strided_slice %get3A_119 {offsets = [5], sizes = [1], strides = [1]} : vector<16xi32> to vector<1xi32>
      %squeeze3A_642 = vector.extract %slice3A_641[0] : i32 from vector<1xi32>
      %and3A_643 = arith.constant 1 : i32
      %and3A_644 = arith.andi %squeeze3A_642, %and3A_643 : i32
      %mul3A_645 = arith.constant 16 : i32
      %mul3A_646 = arith.muli %and3A_644, %mul3A_645 : i32
      %get3A_647 = arith.index_cast %add3A_634 : i32 to index
      %get3A_648 = arith.constant 64 : index
      %get3A_649 = tpu.vector_load %arg9[%get3A_647, %get3A_648] {strides = array<i32>} : memref<256x128xi32, #tpu.memory_space<vmem>>, vector<16xi32>,
      %get3A_650 = arith.index_cast %add3A_634 : i32 to index
      %get3A_651 = arith.constant 64 : index
      %get3A_652 = tpu.vector_load %arg10[%get3A_650, %get3A_651] {strides = array<i32>} : memref<256x128xi32, #tpu.memory_space<vmem>>, vector<16xi32>,
      %shift_right_arithmetic3A_653 = vector.broadcast %mul3A_640 : i32 to vector<16xi32>
      %shift_right_arithmetic3A_654 = arith.shrsi %get3A_649, %shift_right_arithmetic3A_653 : vector<16xi32>
      %shift_left3A_655 = arith.constant 16 : i32
      %shift_left3A_656 = vector.broadcast %shift_left3A_655 : i32 to vector<16xi32>
      %shift_left3A_657 = arith.shli %shift_right_arithmetic3A_654, %shift_left3A_656 : vector<16xi32>
      %bitcast3A_658 = vector.bitcast %shift_left3A_657 : vector<16xi32> to vector<16xf32>
      %shift_right_arithmetic3A_659 = vector.broadcast %mul3A_646 : i32 to vector<16xi32>
      %shift_right_arithmetic3A_660 = arith.shrsi %get3A_652, %shift_right_arithmetic3A_659 : vector<16xi32>
      %shift_left3A_661 = arith.constant 16 : i32
      %shift_left3A_662 = vector.broadcast %shift_left3A_661 : i32 to vector<16xi32>
      %shift_left3A_663 = arith.shli %shift_right_arithmetic3A_660, %shift_left3A_662 : vector<16xi32>
      %bitcast3A_664 = vector.bitcast %shift_left3A_663 : vector<16xi32> to vector<16xf32>
      %mul3A_665 = arith.mulf %bitcast3A_658, %bitcast3A_664 : vector<16xf32>
      %mul3A_666 = arith.mulf %mul3A_665, %get3A_19 : vector<16xf32>
      %get3A_667 = arith.index_cast %add3A_634 : i32 to index
      %get3A_668 = arith.constant 80 : index
      %get3A_669 = tpu.vector_load %arg9[%get3A_667, %get3A_668] {strides = array<i32>} : memref<256x128xi32, #tpu.memory_space<vmem>>, vector<16xi32>,
      %get3A_670 = arith.index_cast %add3A_634 : i32 to index
      %get3A_671 = arith.constant 80 : index
      %get3A_672 = tpu.vector_load %arg10[%get3A_670, %get3A_671] {strides = array<i32>} : memref<256x128xi32, #tpu.memory_space<vmem>>, vector<16xi32>,
      %shift_right_arithmetic3A_673 = vector.broadcast %mul3A_640 : i32 to vector<16xi32>
      %shift_right_arithmetic3A_674 = arith.shrsi %get3A_669, %shift_right_arithmetic3A_673 : vector<16xi32>
      %shift_left3A_675 = arith.constant 16 : i32
      %shift_left3A_676 = vector.broadcast %shift_left3A_675 : i32 to vector<16xi32>
      %shift_left3A_677 = arith.shli %shift_right_arithmetic3A_674, %shift_left3A_676 : vector<16xi32>
      %bitcast3A_678 = vector.bitcast %shift_left3A_677 : vector<16xi32> to vector<16xf32>
      %shift_right_arithmetic3A_679 = vector.broadcast %mul3A_646 : i32 to vector<16xi32>
      %shift_right_arithmetic3A_680 = arith.shrsi %get3A_672, %shift_right_arithmetic3A_679 : vector<16xi32>
      %shift_left3A_681 = arith.constant 16 : i32
      %shift_left3A_682 = vector.broadcast %shift_left3A_681 : i32 to vector<16xi32>
      %shift_left3A_683 = arith.shli %shift_right_arithmetic3A_680, %shift_left3A_682 : vector<16xi32>
      %bitcast3A_684 = vector.bitcast %shift_left3A_683 : vector<16xi32> to vector<16xf32>
      %mul3A_685 = arith.mulf %bitcast3A_678, %bitcast3A_684 : vector<16xf32>
      %mul3A_686 = arith.mulf %mul3A_685, %get3A_21 : vector<16xf32>
      %add3A_687 = arith.addf %mul3A_666, %mul3A_686 : vector<16xf32>
      %get3A_688 = arith.index_cast %add3A_634 : i32 to index
      %get3A_689 = arith.constant 96 : index
      %get3A_690 = tpu.vector_load %arg9[%get3A_688, %get3A_689] {strides = array<i32>} : memref<256x128xi32, #tpu.memory_space<vmem>>, vector<16xi32>,
      %get3A_691 = arith.index_cast %add3A_634 : i32 to index
      %get3A_692 = arith.constant 96 : index
      %get3A_693 = tpu.vector_load %arg10[%get3A_691, %get3A_692] {strides = array<i32>} : memref<256x128xi32, #tpu.memory_space<vmem>>, vector<16xi32>,
      %shift_right_arithmetic3A_694 = vector.broadcast %mul3A_640 : i32 to vector<16xi32>
      %shift_right_arithmetic3A_695 = arith.shrsi %get3A_690, %shift_right_arithmetic3A_694 : vector<16xi32>
      %shift_left3A_696 = arith.constant 16 : i32
      %shift_left3A_697 = vector.broadcast %shift_left3A_696 : i32 to vector<16xi32>
      %shift_left3A_698 = arith.shli %shift_right_arithmetic3A_695, %shift_left3A_697 : vector<16xi32>
      %bitcast3A_699 = vector.bitcast %shift_left3A_698 : vector<16xi32> to vector<16xf32>
      %shift_right_arithmetic3A_700 = vector.broadcast %mul3A_646 : i32 to vector<16xi32>
      %shift_right_arithmetic3A_701 = arith.shrsi %get3A_693, %shift_right_arithmetic3A_700 : vector<16xi32>
      %shift_left3A_702 = arith.constant 16 : i32
      %shift_left3A_703 = vector.broadcast %shift_left3A_702 : i32 to vector<16xi32>
      %shift_left3A_704 = arith.shli %shift_right_arithmetic3A_701, %shift_left3A_703 : vector<16xi32>
      %bitcast3A_705 = vector.bitcast %shift_left3A_704 : vector<16xi32> to vector<16xf32>
      %mul3A_706 = arith.mulf %bitcast3A_699, %bitcast3A_705 : vector<16xf32>
      %mul3A_707 = arith.mulf %mul3A_706, %get3A_23 : vector<16xf32>
      %add3A_708 = arith.addf %add3A_687, %mul3A_707 : vector<16xf32>
      %get3A_709 = arith.index_cast %add3A_634 : i32 to index
      %get3A_710 = arith.constant 112 : index
      %get3A_711 = tpu.vector_load %arg9[%get3A_709, %get3A_710] {strides = array<i32>} : memref<256x128xi32, #tpu.memory_space<vmem>>, vector<16xi32>,
      %get3A_712 = arith.index_cast %add3A_634 : i32 to index
      %get3A_713 = arith.constant 112 : index
      %get3A_714 = tpu.vector_load %arg10[%get3A_712, %get3A_713] {strides = array<i32>} : memref<256x128xi32, #tpu.memory_space<vmem>>, vector<16xi32>,
      %shift_right_arithmetic3A_715 = vector.broadcast %mul3A_640 : i32 to vector<16xi32>
      %shift_right_arithmetic3A_716 = arith.shrsi %get3A_711, %shift_right_arithmetic3A_715 : vector<16xi32>
      %shift_left3A_717 = arith.constant 16 : i32
      %shift_left3A_718 = vector.broadcast %shift_left3A_717 : i32 to vector<16xi32>
      %shift_left3A_719 = arith.shli %shift_right_arithmetic3A_716, %shift_left3A_718 : vector<16xi32>
      %bitcast3A_720 = vector.bitcast %shift_left3A_719 : vector<16xi32> to vector<16xf32>
      %shift_right_arithmetic3A_721 = vector.broadcast %mul3A_646 : i32 to vector<16xi32>
      %shift_right_arithmetic3A_722 = arith.shrsi %get3A_714, %shift_right_arithmetic3A_721 : vector<16xi32>
      %shift_left3A_723 = arith.constant 16 : i32
      %shift_left3A_724 = vector.broadcast %shift_left3A_723 : i32 to vector<16xi32>
      %shift_left3A_725 = arith.shli %shift_right_arithmetic3A_722, %shift_left3A_724 : vector<16xi32>
      %bitcast3A_726 = vector.bitcast %shift_left3A_725 : vector<16xi32> to vector<16xf32>
      %mul3A_727 = arith.mulf %bitcast3A_720, %bitcast3A_726 : vector<16xf32>
      %mul3A_728 = arith.mulf %mul3A_727, %get3A_25 : vector<16xf32>
      %add3A_729 = arith.addf %add3A_708, %mul3A_728 : vector<16xf32>
      %reduce_sum3A_730 = arith.constant true
      %reduce_sum3A_731 = vector.broadcast %reduce_sum3A_730 : i1 to vector<16xi1>
      %reduce_sum3A_732 = tpu.scan <sum>, %add3A_729 masked %reduce_sum3A_731 : vector<16xf32>, vector<16xi1> -> vector<16xf32>
      %reduce_sum3A_733 = vector.extract %reduce_sum3A_732[15] : f32 from vector<16xf32>
      %mul3A_734 = vector.broadcast %reduce_sum3A_733 : f32 to vector<16xf32>
      %mul3A_735 = arith.mulf %mul3A_734, %convert_element_type3A_53 : vector<16xf32>
      %add3A_736 = arith.addf %add3A_632, %mul3A_735 : vector<16xf32>
      %add3A_737 = arith.constant 3 : i32
      %add3A_738 = arith.addi %mul3A_112, %add3A_737 : i32
      %slice3A_739 = vector.extract_strided_slice %get3A_117 {offsets = [6], sizes = [1], strides = [1]} : vector<16xi32> to vector<1xi32>
      %squeeze3A_740 = vector.extract %slice3A_739[0] : i32 from vector<1xi32>
      %and3A_741 = arith.constant 1 : i32
      %and3A_742 = arith.andi %squeeze3A_740, %and3A_741 : i32
      %mul3A_743 = arith.constant 16 : i32
      %mul3A_744 = arith.muli %and3A_742, %mul3A_743 : i32
      %slice3A_745 = vector.extract_strided_slice %get3A_119 {offsets = [6], sizes = [1], strides = [1]} : vector<16xi32> to vector<1xi32>
      %squeeze3A_746 = vector.extract %slice3A_745[0] : i32 from vector<1xi32>
      %and3A_747 = arith.constant 1 : i32
      %and3A_748 = arith.andi %squeeze3A_746, %and3A_747 : i32
      %mul3A_749 = arith.constant 16 : i32
      %mul3A_750 = arith.muli %and3A_748, %mul3A_749 : i32
      %get3A_751 = arith.index_cast %add3A_738 : i32 to index
      %get3A_752 = arith.constant 0 : index
      %get3A_753 = tpu.vector_load %arg9[%get3A_751, %get3A_752] {strides = array<i32>} : memref<256x128xi32, #tpu.memory_space<vmem>>, vector<16xi32>,
      %get3A_754 = arith.index_cast %add3A_738 : i32 to index
      %get3A_755 = arith.constant 0 : index
      %get3A_756 = tpu.vector_load %arg10[%get3A_754, %get3A_755] {strides = array<i32>} : memref<256x128xi32, #tpu.memory_space<vmem>>, vector<16xi32>,
      %shift_right_arithmetic3A_757 = vector.broadcast %mul3A_744 : i32 to vector<16xi32>
      %shift_right_arithmetic3A_758 = arith.shrsi %get3A_753, %shift_right_arithmetic3A_757 : vector<16xi32>
      %shift_left3A_759 = arith.constant 16 : i32
      %shift_left3A_760 = vector.broadcast %shift_left3A_759 : i32 to vector<16xi32>
      %shift_left3A_761 = arith.shli %shift_right_arithmetic3A_758, %shift_left3A_760 : vector<16xi32>
      %bitcast3A_762 = vector.bitcast %shift_left3A_761 : vector<16xi32> to vector<16xf32>
      %shift_right_arithmetic3A_763 = vector.broadcast %mul3A_750 : i32 to vector<16xi32>
      %shift_right_arithmetic3A_764 = arith.shrsi %get3A_756, %shift_right_arithmetic3A_763 : vector<16xi32>
      %shift_left3A_765 = arith.constant 16 : i32
      %shift_left3A_766 = vector.broadcast %shift_left3A_765 : i32 to vector<16xi32>
      %shift_left3A_767 = arith.shli %shift_right_arithmetic3A_764, %shift_left3A_766 : vector<16xi32>
      %bitcast3A_768 = vector.bitcast %shift_left3A_767 : vector<16xi32> to vector<16xf32>
      %mul3A_769 = arith.mulf %bitcast3A_762, %bitcast3A_768 : vector<16xf32>
      %mul3A_770 = arith.mulf %mul3A_769, %get3A_19 : vector<16xf32>
      %get3A_771 = arith.index_cast %add3A_738 : i32 to index
      %get3A_772 = arith.constant 16 : index
      %get3A_773 = tpu.vector_load %arg9[%get3A_771, %get3A_772] {strides = array<i32>} : memref<256x128xi32, #tpu.memory_space<vmem>>, vector<16xi32>,
      %get3A_774 = arith.index_cast %add3A_738 : i32 to index
      %get3A_775 = arith.constant 16 : index
      %get3A_776 = tpu.vector_load %arg10[%get3A_774, %get3A_775] {strides = array<i32>} : memref<256x128xi32, #tpu.memory_space<vmem>>, vector<16xi32>,
      %shift_right_arithmetic3A_777 = vector.broadcast %mul3A_744 : i32 to vector<16xi32>
      %shift_right_arithmetic3A_778 = arith.shrsi %get3A_773, %shift_right_arithmetic3A_777 : vector<16xi32>
      %shift_left3A_779 = arith.constant 16 : i32
      %shift_left3A_780 = vector.broadcast %shift_left3A_779 : i32 to vector<16xi32>
      %shift_left3A_781 = arith.shli %shift_right_arithmetic3A_778, %shift_left3A_780 : vector<16xi32>
      %bitcast3A_782 = vector.bitcast %shift_left3A_781 : vector<16xi32> to vector<16xf32>
      %shift_right_arithmetic3A_783 = vector.broadcast %mul3A_750 : i32 to vector<16xi32>
      %shift_right_arithmetic3A_784 = arith.shrsi %get3A_776, %shift_right_arithmetic3A_783 : vector<16xi32>
      %shift_left3A_785 = arith.constant 16 : i32
      %shift_left3A_786 = vector.broadcast %shift_left3A_785 : i32 to vector<16xi32>
      %shift_left3A_787 = arith.shli %shift_right_arithmetic3A_784, %shift_left3A_786 : vector<16xi32>
      %bitcast3A_788 = vector.bitcast %shift_left3A_787 : vector<16xi32> to vector<16xf32>
      %mul3A_789 = arith.mulf %bitcast3A_782, %bitcast3A_788 : vector<16xf32>
      %mul3A_790 = arith.mulf %mul3A_789, %get3A_21 : vector<16xf32>
      %add3A_791 = arith.addf %mul3A_770, %mul3A_790 : vector<16xf32>
      %get3A_792 = arith.index_cast %add3A_738 : i32 to index
      %get3A_793 = arith.constant 32 : index
      %get3A_794 = tpu.vector_load %arg9[%get3A_792, %get3A_793] {strides = array<i32>} : memref<256x128xi32, #tpu.memory_space<vmem>>, vector<16xi32>,
      %get3A_795 = arith.index_cast %add3A_738 : i32 to index
      %get3A_796 = arith.constant 32 : index
      %get3A_797 = tpu.vector_load %arg10[%get3A_795, %get3A_796] {strides = array<i32>} : memref<256x128xi32, #tpu.memory_space<vmem>>, vector<16xi32>,
      %shift_right_arithmetic3A_798 = vector.broadcast %mul3A_744 : i32 to vector<16xi32>
      %shift_right_arithmetic3A_799 = arith.shrsi %get3A_794, %shift_right_arithmetic3A_798 : vector<16xi32>
      %shift_left3A_800 = arith.constant 16 : i32
      %shift_left3A_801 = vector.broadcast %shift_left3A_800 : i32 to vector<16xi32>
      %shift_left3A_802 = arith.shli %shift_right_arithmetic3A_799, %shift_left3A_801 : vector<16xi32>
      %bitcast3A_803 = vector.bitcast %shift_left3A_802 : vector<16xi32> to vector<16xf32>
      %shift_right_arithmetic3A_804 = vector.broadcast %mul3A_750 : i32 to vector<16xi32>
      %shift_right_arithmetic3A_805 = arith.shrsi %get3A_797, %shift_right_arithmetic3A_804 : vector<16xi32>
      %shift_left3A_806 = arith.constant 16 : i32
      %shift_left3A_807 = vector.broadcast %shift_left3A_806 : i32 to vector<16xi32>
      %shift_left3A_808 = arith.shli %shift_right_arithmetic3A_805, %shift_left3A_807 : vector<16xi32>
      %bitcast3A_809 = vector.bitcast %shift_left3A_808 : vector<16xi32> to vector<16xf32>
      %mul3A_810 = arith.mulf %bitcast3A_803, %bitcast3A_809 : vector<16xf32>
      %mul3A_811 = arith.mulf %mul3A_810, %get3A_23 : vector<16xf32>
      %add3A_812 = arith.addf %add3A_791, %mul3A_811 : vector<16xf32>
      %get3A_813 = arith.index_cast %add3A_738 : i32 to index
      %get3A_814 = arith.constant 48 : index
      %get3A_815 = tpu.vector_load %arg9[%get3A_813, %get3A_814] {strides = array<i32>} : memref<256x128xi32, #tpu.memory_space<vmem>>, vector<16xi32>,
      %get3A_816 = arith.index_cast %add3A_738 : i32 to index
      %get3A_817 = arith.constant 48 : index
      %get3A_818 = tpu.vector_load %arg10[%get3A_816, %get3A_817] {strides = array<i32>} : memref<256x128xi32, #tpu.memory_space<vmem>>, vector<16xi32>,
      %shift_right_arithmetic3A_819 = vector.broadcast %mul3A_744 : i32 to vector<16xi32>
      %shift_right_arithmetic3A_820 = arith.shrsi %get3A_815, %shift_right_arithmetic3A_819 : vector<16xi32>
      %shift_left3A_821 = arith.constant 16 : i32
      %shift_left3A_822 = vector.broadcast %shift_left3A_821 : i32 to vector<16xi32>
      %shift_left3A_823 = arith.shli %shift_right_arithmetic3A_820, %shift_left3A_822 : vector<16xi32>
      %bitcast3A_824 = vector.bitcast %shift_left3A_823 : vector<16xi32> to vector<16xf32>
      %shift_right_arithmetic3A_825 = vector.broadcast %mul3A_750 : i32 to vector<16xi32>
      %shift_right_arithmetic3A_826 = arith.shrsi %get3A_818, %shift_right_arithmetic3A_825 : vector<16xi32>
      %shift_left3A_827 = arith.constant 16 : i32
      %shift_left3A_828 = vector.broadcast %shift_left3A_827 : i32 to vector<16xi32>
      %shift_left3A_829 = arith.shli %shift_right_arithmetic3A_826, %shift_left3A_828 : vector<16xi32>
      %bitcast3A_830 = vector.bitcast %shift_left3A_829 : vector<16xi32> to vector<16xf32>
      %mul3A_831 = arith.mulf %bitcast3A_824, %bitcast3A_830 : vector<16xf32>
      %mul3A_832 = arith.mulf %mul3A_831, %get3A_25 : vector<16xf32>
      %add3A_833 = arith.addf %add3A_812, %mul3A_832 : vector<16xf32>
      %reduce_sum3A_834 = arith.constant true
      %reduce_sum3A_835 = vector.broadcast %reduce_sum3A_834 : i1 to vector<16xi1>
      %reduce_sum3A_836 = tpu.scan <sum>, %add3A_833 masked %reduce_sum3A_835 : vector<16xf32>, vector<16xi1> -> vector<16xf32>
      %reduce_sum3A_837 = vector.extract %reduce_sum3A_836[15] : f32 from vector<16xf32>
      %mul3A_838 = vector.broadcast %reduce_sum3A_837 : f32 to vector<16xf32>
      %mul3A_839 = arith.mulf %mul3A_838, %convert_element_type3A_58 : vector<16xf32>
      %add3A_840 = arith.addf %add3A_736, %mul3A_839 : vector<16xf32>
      %add3A_841 = arith.constant 3 : i32
      %add3A_842 = arith.addi %mul3A_112, %add3A_841 : i32
      %slice3A_843 = vector.extract_strided_slice %get3A_117 {offsets = [7], sizes = [1], strides = [1]} : vector<16xi32> to vector<1xi32>
      %squeeze3A_844 = vector.extract %slice3A_843[0] : i32 from vector<1xi32>
      %and3A_845 = arith.constant 1 : i32
      %and3A_846 = arith.andi %squeeze3A_844, %and3A_845 : i32
      %mul3A_847 = arith.constant 16 : i32
      %mul3A_848 = arith.muli %and3A_846, %mul3A_847 : i32
      %slice3A_849 = vector.extract_strided_slice %get3A_119 {offsets = [7], sizes = [1], strides = [1]} : vector<16xi32> to vector<1xi32>
      %squeeze3A_850 = vector.extract %slice3A_849[0] : i32 from vector<1xi32>
      %and3A_851 = arith.constant 1 : i32
      %and3A_852 = arith.andi %squeeze3A_850, %and3A_851 : i32
      %mul3A_853 = arith.constant 16 : i32
      %mul3A_854 = arith.muli %and3A_852, %mul3A_853 : i32
      %get3A_855 = arith.index_cast %add3A_842 : i32 to index
      %get3A_856 = arith.constant 64 : index
      %get3A_857 = tpu.vector_load %arg9[%get3A_855, %get3A_856] {strides = array<i32>} : memref<256x128xi32, #tpu.memory_space<vmem>>, vector<16xi32>,
      %get3A_858 = arith.index_cast %add3A_842 : i32 to index
      %get3A_859 = arith.constant 64 : index
      %get3A_860 = tpu.vector_load %arg10[%get3A_858, %get3A_859] {strides = array<i32>} : memref<256x128xi32, #tpu.memory_space<vmem>>, vector<16xi32>,
      %shift_right_arithmetic3A_861 = vector.broadcast %mul3A_848 : i32 to vector<16xi32>
      %shift_right_arithmetic3A_862 = arith.shrsi %get3A_857, %shift_right_arithmetic3A_861 : vector<16xi32>
      %shift_left3A_863 = arith.constant 16 : i32
      %shift_left3A_864 = vector.broadcast %shift_left3A_863 : i32 to vector<16xi32>
      %shift_left3A_865 = arith.shli %shift_right_arithmetic3A_862, %shift_left3A_864 : vector<16xi32>
      %bitcast3A_866 = vector.bitcast %shift_left3A_865 : vector<16xi32> to vector<16xf32>
      %shift_right_arithmetic3A_867 = vector.broadcast %mul3A_854 : i32 to vector<16xi32>
      %shift_right_arithmetic3A_868 = arith.shrsi %get3A_860, %shift_right_arithmetic3A_867 : vector<16xi32>
      %shift_left3A_869 = arith.constant 16 : i32
      %shift_left3A_870 = vector.broadcast %shift_left3A_869 : i32 to vector<16xi32>
      %shift_left3A_871 = arith.shli %shift_right_arithmetic3A_868, %shift_left3A_870 : vector<16xi32>
      %bitcast3A_872 = vector.bitcast %shift_left3A_871 : vector<16xi32> to vector<16xf32>
      %mul3A_873 = arith.mulf %bitcast3A_866, %bitcast3A_872 : vector<16xf32>
      %mul3A_874 = arith.mulf %mul3A_873, %get3A_19 : vector<16xf32>
      %get3A_875 = arith.index_cast %add3A_842 : i32 to index
      %get3A_876 = arith.constant 80 : index
      %get3A_877 = tpu.vector_load %arg9[%get3A_875, %get3A_876] {strides = array<i32>} : memref<256x128xi32, #tpu.memory_space<vmem>>, vector<16xi32>,
      %get3A_878 = arith.index_cast %add3A_842 : i32 to index
      %get3A_879 = arith.constant 80 : index
      %get3A_880 = tpu.vector_load %arg10[%get3A_878, %get3A_879] {strides = array<i32>} : memref<256x128xi32, #tpu.memory_space<vmem>>, vector<16xi32>,
      %shift_right_arithmetic3A_881 = vector.broadcast %mul3A_848 : i32 to vector<16xi32>
      %shift_right_arithmetic3A_882 = arith.shrsi %get3A_877, %shift_right_arithmetic3A_881 : vector<16xi32>
      %shift_left3A_883 = arith.constant 16 : i32
      %shift_left3A_884 = vector.broadcast %shift_left3A_883 : i32 to vector<16xi32>
      %shift_left3A_885 = arith.shli %shift_right_arithmetic3A_882, %shift_left3A_884 : vector<16xi32>
      %bitcast3A_886 = vector.bitcast %shift_left3A_885 : vector<16xi32> to vector<16xf32>
      %shift_right_arithmetic3A_887 = vector.broadcast %mul3A_854 : i32 to vector<16xi32>
      %shift_right_arithmetic3A_888 = arith.shrsi %get3A_880, %shift_right_arithmetic3A_887 : vector<16xi32>
      %shift_left3A_889 = arith.constant 16 : i32
      %shift_left3A_890 = vector.broadcast %shift_left3A_889 : i32 to vector<16xi32>
      %shift_left3A_891 = arith.shli %shift_right_arithmetic3A_888, %shift_left3A_890 : vector<16xi32>
      %bitcast3A_892 = vector.bitcast %shift_left3A_891 : vector<16xi32> to vector<16xf32>
      %mul3A_893 = arith.mulf %bitcast3A_886, %bitcast3A_892 : vector<16xf32>
      %mul3A_894 = arith.mulf %mul3A_893, %get3A_21 : vector<16xf32>
      %add3A_895 = arith.addf %mul3A_874, %mul3A_894 : vector<16xf32>
      %get3A_896 = arith.index_cast %add3A_842 : i32 to index
      %get3A_897 = arith.constant 96 : index
      %get3A_898 = tpu.vector_load %arg9[%get3A_896, %get3A_897] {strides = array<i32>} : memref<256x128xi32, #tpu.memory_space<vmem>>, vector<16xi32>,
      %get3A_899 = arith.index_cast %add3A_842 : i32 to index
      %get3A_900 = arith.constant 96 : index
      %get3A_901 = tpu.vector_load %arg10[%get3A_899, %get3A_900] {strides = array<i32>} : memref<256x128xi32, #tpu.memory_space<vmem>>, vector<16xi32>,
      %shift_right_arithmetic3A_902 = vector.broadcast %mul3A_848 : i32 to vector<16xi32>
      %shift_right_arithmetic3A_903 = arith.shrsi %get3A_898, %shift_right_arithmetic3A_902 : vector<16xi32>
      %shift_left3A_904 = arith.constant 16 : i32
      %shift_left3A_905 = vector.broadcast %shift_left3A_904 : i32 to vector<16xi32>
      %shift_left3A_906 = arith.shli %shift_right_arithmetic3A_903, %shift_left3A_905 : vector<16xi32>
      %bitcast3A_907 = vector.bitcast %shift_left3A_906 : vector<16xi32> to vector<16xf32>
      %shift_right_arithmetic3A_908 = vector.broadcast %mul3A_854 : i32 to vector<16xi32>
      %shift_right_arithmetic3A_909 = arith.shrsi %get3A_901, %shift_right_arithmetic3A_908 : vector<16xi32>
      %shift_left3A_910 = arith.constant 16 : i32
      %shift_left3A_911 = vector.broadcast %shift_left3A_910 : i32 to vector<16xi32>
      %shift_left3A_912 = arith.shli %shift_right_arithmetic3A_909, %shift_left3A_911 : vector<16xi32>
      %bitcast3A_913 = vector.bitcast %shift_left3A_912 : vector<16xi32> to vector<16xf32>
      %mul3A_914 = arith.mulf %bitcast3A_907, %bitcast3A_913 : vector<16xf32>
      %mul3A_915 = arith.mulf %mul3A_914, %get3A_23 : vector<16xf32>
      %add3A_916 = arith.addf %add3A_895, %mul3A_915 : vector<16xf32>
      %get3A_917 = arith.index_cast %add3A_842 : i32 to index
      %get3A_918 = arith.constant 112 : index
      %get3A_919 = tpu.vector_load %arg9[%get3A_917, %get3A_918] {strides = array<i32>} : memref<256x128xi32, #tpu.memory_space<vmem>>, vector<16xi32>,
      %get3A_920 = arith.index_cast %add3A_842 : i32 to index
      %get3A_921 = arith.constant 112 : index
      %get3A_922 = tpu.vector_load %arg10[%get3A_920, %get3A_921] {strides = array<i32>} : memref<256x128xi32, #tpu.memory_space<vmem>>, vector<16xi32>,
      %shift_right_arithmetic3A_923 = vector.broadcast %mul3A_848 : i32 to vector<16xi32>
      %shift_right_arithmetic3A_924 = arith.shrsi %get3A_919, %shift_right_arithmetic3A_923 : vector<16xi32>
      %shift_left3A_925 = arith.constant 16 : i32
      %shift_left3A_926 = vector.broadcast %shift_left3A_925 : i32 to vector<16xi32>
      %shift_left3A_927 = arith.shli %shift_right_arithmetic3A_924, %shift_left3A_926 : vector<16xi32>
      %bitcast3A_928 = vector.bitcast %shift_left3A_927 : vector<16xi32> to vector<16xf32>
      %shift_right_arithmetic3A_929 = vector.broadcast %mul3A_854 : i32 to vector<16xi32>
      %shift_right_arithmetic3A_930 = arith.shrsi %get3A_922, %shift_right_arithmetic3A_929 : vector<16xi32>
      %shift_left3A_931 = arith.constant 16 : i32
      %shift_left3A_932 = vector.broadcast %shift_left3A_931 : i32 to vector<16xi32>
      %shift_left3A_933 = arith.shli %shift_right_arithmetic3A_930, %shift_left3A_932 : vector<16xi32>
      %bitcast3A_934 = vector.bitcast %shift_left3A_933 : vector<16xi32> to vector<16xf32>
      %mul3A_935 = arith.mulf %bitcast3A_928, %bitcast3A_934 : vector<16xf32>
      %mul3A_936 = arith.mulf %mul3A_935, %get3A_25 : vector<16xf32>
      %add3A_937 = arith.addf %add3A_916, %mul3A_936 : vector<16xf32>
      %reduce_sum3A_938 = arith.constant true
      %reduce_sum3A_939 = vector.broadcast %reduce_sum3A_938 : i1 to vector<16xi1>
      %reduce_sum3A_940 = tpu.scan <sum>, %add3A_937 masked %reduce_sum3A_939 : vector<16xf32>, vector<16xi1> -> vector<16xf32>
      %reduce_sum3A_941 = vector.extract %reduce_sum3A_940[15] : f32 from vector<16xf32>
      %mul3A_942 = vector.broadcast %reduce_sum3A_941 : f32 to vector<16xf32>
      %mul3A_943 = arith.mulf %mul3A_942, %convert_element_type3A_63 : vector<16xf32>
      %add3A_944 = arith.addf %add3A_840, %mul3A_943 : vector<16xf32>
      %add3A_945 = arith.constant 4 : i32
      %add3A_946 = arith.addi %mul3A_112, %add3A_945 : i32
      %slice3A_947 = vector.extract_strided_slice %get3A_117 {offsets = [8], sizes = [1], strides = [1]} : vector<16xi32> to vector<1xi32>
      %squeeze3A_948 = vector.extract %slice3A_947[0] : i32 from vector<1xi32>
      %and3A_949 = arith.constant 1 : i32
      %and3A_950 = arith.andi %squeeze3A_948, %and3A_949 : i32
      %mul3A_951 = arith.constant 16 : i32
      %mul3A_952 = arith.muli %and3A_950, %mul3A_951 : i32
      %slice3A_953 = vector.extract_strided_slice %get3A_119 {offsets = [8], sizes = [1], strides = [1]} : vector<16xi32> to vector<1xi32>
      %squeeze3A_954 = vector.extract %slice3A_953[0] : i32 from vector<1xi32>
      %and3A_955 = arith.constant 1 : i32
      %and3A_956 = arith.andi %squeeze3A_954, %and3A_955 : i32
      %mul3A_957 = arith.constant 16 : i32
      %mul3A_958 = arith.muli %and3A_956, %mul3A_957 : i32
      %get3A_959 = arith.index_cast %add3A_946 : i32 to index
      %get3A_960 = arith.constant 0 : index
      %get3A_961 = tpu.vector_load %arg9[%get3A_959, %get3A_960] {strides = array<i32>} : memref<256x128xi32, #tpu.memory_space<vmem>>, vector<16xi32>,
      %get3A_962 = arith.index_cast %add3A_946 : i32 to index
      %get3A_963 = arith.constant 0 : index
      %get3A_964 = tpu.vector_load %arg10[%get3A_962, %get3A_963] {strides = array<i32>} : memref<256x128xi32, #tpu.memory_space<vmem>>, vector<16xi32>,
      %shift_right_arithmetic3A_965 = vector.broadcast %mul3A_952 : i32 to vector<16xi32>
      %shift_right_arithmetic3A_966 = arith.shrsi %get3A_961, %shift_right_arithmetic3A_965 : vector<16xi32>
      %shift_left3A_967 = arith.constant 16 : i32
      %shift_left3A_968 = vector.broadcast %shift_left3A_967 : i32 to vector<16xi32>
      %shift_left3A_969 = arith.shli %shift_right_arithmetic3A_966, %shift_left3A_968 : vector<16xi32>
      %bitcast3A_970 = vector.bitcast %shift_left3A_969 : vector<16xi32> to vector<16xf32>
      %shift_right_arithmetic3A_971 = vector.broadcast %mul3A_958 : i32 to vector<16xi32>
      %shift_right_arithmetic3A_972 = arith.shrsi %get3A_964, %shift_right_arithmetic3A_971 : vector<16xi32>
      %shift_left3A_973 = arith.constant 16 : i32
      %shift_left3A_974 = vector.broadcast %shift_left3A_973 : i32 to vector<16xi32>
      %shift_left3A_975 = arith.shli %shift_right_arithmetic3A_972, %shift_left3A_974 : vector<16xi32>
      %bitcast3A_976 = vector.bitcast %shift_left3A_975 : vector<16xi32> to vector<16xf32>
      %mul3A_977 = arith.mulf %bitcast3A_970, %bitcast3A_976 : vector<16xf32>
      %mul3A_978 = arith.mulf %mul3A_977, %get3A_19 : vector<16xf32>
      %get3A_979 = arith.index_cast %add3A_946 : i32 to index
      %get3A_980 = arith.constant 16 : index
      %get3A_981 = tpu.vector_load %arg9[%get3A_979, %get3A_980] {strides = array<i32>} : memref<256x128xi32, #tpu.memory_space<vmem>>, vector<16xi32>,
      %get3A_982 = arith.index_cast %add3A_946 : i32 to index
      %get3A_983 = arith.constant 16 : index
      %get3A_984 = tpu.vector_load %arg10[%get3A_982, %get3A_983] {strides = array<i32>} : memref<256x128xi32, #tpu.memory_space<vmem>>, vector<16xi32>,
      %shift_right_arithmetic3A_985 = vector.broadcast %mul3A_952 : i32 to vector<16xi32>
      %shift_right_arithmetic3A_986 = arith.shrsi %get3A_981, %shift_right_arithmetic3A_985 : vector<16xi32>
      %shift_left3A_987 = arith.constant 16 : i32
      %shift_left3A_988 = vector.broadcast %shift_left3A_987 : i32 to vector<16xi32>
      %shift_left3A_989 = arith.shli %shift_right_arithmetic3A_986, %shift_left3A_988 : vector<16xi32>
      %bitcast3A_990 = vector.bitcast %shift_left3A_989 : vector<16xi32> to vector<16xf32>
      %shift_right_arithmetic3A_991 = vector.broadcast %mul3A_958 : i32 to vector<16xi32>
      %shift_right_arithmetic3A_992 = arith.shrsi %get3A_984, %shift_right_arithmetic3A_991 : vector<16xi32>
      %shift_left3A_993 = arith.constant 16 : i32
      %shift_left3A_994 = vector.broadcast %shift_left3A_993 : i32 to vector<16xi32>
      %shift_left3A_995 = arith.shli %shift_right_arithmetic3A_992, %shift_left3A_994 : vector<16xi32>
      %bitcast3A_996 = vector.bitcast %shift_left3A_995 : vector<16xi32> to vector<16xf32>
      %mul3A_997 = arith.mulf %bitcast3A_990, %bitcast3A_996 : vector<16xf32>
      %mul3A_998 = arith.mulf %mul3A_997, %get3A_21 : vector<16xf32>
      %add3A_999 = arith.addf %mul3A_978, %mul3A_998 : vector<16xf32>
      %get3A_1000 = arith.index_cast %add3A_946 : i32 to index
      %get3A_1001 = arith.constant 32 : index
      %get3A_1002 = tpu.vector_load %arg9[%get3A_1000, %get3A_1001] {strides = array<i32>} : memref<256x128xi32, #tpu.memory_space<vmem>>, vector<16xi32>,
      %get3A_1003 = arith.index_cast %add3A_946 : i32 to index
      %get3A_1004 = arith.constant 32 : index
      %get3A_1005 = tpu.vector_load %arg10[%get3A_1003, %get3A_1004] {strides = array<i32>} : memref<256x128xi32, #tpu.memory_space<vmem>>, vector<16xi32>,
      %shift_right_arithmetic3A_1006 = vector.broadcast %mul3A_952 : i32 to vector<16xi32>
      %shift_right_arithmetic3A_1007 = arith.shrsi %get3A_1002, %shift_right_arithmetic3A_1006 : vector<16xi32>
      %shift_left3A_1008 = arith.constant 16 : i32
      %shift_left3A_1009 = vector.broadcast %shift_left3A_1008 : i32 to vector<16xi32>
      %shift_left3A_1010 = arith.shli %shift_right_arithmetic3A_1007, %shift_left3A_1009 : vector<16xi32>
      %bitcast3A_1011 = vector.bitcast %shift_left3A_1010 : vector<16xi32> to vector<16xf32>
      %shift_right_arithmetic3A_1012 = vector.broadcast %mul3A_958 : i32 to vector<16xi32>
      %shift_right_arithmetic3A_1013 = arith.shrsi %get3A_1005, %shift_right_arithmetic3A_1012 : vector<16xi32>
      %shift_left3A_1014 = arith.constant 16 : i32
      %shift_left3A_1015 = vector.broadcast %shift_left3A_1014 : i32 to vector<16xi32>
      %shift_left3A_1016 = arith.shli %shift_right_arithmetic3A_1013, %shift_left3A_1015 : vector<16xi32>
      %bitcast3A_1017 = vector.bitcast %shift_left3A_1016 : vector<16xi32> to vector<16xf32>
      %mul3A_1018 = arith.mulf %bitcast3A_1011, %bitcast3A_1017 : vector<16xf32>
      %mul3A_1019 = arith.mulf %mul3A_1018, %get3A_23 : vector<16xf32>
      %add3A_1020 = arith.addf %add3A_999, %mul3A_1019 : vector<16xf32>
      %get3A_1021 = arith.index_cast %add3A_946 : i32 to index
      %get3A_1022 = arith.constant 48 : index
      %get3A_1023 = tpu.vector_load %arg9[%get3A_1021, %get3A_1022] {strides = array<i32>} : memref<256x128xi32, #tpu.memory_space<vmem>>, vector<16xi32>,
      %get3A_1024 = arith.index_cast %add3A_946 : i32 to index
      %get3A_1025 = arith.constant 48 : index
      %get3A_1026 = tpu.vector_load %arg10[%get3A_1024, %get3A_1025] {strides = array<i32>} : memref<256x128xi32, #tpu.memory_space<vmem>>, vector<16xi32>,
      %shift_right_arithmetic3A_1027 = vector.broadcast %mul3A_952 : i32 to vector<16xi32>
      %shift_right_arithmetic3A_1028 = arith.shrsi %get3A_1023, %shift_right_arithmetic3A_1027 : vector<16xi32>
      %shift_left3A_1029 = arith.constant 16 : i32
      %shift_left3A_1030 = vector.broadcast %shift_left3A_1029 : i32 to vector<16xi32>
      %shift_left3A_1031 = arith.shli %shift_right_arithmetic3A_1028, %shift_left3A_1030 : vector<16xi32>
      %bitcast3A_1032 = vector.bitcast %shift_left3A_1031 : vector<16xi32> to vector<16xf32>
      %shift_right_arithmetic3A_1033 = vector.broadcast %mul3A_958 : i32 to vector<16xi32>
      %shift_right_arithmetic3A_1034 = arith.shrsi %get3A_1026, %shift_right_arithmetic3A_1033 : vector<16xi32>
      %shift_left3A_1035 = arith.constant 16 : i32
      %shift_left3A_1036 = vector.broadcast %shift_left3A_1035 : i32 to vector<16xi32>
      %shift_left3A_1037 = arith.shli %shift_right_arithmetic3A_1034, %shift_left3A_1036 : vector<16xi32>
      %bitcast3A_1038 = vector.bitcast %shift_left3A_1037 : vector<16xi32> to vector<16xf32>
      %mul3A_1039 = arith.mulf %bitcast3A_1032, %bitcast3A_1038 : vector<16xf32>
      %mul3A_1040 = arith.mulf %mul3A_1039, %get3A_25 : vector<16xf32>
      %add3A_1041 = arith.addf %add3A_1020, %mul3A_1040 : vector<16xf32>
      %reduce_sum3A_1042 = arith.constant true
      %reduce_sum3A_1043 = vector.broadcast %reduce_sum3A_1042 : i1 to vector<16xi1>
      %reduce_sum3A_1044 = tpu.scan <sum>, %add3A_1041 masked %reduce_sum3A_1043 : vector<16xf32>, vector<16xi1> -> vector<16xf32>
      %reduce_sum3A_1045 = vector.extract %reduce_sum3A_1044[15] : f32 from vector<16xf32>
      %mul3A_1046 = vector.broadcast %reduce_sum3A_1045 : f32 to vector<16xf32>
      %mul3A_1047 = arith.mulf %mul3A_1046, %convert_element_type3A_68 : vector<16xf32>
      %add3A_1048 = arith.addf %add3A_944, %mul3A_1047 : vector<16xf32>
      %add3A_1049 = arith.constant 4 : i32
      %add3A_1050 = arith.addi %mul3A_112, %add3A_1049 : i32
      %slice3A_1051 = vector.extract_strided_slice %get3A_117 {offsets = [9], sizes = [1], strides = [1]} : vector<16xi32> to vector<1xi32>
      %squeeze3A_1052 = vector.extract %slice3A_1051[0] : i32 from vector<1xi32>
      %and3A_1053 = arith.constant 1 : i32
      %and3A_1054 = arith.andi %squeeze3A_1052, %and3A_1053 : i32
      %mul3A_1055 = arith.constant 16 : i32
      %mul3A_1056 = arith.muli %and3A_1054, %mul3A_1055 : i32
      %slice3A_1057 = vector.extract_strided_slice %get3A_119 {offsets = [9], sizes = [1], strides = [1]} : vector<16xi32> to vector<1xi32>
      %squeeze3A_1058 = vector.extract %slice3A_1057[0] : i32 from vector<1xi32>
      %and3A_1059 = arith.constant 1 : i32
      %and3A_1060 = arith.andi %squeeze3A_1058, %and3A_1059 : i32
      %mul3A_1061 = arith.constant 16 : i32
      %mul3A_1062 = arith.muli %and3A_1060, %mul3A_1061 : i32
      %get3A_1063 = arith.index_cast %add3A_1050 : i32 to index
      %get3A_1064 = arith.constant 64 : index
      %get3A_1065 = tpu.vector_load %arg9[%get3A_1063, %get3A_1064] {strides = array<i32>} : memref<256x128xi32, #tpu.memory_space<vmem>>, vector<16xi32>,
      %get3A_1066 = arith.index_cast %add3A_1050 : i32 to index
      %get3A_1067 = arith.constant 64 : index
      %get3A_1068 = tpu.vector_load %arg10[%get3A_1066, %get3A_1067] {strides = array<i32>} : memref<256x128xi32, #tpu.memory_space<vmem>>, vector<16xi32>,
      %shift_right_arithmetic3A_1069 = vector.broadcast %mul3A_1056 : i32 to vector<16xi32>
      %shift_right_arithmetic3A_1070 = arith.shrsi %get3A_1065, %shift_right_arithmetic3A_1069 : vector<16xi32>
      %shift_left3A_1071 = arith.constant 16 : i32
      %shift_left3A_1072 = vector.broadcast %shift_left3A_1071 : i32 to vector<16xi32>
      %shift_left3A_1073 = arith.shli %shift_right_arithmetic3A_1070, %shift_left3A_1072 : vector<16xi32>
      %bitcast3A_1074 = vector.bitcast %shift_left3A_1073 : vector<16xi32> to vector<16xf32>
      %shift_right_arithmetic3A_1075 = vector.broadcast %mul3A_1062 : i32 to vector<16xi32>
      %shift_right_arithmetic3A_1076 = arith.shrsi %get3A_1068, %shift_right_arithmetic3A_1075 : vector<16xi32>
      %shift_left3A_1077 = arith.constant 16 : i32
      %shift_left3A_1078 = vector.broadcast %shift_left3A_1077 : i32 to vector<16xi32>
      %shift_left3A_1079 = arith.shli %shift_right_arithmetic3A_1076, %shift_left3A_1078 : vector<16xi32>
      %bitcast3A_1080 = vector.bitcast %shift_left3A_1079 : vector<16xi32> to vector<16xf32>
      %mul3A_1081 = arith.mulf %bitcast3A_1074, %bitcast3A_1080 : vector<16xf32>
      %mul3A_1082 = arith.mulf %mul3A_1081, %get3A_19 : vector<16xf32>
      %get3A_1083 = arith.index_cast %add3A_1050 : i32 to index
      %get3A_1084 = arith.constant 80 : index
      %get3A_1085 = tpu.vector_load %arg9[%get3A_1083, %get3A_1084] {strides = array<i32>} : memref<256x128xi32, #tpu.memory_space<vmem>>, vector<16xi32>,
      %get3A_1086 = arith.index_cast %add3A_1050 : i32 to index
      %get3A_1087 = arith.constant 80 : index
      %get3A_1088 = tpu.vector_load %arg10[%get3A_1086, %get3A_1087] {strides = array<i32>} : memref<256x128xi32, #tpu.memory_space<vmem>>, vector<16xi32>,
      %shift_right_arithmetic3A_1089 = vector.broadcast %mul3A_1056 : i32 to vector<16xi32>
      %shift_right_arithmetic3A_1090 = arith.shrsi %get3A_1085, %shift_right_arithmetic3A_1089 : vector<16xi32>
      %shift_left3A_1091 = arith.constant 16 : i32
      %shift_left3A_1092 = vector.broadcast %shift_left3A_1091 : i32 to vector<16xi32>
      %shift_left3A_1093 = arith.shli %shift_right_arithmetic3A_1090, %shift_left3A_1092 : vector<16xi32>
      %bitcast3A_1094 = vector.bitcast %shift_left3A_1093 : vector<16xi32> to vector<16xf32>
      %shift_right_arithmetic3A_1095 = vector.broadcast %mul3A_1062 : i32 to vector<16xi32>
      %shift_right_arithmetic3A_1096 = arith.shrsi %get3A_1088, %shift_right_arithmetic3A_1095 : vector<16xi32>
      %shift_left3A_1097 = arith.constant 16 : i32
      %shift_left3A_1098 = vector.broadcast %shift_left3A_1097 : i32 to vector<16xi32>
      %shift_left3A_1099 = arith.shli %shift_right_arithmetic3A_1096, %shift_left3A_1098 : vector<16xi32>
      %bitcast3A_1100 = vector.bitcast %shift_left3A_1099 : vector<16xi32> to vector<16xf32>
      %mul3A_1101 = arith.mulf %bitcast3A_1094, %bitcast3A_1100 : vector<16xf32>
      %mul3A_1102 = arith.mulf %mul3A_1101, %get3A_21 : vector<16xf32>
      %add3A_1103 = arith.addf %mul3A_1082, %mul3A_1102 : vector<16xf32>
      %get3A_1104 = arith.index_cast %add3A_1050 : i32 to index
      %get3A_1105 = arith.constant 96 : index
      %get3A_1106 = tpu.vector_load %arg9[%get3A_1104, %get3A_1105] {strides = array<i32>} : memref<256x128xi32, #tpu.memory_space<vmem>>, vector<16xi32>,
      %get3A_1107 = arith.index_cast %add3A_1050 : i32 to index
      %get3A_1108 = arith.constant 96 : index
      %get3A_1109 = tpu.vector_load %arg10[%get3A_1107, %get3A_1108] {strides = array<i32>} : memref<256x128xi32, #tpu.memory_space<vmem>>, vector<16xi32>,
      %shift_right_arithmetic3A_1110 = vector.broadcast %mul3A_1056 : i32 to vector<16xi32>
      %shift_right_arithmetic3A_1111 = arith.shrsi %get3A_1106, %shift_right_arithmetic3A_1110 : vector<16xi32>
      %shift_left3A_1112 = arith.constant 16 : i32
      %shift_left3A_1113 = vector.broadcast %shift_left3A_1112 : i32 to vector<16xi32>
      %shift_left3A_1114 = arith.shli %shift_right_arithmetic3A_1111, %shift_left3A_1113 : vector<16xi32>
      %bitcast3A_1115 = vector.bitcast %shift_left3A_1114 : vector<16xi32> to vector<16xf32>
      %shift_right_arithmetic3A_1116 = vector.broadcast %mul3A_1062 : i32 to vector<16xi32>
      %shift_right_arithmetic3A_1117 = arith.shrsi %get3A_1109, %shift_right_arithmetic3A_1116 : vector<16xi32>
      %shift_left3A_1118 = arith.constant 16 : i32
      %shift_left3A_1119 = vector.broadcast %shift_left3A_1118 : i32 to vector<16xi32>
      %shift_left3A_1120 = arith.shli %shift_right_arithmetic3A_1117, %shift_left3A_1119 : vector<16xi32>
      %bitcast3A_1121 = vector.bitcast %shift_left3A_1120 : vector<16xi32> to vector<16xf32>
      %mul3A_1122 = arith.mulf %bitcast3A_1115, %bitcast3A_1121 : vector<16xf32>
      %mul3A_1123 = arith.mulf %mul3A_1122, %get3A_23 : vector<16xf32>
      %add3A_1124 = arith.addf %add3A_1103, %mul3A_1123 : vector<16xf32>
      %get3A_1125 = arith.index_cast %add3A_1050 : i32 to index
      %get3A_1126 = arith.constant 112 : index
      %get3A_1127 = tpu.vector_load %arg9[%get3A_1125, %get3A_1126] {strides = array<i32>} : memref<256x128xi32, #tpu.memory_space<vmem>>, vector<16xi32>,
      %get3A_1128 = arith.index_cast %add3A_1050 : i32 to index
      %get3A_1129 = arith.constant 112 : index
      %get3A_1130 = tpu.vector_load %arg10[%get3A_1128, %get3A_1129] {strides = array<i32>} : memref<256x128xi32, #tpu.memory_space<vmem>>, vector<16xi32>,
      %shift_right_arithmetic3A_1131 = vector.broadcast %mul3A_1056 : i32 to vector<16xi32>
      %shift_right_arithmetic3A_1132 = arith.shrsi %get3A_1127, %shift_right_arithmetic3A_1131 : vector<16xi32>
      %shift_left3A_1133 = arith.constant 16 : i32
      %shift_left3A_1134 = vector.broadcast %shift_left3A_1133 : i32 to vector<16xi32>
      %shift_left3A_1135 = arith.shli %shift_right_arithmetic3A_1132, %shift_left3A_1134 : vector<16xi32>
      %bitcast3A_1136 = vector.bitcast %shift_left3A_1135 : vector<16xi32> to vector<16xf32>
      %shift_right_arithmetic3A_1137 = vector.broadcast %mul3A_1062 : i32 to vector<16xi32>
      %shift_right_arithmetic3A_1138 = arith.shrsi %get3A_1130, %shift_right_arithmetic3A_1137 : vector<16xi32>
      %shift_left3A_1139 = arith.constant 16 : i32
      %shift_left3A_1140 = vector.broadcast %shift_left3A_1139 : i32 to vector<16xi32>
      %shift_left3A_1141 = arith.shli %shift_right_arithmetic3A_1138, %shift_left3A_1140 : vector<16xi32>
      %bitcast3A_1142 = vector.bitcast %shift_left3A_1141 : vector<16xi32> to vector<16xf32>
      %mul3A_1143 = arith.mulf %bitcast3A_1136, %bitcast3A_1142 : vector<16xf32>
      %mul3A_1144 = arith.mulf %mul3A_1143, %get3A_25 : vector<16xf32>
      %add3A_1145 = arith.addf %add3A_1124, %mul3A_1144 : vector<16xf32>
      %reduce_sum3A_1146 = arith.constant true
      %reduce_sum3A_1147 = vector.broadcast %reduce_sum3A_1146 : i1 to vector<16xi1>
      %reduce_sum3A_1148 = tpu.scan <sum>, %add3A_1145 masked %reduce_sum3A_1147 : vector<16xf32>, vector<16xi1> -> vector<16xf32>
      %reduce_sum3A_1149 = vector.extract %reduce_sum3A_1148[15] : f32 from vector<16xf32>
      %mul3A_1150 = vector.broadcast %reduce_sum3A_1149 : f32 to vector<16xf32>
      %mul3A_1151 = arith.mulf %mul3A_1150, %convert_element_type3A_73 : vector<16xf32>
      %add3A_1152 = arith.addf %add3A_1048, %mul3A_1151 : vector<16xf32>
      %add3A_1153 = arith.constant 5 : i32
      %add3A_1154 = arith.addi %mul3A_112, %add3A_1153 : i32
      %slice3A_1155 = vector.extract_strided_slice %get3A_117 {offsets = [10], sizes = [1], strides = [1]} : vector<16xi32> to vector<1xi32>
      %squeeze3A_1156 = vector.extract %slice3A_1155[0] : i32 from vector<1xi32>
      %and3A_1157 = arith.constant 1 : i32
      %and3A_1158 = arith.andi %squeeze3A_1156, %and3A_1157 : i32
      %mul3A_1159 = arith.constant 16 : i32
      %mul3A_1160 = arith.muli %and3A_1158, %mul3A_1159 : i32
      %slice3A_1161 = vector.extract_strided_slice %get3A_119 {offsets = [10], sizes = [1], strides = [1]} : vector<16xi32> to vector<1xi32>
      %squeeze3A_1162 = vector.extract %slice3A_1161[0] : i32 from vector<1xi32>
      %and3A_1163 = arith.constant 1 : i32
      %and3A_1164 = arith.andi %squeeze3A_1162, %and3A_1163 : i32
      %mul3A_1165 = arith.constant 16 : i32
      %mul3A_1166 = arith.muli %and3A_1164, %mul3A_1165 : i32
      %get3A_1167 = arith.index_cast %add3A_1154 : i32 to index
      %get3A_1168 = arith.constant 0 : index
      %get3A_1169 = tpu.vector_load %arg9[%get3A_1167, %get3A_1168] {strides = array<i32>} : memref<256x128xi32, #tpu.memory_space<vmem>>, vector<16xi32>,
      %get3A_1170 = arith.index_cast %add3A_1154 : i32 to index
      %get3A_1171 = arith.constant 0 : index
      %get3A_1172 = tpu.vector_load %arg10[%get3A_1170, %get3A_1171] {strides = array<i32>} : memref<256x128xi32, #tpu.memory_space<vmem>>, vector<16xi32>,
      %shift_right_arithmetic3A_1173 = vector.broadcast %mul3A_1160 : i32 to vector<16xi32>
      %shift_right_arithmetic3A_1174 = arith.shrsi %get3A_1169, %shift_right_arithmetic3A_1173 : vector<16xi32>
      %shift_left3A_1175 = arith.constant 16 : i32
      %shift_left3A_1176 = vector.broadcast %shift_left3A_1175 : i32 to vector<16xi32>
      %shift_left3A_1177 = arith.shli %shift_right_arithmetic3A_1174, %shift_left3A_1176 : vector<16xi32>
      %bitcast3A_1178 = vector.bitcast %shift_left3A_1177 : vector<16xi32> to vector<16xf32>
      %shift_right_arithmetic3A_1179 = vector.broadcast %mul3A_1166 : i32 to vector<16xi32>
      %shift_right_arithmetic3A_1180 = arith.shrsi %get3A_1172, %shift_right_arithmetic3A_1179 : vector<16xi32>
      %shift_left3A_1181 = arith.constant 16 : i32
      %shift_left3A_1182 = vector.broadcast %shift_left3A_1181 : i32 to vector<16xi32>
      %shift_left3A_1183 = arith.shli %shift_right_arithmetic3A_1180, %shift_left3A_1182 : vector<16xi32>
      %bitcast3A_1184 = vector.bitcast %shift_left3A_1183 : vector<16xi32> to vector<16xf32>
      %mul3A_1185 = arith.mulf %bitcast3A_1178, %bitcast3A_1184 : vector<16xf32>
      %mul3A_1186 = arith.mulf %mul3A_1185, %get3A_19 : vector<16xf32>
      %get3A_1187 = arith.index_cast %add3A_1154 : i32 to index
      %get3A_1188 = arith.constant 16 : index
      %get3A_1189 = tpu.vector_load %arg9[%get3A_1187, %get3A_1188] {strides = array<i32>} : memref<256x128xi32, #tpu.memory_space<vmem>>, vector<16xi32>,
      %get3A_1190 = arith.index_cast %add3A_1154 : i32 to index
      %get3A_1191 = arith.constant 16 : index
      %get3A_1192 = tpu.vector_load %arg10[%get3A_1190, %get3A_1191] {strides = array<i32>} : memref<256x128xi32, #tpu.memory_space<vmem>>, vector<16xi32>,
      %shift_right_arithmetic3A_1193 = vector.broadcast %mul3A_1160 : i32 to vector<16xi32>
      %shift_right_arithmetic3A_1194 = arith.shrsi %get3A_1189, %shift_right_arithmetic3A_1193 : vector<16xi32>
      %shift_left3A_1195 = arith.constant 16 : i32
      %shift_left3A_1196 = vector.broadcast %shift_left3A_1195 : i32 to vector<16xi32>
      %shift_left3A_1197 = arith.shli %shift_right_arithmetic3A_1194, %shift_left3A_1196 : vector<16xi32>
      %bitcast3A_1198 = vector.bitcast %shift_left3A_1197 : vector<16xi32> to vector<16xf32>
      %shift_right_arithmetic3A_1199 = vector.broadcast %mul3A_1166 : i32 to vector<16xi32>
      %shift_right_arithmetic3A_1200 = arith.shrsi %get3A_1192, %shift_right_arithmetic3A_1199 : vector<16xi32>
      %shift_left3A_1201 = arith.constant 16 : i32
      %shift_left3A_1202 = vector.broadcast %shift_left3A_1201 : i32 to vector<16xi32>
      %shift_left3A_1203 = arith.shli %shift_right_arithmetic3A_1200, %shift_left3A_1202 : vector<16xi32>
      %bitcast3A_1204 = vector.bitcast %shift_left3A_1203 : vector<16xi32> to vector<16xf32>
      %mul3A_1205 = arith.mulf %bitcast3A_1198, %bitcast3A_1204 : vector<16xf32>
      %mul3A_1206 = arith.mulf %mul3A_1205, %get3A_21 : vector<16xf32>
      %add3A_1207 = arith.addf %mul3A_1186, %mul3A_1206 : vector<16xf32>
      %get3A_1208 = arith.index_cast %add3A_1154 : i32 to index
      %get3A_1209 = arith.constant 32 : index
      %get3A_1210 = tpu.vector_load %arg9[%get3A_1208, %get3A_1209] {strides = array<i32>} : memref<256x128xi32, #tpu.memory_space<vmem>>, vector<16xi32>,
      %get3A_1211 = arith.index_cast %add3A_1154 : i32 to index
      %get3A_1212 = arith.constant 32 : index
      %get3A_1213 = tpu.vector_load %arg10[%get3A_1211, %get3A_1212] {strides = array<i32>} : memref<256x128xi32, #tpu.memory_space<vmem>>, vector<16xi32>,
      %shift_right_arithmetic3A_1214 = vector.broadcast %mul3A_1160 : i32 to vector<16xi32>
      %shift_right_arithmetic3A_1215 = arith.shrsi %get3A_1210, %shift_right_arithmetic3A_1214 : vector<16xi32>
      %shift_left3A_1216 = arith.constant 16 : i32
      %shift_left3A_1217 = vector.broadcast %shift_left3A_1216 : i32 to vector<16xi32>
      %shift_left3A_1218 = arith.shli %shift_right_arithmetic3A_1215, %shift_left3A_1217 : vector<16xi32>
      %bitcast3A_1219 = vector.bitcast %shift_left3A_1218 : vector<16xi32> to vector<16xf32>
      %shift_right_arithmetic3A_1220 = vector.broadcast %mul3A_1166 : i32 to vector<16xi32>
      %shift_right_arithmetic3A_1221 = arith.shrsi %get3A_1213, %shift_right_arithmetic3A_1220 : vector<16xi32>
      %shift_left3A_1222 = arith.constant 16 : i32
      %shift_left3A_1223 = vector.broadcast %shift_left3A_1222 : i32 to vector<16xi32>
      %shift_left3A_1224 = arith.shli %shift_right_arithmetic3A_1221, %shift_left3A_1223 : vector<16xi32>
      %bitcast3A_1225 = vector.bitcast %shift_left3A_1224 : vector<16xi32> to vector<16xf32>
      %mul3A_1226 = arith.mulf %bitcast3A_1219, %bitcast3A_1225 : vector<16xf32>
      %mul3A_1227 = arith.mulf %mul3A_1226, %get3A_23 : vector<16xf32>
      %add3A_1228 = arith.addf %add3A_1207, %mul3A_1227 : vector<16xf32>
      %get3A_1229 = arith.index_cast %add3A_1154 : i32 to index
      %get3A_1230 = arith.constant 48 : index
      %get3A_1231 = tpu.vector_load %arg9[%get3A_1229, %get3A_1230] {strides = array<i32>} : memref<256x128xi32, #tpu.memory_space<vmem>>, vector<16xi32>,
      %get3A_1232 = arith.index_cast %add3A_1154 : i32 to index
      %get3A_1233 = arith.constant 48 : index
      %get3A_1234 = tpu.vector_load %arg10[%get3A_1232, %get3A_1233] {strides = array<i32>} : memref<256x128xi32, #tpu.memory_space<vmem>>, vector<16xi32>,
      %shift_right_arithmetic3A_1235 = vector.broadcast %mul3A_1160 : i32 to vector<16xi32>
      %shift_right_arithmetic3A_1236 = arith.shrsi %get3A_1231, %shift_right_arithmetic3A_1235 : vector<16xi32>
      %shift_left3A_1237 = arith.constant 16 : i32
      %shift_left3A_1238 = vector.broadcast %shift_left3A_1237 : i32 to vector<16xi32>
      %shift_left3A_1239 = arith.shli %shift_right_arithmetic3A_1236, %shift_left3A_1238 : vector<16xi32>
      %bitcast3A_1240 = vector.bitcast %shift_left3A_1239 : vector<16xi32> to vector<16xf32>
      %shift_right_arithmetic3A_1241 = vector.broadcast %mul3A_1166 : i32 to vector<16xi32>
      %shift_right_arithmetic3A_1242 = arith.shrsi %get3A_1234, %shift_right_arithmetic3A_1241 : vector<16xi32>
      %shift_left3A_1243 = arith.constant 16 : i32
      %shift_left3A_1244 = vector.broadcast %shift_left3A_1243 : i32 to vector<16xi32>
      %shift_left3A_1245 = arith.shli %shift_right_arithmetic3A_1242, %shift_left3A_1244 : vector<16xi32>
      %bitcast3A_1246 = vector.bitcast %shift_left3A_1245 : vector<16xi32> to vector<16xf32>
      %mul3A_1247 = arith.mulf %bitcast3A_1240, %bitcast3A_1246 : vector<16xf32>
      %mul3A_1248 = arith.mulf %mul3A_1247, %get3A_25 : vector<16xf32>
      %add3A_1249 = arith.addf %add3A_1228, %mul3A_1248 : vector<16xf32>
      %reduce_sum3A_1250 = arith.constant true
      %reduce_sum3A_1251 = vector.broadcast %reduce_sum3A_1250 : i1 to vector<16xi1>
      %reduce_sum3A_1252 = tpu.scan <sum>, %add3A_1249 masked %reduce_sum3A_1251 : vector<16xf32>, vector<16xi1> -> vector<16xf32>
      %reduce_sum3A_1253 = vector.extract %reduce_sum3A_1252[15] : f32 from vector<16xf32>
      %mul3A_1254 = vector.broadcast %reduce_sum3A_1253 : f32 to vector<16xf32>
      %mul3A_1255 = arith.mulf %mul3A_1254, %convert_element_type3A_78 : vector<16xf32>
      %add3A_1256 = arith.addf %add3A_1152, %mul3A_1255 : vector<16xf32>
      %add3A_1257 = arith.constant 5 : i32
      %add3A_1258 = arith.addi %mul3A_112, %add3A_1257 : i32
      %slice3A_1259 = vector.extract_strided_slice %get3A_117 {offsets = [11], sizes = [1], strides = [1]} : vector<16xi32> to vector<1xi32>
      %squeeze3A_1260 = vector.extract %slice3A_1259[0] : i32 from vector<1xi32>
      %and3A_1261 = arith.constant 1 : i32
      %and3A_1262 = arith.andi %squeeze3A_1260, %and3A_1261 : i32
      %mul3A_1263 = arith.constant 16 : i32
      %mul3A_1264 = arith.muli %and3A_1262, %mul3A_1263 : i32
      %slice3A_1265 = vector.extract_strided_slice %get3A_119 {offsets = [11], sizes = [1], strides = [1]} : vector<16xi32> to vector<1xi32>
      %squeeze3A_1266 = vector.extract %slice3A_1265[0] : i32 from vector<1xi32>
      %and3A_1267 = arith.constant 1 : i32
      %and3A_1268 = arith.andi %squeeze3A_1266, %and3A_1267 : i32
      %mul3A_1269 = arith.constant 16 : i32
      %mul3A_1270 = arith.muli %and3A_1268, %mul3A_1269 : i32
      %get3A_1271 = arith.index_cast %add3A_1258 : i32 to index
      %get3A_1272 = arith.constant 64 : index
      %get3A_1273 = tpu.vector_load %arg9[%get3A_1271, %get3A_1272] {strides = array<i32>} : memref<256x128xi32, #tpu.memory_space<vmem>>, vector<16xi32>,
      %get3A_1274 = arith.index_cast %add3A_1258 : i32 to index
      %get3A_1275 = arith.constant 64 : index
      %get3A_1276 = tpu.vector_load %arg10[%get3A_1274, %get3A_1275] {strides = array<i32>} : memref<256x128xi32, #tpu.memory_space<vmem>>, vector<16xi32>,
      %shift_right_arithmetic3A_1277 = vector.broadcast %mul3A_1264 : i32 to vector<16xi32>
      %shift_right_arithmetic3A_1278 = arith.shrsi %get3A_1273, %shift_right_arithmetic3A_1277 : vector<16xi32>
      %shift_left3A_1279 = arith.constant 16 : i32
      %shift_left3A_1280 = vector.broadcast %shift_left3A_1279 : i32 to vector<16xi32>
      %shift_left3A_1281 = arith.shli %shift_right_arithmetic3A_1278, %shift_left3A_1280 : vector<16xi32>
      %bitcast3A_1282 = vector.bitcast %shift_left3A_1281 : vector<16xi32> to vector<16xf32>
      %shift_right_arithmetic3A_1283 = vector.broadcast %mul3A_1270 : i32 to vector<16xi32>
      %shift_right_arithmetic3A_1284 = arith.shrsi %get3A_1276, %shift_right_arithmetic3A_1283 : vector<16xi32>
      %shift_left3A_1285 = arith.constant 16 : i32
      %shift_left3A_1286 = vector.broadcast %shift_left3A_1285 : i32 to vector<16xi32>
      %shift_left3A_1287 = arith.shli %shift_right_arithmetic3A_1284, %shift_left3A_1286 : vector<16xi32>
      %bitcast3A_1288 = vector.bitcast %shift_left3A_1287 : vector<16xi32> to vector<16xf32>
      %mul3A_1289 = arith.mulf %bitcast3A_1282, %bitcast3A_1288 : vector<16xf32>
      %mul3A_1290 = arith.mulf %mul3A_1289, %get3A_19 : vector<16xf32>
      %get3A_1291 = arith.index_cast %add3A_1258 : i32 to index
      %get3A_1292 = arith.constant 80 : index
      %get3A_1293 = tpu.vector_load %arg9[%get3A_1291, %get3A_1292] {strides = array<i32>} : memref<256x128xi32, #tpu.memory_space<vmem>>, vector<16xi32>,
      %get3A_1294 = arith.index_cast %add3A_1258 : i32 to index
      %get3A_1295 = arith.constant 80 : index
      %get3A_1296 = tpu.vector_load %arg10[%get3A_1294, %get3A_1295] {strides = array<i32>} : memref<256x128xi32, #tpu.memory_space<vmem>>, vector<16xi32>,
      %shift_right_arithmetic3A_1297 = vector.broadcast %mul3A_1264 : i32 to vector<16xi32>
      %shift_right_arithmetic3A_1298 = arith.shrsi %get3A_1293, %shift_right_arithmetic3A_1297 : vector<16xi32>
      %shift_left3A_1299 = arith.constant 16 : i32
      %shift_left3A_1300 = vector.broadcast %shift_left3A_1299 : i32 to vector<16xi32>
      %shift_left3A_1301 = arith.shli %shift_right_arithmetic3A_1298, %shift_left3A_1300 : vector<16xi32>
      %bitcast3A_1302 = vector.bitcast %shift_left3A_1301 : vector<16xi32> to vector<16xf32>
      %shift_right_arithmetic3A_1303 = vector.broadcast %mul3A_1270 : i32 to vector<16xi32>
      %shift_right_arithmetic3A_1304 = arith.shrsi %get3A_1296, %shift_right_arithmetic3A_1303 : vector<16xi32>
      %shift_left3A_1305 = arith.constant 16 : i32
      %shift_left3A_1306 = vector.broadcast %shift_left3A_1305 : i32 to vector<16xi32>
      %shift_left3A_1307 = arith.shli %shift_right_arithmetic3A_1304, %shift_left3A_1306 : vector<16xi32>
      %bitcast3A_1308 = vector.bitcast %shift_left3A_1307 : vector<16xi32> to vector<16xf32>
      %mul3A_1309 = arith.mulf %bitcast3A_1302, %bitcast3A_1308 : vector<16xf32>
      %mul3A_1310 = arith.mulf %mul3A_1309, %get3A_21 : vector<16xf32>
      %add3A_1311 = arith.addf %mul3A_1290, %mul3A_1310 : vector<16xf32>
      %get3A_1312 = arith.index_cast %add3A_1258 : i32 to index
      %get3A_1313 = arith.constant 96 : index
      %get3A_1314 = tpu.vector_load %arg9[%get3A_1312, %get3A_1313] {strides = array<i32>} : memref<256x128xi32, #tpu.memory_space<vmem>>, vector<16xi32>,
      %get3A_1315 = arith.index_cast %add3A_1258 : i32 to index
      %get3A_1316 = arith.constant 96 : index
      %get3A_1317 = tpu.vector_load %arg10[%get3A_1315, %get3A_1316] {strides = array<i32>} : memref<256x128xi32, #tpu.memory_space<vmem>>, vector<16xi32>,
      %shift_right_arithmetic3A_1318 = vector.broadcast %mul3A_1264 : i32 to vector<16xi32>
      %shift_right_arithmetic3A_1319 = arith.shrsi %get3A_1314, %shift_right_arithmetic3A_1318 : vector<16xi32>
      %shift_left3A_1320 = arith.constant 16 : i32
      %shift_left3A_1321 = vector.broadcast %shift_left3A_1320 : i32 to vector<16xi32>
      %shift_left3A_1322 = arith.shli %shift_right_arithmetic3A_1319, %shift_left3A_1321 : vector<16xi32>
      %bitcast3A_1323 = vector.bitcast %shift_left3A_1322 : vector<16xi32> to vector<16xf32>
      %shift_right_arithmetic3A_1324 = vector.broadcast %mul3A_1270 : i32 to vector<16xi32>
      %shift_right_arithmetic3A_1325 = arith.shrsi %get3A_1317, %shift_right_arithmetic3A_1324 : vector<16xi32>
      %shift_left3A_1326 = arith.constant 16 : i32
      %shift_left3A_1327 = vector.broadcast %shift_left3A_1326 : i32 to vector<16xi32>
      %shift_left3A_1328 = arith.shli %shift_right_arithmetic3A_1325, %shift_left3A_1327 : vector<16xi32>
      %bitcast3A_1329 = vector.bitcast %shift_left3A_1328 : vector<16xi32> to vector<16xf32>
      %mul3A_1330 = arith.mulf %bitcast3A_1323, %bitcast3A_1329 : vector<16xf32>
      %mul3A_1331 = arith.mulf %mul3A_1330, %get3A_23 : vector<16xf32>
      %add3A_1332 = arith.addf %add3A_1311, %mul3A_1331 : vector<16xf32>
      %get3A_1333 = arith.index_cast %add3A_1258 : i32 to index
      %get3A_1334 = arith.constant 112 : index
      %get3A_1335 = tpu.vector_load %arg9[%get3A_1333, %get3A_1334] {strides = array<i32>} : memref<256x128xi32, #tpu.memory_space<vmem>>, vector<16xi32>,
      %get3A_1336 = arith.index_cast %add3A_1258 : i32 to index
      %get3A_1337 = arith.constant 112 : index
      %get3A_1338 = tpu.vector_load %arg10[%get3A_1336, %get3A_1337] {strides = array<i32>} : memref<256x128xi32, #tpu.memory_space<vmem>>, vector<16xi32>,
      %shift_right_arithmetic3A_1339 = vector.broadcast %mul3A_1264 : i32 to vector<16xi32>
      %shift_right_arithmetic3A_1340 = arith.shrsi %get3A_1335, %shift_right_arithmetic3A_1339 : vector<16xi32>
      %shift_left3A_1341 = arith.constant 16 : i32
      %shift_left3A_1342 = vector.broadcast %shift_left3A_1341 : i32 to vector<16xi32>
      %shift_left3A_1343 = arith.shli %shift_right_arithmetic3A_1340, %shift_left3A_1342 : vector<16xi32>
      %bitcast3A_1344 = vector.bitcast %shift_left3A_1343 : vector<16xi32> to vector<16xf32>
      %shift_right_arithmetic3A_1345 = vector.broadcast %mul3A_1270 : i32 to vector<16xi32>
      %shift_right_arithmetic3A_1346 = arith.shrsi %get3A_1338, %shift_right_arithmetic3A_1345 : vector<16xi32>
      %shift_left3A_1347 = arith.constant 16 : i32
      %shift_left3A_1348 = vector.broadcast %shift_left3A_1347 : i32 to vector<16xi32>
      %shift_left3A_1349 = arith.shli %shift_right_arithmetic3A_1346, %shift_left3A_1348 : vector<16xi32>
      %bitcast3A_1350 = vector.bitcast %shift_left3A_1349 : vector<16xi32> to vector<16xf32>
      %mul3A_1351 = arith.mulf %bitcast3A_1344, %bitcast3A_1350 : vector<16xf32>
      %mul3A_1352 = arith.mulf %mul3A_1351, %get3A_25 : vector<16xf32>
      %add3A_1353 = arith.addf %add3A_1332, %mul3A_1352 : vector<16xf32>
      %reduce_sum3A_1354 = arith.constant true
      %reduce_sum3A_1355 = vector.broadcast %reduce_sum3A_1354 : i1 to vector<16xi1>
      %reduce_sum3A_1356 = tpu.scan <sum>, %add3A_1353 masked %reduce_sum3A_1355 : vector<16xf32>, vector<16xi1> -> vector<16xf32>
      %reduce_sum3A_1357 = vector.extract %reduce_sum3A_1356[15] : f32 from vector<16xf32>
      %mul3A_1358 = vector.broadcast %reduce_sum3A_1357 : f32 to vector<16xf32>
      %mul3A_1359 = arith.mulf %mul3A_1358, %convert_element_type3A_83 : vector<16xf32>
      %add3A_1360 = arith.addf %add3A_1256, %mul3A_1359 : vector<16xf32>
      %add3A_1361 = arith.constant 6 : i32
      %add3A_1362 = arith.addi %mul3A_112, %add3A_1361 : i32
      %slice3A_1363 = vector.extract_strided_slice %get3A_117 {offsets = [12], sizes = [1], strides = [1]} : vector<16xi32> to vector<1xi32>
      %squeeze3A_1364 = vector.extract %slice3A_1363[0] : i32 from vector<1xi32>
      %and3A_1365 = arith.constant 1 : i32
      %and3A_1366 = arith.andi %squeeze3A_1364, %and3A_1365 : i32
      %mul3A_1367 = arith.constant 16 : i32
      %mul3A_1368 = arith.muli %and3A_1366, %mul3A_1367 : i32
      %slice3A_1369 = vector.extract_strided_slice %get3A_119 {offsets = [12], sizes = [1], strides = [1]} : vector<16xi32> to vector<1xi32>
      %squeeze3A_1370 = vector.extract %slice3A_1369[0] : i32 from vector<1xi32>
      %and3A_1371 = arith.constant 1 : i32
      %and3A_1372 = arith.andi %squeeze3A_1370, %and3A_1371 : i32
      %mul3A_1373 = arith.constant 16 : i32
      %mul3A_1374 = arith.muli %and3A_1372, %mul3A_1373 : i32
      %get3A_1375 = arith.index_cast %add3A_1362 : i32 to index
      %get3A_1376 = arith.constant 0 : index
      %get3A_1377 = tpu.vector_load %arg9[%get3A_1375, %get3A_1376] {strides = array<i32>} : memref<256x128xi32, #tpu.memory_space<vmem>>, vector<16xi32>,
      %get3A_1378 = arith.index_cast %add3A_1362 : i32 to index
      %get3A_1379 = arith.constant 0 : index
      %get3A_1380 = tpu.vector_load %arg10[%get3A_1378, %get3A_1379] {strides = array<i32>} : memref<256x128xi32, #tpu.memory_space<vmem>>, vector<16xi32>,
      %shift_right_arithmetic3A_1381 = vector.broadcast %mul3A_1368 : i32 to vector<16xi32>
      %shift_right_arithmetic3A_1382 = arith.shrsi %get3A_1377, %shift_right_arithmetic3A_1381 : vector<16xi32>
      %shift_left3A_1383 = arith.constant 16 : i32
      %shift_left3A_1384 = vector.broadcast %shift_left3A_1383 : i32 to vector<16xi32>
      %shift_left3A_1385 = arith.shli %shift_right_arithmetic3A_1382, %shift_left3A_1384 : vector<16xi32>
      %bitcast3A_1386 = vector.bitcast %shift_left3A_1385 : vector<16xi32> to vector<16xf32>
      %shift_right_arithmetic3A_1387 = vector.broadcast %mul3A_1374 : i32 to vector<16xi32>
      %shift_right_arithmetic3A_1388 = arith.shrsi %get3A_1380, %shift_right_arithmetic3A_1387 : vector<16xi32>
      %shift_left3A_1389 = arith.constant 16 : i32
      %shift_left3A_1390 = vector.broadcast %shift_left3A_1389 : i32 to vector<16xi32>
      %shift_left3A_1391 = arith.shli %shift_right_arithmetic3A_1388, %shift_left3A_1390 : vector<16xi32>
      %bitcast3A_1392 = vector.bitcast %shift_left3A_1391 : vector<16xi32> to vector<16xf32>
      %mul3A_1393 = arith.mulf %bitcast3A_1386, %bitcast3A_1392 : vector<16xf32>
      %mul3A_1394 = arith.mulf %mul3A_1393, %get3A_19 : vector<16xf32>
      %get3A_1395 = arith.index_cast %add3A_1362 : i32 to index
      %get3A_1396 = arith.constant 16 : index
      %get3A_1397 = tpu.vector_load %arg9[%get3A_1395, %get3A_1396] {strides = array<i32>} : memref<256x128xi32, #tpu.memory_space<vmem>>, vector<16xi32>,
      %get3A_1398 = arith.index_cast %add3A_1362 : i32 to index
      %get3A_1399 = arith.constant 16 : index
      %get3A_1400 = tpu.vector_load %arg10[%get3A_1398, %get3A_1399] {strides = array<i32>} : memref<256x128xi32, #tpu.memory_space<vmem>>, vector<16xi32>,
      %shift_right_arithmetic3A_1401 = vector.broadcast %mul3A_1368 : i32 to vector<16xi32>
      %shift_right_arithmetic3A_1402 = arith.shrsi %get3A_1397, %shift_right_arithmetic3A_1401 : vector<16xi32>
      %shift_left3A_1403 = arith.constant 16 : i32
      %shift_left3A_1404 = vector.broadcast %shift_left3A_1403 : i32 to vector<16xi32>
      %shift_left3A_1405 = arith.shli %shift_right_arithmetic3A_1402, %shift_left3A_1404 : vector<16xi32>
      %bitcast3A_1406 = vector.bitcast %shift_left3A_1405 : vector<16xi32> to vector<16xf32>
      %shift_right_arithmetic3A_1407 = vector.broadcast %mul3A_1374 : i32 to vector<16xi32>
      %shift_right_arithmetic3A_1408 = arith.shrsi %get3A_1400, %shift_right_arithmetic3A_1407 : vector<16xi32>
      %shift_left3A_1409 = arith.constant 16 : i32
      %shift_left3A_1410 = vector.broadcast %shift_left3A_1409 : i32 to vector<16xi32>
      %shift_left3A_1411 = arith.shli %shift_right_arithmetic3A_1408, %shift_left3A_1410 : vector<16xi32>
      %bitcast3A_1412 = vector.bitcast %shift_left3A_1411 : vector<16xi32> to vector<16xf32>
      %mul3A_1413 = arith.mulf %bitcast3A_1406, %bitcast3A_1412 : vector<16xf32>
      %mul3A_1414 = arith.mulf %mul3A_1413, %get3A_21 : vector<16xf32>
      %add3A_1415 = arith.addf %mul3A_1394, %mul3A_1414 : vector<16xf32>
      %get3A_1416 = arith.index_cast %add3A_1362 : i32 to index
      %get3A_1417 = arith.constant 32 : index
      %get3A_1418 = tpu.vector_load %arg9[%get3A_1416, %get3A_1417] {strides = array<i32>} : memref<256x128xi32, #tpu.memory_space<vmem>>, vector<16xi32>,
      %get3A_1419 = arith.index_cast %add3A_1362 : i32 to index
      %get3A_1420 = arith.constant 32 : index
      %get3A_1421 = tpu.vector_load %arg10[%get3A_1419, %get3A_1420] {strides = array<i32>} : memref<256x128xi32, #tpu.memory_space<vmem>>, vector<16xi32>,
      %shift_right_arithmetic3A_1422 = vector.broadcast %mul3A_1368 : i32 to vector<16xi32>
      %shift_right_arithmetic3A_1423 = arith.shrsi %get3A_1418, %shift_right_arithmetic3A_1422 : vector<16xi32>
      %shift_left3A_1424 = arith.constant 16 : i32
      %shift_left3A_1425 = vector.broadcast %shift_left3A_1424 : i32 to vector<16xi32>
      %shift_left3A_1426 = arith.shli %shift_right_arithmetic3A_1423, %shift_left3A_1425 : vector<16xi32>
      %bitcast3A_1427 = vector.bitcast %shift_left3A_1426 : vector<16xi32> to vector<16xf32>
      %shift_right_arithmetic3A_1428 = vector.broadcast %mul3A_1374 : i32 to vector<16xi32>
      %shift_right_arithmetic3A_1429 = arith.shrsi %get3A_1421, %shift_right_arithmetic3A_1428 : vector<16xi32>
      %shift_left3A_1430 = arith.constant 16 : i32
      %shift_left3A_1431 = vector.broadcast %shift_left3A_1430 : i32 to vector<16xi32>
      %shift_left3A_1432 = arith.shli %shift_right_arithmetic3A_1429, %shift_left3A_1431 : vector<16xi32>
      %bitcast3A_1433 = vector.bitcast %shift_left3A_1432 : vector<16xi32> to vector<16xf32>
      %mul3A_1434 = arith.mulf %bitcast3A_1427, %bitcast3A_1433 : vector<16xf32>
      %mul3A_1435 = arith.mulf %mul3A_1434, %get3A_23 : vector<16xf32>
      %add3A_1436 = arith.addf %add3A_1415, %mul3A_1435 : vector<16xf32>
      %get3A_1437 = arith.index_cast %add3A_1362 : i32 to index
      %get3A_1438 = arith.constant 48 : index
      %get3A_1439 = tpu.vector_load %arg9[%get3A_1437, %get3A_1438] {strides = array<i32>} : memref<256x128xi32, #tpu.memory_space<vmem>>, vector<16xi32>,
      %get3A_1440 = arith.index_cast %add3A_1362 : i32 to index
      %get3A_1441 = arith.constant 48 : index
      %get3A_1442 = tpu.vector_load %arg10[%get3A_1440, %get3A_1441] {strides = array<i32>} : memref<256x128xi32, #tpu.memory_space<vmem>>, vector<16xi32>,
      %shift_right_arithmetic3A_1443 = vector.broadcast %mul3A_1368 : i32 to vector<16xi32>
      %shift_right_arithmetic3A_1444 = arith.shrsi %get3A_1439, %shift_right_arithmetic3A_1443 : vector<16xi32>
      %shift_left3A_1445 = arith.constant 16 : i32
      %shift_left3A_1446 = vector.broadcast %shift_left3A_1445 : i32 to vector<16xi32>
      %shift_left3A_1447 = arith.shli %shift_right_arithmetic3A_1444, %shift_left3A_1446 : vector<16xi32>
      %bitcast3A_1448 = vector.bitcast %shift_left3A_1447 : vector<16xi32> to vector<16xf32>
      %shift_right_arithmetic3A_1449 = vector.broadcast %mul3A_1374 : i32 to vector<16xi32>
      %shift_right_arithmetic3A_1450 = arith.shrsi %get3A_1442, %shift_right_arithmetic3A_1449 : vector<16xi32>
      %shift_left3A_1451 = arith.constant 16 : i32
      %shift_left3A_1452 = vector.broadcast %shift_left3A_1451 : i32 to vector<16xi32>
      %shift_left3A_1453 = arith.shli %shift_right_arithmetic3A_1450, %shift_left3A_1452 : vector<16xi32>
      %bitcast3A_1454 = vector.bitcast %shift_left3A_1453 : vector<16xi32> to vector<16xf32>
      %mul3A_1455 = arith.mulf %bitcast3A_1448, %bitcast3A_1454 : vector<16xf32>
      %mul3A_1456 = arith.mulf %mul3A_1455, %get3A_25 : vector<16xf32>
      %add3A_1457 = arith.addf %add3A_1436, %mul3A_1456 : vector<16xf32>
      %reduce_sum3A_1458 = arith.constant true
      %reduce_sum3A_1459 = vector.broadcast %reduce_sum3A_1458 : i1 to vector<16xi1>
      %reduce_sum3A_1460 = tpu.scan <sum>, %add3A_1457 masked %reduce_sum3A_1459 : vector<16xf32>, vector<16xi1> -> vector<16xf32>
      %reduce_sum3A_1461 = vector.extract %reduce_sum3A_1460[15] : f32 from vector<16xf32>
      %mul3A_1462 = vector.broadcast %reduce_sum3A_1461 : f32 to vector<16xf32>
      %mul3A_1463 = arith.mulf %mul3A_1462, %convert_element_type3A_88 : vector<16xf32>
      %add3A_1464 = arith.addf %add3A_1360, %mul3A_1463 : vector<16xf32>
      %add3A_1465 = arith.constant 6 : i32
      %add3A_1466 = arith.addi %mul3A_112, %add3A_1465 : i32
      %slice3A_1467 = vector.extract_strided_slice %get3A_117 {offsets = [13], sizes = [1], strides = [1]} : vector<16xi32> to vector<1xi32>
      %squeeze3A_1468 = vector.extract %slice3A_1467[0] : i32 from vector<1xi32>
      %and3A_1469 = arith.constant 1 : i32
      %and3A_1470 = arith.andi %squeeze3A_1468, %and3A_1469 : i32
      %mul3A_1471 = arith.constant 16 : i32
      %mul3A_1472 = arith.muli %and3A_1470, %mul3A_1471 : i32
      %slice3A_1473 = vector.extract_strided_slice %get3A_119 {offsets = [13], sizes = [1], strides = [1]} : vector<16xi32> to vector<1xi32>
      %squeeze3A_1474 = vector.extract %slice3A_1473[0] : i32 from vector<1xi32>
      %and3A_1475 = arith.constant 1 : i32
      %and3A_1476 = arith.andi %squeeze3A_1474, %and3A_1475 : i32
      %mul3A_1477 = arith.constant 16 : i32
      %mul3A_1478 = arith.muli %and3A_1476, %mul3A_1477 : i32
      %get3A_1479 = arith.index_cast %add3A_1466 : i32 to index
      %get3A_1480 = arith.constant 64 : index
      %get3A_1481 = tpu.vector_load %arg9[%get3A_1479, %get3A_1480] {strides = array<i32>} : memref<256x128xi32, #tpu.memory_space<vmem>>, vector<16xi32>,
      %get3A_1482 = arith.index_cast %add3A_1466 : i32 to index
      %get3A_1483 = arith.constant 64 : index
      %get3A_1484 = tpu.vector_load %arg10[%get3A_1482, %get3A_1483] {strides = array<i32>} : memref<256x128xi32, #tpu.memory_space<vmem>>, vector<16xi32>,
      %shift_right_arithmetic3A_1485 = vector.broadcast %mul3A_1472 : i32 to vector<16xi32>
      %shift_right_arithmetic3A_1486 = arith.shrsi %get3A_1481, %shift_right_arithmetic3A_1485 : vector<16xi32>
      %shift_left3A_1487 = arith.constant 16 : i32
      %shift_left3A_1488 = vector.broadcast %shift_left3A_1487 : i32 to vector<16xi32>
      %shift_left3A_1489 = arith.shli %shift_right_arithmetic3A_1486, %shift_left3A_1488 : vector<16xi32>
      %bitcast3A_1490 = vector.bitcast %shift_left3A_1489 : vector<16xi32> to vector<16xf32>
      %shift_right_arithmetic3A_1491 = vector.broadcast %mul3A_1478 : i32 to vector<16xi32>
      %shift_right_arithmetic3A_1492 = arith.shrsi %get3A_1484, %shift_right_arithmetic3A_1491 : vector<16xi32>
      %shift_left3A_1493 = arith.constant 16 : i32
      %shift_left3A_1494 = vector.broadcast %shift_left3A_1493 : i32 to vector<16xi32>
      %shift_left3A_1495 = arith.shli %shift_right_arithmetic3A_1492, %shift_left3A_1494 : vector<16xi32>
      %bitcast3A_1496 = vector.bitcast %shift_left3A_1495 : vector<16xi32> to vector<16xf32>
      %mul3A_1497 = arith.mulf %bitcast3A_1490, %bitcast3A_1496 : vector<16xf32>
      %mul3A_1498 = arith.mulf %mul3A_1497, %get3A_19 : vector<16xf32>
      %get3A_1499 = arith.index_cast %add3A_1466 : i32 to index
      %get3A_1500 = arith.constant 80 : index
      %get3A_1501 = tpu.vector_load %arg9[%get3A_1499, %get3A_1500] {strides = array<i32>} : memref<256x128xi32, #tpu.memory_space<vmem>>, vector<16xi32>,
      %get3A_1502 = arith.index_cast %add3A_1466 : i32 to index
      %get3A_1503 = arith.constant 80 : index
      %get3A_1504 = tpu.vector_load %arg10[%get3A_1502, %get3A_1503] {strides = array<i32>} : memref<256x128xi32, #tpu.memory_space<vmem>>, vector<16xi32>,
      %shift_right_arithmetic3A_1505 = vector.broadcast %mul3A_1472 : i32 to vector<16xi32>
      %shift_right_arithmetic3A_1506 = arith.shrsi %get3A_1501, %shift_right_arithmetic3A_1505 : vector<16xi32>
      %shift_left3A_1507 = arith.constant 16 : i32
      %shift_left3A_1508 = vector.broadcast %shift_left3A_1507 : i32 to vector<16xi32>
      %shift_left3A_1509 = arith.shli %shift_right_arithmetic3A_1506, %shift_left3A_1508 : vector<16xi32>
      %bitcast3A_1510 = vector.bitcast %shift_left3A_1509 : vector<16xi32> to vector<16xf32>
      %shift_right_arithmetic3A_1511 = vector.broadcast %mul3A_1478 : i32 to vector<16xi32>
      %shift_right_arithmetic3A_1512 = arith.shrsi %get3A_1504, %shift_right_arithmetic3A_1511 : vector<16xi32>
      %shift_left3A_1513 = arith.constant 16 : i32
      %shift_left3A_1514 = vector.broadcast %shift_left3A_1513 : i32 to vector<16xi32>
      %shift_left3A_1515 = arith.shli %shift_right_arithmetic3A_1512, %shift_left3A_1514 : vector<16xi32>
      %bitcast3A_1516 = vector.bitcast %shift_left3A_1515 : vector<16xi32> to vector<16xf32>
      %mul3A_1517 = arith.mulf %bitcast3A_1510, %bitcast3A_1516 : vector<16xf32>
      %mul3A_1518 = arith.mulf %mul3A_1517, %get3A_21 : vector<16xf32>
      %add3A_1519 = arith.addf %mul3A_1498, %mul3A_1518 : vector<16xf32>
      %get3A_1520 = arith.index_cast %add3A_1466 : i32 to index
      %get3A_1521 = arith.constant 96 : index
      %get3A_1522 = tpu.vector_load %arg9[%get3A_1520, %get3A_1521] {strides = array<i32>} : memref<256x128xi32, #tpu.memory_space<vmem>>, vector<16xi32>,
      %get3A_1523 = arith.index_cast %add3A_1466 : i32 to index
      %get3A_1524 = arith.constant 96 : index
      %get3A_1525 = tpu.vector_load %arg10[%get3A_1523, %get3A_1524] {strides = array<i32>} : memref<256x128xi32, #tpu.memory_space<vmem>>, vector<16xi32>,
      %shift_right_arithmetic3A_1526 = vector.broadcast %mul3A_1472 : i32 to vector<16xi32>
      %shift_right_arithmetic3A_1527 = arith.shrsi %get3A_1522, %shift_right_arithmetic3A_1526 : vector<16xi32>
      %shift_left3A_1528 = arith.constant 16 : i32
      %shift_left3A_1529 = vector.broadcast %shift_left3A_1528 : i32 to vector<16xi32>
      %shift_left3A_1530 = arith.shli %shift_right_arithmetic3A_1527, %shift_left3A_1529 : vector<16xi32>
      %bitcast3A_1531 = vector.bitcast %shift_left3A_1530 : vector<16xi32> to vector<16xf32>
      %shift_right_arithmetic3A_1532 = vector.broadcast %mul3A_1478 : i32 to vector<16xi32>
      %shift_right_arithmetic3A_1533 = arith.shrsi %get3A_1525, %shift_right_arithmetic3A_1532 : vector<16xi32>
      %shift_left3A_1534 = arith.constant 16 : i32
      %shift_left3A_1535 = vector.broadcast %shift_left3A_1534 : i32 to vector<16xi32>
      %shift_left3A_1536 = arith.shli %shift_right_arithmetic3A_1533, %shift_left3A_1535 : vector<16xi32>
      %bitcast3A_1537 = vector.bitcast %shift_left3A_1536 : vector<16xi32> to vector<16xf32>
      %mul3A_1538 = arith.mulf %bitcast3A_1531, %bitcast3A_1537 : vector<16xf32>
      %mul3A_1539 = arith.mulf %mul3A_1538, %get3A_23 : vector<16xf32>
      %add3A_1540 = arith.addf %add3A_1519, %mul3A_1539 : vector<16xf32>
      %get3A_1541 = arith.index_cast %add3A_1466 : i32 to index
      %get3A_1542 = arith.constant 112 : index
      %get3A_1543 = tpu.vector_load %arg9[%get3A_1541, %get3A_1542] {strides = array<i32>} : memref<256x128xi32, #tpu.memory_space<vmem>>, vector<16xi32>,
      %get3A_1544 = arith.index_cast %add3A_1466 : i32 to index
      %get3A_1545 = arith.constant 112 : index
      %get3A_1546 = tpu.vector_load %arg10[%get3A_1544, %get3A_1545] {strides = array<i32>} : memref<256x128xi32, #tpu.memory_space<vmem>>, vector<16xi32>,
      %shift_right_arithmetic3A_1547 = vector.broadcast %mul3A_1472 : i32 to vector<16xi32>
      %shift_right_arithmetic3A_1548 = arith.shrsi %get3A_1543, %shift_right_arithmetic3A_1547 : vector<16xi32>
      %shift_left3A_1549 = arith.constant 16 : i32
      %shift_left3A_1550 = vector.broadcast %shift_left3A_1549 : i32 to vector<16xi32>
      %shift_left3A_1551 = arith.shli %shift_right_arithmetic3A_1548, %shift_left3A_1550 : vector<16xi32>
      %bitcast3A_1552 = vector.bitcast %shift_left3A_1551 : vector<16xi32> to vector<16xf32>
      %shift_right_arithmetic3A_1553 = vector.broadcast %mul3A_1478 : i32 to vector<16xi32>
      %shift_right_arithmetic3A_1554 = arith.shrsi %get3A_1546, %shift_right_arithmetic3A_1553 : vector<16xi32>
      %shift_left3A_1555 = arith.constant 16 : i32
      %shift_left3A_1556 = vector.broadcast %shift_left3A_1555 : i32 to vector<16xi32>
      %shift_left3A_1557 = arith.shli %shift_right_arithmetic3A_1554, %shift_left3A_1556 : vector<16xi32>
      %bitcast3A_1558 = vector.bitcast %shift_left3A_1557 : vector<16xi32> to vector<16xf32>
      %mul3A_1559 = arith.mulf %bitcast3A_1552, %bitcast3A_1558 : vector<16xf32>
      %mul3A_1560 = arith.mulf %mul3A_1559, %get3A_25 : vector<16xf32>
      %add3A_1561 = arith.addf %add3A_1540, %mul3A_1560 : vector<16xf32>
      %reduce_sum3A_1562 = arith.constant true
      %reduce_sum3A_1563 = vector.broadcast %reduce_sum3A_1562 : i1 to vector<16xi1>
      %reduce_sum3A_1564 = tpu.scan <sum>, %add3A_1561 masked %reduce_sum3A_1563 : vector<16xf32>, vector<16xi1> -> vector<16xf32>
      %reduce_sum3A_1565 = vector.extract %reduce_sum3A_1564[15] : f32 from vector<16xf32>
      %mul3A_1566 = vector.broadcast %reduce_sum3A_1565 : f32 to vector<16xf32>
      %mul3A_1567 = arith.mulf %mul3A_1566, %convert_element_type3A_93 : vector<16xf32>
      %add3A_1568 = arith.addf %add3A_1464, %mul3A_1567 : vector<16xf32>
      %add3A_1569 = arith.constant 7 : i32
      %add3A_1570 = arith.addi %mul3A_112, %add3A_1569 : i32
      %slice3A_1571 = vector.extract_strided_slice %get3A_117 {offsets = [14], sizes = [1], strides = [1]} : vector<16xi32> to vector<1xi32>
      %squeeze3A_1572 = vector.extract %slice3A_1571[0] : i32 from vector<1xi32>
      %and3A_1573 = arith.constant 1 : i32
      %and3A_1574 = arith.andi %squeeze3A_1572, %and3A_1573 : i32
      %mul3A_1575 = arith.constant 16 : i32
      %mul3A_1576 = arith.muli %and3A_1574, %mul3A_1575 : i32
      %slice3A_1577 = vector.extract_strided_slice %get3A_119 {offsets = [14], sizes = [1], strides = [1]} : vector<16xi32> to vector<1xi32>
      %squeeze3A_1578 = vector.extract %slice3A_1577[0] : i32 from vector<1xi32>
      %and3A_1579 = arith.constant 1 : i32
      %and3A_1580 = arith.andi %squeeze3A_1578, %and3A_1579 : i32
      %mul3A_1581 = arith.constant 16 : i32
      %mul3A_1582 = arith.muli %and3A_1580, %mul3A_1581 : i32
      %get3A_1583 = arith.index_cast %add3A_1570 : i32 to index
      %get3A_1584 = arith.constant 0 : index
      %get3A_1585 = tpu.vector_load %arg9[%get3A_1583, %get3A_1584] {strides = array<i32>} : memref<256x128xi32, #tpu.memory_space<vmem>>, vector<16xi32>,
      %get3A_1586 = arith.index_cast %add3A_1570 : i32 to index
      %get3A_1587 = arith.constant 0 : index
      %get3A_1588 = tpu.vector_load %arg10[%get3A_1586, %get3A_1587] {strides = array<i32>} : memref<256x128xi32, #tpu.memory_space<vmem>>, vector<16xi32>,
      %shift_right_arithmetic3A_1589 = vector.broadcast %mul3A_1576 : i32 to vector<16xi32>
      %shift_right_arithmetic3A_1590 = arith.shrsi %get3A_1585, %shift_right_arithmetic3A_1589 : vector<16xi32>
      %shift_left3A_1591 = arith.constant 16 : i32
      %shift_left3A_1592 = vector.broadcast %shift_left3A_1591 : i32 to vector<16xi32>
      %shift_left3A_1593 = arith.shli %shift_right_arithmetic3A_1590, %shift_left3A_1592 : vector<16xi32>
      %bitcast3A_1594 = vector.bitcast %shift_left3A_1593 : vector<16xi32> to vector<16xf32>
      %shift_right_arithmetic3A_1595 = vector.broadcast %mul3A_1582 : i32 to vector<16xi32>
      %shift_right_arithmetic3A_1596 = arith.shrsi %get3A_1588, %shift_right_arithmetic3A_1595 : vector<16xi32>
      %shift_left3A_1597 = arith.constant 16 : i32
      %shift_left3A_1598 = vector.broadcast %shift_left3A_1597 : i32 to vector<16xi32>
      %shift_left3A_1599 = arith.shli %shift_right_arithmetic3A_1596, %shift_left3A_1598 : vector<16xi32>
      %bitcast3A_1600 = vector.bitcast %shift_left3A_1599 : vector<16xi32> to vector<16xf32>
      %mul3A_1601 = arith.mulf %bitcast3A_1594, %bitcast3A_1600 : vector<16xf32>
      %mul3A_1602 = arith.mulf %mul3A_1601, %get3A_19 : vector<16xf32>
      %get3A_1603 = arith.index_cast %add3A_1570 : i32 to index
      %get3A_1604 = arith.constant 16 : index
      %get3A_1605 = tpu.vector_load %arg9[%get3A_1603, %get3A_1604] {strides = array<i32>} : memref<256x128xi32, #tpu.memory_space<vmem>>, vector<16xi32>,
      %get3A_1606 = arith.index_cast %add3A_1570 : i32 to index
      %get3A_1607 = arith.constant 16 : index
      %get3A_1608 = tpu.vector_load %arg10[%get3A_1606, %get3A_1607] {strides = array<i32>} : memref<256x128xi32, #tpu.memory_space<vmem>>, vector<16xi32>,
      %shift_right_arithmetic3A_1609 = vector.broadcast %mul3A_1576 : i32 to vector<16xi32>
      %shift_right_arithmetic3A_1610 = arith.shrsi %get3A_1605, %shift_right_arithmetic3A_1609 : vector<16xi32>
      %shift_left3A_1611 = arith.constant 16 : i32
      %shift_left3A_1612 = vector.broadcast %shift_left3A_1611 : i32 to vector<16xi32>
      %shift_left3A_1613 = arith.shli %shift_right_arithmetic3A_1610, %shift_left3A_1612 : vector<16xi32>
      %bitcast3A_1614 = vector.bitcast %shift_left3A_1613 : vector<16xi32> to vector<16xf32>
      %shift_right_arithmetic3A_1615 = vector.broadcast %mul3A_1582 : i32 to vector<16xi32>
      %shift_right_arithmetic3A_1616 = arith.shrsi %get3A_1608, %shift_right_arithmetic3A_1615 : vector<16xi32>
      %shift_left3A_1617 = arith.constant 16 : i32
      %shift_left3A_1618 = vector.broadcast %shift_left3A_1617 : i32 to vector<16xi32>
      %shift_left3A_1619 = arith.shli %shift_right_arithmetic3A_1616, %shift_left3A_1618 : vector<16xi32>
      %bitcast3A_1620 = vector.bitcast %shift_left3A_1619 : vector<16xi32> to vector<16xf32>
      %mul3A_1621 = arith.mulf %bitcast3A_1614, %bitcast3A_1620 : vector<16xf32>
      %mul3A_1622 = arith.mulf %mul3A_1621, %get3A_21 : vector<16xf32>
      %add3A_1623 = arith.addf %mul3A_1602, %mul3A_1622 : vector<16xf32>
      %get3A_1624 = arith.index_cast %add3A_1570 : i32 to index
      %get3A_1625 = arith.constant 32 : index
      %get3A_1626 = tpu.vector_load %arg9[%get3A_1624, %get3A_1625] {strides = array<i32>} : memref<256x128xi32, #tpu.memory_space<vmem>>, vector<16xi32>,
      %get3A_1627 = arith.index_cast %add3A_1570 : i32 to index
      %get3A_1628 = arith.constant 32 : index
      %get3A_1629 = tpu.vector_load %arg10[%get3A_1627, %get3A_1628] {strides = array<i32>} : memref<256x128xi32, #tpu.memory_space<vmem>>, vector<16xi32>,
      %shift_right_arithmetic3A_1630 = vector.broadcast %mul3A_1576 : i32 to vector<16xi32>
      %shift_right_arithmetic3A_1631 = arith.shrsi %get3A_1626, %shift_right_arithmetic3A_1630 : vector<16xi32>
      %shift_left3A_1632 = arith.constant 16 : i32
      %shift_left3A_1633 = vector.broadcast %shift_left3A_1632 : i32 to vector<16xi32>
      %shift_left3A_1634 = arith.shli %shift_right_arithmetic3A_1631, %shift_left3A_1633 : vector<16xi32>
      %bitcast3A_1635 = vector.bitcast %shift_left3A_1634 : vector<16xi32> to vector<16xf32>
      %shift_right_arithmetic3A_1636 = vector.broadcast %mul3A_1582 : i32 to vector<16xi32>
      %shift_right_arithmetic3A_1637 = arith.shrsi %get3A_1629, %shift_right_arithmetic3A_1636 : vector<16xi32>
      %shift_left3A_1638 = arith.constant 16 : i32
      %shift_left3A_1639 = vector.broadcast %shift_left3A_1638 : i32 to vector<16xi32>
      %shift_left3A_1640 = arith.shli %shift_right_arithmetic3A_1637, %shift_left3A_1639 : vector<16xi32>
      %bitcast3A_1641 = vector.bitcast %shift_left3A_1640 : vector<16xi32> to vector<16xf32>
      %mul3A_1642 = arith.mulf %bitcast3A_1635, %bitcast3A_1641 : vector<16xf32>
      %mul3A_1643 = arith.mulf %mul3A_1642, %get3A_23 : vector<16xf32>
      %add3A_1644 = arith.addf %add3A_1623, %mul3A_1643 : vector<16xf32>
      %get3A_1645 = arith.index_cast %add3A_1570 : i32 to index
      %get3A_1646 = arith.constant 48 : index
      %get3A_1647 = tpu.vector_load %arg9[%get3A_1645, %get3A_1646] {strides = array<i32>} : memref<256x128xi32, #tpu.memory_space<vmem>>, vector<16xi32>,
      %get3A_1648 = arith.index_cast %add3A_1570 : i32 to index
      %get3A_1649 = arith.constant 48 : index
      %get3A_1650 = tpu.vector_load %arg10[%get3A_1648, %get3A_1649] {strides = array<i32>} : memref<256x128xi32, #tpu.memory_space<vmem>>, vector<16xi32>,
      %shift_right_arithmetic3A_1651 = vector.broadcast %mul3A_1576 : i32 to vector<16xi32>
      %shift_right_arithmetic3A_1652 = arith.shrsi %get3A_1647, %shift_right_arithmetic3A_1651 : vector<16xi32>
      %shift_left3A_1653 = arith.constant 16 : i32
      %shift_left3A_1654 = vector.broadcast %shift_left3A_1653 : i32 to vector<16xi32>
      %shift_left3A_1655 = arith.shli %shift_right_arithmetic3A_1652, %shift_left3A_1654 : vector<16xi32>
      %bitcast3A_1656 = vector.bitcast %shift_left3A_1655 : vector<16xi32> to vector<16xf32>
      %shift_right_arithmetic3A_1657 = vector.broadcast %mul3A_1582 : i32 to vector<16xi32>
      %shift_right_arithmetic3A_1658 = arith.shrsi %get3A_1650, %shift_right_arithmetic3A_1657 : vector<16xi32>
      %shift_left3A_1659 = arith.constant 16 : i32
      %shift_left3A_1660 = vector.broadcast %shift_left3A_1659 : i32 to vector<16xi32>
      %shift_left3A_1661 = arith.shli %shift_right_arithmetic3A_1658, %shift_left3A_1660 : vector<16xi32>
      %bitcast3A_1662 = vector.bitcast %shift_left3A_1661 : vector<16xi32> to vector<16xf32>
      %mul3A_1663 = arith.mulf %bitcast3A_1656, %bitcast3A_1662 : vector<16xf32>
      %mul3A_1664 = arith.mulf %mul3A_1663, %get3A_25 : vector<16xf32>
      %add3A_1665 = arith.addf %add3A_1644, %mul3A_1664 : vector<16xf32>
      %reduce_sum3A_1666 = arith.constant true
      %reduce_sum3A_1667 = vector.broadcast %reduce_sum3A_1666 : i1 to vector<16xi1>
      %reduce_sum3A_1668 = tpu.scan <sum>, %add3A_1665 masked %reduce_sum3A_1667 : vector<16xf32>, vector<16xi1> -> vector<16xf32>
      %reduce_sum3A_1669 = vector.extract %reduce_sum3A_1668[15] : f32 from vector<16xf32>
      %mul3A_1670 = vector.broadcast %reduce_sum3A_1669 : f32 to vector<16xf32>
      %mul3A_1671 = arith.mulf %mul3A_1670, %convert_element_type3A_98 : vector<16xf32>
      %add3A_1672 = arith.addf %add3A_1568, %mul3A_1671 : vector<16xf32>
      %add3A_1673 = arith.constant 7 : i32
      %add3A_1674 = arith.addi %mul3A_112, %add3A_1673 : i32
      %slice3A_1675 = vector.extract_strided_slice %get3A_117 {offsets = [15], sizes = [1], strides = [1]} : vector<16xi32> to vector<1xi32>
      %squeeze3A_1676 = vector.extract %slice3A_1675[0] : i32 from vector<1xi32>
      %and3A_1677 = arith.constant 1 : i32
      %and3A_1678 = arith.andi %squeeze3A_1676, %and3A_1677 : i32
      %mul3A_1679 = arith.constant 16 : i32
      %mul3A_1680 = arith.muli %and3A_1678, %mul3A_1679 : i32
      %slice3A_1681 = vector.extract_strided_slice %get3A_119 {offsets = [15], sizes = [1], strides = [1]} : vector<16xi32> to vector<1xi32>
      %squeeze3A_1682 = vector.extract %slice3A_1681[0] : i32 from vector<1xi32>
      %and3A_1683 = arith.constant 1 : i32
      %and3A_1684 = arith.andi %squeeze3A_1682, %and3A_1683 : i32
      %mul3A_1685 = arith.constant 16 : i32
      %mul3A_1686 = arith.muli %and3A_1684, %mul3A_1685 : i32
      %get3A_1687 = arith.index_cast %add3A_1674 : i32 to index
      %get3A_1688 = arith.constant 64 : index
      %get3A_1689 = tpu.vector_load %arg9[%get3A_1687, %get3A_1688] {strides = array<i32>} : memref<256x128xi32, #tpu.memory_space<vmem>>, vector<16xi32>,
      %get3A_1690 = arith.index_cast %add3A_1674 : i32 to index
      %get3A_1691 = arith.constant 64 : index
      %get3A_1692 = tpu.vector_load %arg10[%get3A_1690, %get3A_1691] {strides = array<i32>} : memref<256x128xi32, #tpu.memory_space<vmem>>, vector<16xi32>,
      %shift_right_arithmetic3A_1693 = vector.broadcast %mul3A_1680 : i32 to vector<16xi32>
      %shift_right_arithmetic3A_1694 = arith.shrsi %get3A_1689, %shift_right_arithmetic3A_1693 : vector<16xi32>
      %shift_left3A_1695 = arith.constant 16 : i32
      %shift_left3A_1696 = vector.broadcast %shift_left3A_1695 : i32 to vector<16xi32>
      %shift_left3A_1697 = arith.shli %shift_right_arithmetic3A_1694, %shift_left3A_1696 : vector<16xi32>
      %bitcast3A_1698 = vector.bitcast %shift_left3A_1697 : vector<16xi32> to vector<16xf32>
      %shift_right_arithmetic3A_1699 = vector.broadcast %mul3A_1686 : i32 to vector<16xi32>
      %shift_right_arithmetic3A_1700 = arith.shrsi %get3A_1692, %shift_right_arithmetic3A_1699 : vector<16xi32>
      %shift_left3A_1701 = arith.constant 16 : i32
      %shift_left3A_1702 = vector.broadcast %shift_left3A_1701 : i32 to vector<16xi32>
      %shift_left3A_1703 = arith.shli %shift_right_arithmetic3A_1700, %shift_left3A_1702 : vector<16xi32>
      %bitcast3A_1704 = vector.bitcast %shift_left3A_1703 : vector<16xi32> to vector<16xf32>
      %mul3A_1705 = arith.mulf %bitcast3A_1698, %bitcast3A_1704 : vector<16xf32>
      %mul3A_1706 = arith.mulf %mul3A_1705, %get3A_19 : vector<16xf32>
      %get3A_1707 = arith.index_cast %add3A_1674 : i32 to index
      %get3A_1708 = arith.constant 80 : index
      %get3A_1709 = tpu.vector_load %arg9[%get3A_1707, %get3A_1708] {strides = array<i32>} : memref<256x128xi32, #tpu.memory_space<vmem>>, vector<16xi32>,
      %get3A_1710 = arith.index_cast %add3A_1674 : i32 to index
      %get3A_1711 = arith.constant 80 : index
      %get3A_1712 = tpu.vector_load %arg10[%get3A_1710, %get3A_1711] {strides = array<i32>} : memref<256x128xi32, #tpu.memory_space<vmem>>, vector<16xi32>,
      %shift_right_arithmetic3A_1713 = vector.broadcast %mul3A_1680 : i32 to vector<16xi32>
      %shift_right_arithmetic3A_1714 = arith.shrsi %get3A_1709, %shift_right_arithmetic3A_1713 : vector<16xi32>
      %shift_left3A_1715 = arith.constant 16 : i32
      %shift_left3A_1716 = vector.broadcast %shift_left3A_1715 : i32 to vector<16xi32>
      %shift_left3A_1717 = arith.shli %shift_right_arithmetic3A_1714, %shift_left3A_1716 : vector<16xi32>
      %bitcast3A_1718 = vector.bitcast %shift_left3A_1717 : vector<16xi32> to vector<16xf32>
      %shift_right_arithmetic3A_1719 = vector.broadcast %mul3A_1686 : i32 to vector<16xi32>
      %shift_right_arithmetic3A_1720 = arith.shrsi %get3A_1712, %shift_right_arithmetic3A_1719 : vector<16xi32>
      %shift_left3A_1721 = arith.constant 16 : i32
      %shift_left3A_1722 = vector.broadcast %shift_left3A_1721 : i32 to vector<16xi32>
      %shift_left3A_1723 = arith.shli %shift_right_arithmetic3A_1720, %shift_left3A_1722 : vector<16xi32>
      %bitcast3A_1724 = vector.bitcast %shift_left3A_1723 : vector<16xi32> to vector<16xf32>
      %mul3A_1725 = arith.mulf %bitcast3A_1718, %bitcast3A_1724 : vector<16xf32>
      %mul3A_1726 = arith.mulf %mul3A_1725, %get3A_21 : vector<16xf32>
      %add3A_1727 = arith.addf %mul3A_1706, %mul3A_1726 : vector<16xf32>
      %get3A_1728 = arith.index_cast %add3A_1674 : i32 to index
      %get3A_1729 = arith.constant 96 : index
      %get3A_1730 = tpu.vector_load %arg9[%get3A_1728, %get3A_1729] {strides = array<i32>} : memref<256x128xi32, #tpu.memory_space<vmem>>, vector<16xi32>,
      %get3A_1731 = arith.index_cast %add3A_1674 : i32 to index
      %get3A_1732 = arith.constant 96 : index
      %get3A_1733 = tpu.vector_load %arg10[%get3A_1731, %get3A_1732] {strides = array<i32>} : memref<256x128xi32, #tpu.memory_space<vmem>>, vector<16xi32>,
      %shift_right_arithmetic3A_1734 = vector.broadcast %mul3A_1680 : i32 to vector<16xi32>
      %shift_right_arithmetic3A_1735 = arith.shrsi %get3A_1730, %shift_right_arithmetic3A_1734 : vector<16xi32>
      %shift_left3A_1736 = arith.constant 16 : i32
      %shift_left3A_1737 = vector.broadcast %shift_left3A_1736 : i32 to vector<16xi32>
      %shift_left3A_1738 = arith.shli %shift_right_arithmetic3A_1735, %shift_left3A_1737 : vector<16xi32>
      %bitcast3A_1739 = vector.bitcast %shift_left3A_1738 : vector<16xi32> to vector<16xf32>
      %shift_right_arithmetic3A_1740 = vector.broadcast %mul3A_1686 : i32 to vector<16xi32>
      %shift_right_arithmetic3A_1741 = arith.shrsi %get3A_1733, %shift_right_arithmetic3A_1740 : vector<16xi32>
      %shift_left3A_1742 = arith.constant 16 : i32
      %shift_left3A_1743 = vector.broadcast %shift_left3A_1742 : i32 to vector<16xi32>
      %shift_left3A_1744 = arith.shli %shift_right_arithmetic3A_1741, %shift_left3A_1743 : vector<16xi32>
      %bitcast3A_1745 = vector.bitcast %shift_left3A_1744 : vector<16xi32> to vector<16xf32>
      %mul3A_1746 = arith.mulf %bitcast3A_1739, %bitcast3A_1745 : vector<16xf32>
      %mul3A_1747 = arith.mulf %mul3A_1746, %get3A_23 : vector<16xf32>
      %add3A_1748 = arith.addf %add3A_1727, %mul3A_1747 : vector<16xf32>
      %get3A_1749 = arith.index_cast %add3A_1674 : i32 to index
      %get3A_1750 = arith.constant 112 : index
      %get3A_1751 = tpu.vector_load %arg9[%get3A_1749, %get3A_1750] {strides = array<i32>} : memref<256x128xi32, #tpu.memory_space<vmem>>, vector<16xi32>,
      %get3A_1752 = arith.index_cast %add3A_1674 : i32 to index
      %get3A_1753 = arith.constant 112 : index
      %get3A_1754 = tpu.vector_load %arg10[%get3A_1752, %get3A_1753] {strides = array<i32>} : memref<256x128xi32, #tpu.memory_space<vmem>>, vector<16xi32>,
      %shift_right_arithmetic3A_1755 = vector.broadcast %mul3A_1680 : i32 to vector<16xi32>
      %shift_right_arithmetic3A_1756 = arith.shrsi %get3A_1751, %shift_right_arithmetic3A_1755 : vector<16xi32>
      %shift_left3A_1757 = arith.constant 16 : i32
      %shift_left3A_1758 = vector.broadcast %shift_left3A_1757 : i32 to vector<16xi32>
      %shift_left3A_1759 = arith.shli %shift_right_arithmetic3A_1756, %shift_left3A_1758 : vector<16xi32>
      %bitcast3A_1760 = vector.bitcast %shift_left3A_1759 : vector<16xi32> to vector<16xf32>
      %shift_right_arithmetic3A_1761 = vector.broadcast %mul3A_1686 : i32 to vector<16xi32>
      %shift_right_arithmetic3A_1762 = arith.shrsi %get3A_1754, %shift_right_arithmetic3A_1761 : vector<16xi32>
      %shift_left3A_1763 = arith.constant 16 : i32
      %shift_left3A_1764 = vector.broadcast %shift_left3A_1763 : i32 to vector<16xi32>
      %shift_left3A_1765 = arith.shli %shift_right_arithmetic3A_1762, %shift_left3A_1764 : vector<16xi32>
      %bitcast3A_1766 = vector.bitcast %shift_left3A_1765 : vector<16xi32> to vector<16xf32>
      %mul3A_1767 = arith.mulf %bitcast3A_1760, %bitcast3A_1766 : vector<16xf32>
      %mul3A_1768 = arith.mulf %mul3A_1767, %get3A_25 : vector<16xf32>
      %add3A_1769 = arith.addf %add3A_1748, %mul3A_1768 : vector<16xf32>
      %reduce_sum3A_1770 = arith.constant true
      %reduce_sum3A_1771 = vector.broadcast %reduce_sum3A_1770 : i1 to vector<16xi1>
      %reduce_sum3A_1772 = tpu.scan <sum>, %add3A_1769 masked %reduce_sum3A_1771 : vector<16xf32>, vector<16xi1> -> vector<16xf32>
      %reduce_sum3A_1773 = vector.extract %reduce_sum3A_1772[15] : f32 from vector<16xf32>
      %mul3A_1774 = vector.broadcast %reduce_sum3A_1773 : f32 to vector<16xf32>
      %mul3A_1775 = arith.mulf %mul3A_1774, %convert_element_type3A_103 : vector<16xf32>
      %add3A_1776 = arith.addf %add3A_1672, %mul3A_1775 : vector<16xf32>
      %mul3A_1777 = arith.constant 16 : i32
      %mul3A_1778 = arith.muli %scan3A_110, %mul3A_1777 : i32
      %swap3A = arith.index_cast %mul3A_1778 : i32 to index
      %swap3A_1779 = tpu.vector_load %arg12[%swap3A] {strides = array<i32>} : memref<512xf32, #tpu.memory_space<vmem>>, vector<16xf32>,
      tpu.vector_store %arg12[%swap3A], %add3A_1776 {strides = array<i32>} : memref<512xf32, #tpu.memory_space<vmem>>, vector<16xf32>,
    }
    %scan3A_109 = arith.constant 32 : i32
    "tpu.region"() ({
      %run_scoped3A = tpu.sem_alloc : memref<!tpu.dma_semaphore, #tpu.memory_space<semaphore_mem>>
      %dma_start3A = tpu.memref_slice %arg6[%mul3A_2] : memref<16384xf32, #tpu.memory_space<hbm>> -> memref<512xf32, #tpu.memory_space<hbm>>
      %dma_start3A_110 = tpu.memref_slice %arg6[%mul3A_2] : memref<16384xf32, #tpu.memory_space<hbm>> -> memref<512xf32, #tpu.memory_space<hbm>>
      tpu.enqueue_dma source(%arg12 : memref<512xf32, #tpu.memory_space<vmem>>) target(%dma_start3A_110 : memref<512xf32, #tpu.memory_space<hbm>>) target_semaphore(%run_scoped3A : memref<!tpu.dma_semaphore, #tpu.memory_space<semaphore_mem>>)
      %dma_wait3A_111 = tpu.memref_slice %arg6[%mul3A_2] : memref<16384xf32, #tpu.memory_space<hbm>> -> memref<512xf32, #tpu.memory_space<hbm>>
      %dma_wait3A_112 = tpu.memref_slice %arg6[%mul3A_2] : memref<16384xf32, #tpu.memory_space<hbm>> -> memref<512xf32, #tpu.memory_space<hbm>>
      tpu.wait_dma2 semaphore(%run_scoped3A : memref<!tpu.dma_semaphore, #tpu.memory_space<semaphore_mem>>) src(%arg12 : memref<512xf32, #tpu.memory_space<vmem>>) dst(%dma_wait3A_112 : memref<512xf32, #tpu.memory_space<hbm>>)
      tpu.yield
    }) : () -> ()
    return
  }
}

module attributes {stable_mosaic.version = 14 : i64} {
  func.func @_tc_transpose_body(%arg0: i32, %arg1: memref<64x32768xf32, #tpu.memory_space<vmem>>, %arg2: memref<16384x64xi32, #tpu.memory_space<vmem>>) attributes {dimension_semantics = [#tpu.dimension_semantics<arbitrary>], iteration_bounds = array<i64: 31>, scalar_prefetch = 0 : i64, scratch_operands = 0 : i64, tpu.core_type = #tpu.core_type<tc>, window_params = [{transform_indices = @transform_0, window_bounds = array<i64: 64, 32768>}, {transform_indices = @transform_1, window_bounds = array<i64: 16384, 64>}]} {
    %get3A = arith.constant 0 : index
    %get3A_0 = arith.constant 0 : index
    %get3A_1 = vector.load %arg1[%get3A, %get3A_0] : memref<64x32768xf32, #tpu.memory_space<vmem>>, vector<64x32768xf32>
    %transpose3A = tpu.transpose %get3A_1, [1, 0] : vector<64x32768xf32> -> vector<32768x64xf32>
    %convert_element_type3A = arith.truncf %transpose3A : vector<32768x64xf32> to vector<32768x64xbf16>
    %bitcast3A = tpu.bitcast %convert_element_type3A : vector<32768x64xbf16> -> vector<16384x64xi32>
    %swap3A = arith.constant 0 : index
    %swap3A_2 = arith.constant 0 : index
    %swap3A_3 = vector.load %arg2[%swap3A, %swap3A_2] : memref<16384x64xi32, #tpu.memory_space<vmem>>, vector<16384x64xi32>
    tpu.vector_store %arg2[%swap3A, %swap3A_2], %bitcast3A {strides = array<i32>} : memref<16384x64xi32, #tpu.memory_space<vmem>>, vector<16384x64xi32>,
    return
  }
  func.func @transform_0(%arg0: i32) -> (i32, i32) {
    %c0_i32 = arith.constant 0 : i32
    %c0_i32_0 = arith.constant 0 : i32
    return %c0_i32, %arg0 : i32, i32
  }
  func.func @transform_1(%arg0: i32) -> (i32, i32) {
    %c0_i32 = arith.constant 0 : i32
    %c0_i32_0 = arith.constant 0 : i32
    return %arg0, %c0_i32 : i32, i32
  }
}

</mosaic_0001>

<sc_bundles>
// kernel: _run.4.cloned.1.call-start
scs
__scs_entry_jumppad:
0x0: {  	(pc) =	sbr.rel $0x88, $3  }
0x1: {  	(tag) =	ssettag $0x0;
	lr =	simm.s32 $0x1  }
0x2: {  	[smem:$0x3F9D] =	sst lr;
	_ =	strace $0xD0000000  }
0x3: {  	_ = 	snop  }
0x4: {  	_ = 	snop  }
0x5: {  	_ = 	snop  }
0x6: {  	_ = 	snop  }
0x7: {  	_ = 	snop  }
__scs_overlays_trampoline_lowered:
0x8: {  	[smem:$0x3FAC] =	sst s0  }
0x9: {  	[smem:$0x3FAD] =	sst s1  }
0xa: {  	[smem:$0x3FAE] =	sst s2  }
0xb: {  	[smem:$0x3FAF] =	sst s3  }
0xc: {  	[smem:$0x3FB0] =	sst s4  }
0xd: {  	[smem:$0x3FB1] =	sst s5  }
0xe: {  	[smem:$0x3FB2] =	sst s6  }
0xf: {  	[smem:$0x3FB3] =	sst s7  }
0x10: {  	[smem:$0x3FB4] =	sst s8  }
0x11: {  	[smem:$0x3FB5] =	sst s9;
	s0 =	simm.s32 @!p0 $0x0  }
0x12: {  	s1 =	sld [smem:$0x3F9B];
	s0 =	simm.s32 @p0 $0x1  }
0x13: {  	[smem:$0x3FB6] =	sst s0;
	s0 =	simm.s32 @!p1 $0x0  }
0x14: {  	s2 =	sld [smem:$0x3F9A];
	s0 =	simm.s32 @p1 $0x1  }
0x15: {  	[smem:$0x3FB7] =	sst s0;
	s0 =	simm.s32 @!p2 $0x0  }
0x16: {  	s3 =	sld [smem:$0x3FDB];
	s0 =	simm.s32 @p2 $0x1  }
0x17: {  	s4 =	simm.s32 $0x1BF5;
	[smem:$0x3FB9] =	sst s0  }
0x18: {  	s0 =	sld [smem:$0x3F9C];
	_ =	swait.ge [sflag:s4], $0x0  }
0x19: {  	s7 =	sld [smem:$0x3F9D]  }
0x1a: {  	s8 =	sadd.s32 $0xFFFFE003, lr  }
0x1b: {  	s9 =	sadd.s32 $0xFFFFFEF7, lr;
	s5 =	simm.s32 $0xFFFFFFFF;
	p2 =	slt.u32 s8, $0xFFFFF086  }
0x1c: {  	p1 =	slt.u32 s9, $0xF7A;
	s5 =	simm.s32 @!p2 $0x0  }
0x1d: {  	s5 =	simm.s32 @p1 $0x1;
	p0 =	seq.s32 s7, s2  }
0x1e: {  	s7 =	smul.u32 @!p0 $0xF7A, s2;
	p2 =	seq.s32 @!p0 s5, $0x0  }
0x1f: {  	s9 =	smul.u32 $0xF7A, s1;
	s8 =	simm.s32 @!p0 $0x1BF5;
	p2 =	por !p2, p0  }
0x20: {  	[sflag:s8] =	ssyncset.s32 @!p0 $0xFFFFF086;
	s6 =	sadd.s32 @!p0 s3, s7;
	s7 =	simm.s32 @!p0 $0x108  }
0x21: {  	s3 =	sadd.s32 s3, s9;
	s6 =	sadd.s32 @!p0 $0x88, s6;
	s7 =	simm.s32 @p2 $0x1082  }
0x22: {  	[simem:s7], [sflag:s8] =	dma.local @!p0 [hbm:s6], $0xF7A  }
0x23: {  	s9 =	sor.u32 $0xD0000000, s2;
	s6 =	simm.s32 $0x108;
	_ =	swait.ge @!p0 [sflag:s8], $0x0  }
0x24: {  	s3 =	sadd.s32 $0x88, s3;
	s6 =	simm.s32 @!p1 $0x1082;
	[sflag:s4] =	ssyncset.s32 $0xFFFFF086  }
0x25: {  	[simem:s6], [sflag:s4] =	dma.local [hbm:s3], $0xF7A  }
0x26: {  	[smem:$0x3F9D] =	sst s1;
	(tag) =	ssettag s2;
	_ =	strace s9  }
0x27: {  	s1 =	sld [smem:$0x3FAD]  }
0x28: {  	s2 =	sld [smem:$0x3FAE]  }
0x29: {  	s4 =	sld [smem:$0x3FB0]  }
0x2a: {  	p0 =	seq.s32 s5, $0x0;
	s5 =	sld [smem:$0x3FB1]  }
0x2b: {  	s6 =	sld [smem:$0x3FB2]  }
0x2c: {  	s7 =	sld [smem:$0x3FB3]  }
0x2d: {  	s3 =	simm.s32 $0x108;
	s8 =	sld [smem:$0x3FB4]  }
0x2e: {  	s3 =	simm.s32 @!p0 $0x1082;
	s9 =	sld [smem:$0x3FB5]  }
0x2f: {  	lr =	sadd.s32 s0, s3;
	s0 =	sld [smem:$0x3FAC]  }
0x30: {  	s3 =	sld [smem:$0x3FAF]  }
0x31: {  	[smem:$0x3FB8] =	sst s10  }
0x32: {  	s10 =	sld [smem:$0x3FB6];
	_ =	sdelay $0x3  }
0x33: {  	p0 =	seq.s32 s10, $0x1;
	s10 =	sld [smem:$0x3FB8];
	_ =	sdelay $0x3  }
0x34: {  	[smem:$0x3FB8] =	sst s10  }
0x35: {  	s10 =	sld [smem:$0x3FB7];
	_ =	sdelay $0x3  }
0x36: {  	p1 =	seq.s32 s10, $0x1;
	s10 =	sld [smem:$0x3FB8];
	_ =	sdelay $0x3  }
0x37: {  	[smem:$0x3FB8] =	sst s10  }
0x38: {  	s10 =	sld [smem:$0x3FB9]  }
0x39: {  	_ = 	snop;
	(pc) =	sbr.ind lr, $3  }
0x3a: {  	_ = 	snop  }
0x3b: {  	_ = 	snop  }
0x3c: {  	p2 =	seq.s32 s10, $0x1;
	s10 =	sld [smem:$0x3FB8]  }
0x3d: {  	_ =	shalt  }
0x3e: {  	_ =	shalt  }
0x3f: {  	_ =	shalt  }
0x40: {  	_ =	shalt  }
0x41: {  	_ =	shalt  }
0x42: {  	_ =	shalt  }
0x43: {  	_ =	shalt  }
0x44: {  	_ =	shalt  }
0x45: {  	_ =	shalt  }
0x46: {  	_ =	shalt  }
0x47: {  	_ =	shalt  }
0x48: {  	_ =	shalt  }
0x49: {  	_ =	shalt  }
0x4a: {  	_ =	shalt  }
0x4b: {  	_ =	shalt  }
0x4c: {  	_ =	shalt  }
0x4d: {  	_ =	shalt  }
0x4e: {  	_ =	shalt  }
0x4f: {  	_ =	shalt  }
0x50: {  	_ =	shalt  }
0x51: {  	_ =	shalt  }
0x52: {  	_ =	shalt  }
0x53: {  	_ =	shalt  }
0x54: {  	_ =	shalt  }
0x55: {  	_ =	shalt  }
0x56: {  	_ =	shalt  }
0x57: {  	_ =	shalt  }
0x58: {  	_ =	shalt  }
0x59: {  	_ =	shalt  }
0x5a: {  	_ =	shalt  }
0x5b: {  	_ =	shalt  }
0x5c: {  	_ =	shalt  }
0x5d: {  	_ =	shalt  }
0x5e: {  	_ =	shalt  }
0x5f: {  	_ =	shalt  }
0x60: {  	_ =	shalt  }
0x61: {  	_ =	shalt  }
0x62: {  	_ =	shalt  }
0x63: {  	_ =	shalt  }
0x64: {  	_ =	shalt  }
0x65: {  	_ =	shalt  }
0x66: {  	_ =	shalt  }
0x67: {  	_ =	shalt  }
0x68: {  	_ =	shalt  }
0x69: {  	_ =	shalt  }
0x6a: {  	_ =	shalt  }
0x6b: {  	_ =	shalt  }
0x6c: {  	_ =	shalt  }
0x6d: {  	_ =	shalt  }
0x6e: {  	_ =	shalt  }
0x6f: {  	_ =	shalt  }
0x70: {  	_ =	shalt  }
0x71: {  	_ =	shalt  }
0x72: {  	_ =	shalt  }
0x73: {  	_ =	shalt  }
0x74: {  	_ =	shalt  }
0x75: {  	_ =	shalt  }
0x76: {  	_ =	shalt  }
0x77: {  	_ =	shalt  }
0x78: {  	_ =	shalt  }
0x79: {  	_ =	shalt  }
0x7a: {  	_ =	shalt  }
0x7b: {  	_ =	shalt  }
0x7c: {  	_ =	shalt  }
0x7d: {  	_ =	shalt  }
0x7e: {  	_ =	shalt  }
0x7f: {  	_ =	shalt  }
0x80: {  	_ =	shalt  }
0x81: {  	_ =	shalt  }
0x82: {  	_ =	shalt  }
0x83: {  	_ =	shalt  }
0x84: {  	_ =	shalt  }
0x85: {  	_ =	shalt  }
0x86: {  	_ =	shalt  }
0x87: {  	_ =	shalt  }
.Lfunc_end0:
.L_simem_size_0:
called_computation_lowered:
.L_overlay_start_0:
0x88: {  	s2 =	sld [smem:$0x3FD9]  }
0x89: {  	s3 =	sld [smem:$0x3FFE];
	_ =	sdelay $0x1  }
0x8a: {  	s1 =	srdreg.scid  }
0x8b: {  	s0 =	sand.u32 $0x1, s1  }
0x8c: {  	s17 =	sshll.u32 s0, $0xA;
	s2 =	sadd.s32 s3, s2  }
0x8d: {  	s2 =	sadd.s32 s2, s17  }
0x8e: {  	[smem:$0x3FC4] =	sst s2  }
0x8f: {  	_ = 	snop  }
0x90: {  	s2 =	sld [smem:$0x3FC9]  }
0x91: {  	s18 =	sld [smem:$0x3FC8]  }
0x92: {  	s4 =	sld [smem:$0x3FC6]  }
0x93: {  	s5 =	sld [smem:$0x3FD0];
	(tm) =	ssettm $0x1  }
0x94: {  	s6 =	sld [smem:$0x3FFB];
	_ =	sdelay $0x3  }
0x95: {  	_ =	strace s6  }
0x96: {  	s6 =	sld [smem:$0x3FFC];
	_ =	sdelay $0x3  }
0x97: {  	_ =	strace s6  }
0x98: {  	s6 =	sld [smem:$0x3FFD];
	_ =	sdelay $0x3  }
0x99: {  	_ =	strace s6  }
0x9a: {  	_ =	strace $0x8FFFFFFF  }
0x9b: {  	s19 =	sld [smem:$0x3FDB];
	_ =	sdelay $0x1  }
0x9c: {  	s7 =	simm.s32 $_scs_section_size  }
0x9d: {  	s8 =	simm.s32 $_size__tile_overlayer_lowered;
	s9 =	simm.s32 $_tile_overlayer_lowered  }
0x9e: {  	s22 =	simm.s32 $0x1BFF;
	s21 =	sshll.u32 s9, $0x1;
	s6 =	sadd.s32 s7, s19  }
0x9f: {  	s10 =	simm.s32 $0x0;
	s20 =	sshll.u32 s8, $0x1;
	s8 =	sadd.s32 s21, s6  }
0xa0: {  	[timem:s10], [sflag:s22] =	dma.local [hbm:s8], s20  }
0xa1: {  	_ =	swait.ge [sflag:s22], s20  }
0xa2: {  	s7 =	ssub.s32 $0x0, s20;
	[sflag:s22] =	ssyncset.done $0x0  }
0xa3: {  	[sflag:s22] =	ssyncadd.s32 s7;
	_ =	sdelay $0x1  }
0xa4: {  	s23 =	simm.s32 $0x1B8B  }
0xa5: {  	_ =	swait.ge [sflag:s23], $0x1  }
0xa6: {  	[sflag:s23] =	ssyncset.done $0x0  }
0xa7: {  	s25 =	simm.s32 $0x1B8E;
	s24 =	sld [smem:$0x3FFE];
	[sflag:s23] =	ssyncadd.s32 $0xFFFFFFFF  }
0xa8: {  	s26 =	simm.s32 $execute0_lowered;
	[smem:$0x3FD2] =	sst s25  }
0xa9: {  	s8 =	sshll.u32 s26, $0x1;
	_ =	strace $0x80000046;
	[dreg:$0x1] =	wrdreg $0xFFFFFFFF  }
0xaa: {  	s28 =	simm.s32 $_size_execute0_lowered;
	s6 =	sadd.s32 s6, s8;
	[dreg:$0x0] =	wrdreg $0x0  }
0xab: {  	s8 =	sshll.u32 s28, $0x1;
	[dreg:$0x2] =	wrdreg s6  }
0xac: {  	[dreg:$0x3] =	wrdreg s8  }
0xad: {  	[dreg:$0x4] =	wrdreg $0xC0  }
0xae: {  	_ =	task [dreg:s10], $0x5FFFF  }
0xaf: {  	[dreg:$0x1] =	wrdreg $0xFFFFFFFF  }
0xb0: {  	[dreg:$0x0] =	wrdreg $0x60  }
0xb1: {  	[dreg:$0x2] =	wrdreg s2  }
0xb2: {  	[dreg:$0x3] =	wrdreg s18  }
0xb3: {  	[dreg:$0x4] =	wrdreg s24  }
0xb4: {  	[dreg:$0x5] =	wrdreg s4  }
0xb5: {  	[dreg:$0x6] =	wrdreg s5  }
0xb6: {  	[dreg:$0x7] =	wrdreg $0x9  }
0xb7: {  	_ =	task.clear_ibuf [dreg:s10], $0x8FFFF;
	_ =	strace $0x90000046  }
0xb8: {  	s29 =	simm.s32 $0x9;
	_ =	strace $0x80000048  }
0xb9: {  	_ =	swait.ge [sflag:s29], $0x1  }
0xba: {  	[sflag:s29] =	ssyncadd.s32 $0xFFFFFFFF  }
0xbb: {  	_ =	strace $0x90000048  }
0xbc: {  	_ =	sfence  }
0xbd: {  	s30 =	sld [smem:$0x0];
	_ =	sdelay $0x2  }
0xbe: {  	s31 =	sshll.u32 s1, $0xD;
	s1 =	sshrl.u32 s1, $0x2  }
0xbf: {  	s3 =	sand.u32 $0x4000, s31;
	s1 =	sadd.s32 s1, s30  }
0xc0: {  	s0 =	sor.u32 s3, s0;
	s1 =	sshll.u32 s1, $0x11  }
0xc1: {  	s0 =	sor.u32 s1, s0  }
0xc2: {  	s0 =	sadd.s32 $0x8F2B, s0  }
0xc3: {  	[sflag:s0] =	ssyncadd.remote.s32 $0x1  }
0xc4: {  	_ =	sfence.sel $0xFFFF  }
0xc5: {  	[dreg:$0x0] =	wrdreg $0xFFFFFFFF;
	(pc) =	sbr.abs _section_cstart, $3  }
0xc6: {  	[dreg:$0x1] =	wrdreg $0xFFFFFFFF  }
0xc7: {  	_ =	task.clear_ibuf [dreg:s10], $0x2FFFF;
	_ =	strace $0x9FFFFFFF  }
0xc8: {  	(tm) =	ssettm $0x7FFFFFFF  }
0xc9: {  	_ =	shalt  }
tec
execute0_lowered:
.L_overlay_start_1:
0x0: {  	(tag) =	ssettag $0x1  }
0x1: {  	s0 =	rddreg [dreg:$0x0]  }
0x2: {  	s1 =	rddreg [dreg:$0x1]  }
0x3: {  	s2 =	rddreg [dreg:$0x2];
	v0 =	vimm.f32 $0.0e+00;
	s31 =	simm.s32 $0x0;
	vm10 =	vcmask $0x2724  }
0x4: {  	vm11 =	vcmask $0x2B28;
	[smem:$0x7FF] =	sst s31;
	v2 =	vsel vm10, $0x3F800000, v0  }
0x5: {  	s3 =	rddreg [dreg:$0x4];
	vm12 =	vcmask $0x2F2C;
	v3 =	vsel vm11, $0x3F800000, v0;
	_ =	strace $0x80000047;
	[tilespmem:$0x1FF30] =	vst v2  }
0x6: {  	vm13 =	vcmask $0x3330;
	v4 =	vsel vm12, $0x3F800000, v0;
	[tilespmem:$0x1FF40] =	vst v3  }
0x7: {  	vm14 =	vcmask $0x3734;
	v5 =	vsel vm13, $0x3F800000, v0;
	[tilespmem:$0x1FF50] =	vst v4  }
0x8: {  	v1 =	vimm.f32 $1.000000000e+00;
	vm2 =	vcmask $0x3B00;
	v6 =	vsel vm14, $0x3F800000, v0;
	[tilespmem:$0x1FF60] =	vst v5  }
0x9: {  	vm1 =	vcmask $0xF0C;
	s4 =	srdreg.scid;
	v1 =	vsel vm2, $0x0, v1;
	[tilespmem:$0x1FF70] =	vst v6  }
0xa: {  	vm5 =	vcmask $0x1310;
	s6 =	stileid.u32;
	v7 =	vsel vm1, $0x3F800000, v0;
	s4 =	sand.u32 $0x1, s4;
	[tilespmem:$0x1FF90] =	vst v1  }
0xb: {  	vm6 =	vcmask $0x1714;
	v8 =	vsel vm5, $0x3F800000, v0;
	s6 =	sshll.u32 s6, $0x7;
	s7 =	sshll.u32 s4, $0x6;
	[tilespmem:$0x1FFA0] =	vst v7  }
0xc: {  	vm0 =	vcmask $0x300;
	vm7 =	vcmask $0x1B18;
	s11 =	simm.s32 $0x80;
	v9 =	vsel vm6, $0x3F800000, v0;
	[tilespmem:$0x1FFB0] =	vst v8;
	s6 =	sor.u32 s7, s6  }
0xd: {  	vm15 =	vcmask $0x704;
	vm8 =	vcmask $0x1F1C;
	v10 =	vsel vm7, $0x3F800000, v0;
	s5 =	ssub.s32 $0x2, s4;
	s4 =	sadd.s32 $0x400, s2;
	[tilespmem:$0x1FFC0] =	vst v9;
	s0 =	sadd.s32 s0, s6  }
0xe: {  	vm4 =	vcmask $0xB08;
	vm9 =	vcmask $0x2320;
	v11 =	vsel vm8, $0x3F800000, v0;
	[tilespmem:$0x1FFD0] =	vst v10;
	s26 =	sshrl.u32 s5, $0x1;
	s28 =	sadd.s32 s1, s6;
	[dreg:$0xc] =	wrdreg s0  }
0xf: {  	v14 =	vsel vm15, $0x3F800000, v0;
	v12 =	vsel vm9, $0x3F800000, v0;
	vm15 =	vcmask $0x3B38;
	[tilespmem:$0x1FFE0] =	vst v11;
	s2 =	ssub.s32 s5, s26;
	s29 =	sadd.s32 s3, s6;
	[dreg:$0xd] =	wrdreg s28  }
0x10: {  	s12 =	simm.s32 $0x400;
	v13 =	vsel vm0, $0x3F800000, v0;
	v15 =	vsel vm4, $0x3F800000, v0;
	v0 =	vsel vm15, $0x3F800000, v0;
	[tilespmem:$0x1FFF0] =	vst v12;
	[dreg:$0xe] =	wrdreg s29;
	s30 =	smax.u32 s2, $0x1  }
0x11: {  	[tilespmem:$0x1FF80] =	vst v0;
	s1 =	simm.s32 $0x0;
	s2 =	simm.s32 $0x2;
	[dreg:$0xf] =	wrdreg s30  }
.LBB2_1:
0x12: {  	[dreg:$0x10] =	wrdreg s1  }
0x13: {  	s0 =	rddreg [dreg:$0x3];
	s7 =	simm.s32 $0x10400  }
0x14: {  	[tilespmem:s7], [sflag:$0x2] =	stream.linear.gather [hbm4b:s0+s31], $0x80, $0x38;
	[tilespmem:$0x10680] =	vst v63  }
0x15: {  	_ =	swait.ge [sflag:s2], $0x80  }
0x16: {  	[sflag:s2] =	ssyncset.done $0x0  }
0x17: {  	s8 =	rddreg [dreg:$0xc];
	[sflag:s2] =	ssyncadd.s32 $0xFFFFFF80  }
0x18: {  	[tilespmem:s31], [sflag:$0x2] =	stream.linear.gather [hbm4b:s8+s31], $0x200, $0x38;
	[tilespmem:$0x10680] =	vst v63  }
0x19: {  	_ =	swait.ge [sflag:s2], $0x200  }
0x1a: {  	[sflag:s2] =	ssyncset.done $0x0  }
0x1b: {  	s16 =	simm.s32 $0x200;
	s9 =	rddreg [dreg:$0xd];
	[sflag:s2] =	ssyncadd.s32 $0xFFFFFE00  }
0x1c: {  	[tilespmem:s16], [sflag:$0x2] =	stream.linear.gather [hbm4b:s9+s31], $0x200, $0x38;
	[tilespmem:$0x10680] =	vst v63  }
0x1d: {  	_ =	swait.ge [sflag:s2], $0x200  }
0x1e: {  	[sflag:s2] =	ssyncset.done $0x0  }
0x1f: {  	[sflag:s2] =	ssyncadd.s32 $0xFFFFFE00  }
0x20: {  	v0 =	vld [tilespmem:s31+$0x0];
	_ =	sdelay $0x3  }
0x21: {  	v63 =	vld [tilespmem:s16+$0x0]  }
0x22: {  	v17 =	vshll.u32 v0, $0x3  }
0x23: {  	(v2sf) =	vpush v17, $0x0  }
0x24: {  	(v2sf) =	vpush v17, $0x1  }
0x25: {  	(v2sf) =	vpush v17, $0x2  }
0x26: {  	v16 =	vshll.u32 v63, $0x3  }
0x27: {  	(v2sf) =	vpush v16, $0x0;
	_ =	sdelay $0x6  }
0x28: {  	(v2sf) =	vpush v16, $0x1;
	_ =	sdelay $0x3  }
0x29: {  	s10 =	spop (v2sf)  }
0x2a: {  	s0 =	sand.u32 $0x1FFFFFF0, s10;
	s13 =	spop (v2sf)  }
0x2b: {  	s14 =	simm.s32 $0x400;
	s0 =	sadd.s32 s4, s0;
	s3 =	spop (v2sf)  }
0x2c: {  	[tilespmem:s14], [sflag:$0x1] =	stream.strided.gather [hbm4b:s0+s11], $0x0, s12, s11, $0x38;
	[tilespmem:$0x10680] =	vst v63  }
0x2d: {  	(v2sf) =	vpush v16, $0x2;
	s15 =	spop (v2sf)  }
0x2e: {  	[tilespmem:s14], [sflag:$0x1] =	stream.linear.gather [hbm4b:s0+s31], $0x40, $0x38;
	[tilespmem:$0x10680] =	vst v63  }
0x2f: {  	s0 =	sand.u32 $0x1FFFFFF0, s15  }
0x30: {  	s17 =	simm.s32 $0x8400;
	s0 =	sadd.s32 s4, s0  }
0x31: {  	(v2sf) =	vpush v17, $0x3;
	[tilespmem:s17], [sflag:$0x1] =	stream.strided.gather [hbm4b:s0+s11], $0x0, s12, s11, $0x38;
	[tilespmem:$0x10680] =	vst v63  }
0x32: {  	s1 =	sand.u32 $0x1FFFFFF0, s13  }
0x33: {  	[tilespmem:s17], [sflag:$0x1] =	stream.linear.gather [hbm4b:s0+s31], $0x40, $0x38;
	[tilespmem:$0x10680] =	vst v63  }
0x34: {  	s19 =	simm.s32 $0x440;
	s1 =	sadd.s32 s4, s1;
	s18 =	spop (v2sf)  }
0x35: {  	(v2sf) =	vpush v16, $0x3;
	[tilespmem:s19], [sflag:$0x1] =	stream.strided.gather [hbm4b:s1+s11], $0x0, s12, s11, $0x38;
	[tilespmem:$0x10680] =	vst v63  }
0x36: {  	s0 =	sand.u32 $0x1FFFFFF0, s18  }
0x37: {  	[tilespmem:s19], [sflag:$0x1] =	stream.linear.gather [hbm4b:s1+s31], $0x40, $0x38;
	[tilespmem:$0x10680] =	vst v63  }
0x38: {  	s20 =	simm.s32 $0x8440;
	s0 =	sadd.s32 s4, s0  }
0x39: {  	(v2sf) =	vpush v17, $0x4;
	[tilespmem:s20], [sflag:$0x1] =	stream.strided.gather [hbm4b:s0+s11], $0x0, s12, s11, $0x38;
	[tilespmem:$0x10680] =	vst v63  }
0x3a: {  	s21 =	sand.u32 $0x1FFFFFF0, s3  }
0x3b: {  	[tilespmem:s20], [sflag:$0x1] =	stream.linear.gather [hbm4b:s0+s31], $0x40, $0x38;
	[tilespmem:$0x10680] =	vst v63  }
0x3c: {  	s23 =	simm.s32 $0x480;
	s2 =	sadd.s32 s4, s21;
	s22 =	spop (v2sf)  }
0x3d: {  	(v2sf) =	vpush v16, $0x4;
	[tilespmem:s23], [sflag:$0x1] =	stream.strided.gather [hbm4b:s2+s11], $0x0, s12, s11, $0x38;
	[tilespmem:$0x10680] =	vst v63  }
0x3e: {  	s0 =	sand.u32 $0x1FFFFFF0, s22  }
0x3f: {  	[tilespmem:s23], [sflag:$0x1] =	stream.linear.gather [hbm4b:s2+s31], $0x40, $0x38;
	[tilespmem:$0x10680] =	vst v63  }
0x40: {  	s25 =	simm.s32 $0x8480;
	s24 =	spop (v2sf);
	s0 =	sadd.s32 s4, s0  }
0x41: {  	(v2sf) =	vpush v17, $0x5;
	[tilespmem:s25], [sflag:$0x1] =	stream.strided.gather [hbm4b:s0+s11], $0x0, s12, s11, $0x38;
	[tilespmem:$0x10680] =	vst v63  }
0x42: {  	s1 =	sand.u32 $0x1FFFFFF0, s24  }
0x43: {  	[tilespmem:s25], [sflag:$0x1] =	stream.linear.gather [hbm4b:s0+s31], $0x40, $0x38;
	[tilespmem:$0x10680] =	vst v63  }
0x44: {  	s28 =	simm.s32 $0x4C0;
	s26 =	spop (v2sf);
	s1 =	sadd.s32 s4, s1  }
0x45: {  	(v2sf) =	vpush v16, $0x5;
	[tilespmem:s28], [sflag:$0x1] =	stream.strided.gather [hbm4b:s1+s11], $0x0, s12, s11, $0x38;
	[tilespmem:$0x10680] =	vst v63  }
0x46: {  	s0 =	sand.u32 $0x1FFFFFF0, s26  }
0x47: {  	[tilespmem:s28], [sflag:$0x1] =	stream.linear.gather [hbm4b:s1+s31], $0x40, $0x38;
	[tilespmem:$0x10680] =	vst v63  }
0x48: {  	s30 =	simm.s32 $0x84C0;
	s29 =	spop (v2sf);
	s0 =	sadd.s32 s4, s0  }
0x49: {  	(v2sf) =	vpush v17, $0x6;
	[tilespmem:s30], [sflag:$0x1] =	stream.strided.gather [hbm4b:s0+s11], $0x0, s12, s11, $0x38;
	[tilespmem:$0x10680] =	vst v63  }
0x4a: {  	s1 =	sand.u32 $0x1FFFFFF0, s29  }
0x4b: {  	[tilespmem:s30], [sflag:$0x1] =	stream.linear.gather [hbm4b:s0+s31], $0x40, $0x38;
	[tilespmem:$0x10680] =	vst v63  }
0x4c: {  	s3 =	simm.s32 $0x500;
	s2 =	spop (v2sf);
	s1 =	sadd.s32 s4, s1  }
0x4d: {  	(v2sf) =	vpush v16, $0x6;
	[tilespmem:s3], [sflag:$0x1] =	stream.strided.gather [hbm4b:s1+s11], $0x0, s12, s11, $0x38;
	[tilespmem:$0x10680] =	vst v63  }
0x4e: {  	s0 =	sand.u32 $0x1FFFFFF0, s2  }
0x4f: {  	[tilespmem:s3], [sflag:$0x1] =	stream.linear.gather [hbm4b:s1+s31], $0x40, $0x38;
	[tilespmem:$0x10680] =	vst v63  }
0x50: {  	s6 =	simm.s32 $0x8500;
	s5 =	spop (v2sf);
	s0 =	sadd.s32 s4, s0  }
0x51: {  	(v2sf) =	vpush v17, $0x7;
	[tilespmem:s6], [sflag:$0x1] =	stream.strided.gather [hbm4b:s0+s11], $0x0, s12, s11, $0x38;
	[tilespmem:$0x10680] =	vst v63  }
0x52: {  	s1 =	sand.u32 $0x1FFFFFF0, s5  }
0x53: {  	[tilespmem:s6], [sflag:$0x1] =	stream.linear.gather [hbm4b:s0+s31], $0x40, $0x38;
	[tilespmem:$0x10680] =	vst v63  }
0x54: {  	s8 =	simm.s32 $0x540;
	s7 =	spop (v2sf);
	s1 =	sadd.s32 s4, s1  }
0x55: {  	(v2sf) =	vpush v16, $0x7;
	[tilespmem:s8], [sflag:$0x1] =	stream.strided.gather [hbm4b:s1+s11], $0x0, s12, s11, $0x38;
	[tilespmem:$0x10680] =	vst v63  }
0x56: {  	s0 =	sand.u32 $0x1FFFFFF0, s7  }
0x57: {  	[tilespmem:s8], [sflag:$0x1] =	stream.linear.gather [hbm4b:s1+s31], $0x40, $0x38;
	[tilespmem:$0x10680] =	vst v63  }
0x58: {  	s10 =	simm.s32 $0x8540;
	s9 =	spop (v2sf);
	s0 =	sadd.s32 s4, s0  }
0x59: {  	(v2sf) =	vpush v17, $0x8;
	[tilespmem:s10], [sflag:$0x1] =	stream.strided.gather [hbm4b:s0+s11], $0x0, s12, s11, $0x38;
	[tilespmem:$0x10680] =	vst v63  }
0x5a: {  	s1 =	sand.u32 $0x1FFFFFF0, s9  }
0x5b: {  	[tilespmem:s10], [sflag:$0x1] =	stream.linear.gather [hbm4b:s0+s31], $0x40, $0x38;
	[tilespmem:$0x10680] =	vst v63  }
0x5c: {  	s14 =	simm.s32 $0x580;
	s13 =	spop (v2sf);
	s1 =	sadd.s32 s4, s1  }
0x5d: {  	(v2sf) =	vpush v16, $0x8;
	[tilespmem:s14], [sflag:$0x1] =	stream.strided.gather [hbm4b:s1+s11], $0x0, s12, s11, $0x38;
	[tilespmem:$0x10680] =	vst v63  }
0x5e: {  	s0 =	sand.u32 $0x1FFFFFF0, s13  }
0x5f: {  	[tilespmem:s14], [sflag:$0x1] =	stream.linear.gather [hbm4b:s1+s31], $0x40, $0x38;
	[tilespmem:$0x10680] =	vst v63  }
0x60: {  	s17 =	simm.s32 $0x8580;
	s15 =	spop (v2sf);
	s0 =	sadd.s32 s4, s0  }
0x61: {  	(v2sf) =	vpush v17, $0x9;
	[tilespmem:s17], [sflag:$0x1] =	stream.strided.gather [hbm4b:s0+s11], $0x0, s12, s11, $0x38;
	[tilespmem:$0x10680] =	vst v63  }
0x62: {  	s1 =	sand.u32 $0x1FFFFFF0, s15  }
0x63: {  	[tilespmem:s17], [sflag:$0x1] =	stream.linear.gather [hbm4b:s0+s31], $0x40, $0x38;
	[tilespmem:$0x10680] =	vst v63  }
0x64: {  	s19 =	simm.s32 $0x5C0;
	s18 =	spop (v2sf);
	s1 =	sadd.s32 s4, s1  }
0x65: {  	(v2sf) =	vpush v16, $0x9;
	[tilespmem:s19], [sflag:$0x1] =	stream.strided.gather [hbm4b:s1+s11], $0x0, s12, s11, $0x38;
	[tilespmem:$0x10680] =	vst v63  }
0x66: {  	s0 =	sand.u32 $0x1FFFFFF0, s18  }
0x67: {  	[tilespmem:s19], [sflag:$0x1] =	stream.linear.gather [hbm4b:s1+s31], $0x40, $0x38;
	[tilespmem:$0x10680] =	vst v63  }
0x68: {  	s21 =	simm.s32 $0x85C0;
	s20 =	spop (v2sf);
	s0 =	sadd.s32 s4, s0  }
0x69: {  	(v2sf) =	vpush v17, $0xA;
	[tilespmem:s21], [sflag:$0x1] =	stream.strided.gather [hbm4b:s0+s11], $0x0, s12, s11, $0x38;
	[tilespmem:$0x10680] =	vst v63  }
0x6a: {  	s1 =	sand.u32 $0x1FFFFFF0, s20  }
0x6b: {  	[tilespmem:s21], [sflag:$0x1] =	stream.linear.gather [hbm4b:s0+s31], $0x40, $0x38;
	[tilespmem:$0x10680] =	vst v63  }
0x6c: {  	s23 =	simm.s32 $0x600;
	s22 =	spop (v2sf);
	s1 =	sadd.s32 s4, s1  }
0x6d: {  	(v2sf) =	vpush v16, $0xA;
	[tilespmem:s23], [sflag:$0x1] =	stream.strided.gather [hbm4b:s1+s11], $0x0, s12, s11, $0x38;
	[tilespmem:$0x10680] =	vst v63  }
0x6e: {  	s0 =	sand.u32 $0x1FFFFFF0, s22  }
0x6f: {  	[tilespmem:s23], [sflag:$0x1] =	stream.linear.gather [hbm4b:s1+s31], $0x40, $0x38;
	[tilespmem:$0x10680] =	vst v63  }
0x70: {  	s25 =	simm.s32 $0x8600;
	s24 =	spop (v2sf);
	s0 =	sadd.s32 s4, s0  }
0x71: {  	(v2sf) =	vpush v17, $0xB;
	[tilespmem:s25], [sflag:$0x1] =	stream.strided.gather [hbm4b:s0+s11], $0x0, s12, s11, $0x38;
	[tilespmem:$0x10680] =	vst v63  }
0x72: {  	s1 =	sand.u32 $0x1FFFFFF0, s24  }
0x73: {  	[tilespmem:s25], [sflag:$0x1] =	stream.linear.gather [hbm4b:s0+s31], $0x40, $0x38;
	[tilespmem:$0x10680] =	vst v63  }
0x74: {  	s28 =	simm.s32 $0x640;
	s26 =	spop (v2sf);
	s1 =	sadd.s32 s4, s1  }
0x75: {  	(v2sf) =	vpush v16, $0xB;
	[tilespmem:s28], [sflag:$0x1] =	stream.strided.gather [hbm4b:s1+s11], $0x0, s12, s11, $0x38;
	[tilespmem:$0x10680] =	vst v63  }
0x76: {  	s0 =	sand.u32 $0x1FFFFFF0, s26  }
0x77: {  	[tilespmem:s28], [sflag:$0x1] =	stream.linear.gather [hbm4b:s1+s31], $0x40, $0x38;
	[tilespmem:$0x10680] =	vst v63  }
0x78: {  	s30 =	simm.s32 $0x8640;
	s29 =	spop (v2sf);
	s0 =	sadd.s32 s4, s0  }
0x79: {  	(v2sf) =	vpush v17, $0xC;
	[tilespmem:s30], [sflag:$0x1] =	stream.strided.gather [hbm4b:s0+s11], $0x0, s12, s11, $0x38;
	[tilespmem:$0x10680] =	vst v63  }
0x7a: {  	s1 =	sand.u32 $0x1FFFFFF0, s29  }
0x7b: {  	[tilespmem:s30], [sflag:$0x1] =	stream.linear.gather [hbm4b:s0+s31], $0x40, $0x38;
	[tilespmem:$0x10680] =	vst v63  }
0x7c: {  	s5 =	simm.s32 $0x680;
	s3 =	spop (v2sf);
	s1 =	sadd.s32 s4, s1  }
0x7d: {  	(v2sf) =	vpush v16, $0xC;
	[tilespmem:s5], [sflag:$0x1] =	stream.strided.gather [hbm4b:s1+s11], $0x0, s12, s11, $0x38;
	[tilespmem:$0x10680] =	vst v63  }
0x7e: {  	s0 =	sand.u32 $0x1FFFFFF0, s3  }
0x7f: {  	[tilespmem:s5], [sflag:$0x1] =	stream.linear.gather [hbm4b:s1+s31], $0x40, $0x38;
	[tilespmem:$0x10680] =	vst v63  }
0x80: {  	s7 =	simm.s32 $0x8680;
	s6 =	spop (v2sf);
	s0 =	sadd.s32 s4, s0  }
0x81: {  	(v2sf) =	vpush v17, $0xD;
	[tilespmem:s7], [sflag:$0x1] =	stream.strided.gather [hbm4b:s0+s11], $0x0, s12, s11, $0x38;
	[tilespmem:$0x10680] =	vst v63  }
0x82: {  	s1 =	sand.u32 $0x1FFFFFF0, s6  }
0x83: {  	[tilespmem:s7], [sflag:$0x1] =	stream.linear.gather [hbm4b:s0+s31], $0x40, $0x38;
	[tilespmem:$0x10680] =	vst v63  }
0x84: {  	s9 =	simm.s32 $0x6C0;
	s8 =	spop (v2sf);
	s1 =	sadd.s32 s4, s1  }
0x85: {  	(v2sf) =	vpush v16, $0xD;
	[tilespmem:s9], [sflag:$0x1] =	stream.strided.gather [hbm4b:s1+s11], $0x0, s12, s11, $0x38;
	[tilespmem:$0x10680] =	vst v63  }
0x86: {  	s0 =	sand.u32 $0x1FFFFFF0, s8  }
0x87: {  	[tilespmem:s9], [sflag:$0x1] =	stream.linear.gather [hbm4b:s1+s31], $0x40, $0x38;
	[tilespmem:$0x10680] =	vst v63  }
0x88: {  	s13 =	simm.s32 $0x86C0;
	s10 =	spop (v2sf);
	s0 =	sadd.s32 s4, s0  }
0x89: {  	(v2sf) =	vpush v17, $0xE;
	[tilespmem:s13], [sflag:$0x1] =	stream.strided.gather [hbm4b:s0+s11], $0x0, s12, s11, $0x38;
	[tilespmem:$0x10680] =	vst v63  }
0x8a: {  	s1 =	sand.u32 $0x1FFFFFF0, s10  }
0x8b: {  	[tilespmem:s13], [sflag:$0x1] =	stream.linear.gather [hbm4b:s0+s31], $0x40, $0x38;
	[tilespmem:$0x10680] =	vst v63  }
0x8c: {  	s15 =	simm.s32 $0x700;
	s14 =	spop (v2sf);
	s1 =	sadd.s32 s4, s1  }
0x8d: {  	(v2sf) =	vpush v16, $0xE;
	[tilespmem:s15], [sflag:$0x1] =	stream.strided.gather [hbm4b:s1+s11], $0x0, s12, s11, $0x38;
	[tilespmem:$0x10680] =	vst v63  }
0x8e: {  	s0 =	sand.u32 $0x1FFFFFF0, s14  }
0x8f: {  	[tilespmem:s15], [sflag:$0x1] =	stream.linear.gather [hbm4b:s1+s31], $0x40, $0x38;
	[tilespmem:$0x10680] =	vst v63  }
0x90: {  	s18 =	simm.s32 $0x8700;
	s17 =	spop (v2sf);
	s0 =	sadd.s32 s4, s0  }
0x91: {  	(v2sf) =	vpush v17, $0xF;
	[tilespmem:s18], [sflag:$0x1] =	stream.strided.gather [hbm4b:s0+s11], $0x0, s12, s11, $0x38;
	[tilespmem:$0x10680] =	vst v63  }
0x92: {  	s1 =	sand.u32 $0x1FFFFFF0, s17  }
0x93: {  	[tilespmem:s18], [sflag:$0x1] =	stream.linear.gather [hbm4b:s0+s31], $0x40, $0x38;
	[tilespmem:$0x10680] =	vst v63  }
0x94: {  	s20 =	simm.s32 $0x740;
	s19 =	spop (v2sf);
	s1 =	sadd.s32 s4, s1  }
0x95: {  	(v2sf) =	vpush v16, $0xF;
	[tilespmem:s20], [sflag:$0x1] =	stream.strided.gather [hbm4b:s1+s11], $0x0, s12, s11, $0x38;
	[tilespmem:$0x10680] =	vst v63  }
0x96: {  	s0 =	sand.u32 $0x1FFFFFF0, s19  }
0x97: {  	[tilespmem:s20], [sflag:$0x1] =	stream.linear.gather [hbm4b:s1+s31], $0x40, $0x38;
	[tilespmem:$0x10680] =	vst v63  }
0x98: {  	s22 =	simm.s32 $0x8740;
	s21 =	spop (v2sf);
	s0 =	sadd.s32 s4, s0  }
0x99: {  	[tilespmem:s22], [sflag:$0x1] =	stream.strided.gather [hbm4b:s0+s11], $0x0, s12, s11, $0x38;
	[tilespmem:$0x10680] =	vst v63  }
0x9a: {  	s1 =	sand.u32 $0x1FFFFFF0, s21  }
0x9b: {  	[tilespmem:s22], [sflag:$0x1] =	stream.linear.gather [hbm4b:s0+s31], $0x40, $0x38;
	[tilespmem:$0x10680] =	vst v63  }
0x9c: {  	s24 =	simm.s32 $0x780;
	s23 =	spop (v2sf);
	s1 =	sadd.s32 s4, s1  }
0x9d: {  	[tilespmem:s24], [sflag:$0x1] =	stream.strided.gather [hbm4b:s1+s11], $0x0, s12, s11, $0x38;
	[tilespmem:$0x10680] =	vst v63  }
0x9e: {  	s0 =	sand.u32 $0x1FFFFFF0, s23  }
0x9f: {  	[tilespmem:s24], [sflag:$0x1] =	stream.linear.gather [hbm4b:s1+s31], $0x40, $0x38;
	[tilespmem:$0x10680] =	vst v63  }
0xa0: {  	s26 =	simm.s32 $0x8780;
	s25 =	spop (v2sf);
	s0 =	sadd.s32 s4, s0  }
0xa1: {  	[tilespmem:s26], [sflag:$0x1] =	stream.strided.gather [hbm4b:s0+s11], $0x0, s12, s11, $0x38;
	[tilespmem:$0x10680] =	vst v63  }
0xa2: {  	s1 =	sand.u32 $0x1FFFFFF0, s25  }
0xa3: {  	[tilespmem:s26], [sflag:$0x1] =	stream.linear.gather [hbm4b:s0+s31], $0x40, $0x38;
	[tilespmem:$0x10680] =	vst v63  }
0xa4: {  	s29 =	simm.s32 $0x7C0;
	s28 =	spop (v2sf);
	s1 =	sadd.s32 s4, s1  }
0xa5: {  	[tilespmem:s29], [sflag:$0x1] =	stream.strided.gather [hbm4b:s1+s11], $0x0, s12, s11, $0x38;
	[tilespmem:$0x10680] =	vst v63  }
0xa6: {  	s17 =	simm.s32 $0x1000;
	s30 =	sand.u32 $0x1FFFFFF0, s28  }
0xa7: {  	[tilespmem:s29], [sflag:$0x1] =	stream.linear.gather [hbm4b:s1+s31], $0x40, $0x38;
	[tilespmem:$0x10680] =	vst v63  }
0xa8: {  	s18 =	simm.s32 $0x0;
	s0 =	simm.s32 $0x87C0;
	s1 =	sadd.s32 s4, s30  }
0xa9: {  	[tilespmem:s0], [sflag:$0x1] =	stream.strided.gather [hbm4b:s1+s11], $0x0, s12, s11, $0x38;
	[tilespmem:$0x10680] =	vst v63  }
.LBB2_2:
0xaa: {  	p0 =	sne.s32 s17, $0x1F000;
	s18 =	sadd.s32 $0x10, s18;
	s16 =	sadd.s32 $0x10, s16  }
0xab: {  	[tilespmem:s0], [sflag:$0x1] =	stream.linear.gather [hbm4b:s1+s31], $0x40, $0x38;
	[tilespmem:$0x10680] =	vst v63  }
0xac: {  	s0 =	smov.u32 s17;
	s17 =	sadd.s32 $0x1000, s17;
	v0 =	vld [tilespmem:s18+$0x0];
	_ =	sdelay $0x3  }
0xad: {  	v1 =	vld [tilespmem:s16+$0x0]  }
0xae: {  	v16 =	vshll.u32 v0, $0x3  }
0xaf: {  	(v2sf) =	vpush v16, $0x0  }
0xb0: {  	(v2sf) =	vpush v16, $0x1  }
0xb1: {  	(v2sf) =	vpush v16, $0x2  }
0xb2: {  	v17 =	vshll.u32 v1, $0x3  }
0xb3: {  	(v2sf) =	vpush v17, $0x0;
	_ =	sdelay $0x1  }
0xb4: {  	(v2sf) =	vpush v17, $0x1  }
0xb5: {  	(v2sf) =	vpush v17, $0x2;
	_ =	sdelay $0x3  }
0xb6: {  	(v2sf) =	vpush v16, $0x3;
	_ =	sdelay $0x3  }
0xb7: {  	s1 =	spop (v2sf);
	(v2sf) =	vpush v17, $0x3  }
0xb8: {  	s19 =	sshra.s32 s0, $0x2;
	s0 =	sand.u32 $0x1FFFFFF0, s1;
	s1 =	spop (v2sf)  }
0xb9: {  	s2 =	sadd.s32 $0x400, s19;
	s0 =	sadd.s32 s4, s0;
	s3 =	spop (v2sf)  }
0xba: {  	[tilespmem:s2], [sflag:$0x1] =	stream.strided.gather [hbm4b:s0+s11], $0x0, s12, s11, $0x38;
	[tilespmem:$0x10680] =	vst v63  }
0xbb: {  	s1 =	sand.u32 $0x1FFFFFF0, s1;
	s3 =	sand.u32 $0x1FFFFFF0, s3;
	s5 =	spop (v2sf);
	(v2sf) =	vpush v16, $0x4  }
0xbc: {  	[tilespmem:s2], [sflag:$0x1] =	stream.linear.gather [hbm4b:s0+s31], $0x40, $0x38;
	[tilespmem:$0x10680] =	vst v63  }
0xbd: {  	s0 =	sadd.s32 $0x8400, s19;
	s2 =	sand.u32 $0x1FFFFFF0, s5;
	s5 =	spop (v2sf);
	(v2sf) =	vpush v17, $0x4  }
0xbe: {  	s2 =	sadd.s32 s4, s2;
	s5 =	sand.u32 $0x1FFFFFF0, s5;
	s6 =	spop (v2sf)  }
0xbf: {  	[tilespmem:s0], [sflag:$0x1] =	stream.strided.gather [hbm4b:s2+s11], $0x0, s12, s11, $0x38;
	(v2sf) =	vpush v16, $0x5;
	[tilespmem:$0x10680] =	vst v63  }
0xc0: {  	s7 =	sadd.s32 $0x440, s19;
	s1 =	sadd.s32 s4, s1;
	s6 =	sand.u32 $0x1FFFFFF0, s6  }
0xc1: {  	[tilespmem:s0], [sflag:$0x1] =	stream.linear.gather [hbm4b:s2+s31], $0x40, $0x38;
	(v2sf) =	vpush v17, $0x5;
	[tilespmem:$0x10680] =	vst v63  }
0xc2: {  	s0 =	spop (v2sf)  }
0xc3: {  	[tilespmem:s7], [sflag:$0x1] =	stream.strided.gather [hbm4b:s1+s11], $0x0, s12, s11, $0x38;
	(v2sf) =	vpush v16, $0x6;
	[tilespmem:$0x10680] =	vst v63  }
0xc4: {  	s5 =	sadd.s32 s4, s5;
	s2 =	sadd.s32 $0x8440, s19;
	s0 =	sand.u32 $0x1FFFFFF0, s0  }
0xc5: {  	[tilespmem:s7], [sflag:$0x1] =	stream.linear.gather [hbm4b:s1+s31], $0x40, $0x38;
	(v2sf) =	vpush v17, $0x6;
	[tilespmem:$0x10680] =	vst v63  }
0xc6: {  	s1 =	spop (v2sf)  }
0xc7: {  	[tilespmem:s2], [sflag:$0x1] =	stream.strided.gather [hbm4b:s5+s11], $0x0, s12, s11, $0x38;
	(v2sf) =	vpush v16, $0x7;
	[tilespmem:$0x10680] =	vst v63  }
0xc8: {  	s3 =	sadd.s32 s4, s3;
	s7 =	sadd.s32 $0x480, s19;
	s1 =	sand.u32 $0x1FFFFFF0, s1  }
0xc9: {  	[tilespmem:s2], [sflag:$0x1] =	stream.linear.gather [hbm4b:s5+s31], $0x40, $0x38;
	(v2sf) =	vpush v17, $0x7;
	[tilespmem:$0x10680] =	vst v63  }
0xca: {  	s2 =	spop (v2sf)  }
0xcb: {  	[tilespmem:s7], [sflag:$0x1] =	stream.strided.gather [hbm4b:s3+s11], $0x0, s12, s11, $0x38;
	(v2sf) =	vpush v16, $0x8;
	[tilespmem:$0x10680] =	vst v63  }
0xcc: {  	s6 =	sadd.s32 s4, s6;
	s5 =	sadd.s32 $0x8480, s19;
	s8 =	spop (v2sf)  }
0xcd: {  	[tilespmem:s7], [sflag:$0x1] =	stream.linear.gather [hbm4b:s3+s31], $0x40, $0x38;
	(v2sf) =	vpush v17, $0x8;
	[tilespmem:$0x10680] =	vst v63  }
0xce: {  	s3 =	sand.u32 $0x1FFFFFF0, s2;
	s7 =	sand.u32 $0x1FFFFFF0, s8;
	s2 =	spop (v2sf)  }
0xcf: {  	[tilespmem:s5], [sflag:$0x1] =	stream.strided.gather [hbm4b:s6+s11], $0x0, s12, s11, $0x38;
	(v2sf) =	vpush v16, $0x9;
	[tilespmem:$0x10680] =	vst v63  }
0xd0: {  	s0 =	sadd.s32 s4, s0;
	s8 =	sadd.s32 $0x4C0, s19;
	s9 =	spop (v2sf)  }
0xd1: {  	[tilespmem:s5], [sflag:$0x1] =	stream.linear.gather [hbm4b:s6+s31], $0x40, $0x38;
	(v2sf) =	vpush v17, $0x9;
	[tilespmem:$0x10680] =	vst v63  }
0xd2: {  	s10 =	sand.u32 $0x1FFFFFF0, s2;
	s5 =	sand.u32 $0x1FFFFFF0, s9;
	s2 =	spop (v2sf)  }
0xd3: {  	[tilespmem:s8], [sflag:$0x1] =	stream.strided.gather [hbm4b:s0+s11], $0x0, s12, s11, $0x38;
	(v2sf) =	vpush v16, $0xA;
	[tilespmem:$0x10680] =	vst v63  }
0xd4: {  	s1 =	sadd.s32 s4, s1;
	s9 =	sadd.s32 $0x84C0, s19;
	s13 =	spop (v2sf)  }
0xd5: {  	[tilespmem:s8], [sflag:$0x1] =	stream.linear.gather [hbm4b:s0+s31], $0x40, $0x38;
	(v2sf) =	vpush v17, $0xA;
	[tilespmem:$0x10680] =	vst v63  }
0xd6: {  	s6 =	sand.u32 $0x1FFFFFF0, s2;
	s2 =	sand.u32 $0x1FFFFFF0, s13;
	s0 =	spop (v2sf)  }
0xd7: {  	[tilespmem:s9], [sflag:$0x1] =	stream.strided.gather [hbm4b:s1+s11], $0x0, s12, s11, $0x38;
	(v2sf) =	vpush v16, $0xB;
	[tilespmem:$0x10680] =	vst v63  }
0xd8: {  	s8 =	sadd.s32 $0x500, s19;
	s13 =	sadd.s32 s4, s3;
	s14 =	spop (v2sf)  }
0xd9: {  	[tilespmem:s9], [sflag:$0x1] =	stream.linear.gather [hbm4b:s1+s31], $0x40, $0x38;
	(v2sf) =	vpush v17, $0xB;
	[tilespmem:$0x10680] =	vst v63  }
0xda: {  	s3 =	sand.u32 $0x1FFFFFF0, s0;
	s0 =	sand.u32 $0x1FFFFFF0, s14;
	s1 =	spop (v2sf)  }
0xdb: {  	[tilespmem:s8], [sflag:$0x1] =	stream.strided.gather [hbm4b:s13+s11], $0x0, s12, s11, $0x38;
	(v2sf) =	vpush v16, $0xC;
	[tilespmem:$0x10680] =	vst v63  }
0xdc: {  	s7 =	sadd.s32 s4, s7;
	s9 =	sadd.s32 $0x8500, s19;
	s14 =	spop (v2sf)  }
0xdd: {  	[tilespmem:s8], [sflag:$0x1] =	stream.linear.gather [hbm4b:s13+s31], $0x40, $0x38;
	(v2sf) =	vpush v17, $0xC;
	[tilespmem:$0x10680] =	vst v63  }
0xde: {  	s1 =	sand.u32 $0x1FFFFFF0, s1;
	s14 =	sand.u32 $0x1FFFFFF0, s14;
	s8 =	spop (v2sf)  }
0xdf: {  	[tilespmem:s9], [sflag:$0x1] =	stream.strided.gather [hbm4b:s7+s11], $0x0, s12, s11, $0x38;
	(v2sf) =	vpush v16, $0xD;
	[tilespmem:$0x10680] =	vst v63  }
0xe0: {  	s15 =	sadd.s32 $0x540, s19;
	s10 =	sadd.s32 s4, s10;
	s13 =	spop (v2sf)  }
0xe1: {  	[tilespmem:s9], [sflag:$0x1] =	stream.linear.gather [hbm4b:s7+s31], $0x40, $0x38;
	(v2sf) =	vpush v17, $0xD;
	[tilespmem:$0x10680] =	vst v63  }
0xe2: {  	s21 =	sand.u32 $0x1FFFFFF0, s8;
	s13 =	sand.u32 $0x1FFFFFF0, s13;
	s7 =	spop (v2sf)  }
0xe3: {  	[tilespmem:s15], [sflag:$0x1] =	stream.strided.gather [hbm4b:s10+s11], $0x0, s12, s11, $0x38;
	(v2sf) =	vpush v16, $0xE;
	[tilespmem:$0x10680] =	vst v63  }
0xe4: {  	s5 =	sadd.s32 s4, s5;
	s8 =	sadd.s32 $0x8540, s19;
	s9 =	spop (v2sf)  }
0xe5: {  	[tilespmem:s15], [sflag:$0x1] =	stream.linear.gather [hbm4b:s10+s31], $0x40, $0x38;
	[tilespmem:$0x10680] =	vst v63  }
0xe6: {  	s20 =	sand.u32 $0x1FFFFFF0, s7;
	s9 =	sand.u32 $0x1FFFFFF0, s9;
	s7 =	spop (v2sf)  }
0xe7: {  	[tilespmem:s8], [sflag:$0x1] =	stream.strided.gather [hbm4b:s5+s11], $0x0, s12, s11, $0x38;
	(v2sf) =	vpush v17, $0xE;
	[tilespmem:$0x10680] =	vst v63  }
0xe8: {  	s6 =	sadd.s32 s4, s6;
	s10 =	sadd.s32 $0x580, s19;
	s22 =	spop (v2sf)  }
0xe9: {  	[tilespmem:s8], [sflag:$0x1] =	stream.linear.gather [hbm4b:s5+s31], $0x40, $0x38;
	(v2sf) =	vpush v16, $0xF;
	[tilespmem:$0x10680] =	vst v63  }
0xea: {  	s15 =	sand.u32 $0x1FFFFFF0, s7;
	s7 =	sand.u32 $0x1FFFFFF0, s22;
	s5 =	spop (v2sf)  }
0xeb: {  	[tilespmem:s10], [sflag:$0x1] =	stream.strided.gather [hbm4b:s6+s11], $0x0, s12, s11, $0x38;
	(v2sf) =	vpush v17, $0xF;
	[tilespmem:$0x10680] =	vst v63  }
0xec: {  	s2 =	sadd.s32 s4, s2;
	s8 =	sadd.s32 $0x8580, s19;
	s22 =	spop (v2sf)  }
0xed: {  	[tilespmem:s10], [sflag:$0x1] =	stream.linear.gather [hbm4b:s6+s31], $0x40, $0x38;
	[tilespmem:$0x10680] =	vst v63  }
0xee: {  	s10 =	sand.u32 $0x1FFFFFF0, s5;
	s6 =	sand.u32 $0x1FFFFFF0, s22;
	s5 =	spop (v2sf)  }
0xef: {  	[tilespmem:s8], [sflag:$0x1] =	stream.strided.gather [hbm4b:s2+s11], $0x0, s12, s11, $0x38;
	[tilespmem:$0x10680] =	vst v63  }
0xf0: {  	s3 =	sadd.s32 s4, s3;
	s22 =	sadd.s32 $0x5C0, s19;
	s23 =	spop (v2sf)  }
0xf1: {  	[tilespmem:s8], [sflag:$0x1] =	stream.linear.gather [hbm4b:s2+s31], $0x40, $0x38;
	[tilespmem:$0x10680] =	vst v63  }
0xf2: {  	s8 =	sand.u32 $0x1FFFFFF0, s5;
	s5 =	sand.u32 $0x1FFFFFF0, s23;
	s2 =	spop (v2sf)  }
0xf3: {  	[tilespmem:s22], [sflag:$0x1] =	stream.strided.gather [hbm4b:s3+s11], $0x0, s12, s11, $0x38;
	[tilespmem:$0x10680] =	vst v63  }
0xf4: {  	s0 =	sadd.s32 s4, s0;
	s23 =	sadd.s32 $0x85C0, s19;
	s2 =	sand.u32 $0x1FFFFFF0, s2  }
0xf5: {  	[tilespmem:s22], [sflag:$0x1] =	stream.linear.gather [hbm4b:s3+s31], $0x40, $0x38;
	[tilespmem:$0x10680] =	vst v63  }
0xf6: {  	s3 =	spop (v2sf)  }
0xf7: {  	[tilespmem:s23], [sflag:$0x1] =	stream.strided.gather [hbm4b:s0+s11], $0x0, s12, s11, $0x38;
	[tilespmem:$0x10680] =	vst v63  }
0xf8: {  	s24 =	sadd.s32 s4, s1;
	s22 =	sadd.s32 $0x600, s19;
	s1 =	spop (v2sf)  }
0xf9: {  	[tilespmem:s23], [sflag:$0x1] =	stream.linear.gather [hbm4b:s0+s31], $0x40, $0x38;
	[tilespmem:$0x10680] =	vst v63  }
0xfa: {  	s1 =	sand.u32 $0x1FFFFFF0, s1;
	s0 =	spop (v2sf)  }
0xfb: {  	[tilespmem:s22], [sflag:$0x1] =	stream.strided.gather [hbm4b:s24+s11], $0x0, s12, s11, $0x38;
	[tilespmem:$0x10680] =	vst v63  }
0xfc: {  	s14 =	sadd.s32 s4, s14;
	s23 =	sadd.s32 $0x8600, s19  }
0xfd: {  	[tilespmem:s22], [sflag:$0x1] =	stream.linear.gather [hbm4b:s24+s31], $0x40, $0x38;
	[tilespmem:$0x10680] =	vst v63  }
0xfe: {  	_ = 	snop  }
0xff: {  	[tilespmem:s23], [sflag:$0x1] =	stream.strided.gather [hbm4b:s14+s11], $0x0, s12, s11, $0x38;
	[tilespmem:$0x10680] =	vst v63  }
0x100: {  	s21 =	sadd.s32 s4, s21;
	s22 =	sadd.s32 $0x640, s19  }
0x101: {  	[tilespmem:s23], [sflag:$0x1] =	stream.linear.gather [hbm4b:s14+s31], $0x40, $0x38;
	[tilespmem:$0x10680] =	vst v63  }
0x102: {  	_ = 	snop  }
0x103: {  	[tilespmem:s22], [sflag:$0x1] =	stream.strided.gather [hbm4b:s21+s11], $0x0, s12, s11, $0x38;
	[tilespmem:$0x10680] =	vst v63  }
0x104: {  	s13 =	sadd.s32 s4, s13;
	s14 =	sadd.s32 $0x8640, s19  }
0x105: {  	[tilespmem:s22], [sflag:$0x1] =	stream.linear.gather [hbm4b:s21+s31], $0x40, $0x38;
	[tilespmem:$0x10680] =	vst v63  }
0x106: {  	_ = 	snop  }
0x107: {  	[tilespmem:s14], [sflag:$0x1] =	stream.strided.gather [hbm4b:s13+s11], $0x0, s12, s11, $0x38;
	[tilespmem:$0x10680] =	vst v63  }
0x108: {  	s20 =	sadd.s32 s4, s20;
	s21 =	sadd.s32 $0x680, s19  }
0x109: {  	[tilespmem:s14], [sflag:$0x1] =	stream.linear.gather [hbm4b:s13+s31], $0x40, $0x38;
	[tilespmem:$0x10680] =	vst v63  }
0x10a: {  	_ = 	snop  }
0x10b: {  	[tilespmem:s21], [sflag:$0x1] =	stream.strided.gather [hbm4b:s20+s11], $0x0, s12, s11, $0x38;
	[tilespmem:$0x10680] =	vst v63  }
0x10c: {  	s9 =	sadd.s32 s4, s9;
	s13 =	sadd.s32 $0x8680, s19  }
0x10d: {  	[tilespmem:s21], [sflag:$0x1] =	stream.linear.gather [hbm4b:s20+s31], $0x40, $0x38;
	[tilespmem:$0x10680] =	vst v63  }
0x10e: {  	_ = 	snop  }
0x10f: {  	[tilespmem:s13], [sflag:$0x1] =	stream.strided.gather [hbm4b:s9+s11], $0x0, s12, s11, $0x38;
	[tilespmem:$0x10680] =	vst v63  }
0x110: {  	s15 =	sadd.s32 s4, s15;
	s14 =	sadd.s32 $0x6C0, s19  }
0x111: {  	[tilespmem:s13], [sflag:$0x1] =	stream.linear.gather [hbm4b:s9+s31], $0x40, $0x38;
	[tilespmem:$0x10680] =	vst v63  }
0x112: {  	_ = 	snop  }
0x113: {  	[tilespmem:s14], [sflag:$0x1] =	stream.strided.gather [hbm4b:s15+s11], $0x0, s12, s11, $0x38;
	[tilespmem:$0x10680] =	vst v63  }
0x114: {  	s7 =	sadd.s32 s4, s7;
	s9 =	sadd.s32 $0x86C0, s19  }
0x115: {  	[tilespmem:s14], [sflag:$0x1] =	stream.linear.gather [hbm4b:s15+s31], $0x40, $0x38;
	[tilespmem:$0x10680] =	vst v63  }
0x116: {  	_ = 	snop  }
0x117: {  	[tilespmem:s9], [sflag:$0x1] =	stream.strided.gather [hbm4b:s7+s11], $0x0, s12, s11, $0x38;
	[tilespmem:$0x10680] =	vst v63  }
0x118: {  	s10 =	sadd.s32 s4, s10;
	s13 =	sadd.s32 $0x700, s19  }
0x119: {  	[tilespmem:s9], [sflag:$0x1] =	stream.linear.gather [hbm4b:s7+s31], $0x40, $0x38;
	[tilespmem:$0x10680] =	vst v63  }
0x11a: {  	_ = 	snop  }
0x11b: {  	[tilespmem:s13], [sflag:$0x1] =	stream.strided.gather [hbm4b:s10+s11], $0x0, s12, s11, $0x38;
	[tilespmem:$0x10680] =	vst v63  }
0x11c: {  	s6 =	sadd.s32 s4, s6;
	s7 =	sadd.s32 $0x8700, s19  }
0x11d: {  	[tilespmem:s13], [sflag:$0x1] =	stream.linear.gather [hbm4b:s10+s31], $0x40, $0x38;
	[tilespmem:$0x10680] =	vst v63  }
0x11e: {  	_ = 	snop  }
0x11f: {  	[tilespmem:s7], [sflag:$0x1] =	stream.strided.gather [hbm4b:s6+s11], $0x0, s12, s11, $0x38;
	[tilespmem:$0x10680] =	vst v63  }
0x120: {  	s8 =	sadd.s32 s4, s8;
	s9 =	sadd.s32 $0x740, s19  }
0x121: {  	[tilespmem:s7], [sflag:$0x1] =	stream.linear.gather [hbm4b:s6+s31], $0x40, $0x38;
	[tilespmem:$0x10680] =	vst v63  }
0x122: {  	_ = 	snop  }
0x123: {  	[tilespmem:s9], [sflag:$0x1] =	stream.strided.gather [hbm4b:s8+s11], $0x0, s12, s11, $0x38;
	[tilespmem:$0x10680] =	vst v63  }
0x124: {  	s5 =	sadd.s32 s4, s5;
	s6 =	sadd.s32 $0x8740, s19  }
0x125: {  	[tilespmem:s9], [sflag:$0x1] =	stream.linear.gather [hbm4b:s8+s31], $0x40, $0x38;
	[tilespmem:$0x10680] =	vst v63  }
0x126: {  	_ = 	snop  }
0x127: {  	[tilespmem:s6], [sflag:$0x1] =	stream.strided.gather [hbm4b:s5+s11], $0x0, s12, s11, $0x38;
	[tilespmem:$0x10680] =	vst v63  }
0x128: {  	s2 =	sadd.s32 s4, s2;
	s7 =	sadd.s32 $0x780, s19  }
0x129: {  	[tilespmem:s6], [sflag:$0x1] =	stream.linear.gather [hbm4b:s5+s31], $0x40, $0x38;
	[tilespmem:$0x10680] =	vst v63  }
0x12a: {  	s3 =	sand.u32 $0x1FFFFFF0, s3  }
0x12b: {  	[tilespmem:s7], [sflag:$0x1] =	stream.strided.gather [hbm4b:s2+s11], $0x0, s12, s11, $0x38;
	[tilespmem:$0x10680] =	vst v63  }
0x12c: {  	s3 =	sadd.s32 s4, s3;
	s5 =	sadd.s32 $0x8780, s19  }
0x12d: {  	[tilespmem:s7], [sflag:$0x1] =	stream.linear.gather [hbm4b:s2+s31], $0x40, $0x38;
	[tilespmem:$0x10680] =	vst v63  }
0x12e: {  	_ = 	snop  }
0x12f: {  	[tilespmem:s5], [sflag:$0x1] =	stream.strided.gather [hbm4b:s3+s11], $0x0, s12, s11, $0x38;
	[tilespmem:$0x10680] =	vst v63  }
0x130: {  	s6 =	sadd.s32 s4, s1;
	s2 =	sadd.s32 $0x7C0, s19  }
0x131: {  	[tilespmem:s5], [sflag:$0x1] =	stream.linear.gather [hbm4b:s3+s31], $0x40, $0x38;
	[tilespmem:$0x10680] =	vst v63  }
0x132: {  	s1 =	sand.u32 $0x1FFFFFF0, s0  }
0x133: {  	[tilespmem:s2], [sflag:$0x1] =	stream.strided.gather [hbm4b:s6+s11], $0x0, s12, s11, $0x38;
	[tilespmem:$0x10680] =	vst v63  }
.Ltmp0:
0x134: {  	_ = 	snop;
	(pc) =	sbr.rel @p0 .LBB2_2-.Ltmp0, $4  }
0x135: {  	s0 =	sadd.s32 $0x87C0, s19;
	s1 =	sadd.s32 s4, s1  }
0x136: {  	[tilespmem:s2], [sflag:$0x1] =	stream.linear.gather [hbm4b:s6+s31], $0x40, $0x38;
	[tilespmem:$0x10680] =	vst v63  }
0x137: {  	_ = 	snop  }
0x138: {  	[tilespmem:s0], [sflag:$0x1] =	stream.strided.gather [hbm4b:s1+s11], $0x0, s12, s11, $0x38;
	[tilespmem:$0x10680] =	vst v63  }
0x139: {  	[tilespmem:s0], [sflag:$0x1] =	stream.linear.gather [hbm4b:s1+s31], $0x40, $0x38;
	[tilespmem:$0x10680] =	vst v63  }
0x13a: {  	s10 =	simm.s32 $0x1  }
0x13b: {  	_ =	swait.ge [sflag:s10], $0x8000  }
0x13c: {  	[sflag:s10] =	ssyncset.done $0x0  }
0x13d: {  	[sflag:s10] =	ssyncadd.s32 $0xFFFF8000  }
0x13e: {  	_ =	swait.ge [sflag:s10], $0x8000  }
0x13f: {  	[sflag:s10] =	ssyncset.done $0x0  }
0x140: {  	s15 =	simm.s32 $0x0;
	[sflag:s10] =	ssyncadd.s32 $0xFFFF8000  }
0x141: {  	v0 =	vld [tilespmem:s15+$0x0]  }
0x142: {  	v1 =	vld [tilespmem:s15+$0x200];
	_ =	sdelay $0x3  }
0x143: {  	v0 =	vshll.u32 v0, $0x4  }
0x144: {  	v1 =	vshll.u32 v1, $0x4;
	(v2sf) =	vpush v0, $0xF  }
0x145: {  	(v2sf) =	vpush v1, $0xF  }
0x146: {  	(v2sf) =	vpush v0, $0xE  }
0x147: {  	v18 =	vld [tilespmem:$0x10400];
	(v2sf) =	vpush v1, $0xE  }
0x148: {  	v19 =	vld [tilespmem:$0x10410];
	(v2sf) =	vpush v0, $0xD  }
0x149: {  	v17 =	vld [tilespmem:$0x10420];
	(v2sf) =	vpush v1, $0xD  }
0x14a: {  	s18 =	simm.s32 $0x600;
	v16 =	vld [tilespmem:$0x10430];
	(v2sf) =	vpush v0, $0xC  }
0x14b: {  	s17 =	simm.s32 $0x8600;
	v2 =	vld [tilespmem:s18+$0x1F0];
	(v2sf) =	vpush v1, $0xC  }
0x14c: {  	v3 =	vld [tilespmem:s17+$0x1F0];
	(v2sf) =	vpush v0, $0xB  }
0x14d: {  	v4 =	vld [tilespmem:s18+$0x1B0];
	(v2sf) =	vpush v1, $0xB  }
0x14e: {  	v5 =	vld [tilespmem:s17+$0x1B0];
	(v2sf) =	vpush v0, $0xA  }
0x14f: {  	v6 =	vld [tilespmem:s18+$0x1E0];
	(v2sf) =	vpush v1, $0xA  }
0x150: {  	v20 =	vld [tilespmem:s17+$0x1E0];
	(v2sf) =	vpush v0, $0x9  }
0x151: {  	v25 =	vld [tilespmem:s18+$0x1C0];
	(v2sf) =	vpush v1, $0x9  }
0x152: {  	v27 =	vld [tilespmem:s18+$0x1D0];
	(v2sf) =	vpush v0, $0x8  }
0x153: {  	v26 =	vld [tilespmem:s17+$0x1C0];
	(v2sf) =	vpush v1, $0x8  }
0x154: {  	v28 =	vld [tilespmem:s17+$0x1D0];
	s13 =	spop (v2sf);
	(v2sf) =	vpush v0, $0x7  }
0x155: {  	v21 =	vld [tilespmem:s18+$0x170];
	s14 =	spop (v2sf);
	s13 =	sand.u32 $0x10, s13;
	(v2sf) =	vpush v1, $0x7  }
0x156: {  	v22 =	vld [tilespmem:s17+$0x170];
	s14 =	sand.u32 $0x10, s14;
	v2 =	vshra.s32 v2, s13;
	v25 =	vshra.s32 v25, s13;
	v6 =	vshra.s32 v6, s13  }
0x157: {  	v23 =	vld [tilespmem:s18+$0x1A0];
	v27 =	vshra.s32 v27, s13;
	(v2sf) =	vpush v0, $0x6;
	v3 =	vshra.s32 v3, s14  }
0x158: {  	v24 =	vld [tilespmem:s17+$0x1A0];
	v2 =	vshll.u32 v2, $0x10;
	v20 =	vshra.s32 v20, s14;
	v25 =	vshll.u32 v25, $0x10  }
0x159: {  	v34 =	vld [tilespmem:s17+$0x190];
	s5 =	spop (v2sf);
	v6 =	vshll.u32 v6, $0x10;
	v26 =	vshra.s32 v26, s14;
	v28 =	vshra.s32 v28, s14  }
0x15a: {  	v29 =	vld [tilespmem:s18+$0x130];
	s5 =	sand.u32 $0x10, s5;
	v27 =	vshll.u32 v27, $0x10;
	(v2sf) =	vpush v1, $0x6;
	v3 =	vshll.u32 v3, $0x10  }
0x15b: {  	v30 =	vld [tilespmem:s17+$0x130];
	s8 =	spop (v2sf);
	v4 =	vshra.s32 v4, s5;
	v20 =	vshll.u32 v20, $0x10;
	v26 =	vshll.u32 v26, $0x10  }
0x15c: {  	v31 =	vld [tilespmem:s18+$0x160];
	s19 =	sand.u32 $0x10, s8;
	v28 =	vshll.u32 v28, $0x10;
	(v2sf) =	vpush v0, $0x5;
	v2 =	vmul.f32 v3, v2  }
0x15d: {  	v32 =	vld [tilespmem:s17+$0x180];
	s9 =	spop (v2sf);
	v5 =	vshra.s32 v5, s19;
	v4 =	vshll.u32 v4, $0x10;
	v25 =	vmul.f32 v26, v25  }
0x15e: {  	v33 =	vld [tilespmem:s18+$0x190];
	s9 =	sand.u32 $0x10, s9;
	v26 =	vmul.f32 v28, v27;
	v6 =	vmul.f32 v20, v6;
	v49 =	vshra.s32 v34, s19  }
0x15f: {  	v35 =	vld [tilespmem:s18+$0xF0];
	s10 =	spop (v2sf);
	(v2sf) =	vpush v1, $0x5;
	v5 =	vshll.u32 v5, $0x10;
	v21 =	vshra.s32 v21, s9  }
0x160: {  	v36 =	vld [tilespmem:s17+$0xF0];
	s10 =	sand.u32 $0x10, s10;
	(v2sf) =	vpush v0, $0x4;
	v2 =	vmul.f32 v2, v16;
	v21 =	vshll.u32 v21, $0x10  }
0x161: {  	v3 =	vld [tilespmem:s17+$0x160];
	v22 =	vshra.s32 v22, s10;
	v6 =	vmul.f32 v6, v17;
	(v2sf) =	vpush v1, $0x4  }
0x162: {  	v38 =	vld [tilespmem:s17+$0xE0];
	v20 =	vshll.u32 v22, $0x10;
	v22 =	vmul.f32 v25, v18;
	v25 =	vmul.f32 v26, v19  }
0x163: {  	v11 =	vld [tilespmem:s17+$0x110];
	s3 =	spop (v2sf);
	(v2sf) =	vpush v0, $0x3;
	v21 =	vmul.f32 v20, v21;
	v20 =	vmul.f32 v5, v4  }
0x164: {  	v42 =	vld [tilespmem:s17+$0xC0];
	s2 =	spop (v2sf);
	s3 =	sand.u32 $0x10, s3;
	v4 =	vshra.s32 v23, s5;
	(v2sf) =	vpush v1, $0x3;
	v5 =	vadd.f32 v25, v22  }
0x165: {  	v39 =	vld [tilespmem:s18+$0x70];
	s6 =	spop (v2sf);
	v22 =	vshra.s32 v29, s3;
	v4 =	vshll.u32 v4, $0x10;
	v29 =	vshra.s32 v31, s9  }
0x166: {  	v41 =	vld [tilespmem:s18+$0xA0];
	s2 =	sand.u32 $0x10, s2;
	s7 =	spop (v2sf);
	v3 =	vshra.s32 v3, s10;
	(v2sf) =	vpush v0, $0x2;
	v37 =	vmul.f32 v21, v16  }
0x167: {  	v48 =	vld [tilespmem:s17+$0xA0];
	s7 =	sand.u32 $0x10, s7;
	v21 =	vshll.u32 v22, $0x10;
	v22 =	vshra.s32 v24, s19;
	v24 =	vshra.s32 v30, s2  }
0x168: {  	v52 =	vld [tilespmem:s17+$0x80];
	v29 =	vshll.u32 v29, $0x10;
	v3 =	vshll.u32 v3, $0x10;
	v9 =	vshra.s32 v36, s7  }
0x169: {  	v23 =	vld [tilespmem:s18+$0x150];
	v60 =	vshra.s32 v42, s7;
	v36 =	vshra.s32 v11, s2;
	(v2sf) =	vpush v1, $0x2  }
0x16a: {  	v46 =	vld [tilespmem:s18+$0x50];
	s16 =	spop (v2sf);
	v5 =	vadd.f32 v6, v5;
	v24 =	vshll.u32 v24, $0x10;
	v3 =	vmul.f32 v3, v29  }
0x16b: {  	v26 =	vld [tilespmem:s18+$0x140];
	s20 =	spop (v2sf);
	s21 =	sand.u32 $0x10, s16;
	(v2sf) =	vpush v0, $0x1;
	v24 =	vmul.f32 v24, v21;
	v21 =	vshll.u32 v22, $0x10  }
0x16c: {  	s6 =	sand.u32 $0x10, s6;
	v25 =	vld [tilespmem:s17+$0x150];
	s23 =	spop (v2sf);
	v41 =	vshra.s32 v41, s21;
	(v2sf) =	vpush v1, $0x1;
	v21 =	vmul.f32 v21, v4  }
0x16d: {  	v51 =	vld [tilespmem:s17+$0x30];
	s25 =	sand.u32 $0x10, s23;
	v29 =	vadd.f32 v2, v5;
	v3 =	vmul.f32 v3, v17;
	v4 =	vshra.s32 v35, s6  }
0x16e: {  	v53 =	vld [tilespmem:s18+$0x90];
	s22 =	sand.u32 $0x10, s20;
	v23 =	vshra.s32 v23, s9;
	v35 =	vshll.u32 v60, $0x10;
	v39 =	vshra.s32 v39, s25  }
0x16f: {  	v61 =	vld [tilespmem:s18+$0xFFFFFFF0];
	v56 =	vshra.s32 v46, s25;
	v60 =	vshra.s32 v52, s22;
	(v2sf) =	vpush v0, $0x0  }
0x170: {  	v2 =	vld [tilespmem:s18+$0x100];
	v22 =	vmul.f32 v24, v16;
	v24 =	vshra.s32 v26, s9;
	v26 =	vshra.s32 v32, s19  }
0x171: {  	s24 =	spop (v2sf);
	v5 =	vld [tilespmem:s17+$0x100];
	v4 =	vshll.u32 v4, $0x10;
	v25 =	vshra.s32 v25, s10;
	v23 =	vshll.u32 v23, $0x10  }
0x172: {  	s26 =	spop (v2sf);
	v0 =	vld [tilespmem:s18+$0x180];
	v32 =	vshll.u32 v9, $0x10;
	v34 =	vshll.u32 v60, $0x10;
	(v2sf) =	vpush v1, $0x0  }
0x173: {  	s28 =	spop (v2sf);
	v1 =	vld [tilespmem:s17+$0x140];
	v24 =	vshll.u32 v24, $0x10;
	v25 =	vshll.u32 v25, $0x10;
	v4 =	vmul.f32 v32, v4  }
0x174: {  	v40 =	vld [tilespmem:s17+$0x70];
	s8 =	sand.u32 $0x10, s28;
	s9 =	spop (v2sf);
	v23 =	vmul.f32 v25, v23;
	v25 =	vshra.s32 v33, s5;
	v33 =	vshra.s32 v48, s22  }
0x175: {  	v9 =	vld [tilespmem:s17+$0x40];
	v54 =	vshra.s32 v51, s8;
	s13 =	sand.u32 $0x10, s9;
	v4 =	vmul.f32 v4, v16;
	v33 =	vshll.u32 v33, $0x10  }
0x176: {  	v27 =	vld [tilespmem:s18+$0x120];
	v57 =	vshra.s32 v61, s13;
	v61 =	vshra.s32 v53, s21;
	v2 =	vshra.s32 v2, s3  }
0x177: {  	v30 =	vld [tilespmem:s17+$0xB0];
	v5 =	vshra.s32 v5, s2;
	v58 =	vshll.u32 v57, $0x10;
	v0 =	vshra.s32 v0, s5  }
0x178: {  	v31 =	vld [tilespmem:s18+$0xE0];
	v2 =	vshll.u32 v2, $0x10;
	v5 =	vshll.u32 v5, $0x10;
	s5 =	sand.u32 $0x10, s24;
	v1 =	vshra.s32 v1, s10  }
0x179: {  	v6 =	vld [tilespmem:s18+$0xB0];
	v0 =	vshll.u32 v0, $0x10;
	v62 =	vshra.s32 v40, s5;
	v1 =	vshll.u32 v1, $0x10  }
0x17a: {  	v28 =	vld [tilespmem:s17+$0x120];
	v55 =	vshra.s32 v9, s5;
	v1 =	vmul.f32 v1, v24;
	v24 =	vshll.u32 v26, $0x10  }
0x17b: {  	v26 =	vmul.f32 v23, v19;
	v23 =	vmul.f32 v24, v0;
	v0 =	vshll.u32 v25, $0x10  }
0x17c: {  	v10 =	vld [tilespmem:s18+$0x110];
	v24 =	vshll.u32 v49, $0x10;
	v25 =	vshra.s32 v27, s3;
	v27 =	vshra.s32 v30, s22  }
0x17d: {  	v46 =	vld [tilespmem:s18+$0x10];
	v30 =	vshra.s32 v31, s6;
	v31 =	vshra.s32 v38, s7;
	v1 =	vmul.f32 v1, v18  }
0x17e: {  	v24 =	vmul.f32 v24, v0;
	v0 =	vshra.s32 v6, s21;
	v6 =	vld [tilespmem:s18+$0xD0];
	v27 =	vshll.u32 v27, $0x10  }
0x17f: {  	v50 =	vld [tilespmem:s18+$0xC0];
	v0 =	vshll.u32 v0, $0x10;
	v1 =	vadd.f32 v26, v1;
	v26 =	vshra.s32 v28, s2  }
0x180: {  	v28 =	vld [tilespmem:s17+$0xD0];
	v0 =	vmul.f32 v27, v0;
	v27 =	vshll.u32 v30, $0x10;
	v30 =	vshll.u32 v31, $0x10  }
0x181: {  	v25 =	vshll.u32 v25, $0x10;
	v31 =	vld [tilespmem:s18+$0x60];
	s2 =	sand.u32 $0x10, s26;
	v27 =	vmul.f32 v30, v27;
	v1 =	vadd.f32 v3, v1  }
0x182: {  	v43 =	vld [tilespmem:s17+$0x60];
	v30 =	vshll.u32 v26, $0x10;
	v60 =	vshra.s32 v46, s2;
	v26 =	vmul.f32 v0, v16  }
0x183: {  	v25 =	vmul.f32 v30, v25;
	v6 =	vshra.s32 v6, s6;
	v32 =	vadd.f32 v37, v1  }
0x184: {  	v1 =	vmul.f32 v27, v17;
	v27 =	vshra.s32 v50, s6;
	v6 =	vshll.u32 v6, $0x10  }
0x185: {  	v3 =	vld [tilespmem:s18+$0x30];
	v30 =	vshll.u32 v27, $0x10;
	v27 =	vmul.f32 v5, v2;
	v28 =	vshra.s32 v28, s7  }
0x186: {  	v44 =	vld [tilespmem:s17+$0xFFFFFFF0];
	v2 =	vshra.s32 v10, s3;
	v31 =	vshra.s32 v31, s25;
	v28 =	vshll.u32 v28, $0x10  }
0x187: {  	v45 =	vld [tilespmem:s18+$0x20];
	v10 =	vshra.s32 v43, s5;
	v30 =	vmul.f32 v35, v30;
	v6 =	vmul.f32 v28, v6  }
0x188: {  	v63 =	vld [tilespmem:s18+$0x40];
	v35 =	vshll.u32 v62, $0x10;
	v2 =	vshll.u32 v2, $0x10;
	v31 =	vshll.u32 v31, $0x10  }
0x189: {  	v47 =	vld [tilespmem:s18+$0xFFFFFFE0];
	v28 =	vshll.u32 v39, $0x10;
	v30 =	vmul.f32 v30, v18;
	v6 =	vmul.f32 v6, v19  }
0x18a: {  	v11 =	vld [tilespmem:s17+$0xFFFFFFB0];
	v3 =	vshra.s32 v3, s2;
	v35 =	vmul.f32 v35, v28;
	v28 =	vshll.u32 v36, $0x10  }
0x18b: {  	s10 =	spop (v2sf);
	v3 =	vshll.u32 v3, $0x10;
	v28 =	vmul.f32 v28, v2;
	v2 =	vld [tilespmem:s17+$0x50];
	v6 =	vadd.f32 v6, v30  }
0x18c: {  	v42 =	vld [tilespmem:s18+$0xFFFFFF70];
	s14 =	spop (v2sf);
	v30 =	vshll.u32 v41, $0x10;
	v41 =	vmul.f32 v35, v16;
	v35 =	vshll.u32 v54, $0x10  }
0x18d: {  	v48 =	vld [tilespmem:s17+$0xFFFFFFE0];
	s16 =	spop (v2sf);
	v30 =	vmul.f32 v33, v30;
	v33 =	vshll.u32 v10, $0x10;
	v1 =	vadd.f32 v1, v6  }
0x18e: {  	v51 =	vld [tilespmem:s18+$0xFFFFFFC0];
	s0 =	sand.u32 $0x10, s16;
	v33 =	vmul.f32 v33, v31;
	v31 =	vmul.f32 v35, v3;
	v3 =	vshra.s32 v63, s25  }
0x18f: {  	v0 =	vld [tilespmem:s18+$0x80];
	v43 =	vshra.s32 v11, s0;
	v35 =	vshll.u32 v56, $0x10;
	v3 =	vshll.u32 v3, $0x10  }
0x190: {  	v5 =	vld [tilespmem:s17+$0x90];
	v2 =	vshra.s32 v2, s5;
	s5 =	sand.u32 $0x10, s10;
	v40 =	vadd.f32 v4, v1;
	v4 =	vmul.f32 v33, v17  }
0x191: {  	v39 =	vld [tilespmem:s17+$0x20];
	v33 =	vshll.u32 v55, $0x10;
	v2 =	vshll.u32 v2, $0x10;
	v59 =	vshra.s32 v44, s5  }
0x192: {  	v54 =	vld [tilespmem:s17+$0xFFFFFF30];
	v3 =	vmul.f32 v33, v3;
	v2 =	vmul.f32 v2, v35;
	v36 =	vshll.u32 v59, $0x10  }
0x193: {  	v62 =	vshra.s32 v45, s2;
	v43 =	vshll.u32 v43, $0x10;
	v6 =	vld [tilespmem:s18+$0xFFFFFFB0];
	v36 =	vmul.f32 v36, v58  }
0x194: {  	v0 =	vshra.s32 v0, s21;
	v10 =	vld [tilespmem:s17+$0xFFFFFFA0];
	v3 =	vmul.f32 v3, v18;
	v2 =	vmul.f32 v2, v19  }
0x195: {  	v37 =	vshll.u32 v62, $0x10;
	v63 =	vshra.s32 v47, s13;
	v1 =	vld [tilespmem:s18+$0x0];
	v9 =	vshra.s32 v48, s5  }
0x196: {  	s19 =	spop (v2sf);
	v58 =	vmul.f32 v36, v16;
	v36 =	vshra.s32 v5, s22;
	v5 =	vld [tilespmem:s18+$0xFFFFFFD0];
	v2 =	vadd.f32 v2, v3  }
0x197: {  	s1 =	sand.u32 $0x10, s14;
	s20 =	spop (v2sf);
	v38 =	vshra.s32 v39, s8;
	v39 =	vshll.u32 v63, $0x10;
	v45 =	vshll.u32 v9, $0x10;
	v3 =	vld [tilespmem:s17+$0xFFFFFFC0]  }
0x198: {  	s21 =	sand.u32 $0x10, s19;
	v45 =	vmul.f32 v45, v39;
	s22 =	spop (v2sf);
	v2 =	vadd.f32 v4, v2;
	v4 =	vshra.s32 v6, s1;
	v6 =	vld [tilespmem:s17+$0xFFFFFFD0]  }
0x199: {  	v33 =	vshll.u32 v0, $0x10;
	v59 =	vshra.s32 v42, s21;
	v46 =	vshra.s32 v10, s0;
	s23 =	spop (v2sf)  }
0x19a: {  	v0 =	vld [tilespmem:s17+$0xFFFFFF70];
	v11 =	vmul.f32 v45, v17;
	v1 =	vshra.s32 v1, s2;
	s30 =	sand.u32 $0x10, s23;
	v4 =	vshll.u32 v4, $0x10  }
0x19b: {  	v55 =	vld [tilespmem:s17+$0xFFFFFF60];
	v10 =	vshra.s32 v54, s30;
	v39 =	vmul.f32 v43, v4;
	v4 =	vshra.s32 v51, s13  }
0x19c: {  	v47 =	vadd.f32 v41, v2;
	v2 =	vld [tilespmem:s18+$0xFFFFFF60];
	v5 =	vshra.s32 v5, s13;
	v41 =	vshll.u32 v1, $0x10  }
0x19d: {  	v49 =	vld [tilespmem:s17+$0x0];
	v4 =	vshll.u32 v4, $0x10;
	v3 =	vshra.s32 v3, s5;
	v6 =	vshra.s32 v6, s5  }
0x19e: {  	v53 =	vld [tilespmem:s18+$0xFFFFFF30];
	v5 =	vshll.u32 v5, $0x10;
	v3 =	vshll.u32 v3, $0x10;
	s5 =	sand.u32 $0x10, s20;
	v6 =	vshll.u32 v6, $0x10  }
0x19f: {  	v44 =	vld [tilespmem:s18+$0xFFFFFFA0];
	v3 =	vmul.f32 v3, v4;
	v0 =	vshra.s32 v0, s5;
	v4 =	vmul.f32 v6, v5  }
0x1a0: {  	v50 =	vld [tilespmem:s17+$0x10];
	v9 =	vshra.s32 v55, s5;
	v5 =	vshll.u32 v59, $0x10;
	v0 =	vshll.u32 v0, $0x10  }
0x1a1: {  	v62 =	vld [tilespmem:s18+$0xFFFFFF40];
	v1 =	vmul.f32 v3, v18;
	v2 =	vshra.s32 v2, s21;
	v3 =	vmul.f32 v4, v19  }
0x1a2: {  	v56 =	vld [tilespmem:s18+$0xFFFFFF80];
	v48 =	vshll.u32 v9, $0x10;
	v0 =	vmul.f32 v0, v5;
	v5 =	vshra.s32 v49, s8  }
0x1a3: {  	v51 =	vld [tilespmem:s17+$0xFFFFFF50];
	v2 =	vshll.u32 v2, $0x10;
	v43 =	vshll.u32 v5, $0x10;
	v1 =	vadd.f32 v3, v1  }
0x1a4: {  	s29 =	sand.u32 $0x10, s22;
	v59 =	vld [tilespmem:s18+$0xFFFFFEF0];
	v2 =	vmul.f32 v48, v2;
	v57 =	vmul.f32 v0, v16;
	v0 =	vshra.s32 v44, s1  }
0x1a5: {  	v5 =	vld [tilespmem:s18+$0xFFFFFF50];
	v45 =	vshll.u32 v0, $0x10;
	v0 =	vadd.f32 v11, v1;
	v1 =	vshra.s32 v53, s29  }
0x1a6: {  	v44 =	vshra.s32 v50, s8;
	v50 =	vshll.u32 v10, $0x10;
	v3 =	vld [tilespmem:s17+$0xFFFFFF40];
	v1 =	vshll.u32 v1, $0x10  }
0x1a7: {  	v48 =	vmul.f32 v50, v1;
	v50 =	vadd.f32 v58, v0;
	v0 =	vld [tilespmem:s18+$0xFFFFFEB0]  }
0x1a8: {  	v1 =	vshra.s32 v62, s21;
	v62 =	vmul.f32 v2, v17;
	v2 =	vld [tilespmem:s17+$0xFFFFFEB0];
	_ =	sdelay $0x1  }
0x1a9: {  	s24 =	spop (v2sf);
	v53 =	vld [tilespmem:s17+$0xFFFFFEF0]  }
0x1aa: {  	v35 =	vshll.u32 v61, $0x10;
	s2 =	sand.u32 $0x10, s24  }
0x1ab: {  	v52 =	vld [tilespmem:s18+$0xFFFFFF90];
	v9 =	vshra.s32 v59, s2;
	[tilespmem:$0x1FEF0] =	vst v0;
	v0 =	vshll.u32 v1, $0x10;
	v1 =	vshra.s32 v56, s1  }
0x1ac: {  	v61 =	vld [tilespmem:s17+$0xFFFFFF80];
	s25 =	spop (v2sf);
	[tilespmem:$0x1FF00] =	vst v2;
	v2 =	vshra.s32 v3, s5;
	v3 =	vshra.s32 v5, s21;
	v5 =	vshra.s32 v51, s5  }
0x1ad: {  	v54 =	vld [tilespmem:s18+$0xFFFFFF20];
	s5 =	sand.u32 $0x10, s25;
	v2 =	vshll.u32 v2, $0x10;
	v3 =	vshll.u32 v3, $0x10;
	v5 =	vshll.u32 v5, $0x10  }
0x1ae: {  	v0 =	vmul.f32 v2, v0;
	v2 =	vmul.f32 v5, v3;
	v5 =	vshra.s32 v53, s5  }
0x1af: {  	v63 =	vld [tilespmem:s17+$0xFFFFFF90];
	v49 =	vshll.u32 v1, $0x10;
	v3 =	vshll.u32 v9, $0x10;
	v1 =	vshll.u32 v5, $0x10  }
0x1b0: {  	v42 =	vshll.u32 v60, $0x10;
	v60 =	vld [tilespmem:s18+$0xFFFFFEE0];
	v3 =	vmul.f32 v1, v3  }
0x1b1: {  	v10 =	vshra.s32 v52, s1;
	v11 =	vld [tilespmem:s17+$0xFFFFFF20];
	v5 =	vshra.s32 v61, s0  }
0x1b2: {  	v52 =	vshll.u32 v5, $0x10;
	v5 =	vld [tilespmem:$0x1FF00];
	v61 =	vmul.f32 v3, v16;
	v3 =	vshra.s32 v54, s29  }
0x1b3: {  	v54 =	vshll.u32 v3, $0x10;
	v3 =	vld [tilespmem:$0x1FEF0]  }
0x1b4: {  	v6 =	vld [tilespmem:s17+$0xFFFFFEE0]  }
0x1b5: {  	s26 =	spop (v2sf)  }
0x1b6: {  	s28 =	spop (v2sf);
	v59 =	vld [tilespmem:s18+$0xFFFFFF00]  }
0x1b7: {  	v58 =	vld [tilespmem:s17+$0xFFFFFF00];
	v55 =	vshra.s32 v11, s30;
	s1 =	sand.u32 $0x10, s28;
	v53 =	vshra.s32 v63, s0;
	s0 =	sand.u32 $0x10, s26  }
0x1b8: {  	v56 =	vld [tilespmem:s18+$0xFFFFFF10];
	v5 =	vshra.s32 v5, s1;
	v11 =	vshra.s32 v3, s0;
	v3 =	vshra.s32 v60, s2  }
0x1b9: {  	v6 =	vshra.s32 v6, s5;
	v1 =	vld [tilespmem:s18+$0xFFFFFEC0];
	[tilespmem:$0x1FF10] =	vst v5;
	v3 =	vshll.u32 v3, $0x10  }
0x1ba: {  	v12 =	vshll.u32 v6, $0x10;
	v0 =	vmul.f32 v0, v18;
	v2 =	vmul.f32 v2, v19;
	v6 =	vld [tilespmem:$0x1FF10];
	[tilespmem:$0x1FF20] =	vst v3  }
0x1bb: {  	v5 =	vld [tilespmem:$0x1FF20]  }
0x1bc: {  	v4 =	vadd.f32 v2, v0;
	v0 =	vld [tilespmem:s17+$0xFFFFFEC0]  }
0x1bd: {  	s21 =	spop (v2sf);
	v2 =	vld [tilespmem:s18+$0xFFFFFED0]  }
0x1be: {  	s22 =	spop (v2sf);
	v63 =	vadd.f32 v62, v4;
	v4 =	vld [tilespmem:s17+$0xFFFFFED0]  }
0x1bf: {  	v51 =	vshll.u32 v10, $0x10;
	s20 =	spop (v2sf);
	v60 =	vld [tilespmem:s17+$0xFFFFFF10]  }
0x1c0: {  	s19 =	simm.s32 $0x40;
	s23 =	spop (v2sf);
	v62 =	vshll.u32 v11, $0x10;
	v3 =	vld [tilespmem:s18+$0xFFFFFE70];
	v6 =	vshll.u32 v6, $0x10;
	v5 =	vmul.f32 v12, v5  }
.LBB2_4:
0x1c1: {  	v7 =	vld [tilespmem:s17+$0xFFFFFE70]  }
0x1c2: {  	v62 =	vmul.f32 v6, v62;
	v6 =	vld [tilespmem:s18+$0xFFFFFEA0]  }
0x1c3: {  	v57 =	vadd.f32 v57, v63;
	v63 =	vld [tilespmem:s17+$0xFFFFFEA0]  }
0x1c4: {  	v8 =	vld [tilespmem:s18+$0xFFFFFE30];
	v5 =	vmul.f32 v5, v17;
	v1 =	vshra.s32 v1, s2  }
0x1c5: {  	s10 =	sand.u32 $0x10, s21;
	v9 =	vld [tilespmem:s17+$0xFFFFFE30];
	v59 =	vshra.s32 v59, s29;
	v0 =	vshra.s32 v0, s5;
	v2 =	vshra.s32 v2, s2  }
0x1c6: {  	v10 =	vld [tilespmem:s17+$0xFFFFFE80];
	v4 =	vshra.s32 v4, s5;
	v3 =	vshra.s32 v3, s10;
	v1 =	vshll.u32 v1, $0x10  }
0x1c7: {  	(xrf2) =	vadd.scan.msk.f32 $0xffff, v29;
	v29 =	vld [tilespmem:s18+$0xFFFFFE50];
	v0 =	vshll.u32 v0, $0x10;
	v2 =	vshll.u32 v2, $0x10;
	v4 =	vshll.u32 v4, $0x10  }
0x1c8: {  	s3 =	sand.u32 $0x10, s22;
	v11 =	vshra.s32 v60, s30;
	v0 =	vmul.f32 v0, v1;
	v1 =	vmul.f32 v4, v2;
	v2 =	vld [tilespmem:s18+$0xFFFFFE60]  }
0x1c9: {  	v3 =	vshll.u32 v3, $0x10;
	v4 =	vshra.s32 v7, s3;
	v7 =	vshra.s32 v58, s30;
	v58 =	vld [tilespmem:s17+$0xFFFFFE60]  }
0x1ca: {  	v12 =	vld [tilespmem:s17+$0xFFFFFE20];
	v59 =	vshll.u32 v59, $0x10;
	v0 =	vmul.f32 v0, v18;
	v1 =	vmul.f32 v1, v19  }
0x1cb: {  	s6 =	sand.u32 $0x10, s23;
	(xrf2) =	vadd.scan.msk.f32 $0xffff, v32;
	v32 =	vld [tilespmem:s18+$0xFFFFFE00];
	v6 =	vshra.s32 v6, s0;
	v63 =	vshra.s32 v63, s1;
	v4 =	vshll.u32 v4, $0x10  }
0x1cc: {  	v9 =	vshra.s32 v9, s6;
	v3 =	vmul.f32 v4, v3;
	v4 =	vld [tilespmem:s18+$0xFFFFFE80];
	v0 =	vadd.f32 v1, v0  }
0x1cd: {  	v60 =	vld [tilespmem:s18+$0xFFFFFE20];
	v29 =	vshra.s32 v29, s10;
	v1 =	vshra.s32 v56, s29;
	v56 =	vshll.u32 v11, $0x10  }
0x1ce: {  	s13 =	sand.u32 $0x10, s20;
	v11 =	vld [tilespmem:s18+$0xFFFFFE40];
	v2 =	vshra.s32 v2, s10;
	v58 =	vshra.s32 v58, s3;
	v0 =	vadd.f32 v5, v0  }
0x1cf: {  	v5 =	vshra.s32 v8, s13;
	v8 =	vld [tilespmem:s17+$0xFFFFFE40];
	v2 =	vshll.u32 v2, $0x10;
	v58 =	vshll.u32 v58, $0x10  }
0x1d0: {  	v9 =	vshll.u32 v9, $0x10;
	v2 =	vmul.f32 v58, v2;
	v58 =	vshra.s32 v10, s1;
	v10 =	vld [tilespmem:s17+$0xFFFFFE00]  }
0x1d1: {  	v5 =	vshll.u32 v5, $0x10;
	v4 =	vshra.s32 v4, s0;
	v0 =	vadd.f32 v61, v0;
	v61 =	vld [tilespmem:s17+$0xFFFFFE50]  }
0x1d2: {  	v5 =	vmul.f32 v9, v5;
	v4 =	vshll.u32 v4, $0x10;
	v9 =	vshll.u32 v58, $0x10;
	v58 =	vld [tilespmem:s18+$0xFFFFFE10]  }
0x1d3: {  	v12 =	vshra.s32 v12, s6;
	v6 =	vshll.u32 v6, $0x10;
	v4 =	vmul.f32 v9, v4;
	v9 =	vld [tilespmem:s17+$0xFFFFFE10]  }
0x1d4: {  	v32 =	vshra.s32 v32, s13;
	v60 =	vshra.s32 v60, s13;
	v11 =	vshra.s32 v11, s10  }
0x1d5: {  	v3 =	vmul.f32 v3, v16;
	v11 =	vshll.u32 v11, $0x10;
	v8 =	vshra.s32 v8, s3  }
0x1d6: {  	(xrf2) =	vadd.scan.msk.f32 $0xffff, v40;
	v8 =	vshll.u32 v8, $0x10;
	v10 =	vshra.s32 v10, s6;
	v40 =	vshra.s32 v61, s3  }
0x1d7: {  	v61 =	vshll.u32 v29, $0x10;
	v8 =	vmul.f32 v8, v11;
	v58 =	vshra.s32 v58, s13  }
0x1d8: {  	v10 =	vshll.u32 v10, $0x10;
	v40 =	vshll.u32 v40, $0x10;
	v9 =	vshra.s32 v9, s6  }
0x1d9: {  	(xrf2) =	vadd.scan.msk.f32 $0xffff, v47;
	v47 =	vld [tilespmem:s18+$0xFFFFFE90];
	v58 =	vshll.u32 v58, $0x10;
	v11 =	vmul.f32 v40, v61;
	v40 =	vshll.u32 v60, $0x10  }
0x1da: {  	v60 =	vshll.u32 v32, $0x10;
	v8 =	vmul.f32 v8, v18;
	v61 =	vld [tilespmem:s17+$0xFFFFFE90];
	v9 =	vshll.u32 v9, $0x10  }
0x1db: {  	v12 =	vshll.u32 v12, $0x10;
	v10 =	vmul.f32 v10, v60;
	v9 =	vmul.f32 v9, v58  }
0x1dc: {  	v63 =	vshll.u32 v63, $0x10;
	v12 =	vmul.f32 v12, v40;
	v11 =	vmul.f32 v11, v19  }
0x1dd: {  	v1 =	vshll.u32 v1, $0x10;
	v29, _, _ =	vpop (xrf2);
	(xrf2) =	vadd.scan.msk.f32 $0xffff, v50;
	v10 =	vmul.f32 v10, v18;
	v9 =	vmul.f32 v9, v19  }
0x1de: {  	v2 =	vmul.f32 v2, v17;
	v60 =	vshra.s32 v47, s0;
	v8 =	vadd.f32 v11, v8  }
0x1df: {  	v58 =	vmul.f32 v12, v17;
	v50 =	vshra.s32 v61, s1;
	v9 =	vadd.f32 v9, v10  }
0x1e0: {  	v32, _, _ =	vpop (xrf2);
	(xrf2) =	vadd.scan.msk.f32 $0xffff, v57;
	v2 =	vadd.f32 v2, v8;
	v8 =	vshll.u32 v60, $0x10;
	v57 =	vshll.u32 v50, $0x10  }
0x1e1: {  	v7 =	vshll.u32 v7, $0x10;
	v1 =	vmul.f32 v56, v1;
	v8 =	vmul.f32 v57, v8  }
0x1e2: {  	v40, _, _ =	vpop (xrf2);
	(xrf2) =	vadd.scan.msk.f32 $0xffff, v0;
	v0 =	vmul.f32 v5, v16;
	v61 =	vmul.f32 v4, v18;
	v5 =	vadd.f32 v58, v9  }
0x1e3: {  	v2 =	vadd.f32 v3, v2;
	v3 =	vmul.f32 v63, v6;
	v6 =	vmul.f32 v8, v19  }
0x1e4: {  	v7 =	vmul.f32 v7, v59;
	v1 =	vmul.f32 v1, v19;
	v8 =	vshll.u32 v55, $0x10  }
0x1e5: {  	v60, _, _ =	vpop (xrf2);
	v0 =	vadd.f32 v0, v5;
	(xrf2) =	vadd.scan.msk.f32 $0xffff, v2;
	v3 =	vmul.f32 v3, v17;
	v2 =	vadd.f32 v6, v61  }
0x1e6: {  	v5 =	vmul.f32 v62, v16;
	v6 =	vmul.f32 v8, v54  }
0x1e7: {  	v4, _, _ =	vpop (xrf2);
	v8 =	vshll.u32 v53, $0x10;
	(xrf2) =	vadd.scan.msk.f32 $0xffff, v0;
	v2 =	vadd.f32 v3, v2;
	v3 =	vmul.f32 v7, v18  }
0x1e8: {  	v0 =	vmul.f32 v52, v49;
	v7 =	vmul.f32 v8, v51;
	v8 =	vshll.u32 v46, $0x10  }
0x1e9: {  	v63 =	vadd.f32 v5, v2;
	v1 =	vadd.f32 v1, v3;
	v3 =	vmul.f32 v6, v17  }
0x1ea: {  	v0 =	vmul.f32 v0, v18;
	v6 =	vmul.f32 v8, v45  }
0x1eb: {  	v62, _, _ =	vpop (xrf2);
	v8 =	vshll.u32 v44, $0x10;
	v1 =	vadd.f32 v3, v1;
	v3 =	vmul.f32 v7, v19;
	(xrf2) =	vadd.scan.msk.f32 $0xffff, v63  }
0x1ec: {  	v5 =	vmul.f32 v48, v16;
	v45 =	vshll.u32 v38, $0x10;
	v8 =	vmul.f32 v8, v42  }
0x1ed: {  	v7 =	vmul.f32 v43, v41;
	v0 =	vadd.f32 v3, v0;
	v3 =	vmul.f32 v6, v17  }
0x1ee: {  	v12 =	vmul.f32 v45, v37;
	v1 =	vadd.f32 v5, v1;
	v5 =	vmul.f32 v39, v16  }
0x1ef: {  	v2, _, _ =	vpop (xrf2);
	v0 =	vadd.f32 v3, v0;
	v3 =	vmul.f32 v7, v18;
	v7 =	vmul.f32 v8, v19  }
0x1f0: {  	v48, _, _ =	vpop (xrf2)  }
0x1f1: {  	v6, _, _ =	vpop (xrf2);
	v0 =	vadd.f32 v5, v0;
	v3 =	vadd.f32 v7, v3;
	v5 =	vmul.f32 v12, v17  }
0x1f2: {  	v6 =	vbroadcast v6, $0xF  }
0x1f3: {  	v49 =	vmul.f32 v31, v16;
	(xrf2) =	vadd.scan.msk.f32 $0xffff, v1;
	v3 =	vadd.f32 v5, v3  }
0x1f4: {  	(xrf2) =	vadd.scan.msk.f32 $0xffff, v0;
	v0 =	vmul.f32 v13, v6;
	v6 =	vbroadcast v48, $0xF  }
0x1f5: {  	v3 =	vadd.f32 v49, v3;
	v7, _, _ =	vpop (xrf2)  }
0x1f6: {  	v0 =	vadd.f32 $0.0e+00, v0;
	v6 =	vmul.f32 v14, v6;
	v50 =	vbroadcast v7, $0xF;
	_ =	sdelay $0x1  }
0x1f7: {  	(xrf2) =	vadd.scan.msk.f32 $0xffff, v3;
	v0 =	vadd.f32 v6, v0;
	v3 =	vmul.f32 v15, v50;
	_ =	sdelay $0x1  }
0x1f8: {  	v0 =	vadd.f32 v3, v0;
	v3 =	vld [tilespmem:$0x1FFA0];
	_ =	sdelay $0x2  }
0x1f9: {  	v2 =	vbroadcast v2, $0xF;
	_ =	sdelay $0x1  }
0x1fa: {  	v2 =	vmul.f32 v3, v2;
	_ =	sdelay $0x1  }
0x1fb: {  	v0 =	vadd.f32 v2, v0;
	v2 =	vld [tilespmem:$0x1FFB0];
	_ =	sdelay $0x1  }
0x1fc: {  	v7, _, _ =	vpop (xrf2)  }
0x1fd: {  	v3 =	vbroadcast v7, $0xF  }
0x1fe: {  	v46 =	vshll.u32 v36, $0x10;
	v1 =	vmul.f32 v34, v33  }
0x1ff: {  	v8 =	vmul.f32 v46, v35;
	v2 =	vmul.f32 v2, v3;
	_ =	sdelay $0x1  }
0x200: {  	v1 =	vmul.f32 v1, v18;
	v5 =	vmul.f32 v8, v19;
	v0 =	vadd.f32 v2, v0;
	v2 =	vld [tilespmem:$0x1FFC0];
	_ =	sdelay $0x1  }
0x201: {  	v1 =	vadd.f32 v5, v1;
	v5 =	vmul.f32 v30, v17  }
0x202: {  	v3 =	vbroadcast v62, $0xF  }
0x203: {  	v8 =	vmul.f32 v28, v19;
	v1 =	vadd.f32 v5, v1;
	v5 =	vmul.f32 v27, v18  }
0x204: {  	v2 =	vmul.f32 v2, v3  }
0x205: {  	v6 =	vmul.f32 v25, v17;
	v5 =	vadd.f32 v8, v5  }
0x206: {  	v1 =	vadd.f32 v26, v1;
	v0 =	vadd.f32 v2, v0;
	v2 =	vld [tilespmem:$0x1FFD0]  }
0x207: {  	s14 =	sshra.s32 s19, $0x2;
	v5 =	vadd.f32 v6, v5;
	v6 =	vmul.f32 v23, v18;
	v7 =	vmul.f32 v24, v19  }
0x208: {  	(xrf2) =	vadd.scan.msk.f32 $0xffff, v1;
	v1 =	vld [tilespmem:s14+$0x0];
	v8, _, _ =	vpop (xrf2)  }
0x209: {  	v6 =	vadd.f32 v7, v6;
	v7 =	vmul.f32 v21, v17;
	v3 =	vbroadcast v8, $0xF;
	_ =	sdelay $0x1  }
0x20a: {  	v6 =	vadd.f32 v7, v6;
	v7 =	vmul.f32 v20, v16;
	v2 =	vmul.f32 v2, v3  }
0x20b: {  	v5 =	vadd.f32 v22, v5  }
0x20c: {  	v20 =	vshll.u32 v1, $0x4;
	v1 =	vadd.f32 v7, v6;
	v0 =	vadd.f32 v2, v0;
	v2 =	vld [tilespmem:$0x1FFE0]  }
0x20d: {  	(xrf2) =	vadd.scan.msk.f32 $0xffff, v5  }
0x20e: {  	v3 =	vbroadcast v4, $0xF;
	v4, _, _ =	vpop (xrf2);
	(xrf2) =	vadd.scan.msk.f32 $0xffff, v1;
	v1 =	vld [tilespmem:$0x1FFF0];
	_ =	sdelay $0x2  }
0x20f: {  	v4 =	vbroadcast v4, $0xF;
	v2 =	vmul.f32 v2, v3;
	_ =	sdelay $0x1  }
0x210: {  	v1 =	vmul.f32 v1, v4;
	v0 =	vadd.f32 v2, v0;
	_ =	sdelay $0x1  }
0x211: {  	v0 =	vadd.f32 v1, v0;
	v1 =	vld [tilespmem:$0x1FF30];
	_ =	sdelay $0x2  }
0x212: {  	v2 =	vbroadcast v60, $0xF;
	_ =	sdelay $0x1  }
0x213: {  	v1 =	vmul.f32 v1, v2;
	_ =	sdelay $0x1  }
0x214: {  	v0 =	vadd.f32 v1, v0;
	v1 =	vld [tilespmem:$0x1FF40];
	_ =	sdelay $0x1  }
0x215: {  	v3, _, _ =	vpop (xrf2)  }
0x216: {  	v2 =	vbroadcast v3, $0xF;
	_ =	sdelay $0x1  }
0x217: {  	v1 =	vmul.f32 v1, v2;
	_ =	sdelay $0x1  }
0x218: {  	v0 =	vadd.f32 v1, v0;
	v1 =	vld [tilespmem:$0x1FF50];
	_ =	sdelay $0x2  }
0x219: {  	v2 =	vbroadcast v40, $0xF;
	_ =	sdelay $0x1  }
0x21a: {  	v1 =	vmul.f32 v1, v2;
	_ =	sdelay $0x1  }
0x21b: {  	v0 =	vadd.f32 v1, v0;
	v1 =	vld [tilespmem:$0x1FF60];
	_ =	sdelay $0x1  }
0x21c: {  	v3, _, _ =	vpop (xrf2)  }
0x21d: {  	v2 =	vbroadcast v3, $0xF;
	_ =	sdelay $0x1  }
0x21e: {  	v1 =	vmul.f32 v1, v2  }
0x21f: {  	v51 =	vld [tilespmem:s14+$0x200]  }
0x220: {  	v0 =	vadd.f32 v1, v0;
	v1 =	vld [tilespmem:$0x1FF70];
	_ =	sdelay $0x2  }
0x221: {  	v2 =	vbroadcast v32, $0xF  }
0x222: {  	(v2sf) =	vpush v20, $0xF  }
0x223: {  	v21 =	vshll.u32 v51, $0x4;
	v1 =	vmul.f32 v1, v2  }
0x224: {  	(v2sf) =	vpush v21, $0xF  }
0x225: {  	v0 =	vadd.f32 v1, v0;
	v1 =	vld [tilespmem:$0x1FF80]  }
0x226: {  	(v2sf) =	vpush v20, $0xE  }
0x227: {  	v3, _, _ =	vpop (xrf2)  }
0x228: {  	(v2sf) =	vpush v21, $0xE;
	v2 =	vbroadcast v3, $0xF;
	_ =	sdelay $0x1  }
0x229: {  	(v2sf) =	vpush v20, $0xD;
	v1 =	vmul.f32 v1, v2;
	_ =	sdelay $0x1  }
0x22a: {  	(v2sf) =	vpush v21, $0xD;
	v0 =	vadd.f32 v1, v0;
	v1 =	vld [tilespmem:$0x1FF90];
	_ =	sdelay $0x1  }
0x22b: {  	(v2sf) =	vpush v20, $0xC  }
0x22c: {  	(v2sf) =	vpush v21, $0xC;
	v2 =	vbroadcast v29, $0xF  }
0x22d: {  	(v2sf) =	vpush v20, $0xB  }
0x22e: {  	s16 =	spop (v2sf);
	(v2sf) =	vpush v21, $0xB;
	v1 =	vmul.f32 v1, v2  }
0x22f: {  	(v2sf) =	vpush v20, $0xA  }
0x230: {  	s20 =	spop (v2sf);
	(v2sf) =	vpush v21, $0xA;
	v0 =	vadd.f32 v1, v0  }
0x231: {  	(v2sf) =	vpush v20, $0x9  }
0x232: {  	s18 =	sadd.s32 $0x400, s18;
	s22 =	spop (v2sf);
	(v2sf) =	vpush v21, $0x9;
	[tilespmem:s15+$0x10480] =	vst v0  }
0x233: {  	s17 =	sadd.s32 $0x400, s17;
	(v2sf) =	vpush v20, $0x8;
	v0 =	vld [tilespmem:s18+$0x1F0]  }
0x234: {  	s23 =	spop (v2sf);
	(v2sf) =	vpush v21, $0x8;
	v1 =	vld [tilespmem:s17+$0x1F0]  }
0x235: {  	(v2sf) =	vpush v20, $0x7;
	v2 =	vld [tilespmem:s18+$0x1B0]  }
0x236: {  	s26 =	spop (v2sf);
	(v2sf) =	vpush v21, $0x7;
	v3 =	vld [tilespmem:s17+$0x1B0]  }
0x237: {  	(v2sf) =	vpush v20, $0x6;
	v4 =	vld [tilespmem:s18+$0x1E0]  }
0x238: {  	s21 =	spop (v2sf);
	(v2sf) =	vpush v21, $0x6;
	v5 =	vld [tilespmem:s17+$0x1E0]  }
0x239: {  	(v2sf) =	vpush v20, $0x5;
	v6 =	vld [tilespmem:s18+$0x170]  }
0x23a: {  	s2 =	spop (v2sf);
	(v2sf) =	vpush v21, $0x5;
	v7 =	vld [tilespmem:s17+$0x170]  }
0x23b: {  	(v2sf) =	vpush v20, $0x4;
	v8 =	vld [tilespmem:s18+$0x1A0]  }
0x23c: {  	s15 =	spop (v2sf);
	(v2sf) =	vpush v21, $0x4;
	v52 =	vld [tilespmem:s17+$0x1A0]  }
0x23d: {  	v53 =	vld [tilespmem:s18+$0x1C0];
	s25 =	spop (v2sf);
	(v2sf) =	vpush v20, $0x3  }
0x23e: {  	v54 =	vld [tilespmem:s17+$0x1C0];
	s0 =	spop (v2sf);
	(v2sf) =	vpush v21, $0x3  }
0x23f: {  	v12 =	vld [tilespmem:s18+$0x1D0];
	s13 =	spop (v2sf);
	(v2sf) =	vpush v20, $0x2  }
0x240: {  	v22 =	vld [tilespmem:s17+$0x1D0];
	s10 =	spop (v2sf);
	(v2sf) =	vpush v21, $0x2  }
0x241: {  	s28 =	sand.u32 $0x10, s16;
	s24 =	sand.u32 $0x10, s20;
	v57 =	vld [tilespmem:s18+$0x140];
	s7 =	spop (v2sf);
	(v2sf) =	vpush v20, $0x1  }
0x242: {  	s16 =	sand.u32 $0x10, s22;
	s23 =	sand.u32 $0x10, s23;
	v23 =	vld [tilespmem:s18+$0x130];
	v0 =	vshra.s32 v0, s28;
	v1 =	vshra.s32 v1, s24;
	s8 =	spop (v2sf);
	(v2sf) =	vpush v21, $0x1  }
0x243: {  	v24 =	vld [tilespmem:s17+$0x130];
	v2 =	vshra.s32 v2, s16;
	v3 =	vshra.s32 v3, s23;
	v10 =	vshra.s32 v53, s28  }
0x244: {  	s26 =	sand.u32 $0x10, s26;
	v25 =	vld [tilespmem:s18+$0x160];
	v4 =	vshra.s32 v4, s28;
	v5 =	vshra.s32 v5, s24;
	v11 =	vshra.s32 v54, s24  }
0x245: {  	v26 =	vld [tilespmem:s18+$0x180];
	v12 =	vshra.s32 v12, s28;
	v6 =	vshra.s32 v6, s26;
	v9 =	vshra.s32 v52, s23  }
0x246: {  	v27 =	vld [tilespmem:s17+$0x180];
	v62 =	vshra.s32 v57, s26;
	v0 =	vshll.u32 v0, $0x10;
	v1 =	vshll.u32 v1, $0x10  }
0x247: {  	v28 =	vld [tilespmem:s18+$0x190];
	s6 =	spop (v2sf);
	(v2sf) =	vpush v20, $0x0;
	v2 =	vshll.u32 v2, $0x10;
	v3 =	vshll.u32 v3, $0x10  }
0x248: {  	v30 =	vld [tilespmem:s17+$0x190];
	v10 =	vshll.u32 v10, $0x10;
	v4 =	vshll.u32 v4, $0x10;
	v5 =	vshll.u32 v5, $0x10  }
0x249: {  	v58 =	vld [tilespmem:s18+$0x150];
	s28 =	sand.u32 $0x10, s21;
	v20 =	vshra.s32 v22, s24;
	v11 =	vshll.u32 v11, $0x10;
	v12 =	vshll.u32 v12, $0x10  }
0x24a: {  	v59 =	vld [tilespmem:s17+$0x150];
	v6 =	vshll.u32 v6, $0x10;
	v7 =	vshra.s32 v7, s28;
	v22 =	vshra.s32 v25, s26  }
0x24b: {  	v60 =	vld [tilespmem:s18+$0xE0];
	v9 =	vshll.u32 v9, $0x10;
	v0 =	vmul.f32 v1, v0;
	v20 =	vshll.u32 v20, $0x10  }
0x24c: {  	v61 =	vld [tilespmem:s17+$0xE0];
	v10 =	vmul.f32 v11, v10;
	v4 =	vmul.f32 v5, v4;
	v7 =	vshll.u32 v7, $0x10  }
0x24d: {  	s2 =	sand.u32 $0x10, s2;
	v25 =	vld [tilespmem:s17+$0xB0];
	v22 =	vshll.u32 v22, $0x10;
	v56 =	vmul.f32 v20, v12;
	v6 =	vmul.f32 v7, v6  }
0x24e: {  	v1 =	vld [tilespmem:s17+$0x160];
	v20 =	vmul.f32 v3, v2;
	v3 =	vshra.s32 v8, s16;
	v8 =	vshra.s32 v23, s2  }
0x24f: {  	v5 =	vld [tilespmem:s17+$0x120];
	v23 =	vshra.s32 v26, s16;
	v26 =	vshra.s32 v30, s23;
	v0 =	vmul.f32 v0, v16  }
0x250: {  	v12 =	vld [tilespmem:s18+$0x120];
	v10 =	vmul.f32 v10, v18;
	v4 =	vmul.f32 v4, v17;
	v3 =	vshll.u32 v3, $0x10  }
0x251: {  	s0 =	sand.u32 $0x10, s0;
	s10 =	sand.u32 $0x10, s10;
	v2 =	vld [tilespmem:s17+$0x140];
	v8 =	vshll.u32 v8, $0x10;
	v49 =	vshll.u32 v26, $0x10;
	v11 =	vmul.f32 v56, v19  }
0x252: {  	s25 =	sand.u32 $0x10, s25;
	s5 =	spop (v2sf);
	v30 =	vld [tilespmem:s17+$0xC0];
	v26 =	vshra.s32 v61, s0;
	v6 =	vmul.f32 v6, v16;
	v51 =	vshra.s32 v25, s10  }
0x253: {  	s15 =	sand.u32 $0x10, s15;
	v47 =	vld [tilespmem:s18+$0xA0];
	s9 =	spop (v2sf);
	v25 =	vshra.s32 v60, s25;
	v7 =	vadd.f32 v11, v10;
	v1 =	vshra.s32 v1, s28  }
0x254: {  	s29 =	smov.u32 s14;
	v42 =	vld [tilespmem:s17+$0x20];
	s14 =	spop (v2sf);
	v10 =	vshra.s32 v58, s26;
	v11 =	vshra.s32 v59, s28;
	v5 =	vshra.s32 v5, s15  }
0x255: {  	v52 =	vld [tilespmem:s17+$0x30];
	s3 =	spop (v2sf);
	v53 =	vshll.u32 v25, $0x10;
	v25 =	vshll.u32 v26, $0x10;
	v1 =	vshll.u32 v1, $0x10  }
0x256: {  	v55 =	vld [tilespmem:s17+$0xF0];
	s1 =	spop (v2sf);
	v2 =	vshra.s32 v2, s28;
	v10 =	vshll.u32 v10, $0x10;
	v11 =	vshll.u32 v11, $0x10  }
0x257: {  	v31 =	vld [tilespmem:s18+$0xF0];
	s30 =	spop (v2sf);
	v50 =	vshra.s32 v12, s2;
	v5 =	vshll.u32 v5, $0x10;
	v56 =	vshra.s32 v30, s0  }
0x258: {  	v63 =	vld [tilespmem:s17+$0x110];
	s13 =	sand.u32 $0x10, s13;
	s24 =	spop (v2sf);
	v4 =	vadd.f32 v4, v7;
	v1 =	vmul.f32 v1, v22;
	v2 =	vshll.u32 v2, $0x10  }
0x259: {  	v44 =	vld [tilespmem:s18+$0x70];
	s28 =	sand.u32 $0x10, s5;
	s21 =	spop (v2sf);
	v46 =	vmul.f32 v11, v10;
	v11 =	vshll.u32 v51, $0x10;
	v10 =	vshra.s32 v47, s13  }
0x25a: {  	v45 =	vld [tilespmem:s17+$0x70];
	v34 =	vshra.s32 v52, s28;
	v38 =	vshra.s32 v42, s28;
	s22 =	spop (v2sf);
	(v2sf) =	vpush v21, $0x0  }
0x25b: {  	v59 =	vld [tilespmem:s18+$0x20];
	v21 =	vshra.s32 v24, s15;
	v24 =	vshra.s32 v55, s0;
	v10 =	vshll.u32 v10, $0x10  }
0x25c: {  	v54 =	vld [tilespmem:s18+$0x60];
	v34 =	vshll.u32 v34, $0x10;
	v21 =	vshll.u32 v21, $0x10;
	v29 =	vadd.f32 v0, v4  }
0x25d: {  	v12 =	vld [tilespmem:s17+$0xD0];
	v1 =	vmul.f32 v1, v17;
	v4 =	vshra.s32 v31, s25;
	v24 =	vshll.u32 v24, $0x10  }
0x25e: {  	v57 =	vld [tilespmem:s18+$0xFFFFFFF0];
	v8 =	vmul.f32 v21, v8;
	v21 =	vmul.f32 v9, v3;
	v3 =	vshll.u32 v23, $0x10  }
0x25f: {  	s6 =	sand.u32 $0x10, s6;
	v7 =	vld [tilespmem:s18+$0xB0];
	v23 =	vshra.s32 v27, s23;
	v4 =	vshll.u32 v4, $0x10;
	v9 =	vshll.u32 v62, $0x10  }
0x260: {  	v0 =	vld [tilespmem:s18+$0x100];
	v59 =	vshra.s32 v59, s6;
	v2 =	vmul.f32 v2, v9;
	v4 =	vmul.f32 v24, v4  }
0x261: {  	v61 =	vld [tilespmem:s17+$0x40];
	v48 =	vshll.u32 v23, $0x10;
	v24 =	vshra.s32 v28, s16;
	v9 =	vmul.f32 v46, v19  }
0x262: {  	v27 =	vld [tilespmem:s18+$0xC0];
	v12 =	vshra.s32 v12, s0;
	v37 =	vshll.u32 v59, $0x10;
	v22 =	vmul.f32 v8, v16  }
0x263: {  	v28 =	vld [tilespmem:s17+$0xA0];
	v23 =	vmul.f32 v48, v3;
	v3 =	vshll.u32 v24, $0x10;
	v12 =	vshll.u32 v12, $0x10  }
0x264: {  	v8 =	vld [tilespmem:s17+$0x100];
	v2 =	vmul.f32 v2, v18;
	v24 =	vmul.f32 v49, v3;
	v3 =	vshra.s32 v7, s13  }
0x265: {  	v58 =	vld [tilespmem:s17+$0xFFFFFFF0];
	v4 =	vmul.f32 v4, v16;
	v3 =	vshll.u32 v3, $0x10;
	v0 =	vshra.s32 v0, s2  }
0x266: {  	v7 =	vld [tilespmem:s18+$0xD0];
	v2 =	vadd.f32 v9, v2;
	v3 =	vmul.f32 v11, v3;
	v9 =	vshll.u32 v50, $0x10  }
0x267: {  	v31 =	vld [tilespmem:s18+$0x110];
	v11 =	vmul.f32 v25, v53;
	v0 =	vshll.u32 v0, $0x10;
	v25 =	vmul.f32 v5, v9  }
0x268: {  	v60 =	vld [tilespmem:s18+$0x40];
	v28 =	vshra.s32 v28, s10;
	v1 =	vadd.f32 v1, v2;
	v26 =	vmul.f32 v3, v16  }
0x269: {  	s26 =	sand.u32 $0x10, s8;
	s8 =	sand.u32 $0x10, s14;
	v52 =	vld [tilespmem:s18+$0xFFFFFFE0];
	v3 =	vmul.f32 v11, v17;
	v5 =	vshra.s32 v8, s15;
	v8 =	vshra.s32 v27, s25  }
0x26a: {  	v48 =	vld [tilespmem:s17+$0x10];
	v11 =	vshll.u32 v56, $0x10;
	v56 =	vshra.s32 v58, s8;
	v5 =	vshll.u32 v5, $0x10  }
0x26b: {  	v55 =	vld [tilespmem:s17+$0x60];
	v8 =	vshll.u32 v8, $0x10;
	v7 =	vshra.s32 v7, s25;
	v35 =	vshll.u32 v56, $0x10  }
0x26c: {  	v53 =	vld [tilespmem:s17+$0xFFFFFFE0];
	s25 =	sand.u32 $0x10, s7;
	v32 =	vadd.f32 v6, v1;
	v27 =	vmul.f32 v5, v0;
	v0 =	vshra.s32 v31, s2  }
0x26d: {  	v46 =	vld [tilespmem:s18+$0x10];
	v7 =	vshll.u32 v7, $0x10;
	v30 =	vshra.s32 v44, s25;
	v8 =	vmul.f32 v11, v8  }
0x26e: {  	v9 =	vld [tilespmem:s18+$0x90];
	v31 =	vshra.s32 v63, s15;
	v62 =	vshra.s32 v54, s25;
	v54 =	vshra.s32 v61, s26  }
0x26f: {  	v59 =	vld [tilespmem:s17+$0xFFFFFF50];
	v44 =	vshra.s32 v48, s28;
	v7 =	vmul.f32 v12, v7;
	v12 =	vshll.u32 v30, $0x10  }
0x270: {  	v2 =	vld [tilespmem:s18+$0x30];
	v30 =	vshra.s32 v45, s26;
	v0 =	vshll.u32 v0, $0x10;
	v33 =	vshll.u32 v54, $0x10  }
0x271: {  	v1 =	vld [tilespmem:s18+$0x80];
	v61 =	vshra.s32 v53, s8;
	v30 =	vshll.u32 v30, $0x10;
	v8 =	vmul.f32 v8, v18  }
0x272: {  	v5 =	vld [tilespmem:s17+$0x90];
	v7 =	vmul.f32 v7, v19;
	v12 =	vmul.f32 v30, v12;
	v30 =	vshll.u32 v31, $0x10  }
0x273: {  	v9 =	vshra.s32 v9, s13;
	v31 =	vshll.u32 v28, $0x10;
	v28 =	vmul.f32 v30, v0;
	v0 =	vld [tilespmem:s17+$0x50]  }
0x274: {  	v11 =	vshll.u32 v61, $0x10;
	v61 =	vshra.s32 v46, s6;
	v7 =	vadd.f32 v7, v8;
	v8 =	vld [tilespmem:s18+$0x50]  }
0x275: {  	v49 =	vld [tilespmem:s18+$0xFFFFFFA0];
	s7 =	sand.u32 $0x10, s9;
	v2 =	vshra.s32 v2, s6;
	v30 =	vmul.f32 v31, v10;
	v31 =	vshra.s32 v55, s26  }
0x276: {  	v50 =	vld [tilespmem:s17+$0xFFFFFFA0];
	v10 =	vshll.u32 v62, $0x10;
	v2 =	vshll.u32 v2, $0x10;
	v55 =	vshra.s32 v57, s7  }
0x277: {  	v58 =	vld [tilespmem:s18+$0xFFFFFFC0];
	v31 =	vshll.u32 v31, $0x10;
	v1 =	vshra.s32 v1, s13;
	v36 =	vshra.s32 v5, s10  }
0x278: {  	v56 =	vld [tilespmem:s18+$0xFFFFFF10];
	v10 =	vmul.f32 v31, v10;
	v31 =	vmul.f32 v34, v2;
	v2 =	vshra.s32 v60, s25  }
0x279: {  	v6 =	vld [tilespmem:s17+$0x80];
	v34 =	vshll.u32 v55, $0x10;
	v0 =	vshra.s32 v0, s26;
	v8 =	vshra.s32 v8, s25  }
0x27a: {  	v63 =	vld [tilespmem:s17+$0xFFFFFFB0];
	v2 =	vshll.u32 v2, $0x10;
	v0 =	vshll.u32 v0, $0x10;
	v8 =	vshll.u32 v8, $0x10  }
0x27b: {  	v53 =	vld [tilespmem:s17+$0xFFFFFF80];
	v60 =	vshra.s32 v52, s7;
	v2 =	vmul.f32 v33, v2;
	v0 =	vmul.f32 v0, v8  }
0x27c: {  	v3 =	vadd.f32 v3, v7;
	v7 =	vld [tilespmem:s18+$0xFFFFFFB0];
	v57 =	vmul.f32 v35, v34;
	v35 =	vshll.u32 v9, $0x10  }
0x27d: {  	s9 =	sand.u32 $0x10, s1;
	v5 =	vld [tilespmem:s18+$0xFFFFFFD0];
	v9 =	vshll.u32 v60, $0x10;
	v2 =	vmul.f32 v2, v18;
	v0 =	vmul.f32 v0, v19  }
0x27e: {  	v46 =	vshra.s32 v50, s9;
	v33 =	vshll.u32 v1, $0x10;
	v1 =	vld [tilespmem:s17+$0xFFFFFF70];
	v9 =	vmul.f32 v11, v9  }
0x27f: {  	v11 =	vld [tilespmem:s17+$0xFFFFFF30];
	v40 =	vadd.f32 v4, v3;
	v4 =	vmul.f32 v10, v17;
	v0 =	vadd.f32 v0, v2  }
0x280: {  	s3 =	sand.u32 $0x10, s3;
	v42 =	vshll.u32 v61, $0x10;
	v12 =	vmul.f32 v12, v16;
	v6 =	vshra.s32 v6, s10;
	v2 =	vld [tilespmem:s17+$0xFFFFFFC0]  }
0x281: {  	v62 =	vshra.s32 v63, s9;
	v0 =	vadd.f32 v4, v0;
	v4 =	vshra.s32 v7, s3;
	v7 =	vld [tilespmem:s17+$0xFFFFFFD0]  }
0x282: {  	v39 =	vshll.u32 v62, $0x10;
	v34 =	vshll.u32 v6, $0x10;
	v3 =	vld [tilespmem:s18+$0x0];
	v6 =	vmul.f32 v57, v16  }
0x283: {  	s13 =	sand.u32 $0x10, s24;
	v9 =	vmul.f32 v9, v17;
	v5 =	vshra.s32 v5, s7;
	v8 =	vld [tilespmem:s18+$0xFFFFFF70];
	v4 =	vshll.u32 v4, $0x10  }
0x284: {  	[dreg:$0xb] =	wrdreg s22;
	v63 =	vld [tilespmem:s18+$0xFFFFFF30];
	v5 =	vshll.u32 v5, $0x10;
	v1 =	vshra.s32 v1, s13;
	v39 =	vmul.f32 v39, v4  }
0x285: {  	s16 =	rddreg [dreg:$0xb];
	v10 =	vld [tilespmem:s17+$0x0];
	v4 =	vshra.s32 v58, s7;
	v47 =	vadd.f32 v12, v0;
	v2 =	vshra.s32 v2, s8  }
0x286: {  	s10 =	sand.u32 $0x10, s30;
	s30 =	sand.u32 $0x10, s16;
	v0 =	vld [tilespmem:s18+$0xFFFFFF60];
	v4 =	vshll.u32 v4, $0x10;
	v2 =	vshll.u32 v2, $0x10;
	v7 =	vshra.s32 v7, s8  }
0x287: {  	v62 =	vld [tilespmem:s18+$0xFFFFFF40];
	v11 =	vshra.s32 v11, s30;
	v2 =	vmul.f32 v2, v4;
	v7 =	vshll.u32 v7, $0x10  }
0x288: {  	v3 =	vshra.s32 v3, s6;
	v8 =	vshra.s32 v8, s10;
	v12 =	vld [tilespmem:s17+$0xFFFFFF60];
	v4 =	vmul.f32 v7, v5  }
0x289: {  	[dreg:$0xa] =	wrdreg s21;
	v1 =	vshll.u32 v1, $0x10;
	v5 =	vshll.u32 v8, $0x10;
	v2 =	vmul.f32 v2, v18;
	v8 =	vld [tilespmem:s18+$0xFFFFFEF0]  }
0x28a: {  	s21 =	spop (v2sf);
	s14 =	rddreg [dreg:$0xa];
	v7 =	vld [tilespmem:s18+$0xFFFFFF90];
	v1 =	vmul.f32 v1, v5;
	v5 =	vshra.s32 v10, s28;
	v4 =	vmul.f32 v4, v19  }
0x28b: {  	[dreg:$0x8] =	wrdreg s21;
	v55 =	vld [tilespmem:s18+$0xFFFFFF20];
	v11 =	vshll.u32 v11, $0x10;
	v0 =	vshra.s32 v0, s10;
	v43 =	vshll.u32 v5, $0x10  }
0x28c: {  	s24 =	rddreg [dreg:$0x8];
	v5 =	vld [tilespmem:s18+$0xFFFFFF50];
	v57 =	vmul.f32 v1, v16;
	v1 =	vshra.s32 v49, s3;
	v2 =	vadd.f32 v4, v2  }
0x28d: {  	s15 =	smov.u32 s29;
	s29 =	sand.u32 $0x10, s14;
	s2 =	sand.u32 $0x10, s24;
	v41 =	vshll.u32 v3, $0x10;
	v0 =	vshll.u32 v0, $0x10;
	v4 =	vld [tilespmem:s17+$0xFFFFFF40];
	v45 =	vshll.u32 v1, $0x10  }
0x28e: {  	v60 =	vld [tilespmem:s18+$0xFFFFFF80];
	v8 =	vshra.s32 v8, s2;
	v1 =	vadd.f32 v9, v2;
	v2 =	vshra.s32 v63, s29  }
0x28f: {  	v3 =	vld [tilespmem:s17+$0xFFFFFF90];
	v7 =	vshra.s32 v7, s3;
	v63 =	vshra.s32 v12, s13;
	v2 =	vshll.u32 v2, $0x10  }
0x290: {  	v12 =	vld [tilespmem:s17+$0xFFFFFEF0];
	v10 =	vshll.u32 v63, $0x10;
	v48 =	vmul.f32 v11, v2;
	v2 =	vshra.s32 v62, s10  }
0x291: {  	s22 =	spop (v2sf);
	v58 =	vld [tilespmem:s17+$0xFFFFFF00];
	v0 =	vmul.f32 v10, v0;
	v50 =	vadd.f32 v6, v1;
	v1 =	vshll.u32 v2, $0x10  }
0x292: {  	[dreg:$0x9] =	wrdreg s22;
	v9 =	vld [tilespmem:s18+$0xFFFFFEE0];
	v2 =	vshra.s32 v4, s13;
	v4 =	vshra.s32 v5, s10;
	v5 =	vshra.s32 v59, s13  }
0x293: {  	s25 =	rddreg [dreg:$0x9];
	v10 =	vld [tilespmem:s17+$0xFFFFFF20];
	v11 =	vmul.f32 v0, v17;
	v0 =	vshra.s32 v60, s3;
	v2 =	vshll.u32 v2, $0x10  }
0x294: {  	s5 =	sand.u32 $0x10, s25;
	v6 =	vld [tilespmem:s18+$0xFFFFFEB0];
	v4 =	vshll.u32 v4, $0x10;
	v5 =	vshll.u32 v5, $0x10;
	v1 =	vmul.f32 v2, v1  }
0x295: {  	v62 =	vld [tilespmem:s17+$0xFFFFFEE0];
	v2 =	vmul.f32 v5, v4;
	v4 =	vshll.u32 v8, $0x10;
	v5 =	vshra.s32 v12, s5  }
0x296: {  	s21 =	spop (v2sf);
	v59 =	vld [tilespmem:s18+$0xFFFFFF00];
	v49 =	vshll.u32 v0, $0x10;
	v0 =	vshll.u32 v5, $0x10;
	v5 =	vmul.f32 v1, v18  }
0x297: {  	[dreg:$0x6] =	wrdreg s21;
	s22 =	spop (v2sf);
	v51 =	vshll.u32 v7, $0x10;
	v60 =	vld [tilespmem:s17+$0xFFFFFEB0];
	v2 =	vmul.f32 v2, v19;
	v4 =	vmul.f32 v0, v4  }
0x298: {  	p0 =	sne.s32 s19, $0x7C0;
	[dreg:$0x7] =	wrdreg s22;
	v0 =	vshra.s32 v53, s9;
	v1 =	vld [tilespmem:s18+$0xFFFFFEC0];
	v53 =	vshra.s32 v3, s9;
	v3 =	vshra.s32 v9, s2  }
.Ltmp1:
0x299: {  	s26 =	rddreg [dreg:$0x6];
	v52 =	vshll.u32 v0, $0x10;
	v0 =	vld [tilespmem:s17+$0xFFFFFEC0];
	v8 =	vshll.u32 v3, $0x10;
	v5 =	vadd.f32 v2, v5;
	(pc) =	sbr.rel @p0 .LBB2_4-.Ltmp1, $4  }
0x29a: {  	s21 =	spop (v2sf);
	s0 =	sand.u32 $0x10, s26;
	s28 =	rddreg [dreg:$0x7];
	v3 =	vld [tilespmem:s18+$0xFFFFFE70];
	v61 =	vmul.f32 v4, v16;
	v4 =	vshra.s32 v55, s29;
	v55 =	vshra.s32 v10, s30  }
0x29b: {  	s22 =	spop (v2sf);
	s1 =	sand.u32 $0x10, s28;
	v2 =	vld [tilespmem:s18+$0xFFFFFED0];
	v63 =	vadd.f32 v11, v5;
	v5 =	vshra.s32 v6, s0;
	v6 =	vshra.s32 v62, s5  }
0x29c: {  	s20 =	spop (v2sf);
	v7 =	vshra.s32 v60, s1;
	v60 =	vld [tilespmem:s17+$0xFFFFFF10];
	v54 =	vshll.u32 v4, $0x10;
	v9 =	vshll.u32 v6, $0x10  }
0x29d: {  	s19 =	sadd.s32 $0x40, s19;
	s23 =	spop (v2sf);
	v4 =	vld [tilespmem:s17+$0xFFFFFED0];
	v62 =	vshll.u32 v5, $0x10;
	v6 =	vshll.u32 v7, $0x10;
	v5 =	vmul.f32 v9, v8  }
0x29e: {  	v1 =	vshra.s32 v1, s2;
	v10 =	vld [tilespmem:s18+$0xFFFFFE60]  }
0x29f: {  	v7 =	vld [tilespmem:s17+$0xFFFFFE70];
	v0 =	vshra.s32 v0, s5;
	v57 =	vadd.f32 v57, v63;
	(xrf2) =	vadd.scan.msk.f32 $0xffff, v29;
	v29 =	vshra.s32 v59, s29  }
0x2a0: {  	v8 =	vld [tilespmem:s18+$0xFFFFFE30];
	s24 =	sand.u32 $0x10, s21;
	v59 =	vshra.s32 v56, s29;
	v1 =	vshll.u32 v1, $0x10;
	v0 =	vshll.u32 v0, $0x10  }
0x2a1: {  	v9 =	vld [tilespmem:s17+$0xFFFFFE30];
	v5 =	vmul.f32 v5, v17;
	v3 =	vshra.s32 v3, s24;
	(xrf2) =	vadd.scan.msk.f32 $0xffff, v32;
	v32 =	vshra.s32 v58, s30  }
0x2a2: {  	v12 =	vld [tilespmem:s17+$0xFFFFFE40];
	v2 =	vshra.s32 v2, s2;
	v0 =	vmul.f32 v0, v1;
	v4 =	vshra.s32 v4, s5  }
0x2a3: {  	v2 =	vshll.u32 v2, $0x10;
	v4 =	vshll.u32 v4, $0x10;
	v63 =	vshra.s32 v10, s24;
	v10 =	vld [tilespmem:s18+$0xFFFFFE00]  }
0x2a4: {  	s3 =	sand.u32 $0x10, s22;
	v3 =	vshll.u32 v3, $0x10;
	(xrf2) =	vadd.scan.msk.f32 $0xffff, v40;
	v40 =	vshll.u32 v29, $0x10;
	v11 =	vmul.f32 v4, v2;
	v2 =	vld [tilespmem:s17+$0xFFFFFE60]  }
0x2a5: {  	v58 =	vshll.u32 v32, $0x10;
	v7 =	vshra.s32 v7, s3;
	v4 =	vmul.f32 v6, v62;
	v6 =	vld [tilespmem:s18+$0xFFFFFE80]  }
0x2a6: {  	s25 =	sand.u32 $0x10, s20;
	v0 =	vmul.f32 v0, v18;
	v7 =	vshll.u32 v7, $0x10;
	v1 =	vmul.f32 v11, v19  }
0x2a7: {  	s6 =	sand.u32 $0x10, s23;
	v12 =	vshra.s32 v12, s3;
	v3 =	vmul.f32 v7, v3;
	v7 =	vshra.s32 v8, s25;
	v8 =	vld [tilespmem:s17+$0xFFFFFE50]  }
0x2a8: {  	v9 =	vshra.s32 v9, s6;
	v12 =	vshll.u32 v12, $0x10;
	v11 =	vld [tilespmem:s18+$0xFFFFFE40];
	v0 =	vadd.f32 v1, v0  }
0x2a9: {  	v62 =	vld [tilespmem:s17+$0xFFFFFE80];
	v3 =	vmul.f32 v3, v16;
	v10 =	vshra.s32 v10, s25;
	v2 =	vshra.s32 v2, s3  }
0x2aa: {  	v1 =	vld [tilespmem:s18+$0xFFFFFE50];
	v6 =	vshra.s32 v6, s0;
	v10 =	vshll.u32 v10, $0x10;
	v0 =	vadd.f32 v5, v0  }
0x2ab: {  	v5 =	vshll.u32 v7, $0x10;
	v7 =	vshll.u32 v9, $0x10;
	v9 =	vshll.u32 v63, $0x10  }
0x2ac: {  	v2 =	vshll.u32 v2, $0x10;
	v63 =	vld [tilespmem:s17+$0xFFFFFE00];
	v8 =	vshra.s32 v8, s3;
	v6 =	vshll.u32 v6, $0x10  }
0x2ad: {  	v11 =	vshra.s32 v11, s24;
	v5 =	vmul.f32 v7, v5;
	v2 =	vmul.f32 v2, v9;
	v7 =	vld [tilespmem:s18+$0xFFFFFE10]  }
0x2ae: {  	v8 =	vshll.u32 v8, $0x10;
	v9 =	vshll.u32 v11, $0x10;
	v11 =	vld [tilespmem:s17+$0xFFFFFE10];
	v0 =	vadd.f32 v61, v0  }
0x2af: {  	v61 =	vld [tilespmem:s17+$0xFFFFFE20];
	v1 =	vshra.s32 v1, s24;
	v9 =	vmul.f32 v12, v9;
	v12 =	vshra.s32 v62, s1  }
0x2b0: {  	v2 =	vmul.f32 v2, v17;
	v5 =	vmul.f32 v5, v16;
	v1 =	vshll.u32 v1, $0x10  }
0x2b1: {  	v12 =	vshll.u32 v12, $0x10;
	v1 =	vmul.f32 v8, v1;
	v8 =	vld [tilespmem:s18+$0xFFFFFE20];
	v62 =	vshra.s32 v63, s6  }
0x2b2: {  	v9 =	vmul.f32 v9, v18;
	v63 =	vld [tilespmem:s18+$0xFFFFFE90];
	v7 =	vshra.s32 v7, s25;
	v62 =	vshll.u32 v62, $0x10  }
0x2b3: {  	v1 =	vmul.f32 v1, v19;
	v11 =	vshra.s32 v11, s6;
	v10 =	vmul.f32 v62, v10;
	v62 =	vld [tilespmem:s17+$0xFFFFFE90]  }
0x2b4: {  	v7 =	vshll.u32 v7, $0x10;
	v61 =	vshra.s32 v61, s6;
	v11 =	vshll.u32 v11, $0x10  }
0x2b5: {  	v6 =	vmul.f32 v12, v6;
	v61 =	vshll.u32 v61, $0x10;
	v7 =	vmul.f32 v11, v7;
	v11 =	vld [tilespmem:s18+$0xFFFFFEA0]  }
0x2b6: {  	v1 =	vadd.f32 v1, v9;
	v9 =	vld [tilespmem:s17+$0xFFFFFEA0];
	v10 =	vmul.f32 v10, v18;
	v8 =	vshra.s32 v8, s25  }
0x2b7: {  	v63 =	vshra.s32 v63, s0;
	v8 =	vshll.u32 v8, $0x10;
	v7 =	vmul.f32 v7, v19  }
0x2b8: {  	v1 =	vadd.f32 v2, v1;
	v8 =	vmul.f32 v61, v8;
	v61 =	vshra.s32 v62, s1  }
0x2b9: {  	v2 =	vadd.f32 v7, v10;
	v7 =	vshll.u32 v63, $0x10;
	v10 =	vshll.u32 v61, $0x10  }
0x2ba: {  	v60 =	vshra.s32 v60, s30;
	v6 =	vmul.f32 v6, v18;
	v7 =	vmul.f32 v10, v7  }
0x2bb: {  	v62 =	vshra.s32 v11, s0;
	v9 =	vshra.s32 v9, s1;
	v8 =	vmul.f32 v8, v17  }
0x2bc: {  	v63 =	vshll.u32 v62, $0x10;
	v9 =	vshll.u32 v9, $0x10;
	v7 =	vmul.f32 v7, v19  }
0x2bd: {  	(xrf2) =	vadd.scan.msk.f32 $0xffff, v47;
	v1 =	vadd.f32 v3, v1;
	v3 =	vmul.f32 v9, v63;
	v2 =	vadd.f32 v8, v2  }
0x2be: {  	(xrf2) =	vadd.scan.msk.f32 $0xffff, v50;
	v9 =	vshll.u32 v60, $0x10;
	v6 =	vadd.f32 v7, v6;
	v7 =	vshll.u32 v59, $0x10  }
0x2bf: {  	(xrf2) =	vadd.scan.msk.f32 $0xffff, v57;
	v61 =	vshll.u32 v55, $0x10;
	v8 =	vmul.f32 v58, v40;
	v62 =	vmul.f32 v9, v7  }
0x2c0: {  	v23 =	vmul.f32 v23, v18;
	(xrf2) =	vadd.scan.msk.f32 $0xffff, v0;
	v63 =	vmul.f32 v61, v54;
	v2 =	vadd.f32 v5, v2  }
0x2c1: {  	(xrf2) =	vadd.scan.msk.f32 $0xffff, v1;
	v29 =	vmul.f32 v8, v18;
	v0 =	vmul.f32 v62, v19  }
0x2c2: {  	v32 =	vshll.u32 v46, $0x10;
	v3 =	vmul.f32 v3, v17;
	v5 =	vmul.f32 v63, v17;
	(xrf2) =	vadd.scan.msk.f32 $0xffff, v2  }
0x2c3: {  	v50 =	vmul.f32 v34, v33;
	v4 =	vmul.f32 v4, v16;
	v0 =	vadd.f32 v0, v29  }
0x2c4: {  	v10 =	vmul.f32 v52, v49;
	v11 =	vshll.u32 v53, $0x10;
	v9 =	vadd.f32 v3, v6;
	v6, _, _ =	vpop (xrf2)  }
0x2c5: {  	v40 =	vmul.f32 v43, v41;
	v41 =	vmul.f32 v48, v16;
	v7, _, _ =	vpop (xrf2);
	v0 =	vadd.f32 v5, v0  }
0x2c6: {  	v12 =	vshll.u32 v36, $0x10;
	v2 =	vmul.f32 v11, v51;
	v1 =	vadd.f32 v4, v9;
	v5, _, _ =	vpop (xrf2)  }
0x2c7: {  	v12 =	vmul.f32 v12, v35;
	v3 =	vmul.f32 v10, v18;
	v43, _, _ =	vpop (xrf2);
	v0 =	vadd.f32 v41, v0  }
0x2c8: {  	v46 =	vshll.u32 v38, $0x10;
	v4 =	vmul.f32 v32, v45;
	v2 =	vmul.f32 v2, v19;
	(xrf2) =	vadd.scan.msk.f32 $0xffff, v1;
	v45, _, _ =	vpop (xrf2)  }
0x2c9: {  	v44 =	vshll.u32 v44, $0x10;
	v56 =	vmul.f32 v12, v19;
	v10 =	vmul.f32 v46, v37;
	v47, _, _ =	vpop (xrf2);
	(xrf2) =	vadd.scan.msk.f32 $0xffff, v0  }
0x2ca: {  	v9 =	vmul.f32 v44, v42;
	v2 =	vadd.f32 v2, v3;
	v4 =	vmul.f32 v4, v17;
	v49, _, _ =	vpop (xrf2)  }
0x2cb: {  	v48 =	vmul.f32 v39, v16;
	v52 =	vmul.f32 v10, v17;
	v51, _, _ =	vpop (xrf2)  }
0x2cc: {  	v1 =	vmul.f32 v40, v18;
	v9 =	vmul.f32 v9, v19;
	v2 =	vadd.f32 v4, v2;
	v53, _, _ =	vpop (xrf2)  }
0x2cd: {  	v12 =	vbroadcast v51, $0xF;
	v10 =	vbroadcast v53, $0xF  }
0x2ce: {  	v55 =	vmul.f32 v50, v18;
	v1 =	vadd.f32 v9, v1;
	v2 =	vadd.f32 v48, v2  }
0x2cf: {  	v12 =	vmul.f32 v14, v12;
	v10 =	vmul.f32 v13, v10  }
0x2d0: {  	v57 =	vmul.f32 v30, v17;
	v54 =	vmul.f32 v31, v16;
	v1 =	vadd.f32 v52, v1;
	(xrf2) =	vadd.scan.msk.f32 $0xffff, v2  }
0x2d1: {  	v60 =	vmul.f32 v28, v19;
	v2 =	vadd.f32 v56, v55;
	v10 =	vadd.f32 $0.0e+00, v10  }
0x2d2: {  	v61 =	vmul.f32 v25, v17;
	v59 =	vmul.f32 v27, v18;
	v62 =	vld [tilespmem:$0x1FFA0];
	v1 =	vadd.f32 v54, v1;
	v58, _, _ =	vpop (xrf2)  }
0x2d3: {  	v2 =	vadd.f32 v57, v2;
	v11 =	vbroadcast v58, $0xF;
	v10 =	vadd.f32 v12, v10;
	v12, _, _ =	vpop (xrf2)  }
0x2d4: {  	v25 =	vld [tilespmem:$0x1FFB0];
	(xrf2) =	vadd.scan.msk.f32 $0xffff, v1;
	v63 =	vbroadcast v12, $0xF;
	v12 =	vmul.f32 v24, v19  }
0x2d5: {  	v0 =	vbroadcast v49, $0xF;
	v2 =	vadd.f32 v26, v2;
	v11 =	vmul.f32 v15, v11  }
0x2d6: {  	v1 =	vadd.f32 v60, v59;
	v9 =	vadd.f32 v12, v23;
	v12 =	vld [tilespmem:$0x1FFC0]  }
0x2d7: {  	v0 =	vmul.f32 v62, v0;
	v10 =	vadd.f32 v11, v10  }
0x2d8: {  	v32 =	vld [tilespmem:$0x1FFD0];
	v1 =	vadd.f32 v61, v1;
	(xrf2) =	vadd.scan.msk.f32 $0xffff, v2  }
0x2d9: {  	v4 =	vbroadcast v47, $0xF;
	v0 =	vadd.f32 v0, v10;
	v26 =	vmul.f32 v25, v63  }
0x2da: {  	v31 =	vmul.f32 v20, v16;
	v16 =	vld [tilespmem:$0x1FFE0];
	v27 =	vmul.f32 v21, v17;
	v1 =	vadd.f32 v22, v1;
	v28, _, _ =	vpop (xrf2)  }
0x2db: {  	v30 =	vbroadcast v28, $0xF;
	v0 =	vadd.f32 v26, v0;
	v29 =	vmul.f32 v12, v4  }
0x2dc: {  	v39 =	vld [tilespmem:$0x1FFF0];
	(xrf2) =	vadd.scan.msk.f32 $0xffff, v1;
	v9 =	vadd.f32 v27, v9  }
0x2dd: {  	v34 =	vbroadcast v45, $0xF;
	v33 =	vmul.f32 v32, v30;
	v0 =	vadd.f32 v29, v0  }
0x2de: {  	v17 =	vld [tilespmem:$0x1FF30];
	v36, _, _ =	vpop (xrf2);
	v35 =	vadd.f32 v31, v9  }
0x2df: {  	v37 =	vmul.f32 v16, v34;
	v38 =	vbroadcast v36, $0xF;
	v0 =	vadd.f32 v33, v0  }
0x2e0: {  	v45 =	vld [tilespmem:$0x1FF40];
	(xrf2) =	vadd.scan.msk.f32 $0xffff, v35  }
0x2e1: {  	v41 =	vbroadcast v43, $0xF;
	v40 =	vmul.f32 v39, v38;
	v0 =	vadd.f32 v37, v0  }
0x2e2: {  	v49 =	vld [tilespmem:$0x1FF50];
	v42, _, _ =	vpop (xrf2)  }
0x2e3: {  	v43 =	vmul.f32 v17, v41;
	v44 =	vbroadcast v42, $0xF;
	v0 =	vadd.f32 v40, v0  }
0x2e4: {  	v52 =	vld [tilespmem:$0x1FF60]  }
0x2e5: {  	v47 =	vbroadcast v5, $0xF;
	v46 =	vmul.f32 v45, v44;
	v0 =	vadd.f32 v43, v0  }
0x2e6: {  	v56 =	vld [tilespmem:$0x1FF70];
	v48, _, _ =	vpop (xrf2)  }
0x2e7: {  	v50 =	vmul.f32 v49, v47;
	v51 =	vbroadcast v48, $0xF;
	v0 =	vadd.f32 v46, v0  }
0x2e8: {  	v59 =	vld [tilespmem:$0x1FF80]  }
0x2e9: {  	v54 =	vbroadcast v7, $0xF;
	v53 =	vmul.f32 v52, v51;
	v0 =	vadd.f32 v50, v0  }
0x2ea: {  	v62 =	vld [tilespmem:$0x1FF90];
	v55, _, _ =	vpop (xrf2)  }
0x2eb: {  	v57 =	vmul.f32 v56, v54;
	v58 =	vbroadcast v55, $0xF;
	v0 =	vadd.f32 v53, v0;
	_ =	sdelay $0x1  }
0x2ec: {  	v61 =	vbroadcast v6, $0xF;
	v60 =	vmul.f32 v59, v58;
	v0 =	vadd.f32 v57, v0;
	_ =	sdelay $0x1  }
0x2ed: {  	v63 =	vmul.f32 v62, v61;
	v0 =	vadd.f32 v60, v0;
	_ =	sdelay $0x1  }
0x2ee: {  	v0 =	vadd.f32 v63, v0;
	_ =	sdelay $0x1  }
0x2ef: {  	s26 =	rddreg [dreg:$0xe];
	s28 =	simm.s32 $0x10480;
	s2 =	simm.s32 $0x2;
	[tilespmem:s15+$0x10480] =	vst v0  }
0x2f0: {  	[hbm4b:s26+s31] =	stream.linear.scatter [tilespmem:s28], [sflag:$0x2], $0x200, $0x38;
	[tilespmem:$0x10680] =	vst v63  }
0x2f1: {  	_ =	swait.ge [sflag:s2], $0x200  }
0x2f2: {  	s29 =	rddreg [dreg:$0x10]  }
0x2f3: {  	s30 =	rddreg [dreg:$0xf];
	s1 =	sadd.s32 $0x1, s29  }
0x2f4: {  	p0 =	sne.s32 s1, s30  }
.Ltmp2:
0x2f5: {  	_ = 	snop;
	(pc) =	sbr.rel @p0 .LBB2_1-.Ltmp2, $3  }
0x2f6: {  	_ =	sdelay $0x1  }
0x2f7: {  	[sflag:s2] =	ssyncset.done $0x0  }
0x2f8: {  	[sflag:s2] =	ssyncadd.s32 $0xFFFFFE00  }
0x2f9: {  	_ =	sfence.sel $0x180000  }
0x2fa: {  	[bflag:$0x0] =	sbarrier.arrive $0xFFFF  }
0x2fb: {  	_ =	strace $0x90000047  }
0x2fc: {  	s0 =	stileid.u32;
	[bflag:$0x2] =	sbarrier.arrive $0xFFFF  }
0x2fd: {  	p0 =	sne.s32 s0, $0x0;
	s0 =	rddreg [dreg:$0x5]  }
0x2fe: {  	s0 =	sadd.s32 @!p0 $0x100000, s0  }
0x2ff: {  	[sflag:s0] =	ssyncadd.tile.s32 @!p0 $0x1;
	_ =	shalt  }
.Lfunc_end2:
_tile_overlayer_lowered:
.L_overlay_start_2:
0x300: {  	(tag) =	ssettag $0x2  }
0x301: {  	s0 =	rddreg [dreg:$0x0];
	s2 =	stileid.u32  }
0x302: {  	s1 =	rddreg [dreg:$0x1];
	p0 =	sne.s32 s2, $0x0  }
0x303: {  	s3 =	rddreg [dreg:$0x2];
	[bflag:$0x3] =	sbarrier.arrive $0xFFFF;
	s2 =	simm.s32 @!p0 $0x1C02  }
0x304: {  	[timem:s3], [sflag:s2] =	dma.local @!p0 [hbm:s0], s1  }
0x305: {  	s0 =	simm.s32 @!p0 $0x2  }
0x306: {  	_ =	swait.ge @!p0 [sflag:s0], s1  }
0x307: {  	s1 =	ssub.s32 @!p0 $0x0, s1;
	[sflag:s0] =	ssyncset.done @!p0 $0x0  }
0x308: {  	[sflag:s0] =	ssyncadd.s32 @!p0 s1  }
0x309: {  	[bflag:$0x3] =	sbarrier.arrive $0xFFFF  }
0x30a: {  	_ =	shalt  }

</sc_bundles>
